<compile_context>
chip_gen: v7x
topology: tpu7x:2x2x1
jax: 0.10.2.dev20260603
libtpu: 0.0.44.dev20260713+nightly
codegen_flags: <defaults>
</compile_context>

<pallas_src>
import functools

import jax
import jax.numpy as jnp
import numpy as np
from jax import lax
from jax.experimental import pallas as pl
from jax.experimental.pallas import tpu as pltpu
from jax.experimental.pallas import tpu_sc as plsc

D_MODEL = 2048
N_HEADS = 16
N_SELECTED = 16
INDEX_HEAD_DIM = 32
N_IDX = N_HEADS * INDEX_HEAD_DIM
B = 16
TQ = 8
TKV = 8192
D_HEAD = 128
ROWS = N_HEADS * TQ

KV_TILE = 512
NKV = TKV // KV_TILE

NROWS = B * ROWS
NW = 32
ROWS_PER_W = NROWS // NW
NBINS = 256
RBLK = 8
CAP = TKV + 16
NEG_INF = np.float32(-np.inf)


def _tc_body(qf_ref, wqt_ref, wkt_ref, k_ref, s_out_ref, qbd_ref):
    j = pl.program_id(1)
    scale = np.float32(1.0 / np.sqrt(INDEX_HEAD_DIM))

    @pl.when(j == 0)
    def _init():
        qi = jax.lax.dot_general(
            qf_ref[0], wqt_ref[...], (((1,), (0,)), ((), ())),
            preferred_element_type=jnp.float32)
        qi_t = jnp.concatenate([qi] * N_HEADS, axis=0)
        rblk = jax.lax.broadcasted_iota(jnp.int32, (ROWS, N_IDX), 0) // TQ
        cblk = jax.lax.broadcasted_iota(jnp.int32, (ROWS, N_IDX), 1) // INDEX_HEAD_DIM
        qbd_ref[...] = jnp.where(rblk == cblk, qi_t, jnp.float32(0))

    k = k_ref[0]
    kidx = jnp.zeros((KV_TILE, N_IDX), jnp.float32)
    for h2 in range(N_HEADS // 2):
        kpair = jnp.concatenate([k[2 * h2], k[2 * h2 + 1]], axis=1)
        kidx += jax.lax.dot_general(
            kpair, wkt_ref[h2 * 2 * D_HEAD:(h2 + 1) * 2 * D_HEAD, :],
            (((1,), (0,)), ((), ())),
            preferred_element_type=jnp.float32)

    s = jax.lax.dot_general(
        qbd_ref[...], kidx, (((1,), (1,)), ((), ())),
        preferred_element_type=jnp.float32)
    s_out_ref[0] = s * scale


NCH = 4
BCH = B // NCH


def _tc_scores_chunk(c, qf, wqt, wkt, key_states):
    return pl.pallas_call(
        _tc_body,
        grid=(BCH, NKV),
        in_specs=[
            pl.BlockSpec((1, TQ, D_MODEL), lambda b, j: (c * BCH + b, 0, 0)),
            pl.BlockSpec((D_MODEL, N_IDX), lambda b, j: (0, 0)),
            pl.BlockSpec((D_MODEL, N_IDX), lambda b, j: (0, 0)),
            pl.BlockSpec((1, N_HEADS, KV_TILE, D_HEAD),
                         lambda b, j: (c * BCH + b, 0, j, 0)),
        ],
        out_specs=pl.BlockSpec((1, ROWS, KV_TILE), lambda b, j: (b, 0, j)),
        out_shape=jax.ShapeDtypeStruct((BCH, ROWS, TKV), jnp.float32),
        scratch_shapes=[pltpu.VMEM((ROWS, N_IDX), jnp.float32)],
        compiler_params=pltpu.CompilerParams(
            dimension_semantics=("arbitrary", "arbitrary"),
        ),
    )(qf, wqt, wkt, key_states)


NROWS_CH = BCH * ROWS
RPW_CH = NROWS_CH // NW


@functools.partial(
    pl.kernel,
    mesh=plsc.VectorSubcoreMesh(core_axis_name="c", subcore_axis_name="s"),
    out_type=[
        jax.ShapeDtypeStruct((NROWS_CH, N_SELECTED), jnp.int32),
        jax.ShapeDtypeStruct((NROWS_CH, N_SELECTED), jnp.float32),
    ],
    scratch_types=[
        pltpu.VMEM((RBLK, TKV), jnp.float32),
        pltpu.VMEM((CAP,), jnp.float32),
        pltpu.VMEM((CAP,), jnp.int32),
        pltpu.VMEM((16 * NBINS,), jnp.int32),
        pltpu.VMEM((NBINS,), jnp.int32),
        pltpu.VMEM((N_SELECTED,), jnp.float32),
        pltpu.VMEM((N_SELECTED,), jnp.int32),
    ],
    compiler_params=pltpu.CompilerParams(needs_layout_passes=False),
)
def _sc_topk(scores_hbm, out_i_hbm, out_v_hbm,
             rows_v, cand_v, cand_i, hist_v, tot_v, tv_v, ti_v):
    wid = lax.axis_index("s") * 2 + lax.axis_index("c")
    lanes = lax.iota(jnp.int32, 16)
    zeros16 = jnp.zeros((16,), jnp.int32)
    ones16 = jnp.ones((16,), jnp.int32)
    neginf16 = jnp.full((16,), NEG_INF, jnp.float32)
    big16 = jnp.full((16,), TKV, jnp.int32)

    def mono_bin(v):
        bits = lax.bitcast_convert_type(v, jnp.int32)
        key = jnp.where(v < 0.0, ~bits, bits ^ jnp.int32(-2**31))
        return lax.shift_right_logical(key, 24)

    def do_row(t, _):
        blk = t // RBLK
        r_in = t - blk * RBLK

        @pl.when(r_in == 0)
        def _fetch():
            pltpu.sync_copy(
                scores_hbm.at[pl.ds(wid * RPW_CH + blk * RBLK, RBLK)],
                rows_v)

        row = wid * RPW_CH + t

        def clr(g, _c):
            for u in range(4):
                hist_v[pl.ds((g * 4 + u) * 16, 16)] = zeros16
            return 0
        lax.fori_loop(0, NBINS // 4, clr, 0)

        def h1(g, _c):
            for u in range(4):
                v = rows_v[r_in, pl.ds((g * 4 + u) * 16, 16)]
                slot = lanes * NBINS + mono_bin(v)
                plsc.addupdate_scatter(hist_v, [slot], ones16)
            return 0
        lax.fori_loop(0, TKV // 64, h1, 0)

        def t1(g, _c):
            acc = zeros16
            for c in range(16):
                acc = acc + hist_v[pl.ds(c * NBINS + g * 16, 16)]
            tot_v[pl.ds(g * 16, 16)] = acc
            return 0
        lax.fori_loop(0, NBINS // 16, t1, 0)

        def sb(tg, carry):
            above, beta, found = carry
            g = 15 - tg
            v = tot_v[pl.ds(g * 16, 16)]
            rv = lax.rev(v, (0,))
            cs = plsc.cumsum(rv) + above
            ok = cs >= N_SELECTED
            ncross = plsc.all_reduce_population_count(ok)
            ffs = plsc.all_reduce_ffs(ok)
            beta_g = 15 - ffs + g * 16
            use = jnp.logical_and(jnp.logical_not(found), ncross > 0)
            beta = jnp.where(use, beta_g, beta)
            found = jnp.logical_or(found, ncross > 0)
            above = above + jnp.sum(v)
            return (above, beta, found)

        _, beta, _ = lax.fori_loop(
            0, NBINS // 16, sb,
            (jnp.int32(0), zeros16, jnp.zeros((16,), jnp.bool_)))

        key_min = lax.shift_left(beta, 24)
        tau_bits = jnp.where(beta >= 128, key_min ^ jnp.int32(-2**31),
                             ~key_min)
        tau = lax.bitcast_convert_type(tau_bits, jnp.float32)

        def c1(g4, off):
            for u in range(4):
                g = g4 * 4 + u
                v = rows_v[r_in, pl.ds(g * 16, 16)]
                m = v >= tau
                plsc.store_compressed(cand_v.at[pl.ds(off, 16)], v, mask=m)
                plsc.store_compressed(cand_i.at[pl.ds(off, 16)],
                                      g * 16 + lanes, mask=m)
                off = off + plsc.all_reduce_population_count(m)[0]
            return off
        cnt = lax.fori_loop(0, TKV // 64, c1, jnp.int32(0))

        cand_v[pl.ds(cnt, 16)] = neginf16
        cand_i[pl.ds(cnt, 16)] = big16
        ngroups = (cnt + 15) // 16

        def extract(r, carry):
            pm, pi = carry

            def scan_g(g, c2):
                bv, bi = c2
                v = cand_v[pl.ds(g * 16, 16)]
                i = cand_i[pl.ds(g * 16, 16)]
                elig = jnp.logical_or(v < pm,
                                      jnp.logical_and(v == pm, i > pi))
                v2 = jnp.where(elig, v, NEG_INF)
                better = jnp.logical_or(v2 > bv,
                                        jnp.logical_and(v2 == bv, i < bi))
                return (jnp.where(better, v2, bv), jnp.where(better, i, bi))

            bv, bi = lax.fori_loop(0, ngroups, scan_g, (neginf16, big16))
            m = jnp.max(bv)
            mi = jnp.min(jnp.where(bv == m, bi, TKV))
            tv_v[...] = jnp.where(lanes == r, m, tv_v[...])
            ti_v[...] = jnp.where(lanes == r, mi, ti_v[...])
            return (m, mi)

        lax.fori_loop(0, N_SELECTED, extract,
                      (jnp.float32(np.inf), jnp.int32(-1)))

        pltpu.sync_copy(ti_v, out_i_hbm.at[row])
        pltpu.sync_copy(tv_v, out_v_hbm.at[row])
        return 0

    lax.fori_loop(0, RPW_CH, do_row, 0)


@jax.jit
def kernel(query_states, key_states, W_q, W_k):
    query_flat = jnp.transpose(query_states, (0, 2, 1, 3)).reshape(B, TQ, D_MODEL)
    wqt, wkt = W_q.T, W_k.T
    ois, ovs = [], []
    for c in range(NCH):
        sc = _tc_scores_chunk(c, query_flat, wqt, wkt, key_states)
        oi, ov = _sc_topk(sc.reshape(NROWS_CH, TKV))
        ois.append(oi)
        ovs.append(ov)
    out_i = jnp.concatenate(ois, axis=0)
    out_v = jnp.concatenate(ovs, axis=0)
    top_indices = out_i.reshape(B, N_HEADS, TQ, N_SELECTED)
    top_scores = out_v.reshape(B, N_HEADS, TQ, N_SELECTED)
    return (top_indices, top_scores)

# --- scband reference (transcript-rebuilt; emitter-appended) ---
"""Pipeline reference for scband-lightning-indexer-63909113365062 (READ-ONLY COPY).

The authoritative reference and input builder live on the scoring server;
editing this copy changes nothing except your own understanding.
"""

import jax, jax.numpy as jnp
import numpy as np

D_MODEL = 2048
N_HEADS = 16
N_SELECTED = 16
INDEX_HEAD_DIM = 32
B = 16
TQ = 8
TKV = 8192
D_HEAD = 128


def setup_inputs(seed: int = 0) -> dict:
    key = jax.random.key(seed)
    k1, k2, k3, k4 = jax.random.split(key, 4)
    query_states = jax.random.normal(k1, (B, N_HEADS, TQ, D_HEAD), dtype=jnp.float32)
    key_states = jax.random.normal(k2, (B, N_HEADS, TKV, D_HEAD), dtype=jnp.float32)
    # nn.Linear weights stored as [out_features, in_features], applied as x @ W.T
    W_q = jax.random.normal(k3, (N_HEADS * INDEX_HEAD_DIM, D_MODEL), dtype=jnp.float32) / np.sqrt(D_MODEL)
    W_k = jax.random.normal(k4, (N_HEADS * INDEX_HEAD_DIM, D_MODEL), dtype=jnp.float32) / np.sqrt(D_MODEL)
    return {"query_states": query_states, "key_states": key_states, "W_q": W_q, "W_k": W_k}


def reference(query_states, key_states, W_q, W_k):
    B_, H, T_q, D = query_states.shape
    T_kv = key_states.shape[2]
    scale = 1.0 / np.sqrt(INDEX_HEAD_DIM)
    # flatten heads back to d_model layout: [B, T, H*D]
    query_flat = jnp.transpose(query_states, (0, 2, 1, 3)).reshape(B_, T_q, H * D)
    key_flat = jnp.transpose(key_states, (0, 2, 1, 3)).reshape(B_, T_kv, H * D)
    # lightweight index projections (Linear without bias)
    q_index = query_flat @ W_q.T  # [B, T_q, H*index_head_dim]
    k_index = key_flat @ W_k.T    # [B, T_kv, H*index_head_dim]
    q_index = jnp.transpose(q_index.reshape(B_, T_q, H, INDEX_HEAD_DIM), (0, 2, 1, 3))
    k_index = jnp.transpose(k_index.reshape(B_, T_kv, H, INDEX_HEAD_DIM), (0, 2, 1, 3))
    index_scores = jnp.einsum('bhqd,bhkd->bhqk', q_index, k_index) * scale
    n_select = min(N_SELECTED, T_kv)
    top_scores, top_indices = jax.lax.top_k(index_scores, n_select)
    # n_select == N_SELECTED here (T_kv >= N_SELECTED), so no padding branch needed
    return (top_indices, top_scores)

if __name__ == "__main__":
    import jax
    _d = setup_inputs()
    print(jax.jit(kernel)(*tuple(_d.values())))

</pallas_src>

<mosaic_0001>
#map = affine_map<(d0, d1) -> (0, 0)>
module attributes {stable_mosaic.version = 14 : i64} {
  func.func @_sc_topk(%arg0: i32, %arg1: i32, %arg2: memref<512x8192xf32, #tpu.memory_space<hbm>>, %arg3: memref<512x16xi32, #tpu.memory_space<hbm>>, %arg4: memref<512x16xf32, #tpu.memory_space<hbm>>, %arg5: memref<8x8192xf32, #tpu.memory_space<vmem>>, %arg6: memref<8208xf32, #tpu.memory_space<vmem>>, %arg7: memref<8208xi32, #tpu.memory_space<vmem>>, %arg8: memref<4096xi32, #tpu.memory_space<vmem>>, %arg9: memref<256xi32, #tpu.memory_space<vmem>>, %arg10: memref<16xf32, #tpu.memory_space<vmem>>, %arg11: memref<16xi32, #tpu.memory_space<vmem>>) attributes {dimension_semantics = [#tpu.dimension_semantics<core_parallel>, #tpu.dimension_semantics<subcore_parallel>], iteration_bounds = array<i64: 2, 16>, scalar_prefetch = 0 : i64, scratch_operands = 7 : i64, tpu.core_type = #tpu.core_type<sc_vector_subcore>, window_params = [{transform_indices = #map}, {transform_indices = #map}, {transform_indices = #map}]} {
    %mul3A = arith.constant 2 : i32
    %mul3A_0 = arith.muli %arg1, %mul3A : i32
    %add3A = arith.addi %mul3A_0, %arg0 : i32
    %iota3A = tpu.iota {dimensions = array<i32: 0>} : vector<16xi32>
    %broadcast_in_dim3A = arith.constant 0 : i32
    %broadcast_in_dim3A_1 = vector.broadcast %broadcast_in_dim3A : i32 to vector<16xi32>
    %broadcast_in_dim3A_2 = arith.constant 1 : i32
    %broadcast_in_dim3A_3 = vector.broadcast %broadcast_in_dim3A_2 : i32 to vector<16xi32>
    %broadcast_in_dim3A_4 = arith.constant 0xFF800000 : f32
    %broadcast_in_dim3A_5 = vector.broadcast %broadcast_in_dim3A_4 : f32 to vector<16xf32>
    %broadcast_in_dim3A_6 = arith.constant 8192 : i32
    %broadcast_in_dim3A_7 = vector.broadcast %broadcast_in_dim3A_6 : i32 to vector<16xi32>
    %scan3A = arith.constant 0 : i32
    %scan3A_8 = arith.constant 0 : i32
    %scan3A_9 = arith.constant 16 : i32
    %scan3A_10 = arith.addi %scan3A_8, %scan3A_9 : i32
    %scan3A_11 = arith.constant 1 : i32
    %scan3A_12 = scf.for %scan3A_14 = %scan3A_8 to %scan3A_10 step %scan3A_11 iter_args(%scan3A_15 = %scan3A) -> (i32)  : i32 {
      %jit3A = arith.constant 8 : i32
      %div3A = arith.divsi %scan3A_14, %jit3A : i32
      %sign3A = arith.constant 0 : i32
      %sign3A_16 = arith.cmpi sgt, %scan3A_14, %sign3A : i32
      %sign3A_17 = arith.extui %sign3A_16 : i1 to i32
      %sign3A_18 = arith.constant 0 : i32
      %sign3A_19 = arith.cmpi slt, %scan3A_14, %sign3A_18 : i32
      %sign3A_20 = arith.extui %sign3A_19 : i1 to i32
      %sign3A_21 = arith.subi %sign3A_17, %sign3A_20 : i32
      %sign3A_22 = arith.constant 0 : i32
      %sign3A_23 = arith.cmpi sgt, %jit3A, %sign3A_22 : i32
      %sign3A_24 = arith.extui %sign3A_23 : i1 to i32
      %sign3A_25 = arith.constant 0 : i32
      %sign3A_26 = arith.cmpi slt, %jit3A, %sign3A_25 : i32
      %sign3A_27 = arith.extui %sign3A_26 : i1 to i32
      %sign3A_28 = arith.subi %sign3A_24, %sign3A_27 : i32
      %ne3A = arith.cmpi ne, %sign3A_21, %sign3A_28 : i32
      %rem3A = arith.remsi %scan3A_14, %jit3A : i32
      %ne3A_29 = arith.constant 0 : i32
      %ne3A_30 = arith.cmpi ne, %rem3A, %ne3A_29 : i32
      %and3A = arith.andi %ne3A, %ne3A_30 : i1
      %sub3A = arith.constant 1 : i32
      %sub3A_31 = arith.subi %div3A, %sub3A : i32
      %select_n3A = arith.select %and3A, %sub3A_31, %div3A : i32
      %mul3A_32 = arith.constant 8 : i32
      %mul3A_33 = arith.muli %select_n3A, %mul3A_32 : i32
      %sub3A_34 = arith.subi %scan3A_14, %mul3A_33 : i32
      %eq3A = arith.constant 0 : i32
      %eq3A_35 = arith.cmpi eq, %sub3A_34, %eq3A : i32
      %convert_element_type3A = arith.extui %eq3A_35 : i1 to i32
      %cond3A = arith.constant 0 : i32
      %cond3A_36 = arith.cmpi ne, %convert_element_type3A, %cond3A : i32
      scf.if %cond3A_36 {
        %mul3A_123 = arith.constant 16 : i32
        %mul3A_124 = arith.muli %add3A, %mul3A_123 : i32
        %mul3A_125 = arith.constant 8 : i32
        %mul3A_126 = arith.muli %select_n3A, %mul3A_125 : i32
        %add3A_127 = arith.addi %mul3A_124, %mul3A_126 : i32
        "tpu.region"() ({
          %run_scoped3A = tpu.sem_alloc : memref<!tpu.dma_semaphore, #tpu.memory_space<semaphore_mem>>
          %dma_start3A = arith.constant 0 : i32
          %dma_start3A_128 = tpu.memref_slice %arg2[%add3A_127, %dma_start3A] : memref<512x8192xf32, #tpu.memory_space<hbm>> -> memref<8x8192xf32, #tpu.memory_space<hbm>>
          %dma_start3A_129 = arith.constant 0 : i32
          %dma_start3A_130 = tpu.memref_slice %arg2[%add3A_127, %dma_start3A_129] : memref<512x8192xf32, #tpu.memory_space<hbm>> -> memref<8x8192xf32, #tpu.memory_space<hbm>>
          tpu.enqueue_dma source(%dma_start3A_130 : memref<8x8192xf32, #tpu.memory_space<hbm>>) target(%arg5 : memref<8x8192xf32, #tpu.memory_space<vmem>>) target_semaphore(%run_scoped3A : memref<!tpu.dma_semaphore, #tpu.memory_space<semaphore_mem>>)
          %dma_wait3A = arith.constant 0 : i32
          %dma_wait3A_131 = tpu.memref_slice %arg2[%add3A_127, %dma_wait3A] : memref<512x8192xf32, #tpu.memory_space<hbm>> -> memref<8x8192xf32, #tpu.memory_space<hbm>>
          %dma_wait3A_132 = arith.constant 0 : i32
          %dma_wait3A_133 = tpu.memref_slice %arg2[%add3A_127, %dma_wait3A_132] : memref<512x8192xf32, #tpu.memory_space<hbm>> -> memref<8x8192xf32, #tpu.memory_space<hbm>>
          tpu.wait_dma2 semaphore(%run_scoped3A : memref<!tpu.dma_semaphore, #tpu.memory_space<semaphore_mem>>) src(%dma_wait3A_133 : memref<8x8192xf32, #tpu.memory_space<hbm>>) dst(%arg5 : memref<8x8192xf32, #tpu.memory_space<vmem>>)
          tpu.yield
        }) : () -> ()
      } else {
      }
      %mul3A_37 = arith.constant 16 : i32
      %mul3A_38 = arith.muli %add3A, %mul3A_37 : i32
      %add3A_39 = arith.addi %mul3A_38, %scan3A_14 : i32
      %scan3A_40 = arith.constant 0 : i32
      %scan3A_41 = arith.constant 0 : i32
      %scan3A_42 = arith.constant 64 : i32
      %scan3A_43 = arith.addi %scan3A_41, %scan3A_42 : i32
      %scan3A_44 = arith.constant 1 : i32
      %scan3A_45 = scf.for %scan3A_123 = %scan3A_41 to %scan3A_43 step %scan3A_44 iter_args(%scan3A_124 = %scan3A_40) -> (i32)  : i32 {
        %mul3A_125 = arith.constant 4 : i32
        %mul3A_126 = arith.muli %scan3A_123, %mul3A_125 : i32
        %add3A_127 = arith.constant 0 : i32
        %add3A_128 = arith.addi %mul3A_126, %add3A_127 : i32
        %mul3A_129 = arith.constant 16 : i32
        %mul3A_130 = arith.muli %add3A_128, %mul3A_129 : i32
        %swap3A_131 = arith.index_cast %mul3A_130 : i32 to index
        %swap3A_132 = tpu.vector_load %arg8[%swap3A_131] {strides = array<i32>} : memref<4096xi32, #tpu.memory_space<vmem>>, vector<16xi32>,
        tpu.vector_store %arg8[%swap3A_131], %broadcast_in_dim3A_1 {strides = array<i32>} : memref<4096xi32, #tpu.memory_space<vmem>>, vector<16xi32>,
        %mul3A_133 = arith.constant 4 : i32
        %mul3A_134 = arith.muli %scan3A_123, %mul3A_133 : i32
        %add3A_135 = arith.constant 1 : i32
        %add3A_136 = arith.addi %mul3A_134, %add3A_135 : i32
        %mul3A_137 = arith.constant 16 : i32
        %mul3A_138 = arith.muli %add3A_136, %mul3A_137 : i32
        %swap3A_139 = arith.index_cast %mul3A_138 : i32 to index
        %swap3A_140 = tpu.vector_load %arg8[%swap3A_139] {strides = array<i32>} : memref<4096xi32, #tpu.memory_space<vmem>>, vector<16xi32>,
        tpu.vector_store %arg8[%swap3A_139], %broadcast_in_dim3A_1 {strides = array<i32>} : memref<4096xi32, #tpu.memory_space<vmem>>, vector<16xi32>,
        %mul3A_141 = arith.constant 4 : i32
        %mul3A_142 = arith.muli %scan3A_123, %mul3A_141 : i32
        %add3A_143 = arith.constant 2 : i32
        %add3A_144 = arith.addi %mul3A_142, %add3A_143 : i32
        %mul3A_145 = arith.constant 16 : i32
        %mul3A_146 = arith.muli %add3A_144, %mul3A_145 : i32
        %swap3A_147 = arith.index_cast %mul3A_146 : i32 to index
        %swap3A_148 = tpu.vector_load %arg8[%swap3A_147] {strides = array<i32>} : memref<4096xi32, #tpu.memory_space<vmem>>, vector<16xi32>,
        tpu.vector_store %arg8[%swap3A_147], %broadcast_in_dim3A_1 {strides = array<i32>} : memref<4096xi32, #tpu.memory_space<vmem>>, vector<16xi32>,
        %mul3A_149 = arith.constant 4 : i32
        %mul3A_150 = arith.muli %scan3A_123, %mul3A_149 : i32
        %add3A_151 = arith.constant 3 : i32
        %add3A_152 = arith.addi %mul3A_150, %add3A_151 : i32
        %mul3A_153 = arith.constant 16 : i32
        %mul3A_154 = arith.muli %add3A_152, %mul3A_153 : i32
        %swap3A_155 = arith.index_cast %mul3A_154 : i32 to index
        %swap3A_156 = tpu.vector_load %arg8[%swap3A_155] {strides = array<i32>} : memref<4096xi32, #tpu.memory_space<vmem>>, vector<16xi32>,
        tpu.vector_store %arg8[%swap3A_155], %broadcast_in_dim3A_1 {strides = array<i32>} : memref<4096xi32, #tpu.memory_space<vmem>>, vector<16xi32>,
        %scan3A_157 = arith.constant 0 : i32
        scf.yield %scan3A_157 : i32
      }
      %scan3A_46 = arith.constant 64 : i32
      %scan3A_47 = arith.constant 0 : i32
      %scan3A_48 = arith.constant 0 : i32
      %scan3A_49 = arith.constant 128 : i32
      %scan3A_50 = arith.addi %scan3A_48, %scan3A_49 : i32
      %scan3A_51 = arith.constant 1 : i32
      %scan3A_52 = scf.for %scan3A_123 = %scan3A_48 to %scan3A_50 step %scan3A_51 iter_args(%scan3A_124 = %scan3A_47) -> (i32)  : i32 {
        %mul3A_125 = arith.constant 4 : i32
        %mul3A_126 = arith.muli %scan3A_123, %mul3A_125 : i32
        %add3A_127 = arith.constant 0 : i32
        %add3A_128 = arith.addi %mul3A_126, %add3A_127 : i32
        %mul3A_129 = arith.constant 16 : i32
        %mul3A_130 = arith.muli %add3A_128, %mul3A_129 : i32
        %get3A = arith.index_cast %sub3A_34 : i32 to index
        %get3A_131 = arith.index_cast %mul3A_130 : i32 to index
        %get3A_132 = tpu.vector_load %arg5[%get3A, %get3A_131] {strides = array<i32>} : memref<8x8192xf32, #tpu.memory_space<vmem>>, vector<16xf32>,
        %mul3A_133 = arith.constant 256 : i32
        %mul3A_134 = vector.broadcast %mul3A_133 : i32 to vector<16xi32>
        %mul3A_135 = arith.muli %iota3A, %mul3A_134 : vector<16xi32>
        %bitcast_convert_type3A_136 = tpu.bitcast %get3A_132 : vector<16xf32> -> vector<16xi32>
        %lt3A = arith.constant 0.000000e+00 : f32
        %lt3A_137 = vector.broadcast %lt3A : f32 to vector<16xf32>
        %lt3A_138 = arith.cmpf olt, %get3A_132, %lt3A_137 : vector<16xf32>
        %not3A_139 = arith.constant dense<-1> : vector<16xi32>
        %not3A_140 = arith.xori %bitcast_convert_type3A_136, %not3A_139 : vector<16xi32>
        %xor3A_141 = arith.constant -2147483648 : i32
        %xor3A_142 = vector.broadcast %xor3A_141 : i32 to vector<16xi32>
        %xor3A_143 = arith.xori %bitcast_convert_type3A_136, %xor3A_142 : vector<16xi32>
        %select_n3A_144 = arith.select %lt3A_138, %not3A_140, %xor3A_143 : vector<16xi1>, vector<16xi32>
        %shift_right_logical3A = arith.constant 24 : i32
        %shift_right_logical3A_145 = vector.broadcast %shift_right_logical3A : i32 to vector<16xi32>
        %shift_right_logical3A_146 = arith.shrui %select_n3A_144, %shift_right_logical3A_145 : vector<16xi32>
        %add3A_147 = arith.addi %mul3A_135, %shift_right_logical3A_146 : vector<16xi32>
        tpu.vector_store_idx %arg8[%add3A_147], %broadcast_in_dim3A_3 {add = true} : memref<4096xi32, #tpu.memory_space<vmem>>[vector<16xi32>], vector<16xi32>,
        %mul3A_148 = arith.constant 4 : i32
        %mul3A_149 = arith.muli %scan3A_123, %mul3A_148 : i32
        %add3A_150 = arith.constant 1 : i32
        %add3A_151 = arith.addi %mul3A_149, %add3A_150 : i32
        %mul3A_152 = arith.constant 16 : i32
        %mul3A_153 = arith.muli %add3A_151, %mul3A_152 : i32
        %get3A_154 = arith.index_cast %sub3A_34 : i32 to index
        %get3A_155 = arith.index_cast %mul3A_153 : i32 to index
        %get3A_156 = tpu.vector_load %arg5[%get3A_154, %get3A_155] {strides = array<i32>} : memref<8x8192xf32, #tpu.memory_space<vmem>>, vector<16xf32>,
        %mul3A_157 = arith.constant 256 : i32
        %mul3A_158 = vector.broadcast %mul3A_157 : i32 to vector<16xi32>
        %mul3A_159 = arith.muli %iota3A, %mul3A_158 : vector<16xi32>
        %bitcast_convert_type3A_160 = tpu.bitcast %get3A_156 : vector<16xf32> -> vector<16xi32>
        %lt3A_161 = arith.constant 0.000000e+00 : f32
        %lt3A_162 = vector.broadcast %lt3A_161 : f32 to vector<16xf32>
        %lt3A_163 = arith.cmpf olt, %get3A_156, %lt3A_162 : vector<16xf32>
        %not3A_164 = arith.constant dense<-1> : vector<16xi32>
        %not3A_165 = arith.xori %bitcast_convert_type3A_160, %not3A_164 : vector<16xi32>
        %xor3A_166 = arith.constant -2147483648 : i32
        %xor3A_167 = vector.broadcast %xor3A_166 : i32 to vector<16xi32>
        %xor3A_168 = arith.xori %bitcast_convert_type3A_160, %xor3A_167 : vector<16xi32>
        %select_n3A_169 = arith.select %lt3A_163, %not3A_165, %xor3A_168 : vector<16xi1>, vector<16xi32>
        %shift_right_logical3A_170 = arith.constant 24 : i32
        %shift_right_logical3A_171 = vector.broadcast %shift_right_logical3A_170 : i32 to vector<16xi32>
        %shift_right_logical3A_172 = arith.shrui %select_n3A_169, %shift_right_logical3A_171 : vector<16xi32>
        %add3A_173 = arith.addi %mul3A_159, %shift_right_logical3A_172 : vector<16xi32>
        tpu.vector_store_idx %arg8[%add3A_173], %broadcast_in_dim3A_3 {add = true} : memref<4096xi32, #tpu.memory_space<vmem>>[vector<16xi32>], vector<16xi32>,
        %mul3A_174 = arith.constant 4 : i32
        %mul3A_175 = arith.muli %scan3A_123, %mul3A_174 : i32
        %add3A_176 = arith.constant 2 : i32
        %add3A_177 = arith.addi %mul3A_175, %add3A_176 : i32
        %mul3A_178 = arith.constant 16 : i32
        %mul3A_179 = arith.muli %add3A_177, %mul3A_178 : i32
        %get3A_180 = arith.index_cast %sub3A_34 : i32 to index
        %get3A_181 = arith.index_cast %mul3A_179 : i32 to index
        %get3A_182 = tpu.vector_load %arg5[%get3A_180, %get3A_181] {strides = array<i32>} : memref<8x8192xf32, #tpu.memory_space<vmem>>, vector<16xf32>,
        %mul3A_183 = arith.constant 256 : i32
        %mul3A_184 = vector.broadcast %mul3A_183 : i32 to vector<16xi32>
        %mul3A_185 = arith.muli %iota3A, %mul3A_184 : vector<16xi32>
        %bitcast_convert_type3A_186 = tpu.bitcast %get3A_182 : vector<16xf32> -> vector<16xi32>
        %lt3A_187 = arith.constant 0.000000e+00 : f32
        %lt3A_188 = vector.broadcast %lt3A_187 : f32 to vector<16xf32>
        %lt3A_189 = arith.cmpf olt, %get3A_182, %lt3A_188 : vector<16xf32>
        %not3A_190 = arith.constant dense<-1> : vector<16xi32>
        %not3A_191 = arith.xori %bitcast_convert_type3A_186, %not3A_190 : vector<16xi32>
        %xor3A_192 = arith.constant -2147483648 : i32
        %xor3A_193 = vector.broadcast %xor3A_192 : i32 to vector<16xi32>
        %xor3A_194 = arith.xori %bitcast_convert_type3A_186, %xor3A_193 : vector<16xi32>
        %select_n3A_195 = arith.select %lt3A_189, %not3A_191, %xor3A_194 : vector<16xi1>, vector<16xi32>
        %shift_right_logical3A_196 = arith.constant 24 : i32
        %shift_right_logical3A_197 = vector.broadcast %shift_right_logical3A_196 : i32 to vector<16xi32>
        %shift_right_logical3A_198 = arith.shrui %select_n3A_195, %shift_right_logical3A_197 : vector<16xi32>
        %add3A_199 = arith.addi %mul3A_185, %shift_right_logical3A_198 : vector<16xi32>
        tpu.vector_store_idx %arg8[%add3A_199], %broadcast_in_dim3A_3 {add = true} : memref<4096xi32, #tpu.memory_space<vmem>>[vector<16xi32>], vector<16xi32>,
        %mul3A_200 = arith.constant 4 : i32
        %mul3A_201 = arith.muli %scan3A_123, %mul3A_200 : i32
        %add3A_202 = arith.constant 3 : i32
        %add3A_203 = arith.addi %mul3A_201, %add3A_202 : i32
        %mul3A_204 = arith.constant 16 : i32
        %mul3A_205 = arith.muli %add3A_203, %mul3A_204 : i32
        %get3A_206 = arith.index_cast %sub3A_34 : i32 to index
        %get3A_207 = arith.index_cast %mul3A_205 : i32 to index
        %get3A_208 = tpu.vector_load %arg5[%get3A_206, %get3A_207] {strides = array<i32>} : memref<8x8192xf32, #tpu.memory_space<vmem>>, vector<16xf32>,
        %mul3A_209 = arith.constant 256 : i32
        %mul3A_210 = vector.broadcast %mul3A_209 : i32 to vector<16xi32>
        %mul3A_211 = arith.muli %iota3A, %mul3A_210 : vector<16xi32>
        %bitcast_convert_type3A_212 = tpu.bitcast %get3A_208 : vector<16xf32> -> vector<16xi32>
        %lt3A_213 = arith.constant 0.000000e+00 : f32
        %lt3A_214 = vector.broadcast %lt3A_213 : f32 to vector<16xf32>
        %lt3A_215 = arith.cmpf olt, %get3A_208, %lt3A_214 : vector<16xf32>
        %not3A_216 = arith.constant dense<-1> : vector<16xi32>
        %not3A_217 = arith.xori %bitcast_convert_type3A_212, %not3A_216 : vector<16xi32>
        %xor3A_218 = arith.constant -2147483648 : i32
        %xor3A_219 = vector.broadcast %xor3A_218 : i32 to vector<16xi32>
        %xor3A_220 = arith.xori %bitcast_convert_type3A_212, %xor3A_219 : vector<16xi32>
        %select_n3A_221 = arith.select %lt3A_215, %not3A_217, %xor3A_220 : vector<16xi1>, vector<16xi32>
        %shift_right_logical3A_222 = arith.constant 24 : i32
        %shift_right_logical3A_223 = vector.broadcast %shift_right_logical3A_222 : i32 to vector<16xi32>
        %shift_right_logical3A_224 = arith.shrui %select_n3A_221, %shift_right_logical3A_223 : vector<16xi32>
        %add3A_225 = arith.addi %mul3A_211, %shift_right_logical3A_224 : vector<16xi32>
        tpu.vector_store_idx %arg8[%add3A_225], %broadcast_in_dim3A_3 {add = true} : memref<4096xi32, #tpu.memory_space<vmem>>[vector<16xi32>], vector<16xi32>,
        %scan3A_226 = arith.constant 0 : i32
        scf.yield %scan3A_226 : i32
      }
      %scan3A_53 = arith.constant 128 : i32
      %scan3A_54 = arith.constant 0 : i32
      %scan3A_55 = arith.constant 0 : i32
      %scan3A_56 = arith.constant 16 : i32
      %scan3A_57 = arith.addi %scan3A_55, %scan3A_56 : i32
      %scan3A_58 = arith.constant 1 : i32
      %scan3A_59 = scf.for %scan3A_123 = %scan3A_55 to %scan3A_57 step %scan3A_58 iter_args(%scan3A_124 = %scan3A_54) -> (i32)  : i32 {
        %mul3A_125 = arith.constant 16 : i32
        %mul3A_126 = arith.muli %scan3A_123, %mul3A_125 : i32
        %add3A_127 = arith.constant 0 : i32
        %add3A_128 = arith.addi %add3A_127, %mul3A_126 : i32
        %get3A = arith.index_cast %add3A_128 : i32 to index
        %get3A_129 = tpu.vector_load %arg8[%get3A] {strides = array<i32>} : memref<4096xi32, #tpu.memory_space<vmem>>, vector<16xi32>,
        %add3A_130 = arith.addi %broadcast_in_dim3A_1, %get3A_129 : vector<16xi32>
        %mul3A_131 = arith.constant 16 : i32
        %mul3A_132 = arith.muli %scan3A_123, %mul3A_131 : i32
        %add3A_133 = arith.constant 256 : i32
        %add3A_134 = arith.addi %add3A_133, %mul3A_132 : i32
        %get3A_135 = arith.index_cast %add3A_134 : i32 to index
        %get3A_136 = tpu.vector_load %arg8[%get3A_135] {strides = array<i32>} : memref<4096xi32, #tpu.memory_space<vmem>>, vector<16xi32>,
        %add3A_137 = arith.addi %add3A_130, %get3A_136 : vector<16xi32>
        %mul3A_138 = arith.constant 16 : i32
        %mul3A_139 = arith.muli %scan3A_123, %mul3A_138 : i32
        %add3A_140 = arith.constant 512 : i32
        %add3A_141 = arith.addi %add3A_140, %mul3A_139 : i32
        %get3A_142 = arith.index_cast %add3A_141 : i32 to index
        %get3A_143 = tpu.vector_load %arg8[%get3A_142] {strides = array<i32>} : memref<4096xi32, #tpu.memory_space<vmem>>, vector<16xi32>,
        %add3A_144 = arith.addi %add3A_137, %get3A_143 : vector<16xi32>
        %mul3A_145 = arith.constant 16 : i32
        %mul3A_146 = arith.muli %scan3A_123, %mul3A_145 : i32
        %add3A_147 = arith.constant 768 : i32
        %add3A_148 = arith.addi %add3A_147, %mul3A_146 : i32
        %get3A_149 = arith.index_cast %add3A_148 : i32 to index
        %get3A_150 = tpu.vector_load %arg8[%get3A_149] {strides = array<i32>} : memref<4096xi32, #tpu.memory_space<vmem>>, vector<16xi32>,
        %add3A_151 = arith.addi %add3A_144, %get3A_150 : vector<16xi32>
        %mul3A_152 = arith.constant 16 : i32
        %mul3A_153 = arith.muli %scan3A_123, %mul3A_152 : i32
        %add3A_154 = arith.constant 1024 : i32
        %add3A_155 = arith.addi %add3A_154, %mul3A_153 : i32
        %get3A_156 = arith.index_cast %add3A_155 : i32 to index
        %get3A_157 = tpu.vector_load %arg8[%get3A_156] {strides = array<i32>} : memref<4096xi32, #tpu.memory_space<vmem>>, vector<16xi32>,
        %add3A_158 = arith.addi %add3A_151, %get3A_157 : vector<16xi32>
        %mul3A_159 = arith.constant 16 : i32
        %mul3A_160 = arith.muli %scan3A_123, %mul3A_159 : i32
        %add3A_161 = arith.constant 1280 : i32
        %add3A_162 = arith.addi %add3A_161, %mul3A_160 : i32
        %get3A_163 = arith.index_cast %add3A_162 : i32 to index
        %get3A_164 = tpu.vector_load %arg8[%get3A_163] {strides = array<i32>} : memref<4096xi32, #tpu.memory_space<vmem>>, vector<16xi32>,
        %add3A_165 = arith.addi %add3A_158, %get3A_164 : vector<16xi32>
        %mul3A_166 = arith.constant 16 : i32
        %mul3A_167 = arith.muli %scan3A_123, %mul3A_166 : i32
        %add3A_168 = arith.constant 1536 : i32
        %add3A_169 = arith.addi %add3A_168, %mul3A_167 : i32
        %get3A_170 = arith.index_cast %add3A_169 : i32 to index
        %get3A_171 = tpu.vector_load %arg8[%get3A_170] {strides = array<i32>} : memref<4096xi32, #tpu.memory_space<vmem>>, vector<16xi32>,
        %add3A_172 = arith.addi %add3A_165, %get3A_171 : vector<16xi32>
        %mul3A_173 = arith.constant 16 : i32
        %mul3A_174 = arith.muli %scan3A_123, %mul3A_173 : i32
        %add3A_175 = arith.constant 1792 : i32
        %add3A_176 = arith.addi %add3A_175, %mul3A_174 : i32
        %get3A_177 = arith.index_cast %add3A_176 : i32 to index
        %get3A_178 = tpu.vector_load %arg8[%get3A_177] {strides = array<i32>} : memref<4096xi32, #tpu.memory_space<vmem>>, vector<16xi32>,
        %add3A_179 = arith.addi %add3A_172, %get3A_178 : vector<16xi32>
        %mul3A_180 = arith.constant 16 : i32
        %mul3A_181 = arith.muli %scan3A_123, %mul3A_180 : i32
        %add3A_182 = arith.constant 2048 : i32
        %add3A_183 = arith.addi %add3A_182, %mul3A_181 : i32
        %get3A_184 = arith.index_cast %add3A_183 : i32 to index
        %get3A_185 = tpu.vector_load %arg8[%get3A_184] {strides = array<i32>} : memref<4096xi32, #tpu.memory_space<vmem>>, vector<16xi32>,
        %add3A_186 = arith.addi %add3A_179, %get3A_185 : vector<16xi32>
        %mul3A_187 = arith.constant 16 : i32
        %mul3A_188 = arith.muli %scan3A_123, %mul3A_187 : i32
        %add3A_189 = arith.constant 2304 : i32
        %add3A_190 = arith.addi %add3A_189, %mul3A_188 : i32
        %get3A_191 = arith.index_cast %add3A_190 : i32 to index
        %get3A_192 = tpu.vector_load %arg8[%get3A_191] {strides = array<i32>} : memref<4096xi32, #tpu.memory_space<vmem>>, vector<16xi32>,
        %add3A_193 = arith.addi %add3A_186, %get3A_192 : vector<16xi32>
        %mul3A_194 = arith.constant 16 : i32
        %mul3A_195 = arith.muli %scan3A_123, %mul3A_194 : i32
        %add3A_196 = arith.constant 2560 : i32
        %add3A_197 = arith.addi %add3A_196, %mul3A_195 : i32
        %get3A_198 = arith.index_cast %add3A_197 : i32 to index
        %get3A_199 = tpu.vector_load %arg8[%get3A_198] {strides = array<i32>} : memref<4096xi32, #tpu.memory_space<vmem>>, vector<16xi32>,
        %add3A_200 = arith.addi %add3A_193, %get3A_199 : vector<16xi32>
        %mul3A_201 = arith.constant 16 : i32
        %mul3A_202 = arith.muli %scan3A_123, %mul3A_201 : i32
        %add3A_203 = arith.constant 2816 : i32
        %add3A_204 = arith.addi %add3A_203, %mul3A_202 : i32
        %get3A_205 = arith.index_cast %add3A_204 : i32 to index
        %get3A_206 = tpu.vector_load %arg8[%get3A_205] {strides = array<i32>} : memref<4096xi32, #tpu.memory_space<vmem>>, vector<16xi32>,
        %add3A_207 = arith.addi %add3A_200, %get3A_206 : vector<16xi32>
        %mul3A_208 = arith.constant 16 : i32
        %mul3A_209 = arith.muli %scan3A_123, %mul3A_208 : i32
        %add3A_210 = arith.constant 3072 : i32
        %add3A_211 = arith.addi %add3A_210, %mul3A_209 : i32
        %get3A_212 = arith.index_cast %add3A_211 : i32 to index
        %get3A_213 = tpu.vector_load %arg8[%get3A_212] {strides = array<i32>} : memref<4096xi32, #tpu.memory_space<vmem>>, vector<16xi32>,
        %add3A_214 = arith.addi %add3A_207, %get3A_213 : vector<16xi32>
        %mul3A_215 = arith.constant 16 : i32
        %mul3A_216 = arith.muli %scan3A_123, %mul3A_215 : i32
        %add3A_217 = arith.constant 3328 : i32
        %add3A_218 = arith.addi %add3A_217, %mul3A_216 : i32
        %get3A_219 = arith.index_cast %add3A_218 : i32 to index
        %get3A_220 = tpu.vector_load %arg8[%get3A_219] {strides = array<i32>} : memref<4096xi32, #tpu.memory_space<vmem>>, vector<16xi32>,
        %add3A_221 = arith.addi %add3A_214, %get3A_220 : vector<16xi32>
        %mul3A_222 = arith.constant 16 : i32
        %mul3A_223 = arith.muli %scan3A_123, %mul3A_222 : i32
        %add3A_224 = arith.constant 3584 : i32
        %add3A_225 = arith.addi %add3A_224, %mul3A_223 : i32
        %get3A_226 = arith.index_cast %add3A_225 : i32 to index
        %get3A_227 = tpu.vector_load %arg8[%get3A_226] {strides = array<i32>} : memref<4096xi32, #tpu.memory_space<vmem>>, vector<16xi32>,
        %add3A_228 = arith.addi %add3A_221, %get3A_227 : vector<16xi32>
        %mul3A_229 = arith.constant 16 : i32
        %mul3A_230 = arith.muli %scan3A_123, %mul3A_229 : i32
        %add3A_231 = arith.constant 3840 : i32
        %add3A_232 = arith.addi %add3A_231, %mul3A_230 : i32
        %get3A_233 = arith.index_cast %add3A_232 : i32 to index
        %get3A_234 = tpu.vector_load %arg8[%get3A_233] {strides = array<i32>} : memref<4096xi32, #tpu.memory_space<vmem>>, vector<16xi32>,
        %add3A_235 = arith.addi %add3A_228, %get3A_234 : vector<16xi32>
        %mul3A_236 = arith.constant 16 : i32
        %mul3A_237 = arith.muli %scan3A_123, %mul3A_236 : i32
        %swap3A_238 = arith.index_cast %mul3A_237 : i32 to index
        %swap3A_239 = tpu.vector_load %arg9[%swap3A_238] {strides = array<i32>} : memref<256xi32, #tpu.memory_space<vmem>>, vector<16xi32>,
        tpu.vector_store %arg9[%swap3A_238], %add3A_235 {strides = array<i32>} : memref<256xi32, #tpu.memory_space<vmem>>, vector<16xi32>,
        %scan3A_240 = arith.constant 0 : i32
        scf.yield %scan3A_240 : i32
      }
      %scan3A_60 = arith.constant 16 : i32
      %broadcast_in_dim3A_61 = arith.constant false
      %broadcast_in_dim3A_62 = vector.broadcast %broadcast_in_dim3A_61 : i1 to vector<16xi1>
      %scan3A_63 = arith.constant 0 : i32
      %scan3A_64 = arith.constant 0 : i32
      %scan3A_65 = arith.constant 16 : i32
      %scan3A_66 = arith.addi %scan3A_64, %scan3A_65 : i32
      %scan3A_67 = arith.constant 1 : i32
      %scan3A_68:3 = scf.for %scan3A_123 = %scan3A_64 to %scan3A_66 step %scan3A_67 iter_args(%scan3A_124 = %scan3A_63, %scan3A_125 = %broadcast_in_dim3A_1, %scan3A_126 = %broadcast_in_dim3A_62) -> (i32, vector<16xi32>, vector<16xi1>)  : i32 {
        %sub3A_127 = arith.constant 15 : i32
        %sub3A_128 = arith.subi %sub3A_127, %scan3A_123 : i32
        %mul3A_129 = arith.constant 16 : i32
        %mul3A_130 = arith.muli %sub3A_128, %mul3A_129 : i32
        %get3A = arith.index_cast %mul3A_130 : i32 to index
        %get3A_131 = tpu.vector_load %arg9[%get3A] {strides = array<i32>} : memref<256xi32, #tpu.memory_space<vmem>>, vector<16xi32>,
        %rev3A = arith.constant 15 : i32
        %rev3A_132 = vector.broadcast %rev3A : i32 to vector<16xi32>
        %rev3A_133 = tpu.iota {dimensions = array<i32: 0>} : vector<16xi32>
        %rev3A_134 = arith.subi %rev3A_132, %rev3A_133 : vector<16xi32>
        %rev3A_135 = tpu.dynamic_gather %get3A_131[%rev3A_134] in [0] : vector<16xi32>, vector<16xi32> -> vector<16xi32>
        %broadcast_in_dim3A_136 = arith.constant true
        %broadcast_in_dim3A_137 = vector.broadcast %broadcast_in_dim3A_136 : i1 to vector<16xi1>
        %masked_cumsum3A = tpu.scan <sum>, %rev3A_135 masked %broadcast_in_dim3A_137 : vector<16xi32>, vector<16xi1> -> vector<16xi32>
        %add3A_138 = vector.broadcast %scan3A_124 : i32 to vector<16xi32>
        %add3A_139 = arith.addi %masked_cumsum3A, %add3A_138 : vector<16xi32>
        %ge3A_140 = arith.constant 16 : i32
        %ge3A_141 = vector.broadcast %ge3A_140 : i32 to vector<16xi32>
        %ge3A_142 = arith.cmpi sge, %add3A_139, %ge3A_141 : vector<16xi32>
        %all_reduce_population_count3A = tpu.all_reduce %ge3A_142 {dim = 0 : i64, kind = #tpu.reduction_kind<sum>} : vector<16xi1> -> vector<16xi32>
        %all_reduce_ffs3A = tpu.all_reduce %ge3A_142 {dim = 0 : i64, kind = #tpu.reduction_kind<find_first_set>} : vector<16xi1> -> vector<16xi32>
        %sub3A_143 = arith.constant 15 : i32
        %sub3A_144 = vector.broadcast %sub3A_143 : i32 to vector<16xi32>
        %sub3A_145 = arith.subi %sub3A_144, %all_reduce_ffs3A : vector<16xi32>
        %mul3A_146 = arith.constant 16 : i32
        %mul3A_147 = arith.muli %sub3A_128, %mul3A_146 : i32
        %add3A_148 = vector.broadcast %mul3A_147 : i32 to vector<16xi32>
        %add3A_149 = arith.addi %sub3A_145, %add3A_148 : vector<16xi32>
        %not3A_150 = arith.constant dense<true> : vector<16xi1>
        %not3A_151 = arith.xori %scan3A_126, %not3A_150 : vector<16xi1>
        %gt3A = arith.constant 0 : i32
        %gt3A_152 = vector.broadcast %gt3A : i32 to vector<16xi32>
        %gt3A_153 = arith.cmpi sgt, %all_reduce_population_count3A, %gt3A_152 : vector<16xi32>
        %and3A_154 = arith.andi %not3A_151, %gt3A_153 : vector<16xi1>
        %select_n3A_155 = arith.select %and3A_154, %add3A_149, %scan3A_125 : vector<16xi1>, vector<16xi32>
        %gt3A_156 = arith.constant 0 : i32
        %gt3A_157 = vector.broadcast %gt3A_156 : i32 to vector<16xi32>
        %gt3A_158 = arith.cmpi sgt, %all_reduce_population_count3A, %gt3A_157 : vector<16xi32>
        %or3A = arith.ori %scan3A_126, %gt3A_158 : vector<16xi1>
        %reduce_sum3A = arith.constant true
        %reduce_sum3A_159 = vector.broadcast %reduce_sum3A : i1 to vector<16xi1>
        %reduce_sum3A_160 = tpu.scan <sum>, %get3A_131 masked %reduce_sum3A_159 : vector<16xi32>, vector<16xi1> -> vector<16xi32>
        %reduce_sum3A_161 = vector.extract %reduce_sum3A_160[15] : i32 from vector<16xi32>
        %add3A_162 = arith.addi %scan3A_124, %reduce_sum3A_161 : i32
        scf.yield %add3A_162, %select_n3A_155, %or3A : i32, vector<16xi32>, vector<16xi1>
      }
      %scan3A_69 = arith.constant 16 : i32
      %shift_left3A = arith.constant 24 : i32
      %shift_left3A_70 = vector.broadcast %shift_left3A : i32 to vector<16xi32>
      %shift_left3A_71 = arith.shli %scan3A_68#1, %shift_left3A_70 : vector<16xi32>
      %ge3A = arith.constant 128 : i32
      %ge3A_72 = vector.broadcast %ge3A : i32 to vector<16xi32>
      %ge3A_73 = arith.cmpi sge, %scan3A_68#1, %ge3A_72 : vector<16xi32>
      %xor3A = arith.constant -2147483648 : i32
      %xor3A_74 = vector.broadcast %xor3A : i32 to vector<16xi32>
      %xor3A_75 = arith.xori %shift_left3A_71, %xor3A_74 : vector<16xi32>
      %not3A = arith.constant dense<-1> : vector<16xi32>
      %not3A_76 = arith.xori %shift_left3A_71, %not3A : vector<16xi32>
      %select_n3A_77 = arith.select %ge3A_73, %xor3A_75, %not3A_76 : vector<16xi1>, vector<16xi32>
      %bitcast_convert_type3A = tpu.bitcast %select_n3A_77 : vector<16xi32> -> vector<16xf32>
      %scan3A_78 = arith.constant 0 : i32
      %scan3A_79 = arith.constant 0 : i32
      %scan3A_80 = arith.constant 128 : i32
      %scan3A_81 = arith.addi %scan3A_79, %scan3A_80 : i32
      %scan3A_82 = arith.constant 1 : i32
      %scan3A_83 = scf.for %scan3A_123 = %scan3A_79 to %scan3A_81 step %scan3A_82 iter_args(%scan3A_124 = %scan3A_78) -> (i32)  : i32 {
        %mul3A_125 = arith.constant 4 : i32
        %mul3A_126 = arith.muli %scan3A_123, %mul3A_125 : i32
        %add3A_127 = arith.constant 0 : i32
        %add3A_128 = arith.addi %mul3A_126, %add3A_127 : i32
        %mul3A_129 = arith.constant 16 : i32
        %mul3A_130 = arith.muli %add3A_128, %mul3A_129 : i32
        %get3A = arith.index_cast %sub3A_34 : i32 to index
        %get3A_131 = arith.index_cast %mul3A_130 : i32 to index
        %get3A_132 = tpu.vector_load %arg5[%get3A, %get3A_131] {strides = array<i32>} : memref<8x8192xf32, #tpu.memory_space<vmem>>, vector<16xf32>,
        %ge3A_133 = arith.cmpf oge, %get3A_132, %bitcast_convert_type3A : vector<16xf32>
        %swap3A_134 = arith.index_cast %scan3A_124 : i32 to index
        %swap3A_135 = tpu.vector_load %arg6[%swap3A_134] masked %ge3A_133 {strides = array<i32>} : memref<8208xf32, #tpu.memory_space<vmem>>, vector<16xf32>, vector<16xi1>
        tpu.vector_store %arg6[%swap3A_134], %get3A_132 masked %ge3A_133 {strides = array<i32>} : memref<8208xf32, #tpu.memory_space<vmem>>, vector<16xf32>, vector<16xi1>
        %mul3A_136 = arith.constant 16 : i32
        %mul3A_137 = arith.muli %add3A_128, %mul3A_136 : i32
        %add3A_138 = vector.broadcast %mul3A_137 : i32 to vector<16xi32>
        %add3A_139 = arith.addi %add3A_138, %iota3A : vector<16xi32>
        %swap3A_140 = arith.index_cast %scan3A_124 : i32 to index
        %swap3A_141 = tpu.vector_load %arg7[%swap3A_140] masked %ge3A_133 {strides = array<i32>} : memref<8208xi32, #tpu.memory_space<vmem>>, vector<16xi32>, vector<16xi1>
        tpu.vector_store %arg7[%swap3A_140], %add3A_139 masked %ge3A_133 {strides = array<i32>} : memref<8208xi32, #tpu.memory_space<vmem>>, vector<16xi32>, vector<16xi1>
        %all_reduce_population_count3A = tpu.all_reduce %ge3A_133 {dim = 0 : i64, kind = #tpu.reduction_kind<sum>} : vector<16xi1> -> vector<16xi32>
        %slice3A = vector.extract_strided_slice %all_reduce_population_count3A {offsets = [0], sizes = [1], strides = [1]} : vector<16xi32> to vector<1xi32>
        %squeeze3A = vector.extract %slice3A[0] : i32 from vector<1xi32>
        %add3A_142 = arith.addi %scan3A_124, %squeeze3A : i32
        %mul3A_143 = arith.constant 4 : i32
        %mul3A_144 = arith.muli %scan3A_123, %mul3A_143 : i32
        %add3A_145 = arith.constant 1 : i32
        %add3A_146 = arith.addi %mul3A_144, %add3A_145 : i32
        %mul3A_147 = arith.constant 16 : i32
        %mul3A_148 = arith.muli %add3A_146, %mul3A_147 : i32
        %get3A_149 = arith.index_cast %sub3A_34 : i32 to index
        %get3A_150 = arith.index_cast %mul3A_148 : i32 to index
        %get3A_151 = tpu.vector_load %arg5[%get3A_149, %get3A_150] {strides = array<i32>} : memref<8x8192xf32, #tpu.memory_space<vmem>>, vector<16xf32>,
        %ge3A_152 = arith.cmpf oge, %get3A_151, %bitcast_convert_type3A : vector<16xf32>
        %swap3A_153 = arith.index_cast %add3A_142 : i32 to index
        %swap3A_154 = tpu.vector_load %arg6[%swap3A_153] masked %ge3A_152 {strides = array<i32>} : memref<8208xf32, #tpu.memory_space<vmem>>, vector<16xf32>, vector<16xi1>
        tpu.vector_store %arg6[%swap3A_153], %get3A_151 masked %ge3A_152 {strides = array<i32>} : memref<8208xf32, #tpu.memory_space<vmem>>, vector<16xf32>, vector<16xi1>
        %mul3A_155 = arith.constant 16 : i32
        %mul3A_156 = arith.muli %add3A_146, %mul3A_155 : i32
        %add3A_157 = vector.broadcast %mul3A_156 : i32 to vector<16xi32>
        %add3A_158 = arith.addi %add3A_157, %iota3A : vector<16xi32>
        %swap3A_159 = arith.index_cast %add3A_142 : i32 to index
        %swap3A_160 = tpu.vector_load %arg7[%swap3A_159] masked %ge3A_152 {strides = array<i32>} : memref<8208xi32, #tpu.memory_space<vmem>>, vector<16xi32>, vector<16xi1>
        tpu.vector_store %arg7[%swap3A_159], %add3A_158 masked %ge3A_152 {strides = array<i32>} : memref<8208xi32, #tpu.memory_space<vmem>>, vector<16xi32>, vector<16xi1>
        %all_reduce_population_count3A_161 = tpu.all_reduce %ge3A_152 {dim = 0 : i64, kind = #tpu.reduction_kind<sum>} : vector<16xi1> -> vector<16xi32>
        %slice3A_162 = vector.extract_strided_slice %all_reduce_population_count3A_161 {offsets = [0], sizes = [1], strides = [1]} : vector<16xi32> to vector<1xi32>
        %squeeze3A_163 = vector.extract %slice3A_162[0] : i32 from vector<1xi32>
        %add3A_164 = arith.addi %add3A_142, %squeeze3A_163 : i32
        %mul3A_165 = arith.constant 4 : i32
        %mul3A_166 = arith.muli %scan3A_123, %mul3A_165 : i32
        %add3A_167 = arith.constant 2 : i32
        %add3A_168 = arith.addi %mul3A_166, %add3A_167 : i32
        %mul3A_169 = arith.constant 16 : i32
        %mul3A_170 = arith.muli %add3A_168, %mul3A_169 : i32
        %get3A_171 = arith.index_cast %sub3A_34 : i32 to index
        %get3A_172 = arith.index_cast %mul3A_170 : i32 to index
        %get3A_173 = tpu.vector_load %arg5[%get3A_171, %get3A_172] {strides = array<i32>} : memref<8x8192xf32, #tpu.memory_space<vmem>>, vector<16xf32>,
        %ge3A_174 = arith.cmpf oge, %get3A_173, %bitcast_convert_type3A : vector<16xf32>
        %swap3A_175 = arith.index_cast %add3A_164 : i32 to index
        %swap3A_176 = tpu.vector_load %arg6[%swap3A_175] masked %ge3A_174 {strides = array<i32>} : memref<8208xf32, #tpu.memory_space<vmem>>, vector<16xf32>, vector<16xi1>
        tpu.vector_store %arg6[%swap3A_175], %get3A_173 masked %ge3A_174 {strides = array<i32>} : memref<8208xf32, #tpu.memory_space<vmem>>, vector<16xf32>, vector<16xi1>
        %mul3A_177 = arith.constant 16 : i32
        %mul3A_178 = arith.muli %add3A_168, %mul3A_177 : i32
        %add3A_179 = vector.broadcast %mul3A_178 : i32 to vector<16xi32>
        %add3A_180 = arith.addi %add3A_179, %iota3A : vector<16xi32>
        %swap3A_181 = arith.index_cast %add3A_164 : i32 to index
        %swap3A_182 = tpu.vector_load %arg7[%swap3A_181] masked %ge3A_174 {strides = array<i32>} : memref<8208xi32, #tpu.memory_space<vmem>>, vector<16xi32>, vector<16xi1>
        tpu.vector_store %arg7[%swap3A_181], %add3A_180 masked %ge3A_174 {strides = array<i32>} : memref<8208xi32, #tpu.memory_space<vmem>>, vector<16xi32>, vector<16xi1>
        %all_reduce_population_count3A_183 = tpu.all_reduce %ge3A_174 {dim = 0 : i64, kind = #tpu.reduction_kind<sum>} : vector<16xi1> -> vector<16xi32>
        %slice3A_184 = vector.extract_strided_slice %all_reduce_population_count3A_183 {offsets = [0], sizes = [1], strides = [1]} : vector<16xi32> to vector<1xi32>
        %squeeze3A_185 = vector.extract %slice3A_184[0] : i32 from vector<1xi32>
        %add3A_186 = arith.addi %add3A_164, %squeeze3A_185 : i32
        %mul3A_187 = arith.constant 4 : i32
        %mul3A_188 = arith.muli %scan3A_123, %mul3A_187 : i32
        %add3A_189 = arith.constant 3 : i32
        %add3A_190 = arith.addi %mul3A_188, %add3A_189 : i32
        %mul3A_191 = arith.constant 16 : i32
        %mul3A_192 = arith.muli %add3A_190, %mul3A_191 : i32
        %get3A_193 = arith.index_cast %sub3A_34 : i32 to index
        %get3A_194 = arith.index_cast %mul3A_192 : i32 to index
        %get3A_195 = tpu.vector_load %arg5[%get3A_193, %get3A_194] {strides = array<i32>} : memref<8x8192xf32, #tpu.memory_space<vmem>>, vector<16xf32>,
        %ge3A_196 = arith.cmpf oge, %get3A_195, %bitcast_convert_type3A : vector<16xf32>
        %swap3A_197 = arith.index_cast %add3A_186 : i32 to index
        %swap3A_198 = tpu.vector_load %arg6[%swap3A_197] masked %ge3A_196 {strides = array<i32>} : memref<8208xf32, #tpu.memory_space<vmem>>, vector<16xf32>, vector<16xi1>
        tpu.vector_store %arg6[%swap3A_197], %get3A_195 masked %ge3A_196 {strides = array<i32>} : memref<8208xf32, #tpu.memory_space<vmem>>, vector<16xf32>, vector<16xi1>
        %mul3A_199 = arith.constant 16 : i32
        %mul3A_200 = arith.muli %add3A_190, %mul3A_199 : i32
        %add3A_201 = vector.broadcast %mul3A_200 : i32 to vector<16xi32>
        %add3A_202 = arith.addi %add3A_201, %iota3A : vector<16xi32>
        %swap3A_203 = arith.index_cast %add3A_186 : i32 to index
        %swap3A_204 = tpu.vector_load %arg7[%swap3A_203] masked %ge3A_196 {strides = array<i32>} : memref<8208xi32, #tpu.memory_space<vmem>>, vector<16xi32>, vector<16xi1>
        tpu.vector_store %arg7[%swap3A_203], %add3A_202 masked %ge3A_196 {strides = array<i32>} : memref<8208xi32, #tpu.memory_space<vmem>>, vector<16xi32>, vector<16xi1>
        %all_reduce_population_count3A_205 = tpu.all_reduce %ge3A_196 {dim = 0 : i64, kind = #tpu.reduction_kind<sum>} : vector<16xi1> -> vector<16xi32>
        %slice3A_206 = vector.extract_strided_slice %all_reduce_population_count3A_205 {offsets = [0], sizes = [1], strides = [1]} : vector<16xi32> to vector<1xi32>
        %squeeze3A_207 = vector.extract %slice3A_206[0] : i32 from vector<1xi32>
        %add3A_208 = arith.addi %add3A_186, %squeeze3A_207 : i32
        scf.yield %add3A_208 : i32
      }
      %scan3A_84 = arith.constant 128 : i32
      %swap3A = arith.index_cast %scan3A_83 : i32 to index
      %swap3A_85 = tpu.vector_load %arg6[%swap3A] {strides = array<i32>} : memref<8208xf32, #tpu.memory_space<vmem>>, vector<16xf32>,
      tpu.vector_store %arg6[%swap3A], %broadcast_in_dim3A_5 {strides = array<i32>} : memref<8208xf32, #tpu.memory_space<vmem>>, vector<16xf32>,
      %swap3A_86 = arith.index_cast %scan3A_83 : i32 to index
      %swap3A_87 = tpu.vector_load %arg7[%swap3A_86] {strides = array<i32>} : memref<8208xi32, #tpu.memory_space<vmem>>, vector<16xi32>,
      tpu.vector_store %arg7[%swap3A_86], %broadcast_in_dim3A_7 {strides = array<i32>} : memref<8208xi32, #tpu.memory_space<vmem>>, vector<16xi32>,
      %add3A_88 = arith.constant 15 : i32
      %add3A_89 = arith.addi %scan3A_83, %add3A_88 : i32
      %jit3A_90 = arith.constant 16 : i32
      %div3A_91 = arith.divsi %add3A_89, %jit3A_90 : i32
      %sign3A_92 = arith.constant 0 : i32
      %sign3A_93 = arith.cmpi sgt, %add3A_89, %sign3A_92 : i32
      %sign3A_94 = arith.extui %sign3A_93 : i1 to i32
      %sign3A_95 = arith.constant 0 : i32
      %sign3A_96 = arith.cmpi slt, %add3A_89, %sign3A_95 : i32
      %sign3A_97 = arith.extui %sign3A_96 : i1 to i32
      %sign3A_98 = arith.subi %sign3A_94, %sign3A_97 : i32
      %sign3A_99 = arith.constant 0 : i32
      %sign3A_100 = arith.cmpi sgt, %jit3A_90, %sign3A_99 : i32
      %sign3A_101 = arith.extui %sign3A_100 : i1 to i32
      %sign3A_102 = arith.constant 0 : i32
      %sign3A_103 = arith.cmpi slt, %jit3A_90, %sign3A_102 : i32
      %sign3A_104 = arith.extui %sign3A_103 : i1 to i32
      %sign3A_105 = arith.subi %sign3A_101, %sign3A_104 : i32
      %ne3A_106 = arith.cmpi ne, %sign3A_98, %sign3A_105 : i32
      %rem3A_107 = arith.remsi %add3A_89, %jit3A_90 : i32
      %ne3A_108 = arith.constant 0 : i32
      %ne3A_109 = arith.cmpi ne, %rem3A_107, %ne3A_108 : i32
      %and3A_110 = arith.andi %ne3A_106, %ne3A_109 : i1
      %sub3A_111 = arith.constant 1 : i32
      %sub3A_112 = arith.subi %div3A_91, %sub3A_111 : i32
      %select_n3A_113 = arith.select %and3A_110, %sub3A_112, %div3A_91 : i32
      %scan3A_114 = arith.constant 0x7F800000 : f32
      %scan3A_115 = arith.constant -1 : i32
      %scan3A_116 = arith.constant 0 : i32
      %scan3A_117 = arith.constant 16 : i32
      %scan3A_118 = arith.addi %scan3A_116, %scan3A_117 : i32
      %scan3A_119 = arith.constant 1 : i32
      %scan3A_120:2 = scf.for %scan3A_123 = %scan3A_116 to %scan3A_118 step %scan3A_119 iter_args(%scan3A_124 = %scan3A_114, %scan3A_125 = %scan3A_115) -> (f32, i32)  : i32 {
        %while3A = arith.constant 0 : i32
        %while3A_126 = arith.subi %select_n3A_113, %while3A : i32
        %while3A_127 = arith.addi %while3A, %while3A_126 : i32
        %while3A_128 = arith.constant 1 : i32
        %while3A_129 = arith.divsi %while3A_126, %while3A_128 : i32
        %while3A_130 = arith.muli %while3A_129, %while3A_128 : i32
        %while3A_131 = arith.addi %while3A, %while3A_130 : i32
        %while3A_132 = arith.constant 1 : i32
        %while3A_133:2 = scf.for %while3A_166 = %while3A to %while3A_131 step %while3A_132 iter_args(%while3A_167 = %broadcast_in_dim3A_5, %while3A_168 = %broadcast_in_dim3A_7) -> (vector<16xf32>, vector<16xi32>)  : i32 {
          %mul3A_169 = arith.constant 16 : i32
          %mul3A_170 = arith.muli %while3A_166, %mul3A_169 : i32
          %get3A_171 = arith.index_cast %mul3A_170 : i32 to index
          %get3A_172 = tpu.vector_load %arg6[%get3A_171] {strides = array<i32>} : memref<8208xf32, #tpu.memory_space<vmem>>, vector<16xf32>,
          %mul3A_173 = arith.constant 16 : i32
          %mul3A_174 = arith.muli %while3A_166, %mul3A_173 : i32
          %get3A_175 = arith.index_cast %mul3A_174 : i32 to index
          %get3A_176 = tpu.vector_load %arg7[%get3A_175] {strides = array<i32>} : memref<8208xi32, #tpu.memory_space<vmem>>, vector<16xi32>,
          %lt3A = vector.broadcast %scan3A_124 : f32 to vector<16xf32>
          %lt3A_177 = arith.cmpf olt, %get3A_172, %lt3A : vector<16xf32>
          %eq3A_178 = vector.broadcast %scan3A_124 : f32 to vector<16xf32>
          %eq3A_179 = arith.cmpf oeq, %get3A_172, %eq3A_178 : vector<16xf32>
          %gt3A = vector.broadcast %scan3A_125 : i32 to vector<16xi32>
          %gt3A_180 = arith.cmpi sgt, %get3A_176, %gt3A : vector<16xi32>
          %and3A_181 = arith.andi %eq3A_179, %gt3A_180 : vector<16xi1>
          %or3A = arith.ori %lt3A_177, %and3A_181 : vector<16xi1>
          %jit3A_182 = arith.constant 0xFF800000 : f32
          %broadcast_in_dim3A_183 = vector.broadcast %jit3A_182 : f32 to vector<16xf32>
          %select_n3A_184 = arith.select %or3A, %get3A_172, %broadcast_in_dim3A_183 : vector<16xi1>, vector<16xf32>
          %gt3A_185 = arith.cmpf ogt, %select_n3A_184, %while3A_167 : vector<16xf32>
          %eq3A_186 = arith.cmpf oeq, %select_n3A_184, %while3A_167 : vector<16xf32>
          %lt3A_187 = arith.cmpi slt, %get3A_176, %while3A_168 : vector<16xi32>
          %and3A_188 = arith.andi %eq3A_186, %lt3A_187 : vector<16xi1>
          %or3A_189 = arith.ori %gt3A_185, %and3A_188 : vector<16xi1>
          %select_n3A_190 = arith.select %or3A_189, %select_n3A_184, %while3A_167 : vector<16xi1>, vector<16xf32>
          %select_n3A_191 = arith.select %or3A_189, %get3A_176, %while3A_168 : vector<16xi1>, vector<16xi32>
          scf.yield %select_n3A_190, %select_n3A_191 : vector<16xf32>, vector<16xi32>
        }
        %while3A_134 = arith.constant 1 : i32
        %while3A_135:2 = scf.for %while3A_166 = %while3A_131 to %while3A_127 step %while3A_134 iter_args(%while3A_167 = %while3A_133#0, %while3A_168 = %while3A_133#1) -> (vector<16xf32>, vector<16xi32>)  : i32 {
          %mul3A_169 = arith.constant 16 : i32
          %mul3A_170 = arith.muli %while3A_166, %mul3A_169 : i32
          %get3A_171 = arith.index_cast %mul3A_170 : i32 to index
          %get3A_172 = tpu.vector_load %arg6[%get3A_171] {strides = array<i32>} : memref<8208xf32, #tpu.memory_space<vmem>>, vector<16xf32>,
          %mul3A_173 = arith.constant 16 : i32
          %mul3A_174 = arith.muli %while3A_166, %mul3A_173 : i32
          %get3A_175 = arith.index_cast %mul3A_174 : i32 to index
          %get3A_176 = tpu.vector_load %arg7[%get3A_175] {strides = array<i32>} : memref<8208xi32, #tpu.memory_space<vmem>>, vector<16xi32>,
          %lt3A = vector.broadcast %scan3A_124 : f32 to vector<16xf32>
          %lt3A_177 = arith.cmpf olt, %get3A_172, %lt3A : vector<16xf32>
          %eq3A_178 = vector.broadcast %scan3A_124 : f32 to vector<16xf32>
          %eq3A_179 = arith.cmpf oeq, %get3A_172, %eq3A_178 : vector<16xf32>
          %gt3A = vector.broadcast %scan3A_125 : i32 to vector<16xi32>
          %gt3A_180 = arith.cmpi sgt, %get3A_176, %gt3A : vector<16xi32>
          %and3A_181 = arith.andi %eq3A_179, %gt3A_180 : vector<16xi1>
          %or3A = arith.ori %lt3A_177, %and3A_181 : vector<16xi1>
          %jit3A_182 = arith.constant 0xFF800000 : f32
          %broadcast_in_dim3A_183 = vector.broadcast %jit3A_182 : f32 to vector<16xf32>
          %select_n3A_184 = arith.select %or3A, %get3A_172, %broadcast_in_dim3A_183 : vector<16xi1>, vector<16xf32>
          %gt3A_185 = arith.cmpf ogt, %select_n3A_184, %while3A_167 : vector<16xf32>
          %eq3A_186 = arith.cmpf oeq, %select_n3A_184, %while3A_167 : vector<16xf32>
          %lt3A_187 = arith.cmpi slt, %get3A_176, %while3A_168 : vector<16xi32>
          %and3A_188 = arith.andi %eq3A_186, %lt3A_187 : vector<16xi1>
          %or3A_189 = arith.ori %gt3A_185, %and3A_188 : vector<16xi1>
          %select_n3A_190 = arith.select %or3A_189, %select_n3A_184, %while3A_167 : vector<16xi1>, vector<16xf32>
          %select_n3A_191 = arith.select %or3A_189, %get3A_176, %while3A_168 : vector<16xi1>, vector<16xi32>
          scf.yield %select_n3A_190, %select_n3A_191 : vector<16xf32>, vector<16xi32>
        }
        %reduce_max3A = arith.constant true
        %reduce_max3A_136 = vector.broadcast %reduce_max3A : i1 to vector<16xi1>
        %reduce_max3A_137 = tpu.scan <max>, %while3A_135#0 masked %reduce_max3A_136 : vector<16xf32>, vector<16xi1> -> vector<16xf32>
        %reduce_max3A_138 = vector.extract %reduce_max3A_137[15] : f32 from vector<16xf32>
        %eq3A_139 = vector.broadcast %reduce_max3A_138 : f32 to vector<16xf32>
        %eq3A_140 = arith.cmpf oeq, %while3A_135#0, %eq3A_139 : vector<16xf32>
        %jit3A_141 = arith.constant 8192 : i32
        %broadcast_in_dim3A_142 = vector.broadcast %jit3A_141 : i32 to vector<16xi32>
        %select_n3A_143 = arith.select %eq3A_140, %while3A_135#1, %broadcast_in_dim3A_142 : vector<16xi1>, vector<16xi32>
        %reduce_min3A = arith.constant true
        %reduce_min3A_144 = vector.broadcast %reduce_min3A : i1 to vector<16xi1>
        %reduce_min3A_145 = arith.constant -2147483648 : i32
        %reduce_min3A_146 = vector.broadcast %reduce_min3A_145 : i32 to vector<16xi32>
        %reduce_min3A_147 = arith.xori %select_n3A_143, %reduce_min3A_146 : vector<16xi32>
        %reduce_min3A_148 = tpu.scan <min>, %reduce_min3A_147 masked %reduce_min3A_144 : vector<16xi32>, vector<16xi1> -> vector<16xi32>
        %reduce_min3A_149 = arith.xori %reduce_min3A_148, %reduce_min3A_146 : vector<16xi32>
        %reduce_min3A_150 = vector.extract %reduce_min3A_149[15] : i32 from vector<16xi32>
        %eq3A_151 = vector.broadcast %scan3A_123 : i32 to vector<16xi32>
        %eq3A_152 = arith.cmpi eq, %iota3A, %eq3A_151 : vector<16xi32>
        %get3A = arith.constant 0 : index
        %get3A_153 = tpu.vector_load %arg10[%get3A] {strides = array<i32>} : memref<16xf32, #tpu.memory_space<vmem>>, vector<16xf32>,
        %broadcast_in_dim3A_154 = vector.broadcast %reduce_max3A_138 : f32 to vector<16xf32>
        %select_n3A_155 = arith.select %eq3A_152, %broadcast_in_dim3A_154, %get3A_153 : vector<16xi1>, vector<16xf32>
        %swap3A_156 = arith.constant 0 : index
        %swap3A_157 = tpu.vector_load %arg10[%swap3A_156] {strides = array<i32>} : memref<16xf32, #tpu.memory_space<vmem>>, vector<16xf32>,
        tpu.vector_store %arg10[%swap3A_156], %select_n3A_155 {strides = array<i32>} : memref<16xf32, #tpu.memory_space<vmem>>, vector<16xf32>,
        %eq3A_158 = vector.broadcast %scan3A_123 : i32 to vector<16xi32>
        %eq3A_159 = arith.cmpi eq, %iota3A, %eq3A_158 : vector<16xi32>
        %get3A_160 = arith.constant 0 : index
        %get3A_161 = tpu.vector_load %arg11[%get3A_160] {strides = array<i32>} : memref<16xi32, #tpu.memory_space<vmem>>, vector<16xi32>,
        %broadcast_in_dim3A_162 = vector.broadcast %reduce_min3A_150 : i32 to vector<16xi32>
        %select_n3A_163 = arith.select %eq3A_159, %broadcast_in_dim3A_162, %get3A_161 : vector<16xi1>, vector<16xi32>
        %swap3A_164 = arith.constant 0 : index
        %swap3A_165 = tpu.vector_load %arg11[%swap3A_164] {strides = array<i32>} : memref<16xi32, #tpu.memory_space<vmem>>, vector<16xi32>,
        tpu.vector_store %arg11[%swap3A_164], %select_n3A_163 {strides = array<i32>} : memref<16xi32, #tpu.memory_space<vmem>>, vector<16xi32>,
        scf.yield %reduce_max3A_138, %reduce_min3A_150 : f32, i32
      }
      %scan3A_121 = arith.constant 16 : i32
      "tpu.region"() ({
        %run_scoped3A = tpu.sem_alloc : memref<!tpu.dma_semaphore, #tpu.memory_space<semaphore_mem>>
        %dma_start3A = arith.constant 0 : i32
        %dma_start3A_123 = tpu.memref_slice %arg3[%add3A_39, %dma_start3A] : memref<512x16xi32, #tpu.memory_space<hbm>> -> memref<1x16xi32, #tpu.memory_space<hbm>>
        %dma_start3A_124 = tpu.memref_squeeze %dma_start3A_123 : memref<1x16xi32, #tpu.memory_space<hbm>> -> memref<16xi32, #tpu.memory_space<hbm>>
        %dma_start3A_125 = arith.constant 0 : i32
        %dma_start3A_126 = tpu.memref_slice %arg3[%add3A_39, %dma_start3A_125] : memref<512x16xi32, #tpu.memory_space<hbm>> -> memref<1x16xi32, #tpu.memory_space<hbm>>
        %dma_start3A_127 = tpu.memref_squeeze %dma_start3A_126 : memref<1x16xi32, #tpu.memory_space<hbm>> -> memref<16xi32, #tpu.memory_space<hbm>>
        tpu.enqueue_dma source(%arg11 : memref<16xi32, #tpu.memory_space<vmem>>) target(%dma_start3A_127 : memref<16xi32, #tpu.memory_space<hbm>>) target_semaphore(%run_scoped3A : memref<!tpu.dma_semaphore, #tpu.memory_space<semaphore_mem>>)
        %dma_wait3A = arith.constant 0 : i32
        %dma_wait3A_128 = tpu.memref_slice %arg3[%add3A_39, %dma_wait3A] : memref<512x16xi32, #tpu.memory_space<hbm>> -> memref<1x16xi32, #tpu.memory_space<hbm>>
        %dma_wait3A_129 = tpu.memref_squeeze %dma_wait3A_128 : memref<1x16xi32, #tpu.memory_space<hbm>> -> memref<16xi32, #tpu.memory_space<hbm>>
        %dma_wait3A_130 = arith.constant 0 : i32
        %dma_wait3A_131 = tpu.memref_slice %arg3[%add3A_39, %dma_wait3A_130] : memref<512x16xi32, #tpu.memory_space<hbm>> -> memref<1x16xi32, #tpu.memory_space<hbm>>
        %dma_wait3A_132 = tpu.memref_squeeze %dma_wait3A_131 : memref<1x16xi32, #tpu.memory_space<hbm>> -> memref<16xi32, #tpu.memory_space<hbm>>
        tpu.wait_dma2 semaphore(%run_scoped3A : memref<!tpu.dma_semaphore, #tpu.memory_space<semaphore_mem>>) src(%arg11 : memref<16xi32, #tpu.memory_space<vmem>>) dst(%dma_wait3A_132 : memref<16xi32, #tpu.memory_space<hbm>>)
        tpu.yield
      }) : () -> ()
      "tpu.region"() ({
        %run_scoped3A = tpu.sem_alloc : memref<!tpu.dma_semaphore, #tpu.memory_space<semaphore_mem>>
        %dma_start3A = arith.constant 0 : i32
        %dma_start3A_123 = tpu.memref_slice %arg4[%add3A_39, %dma_start3A] : memref<512x16xf32, #tpu.memory_space<hbm>> -> memref<1x16xf32, #tpu.memory_space<hbm>>
        %dma_start3A_124 = tpu.memref_squeeze %dma_start3A_123 : memref<1x16xf32, #tpu.memory_space<hbm>> -> memref<16xf32, #tpu.memory_space<hbm>>
        %dma_start3A_125 = arith.constant 0 : i32
        %dma_start3A_126 = tpu.memref_slice %arg4[%add3A_39, %dma_start3A_125] : memref<512x16xf32, #tpu.memory_space<hbm>> -> memref<1x16xf32, #tpu.memory_space<hbm>>
        %dma_start3A_127 = tpu.memref_squeeze %dma_start3A_126 : memref<1x16xf32, #tpu.memory_space<hbm>> -> memref<16xf32, #tpu.memory_space<hbm>>
        tpu.enqueue_dma source(%arg10 : memref<16xf32, #tpu.memory_space<vmem>>) target(%dma_start3A_127 : memref<16xf32, #tpu.memory_space<hbm>>) target_semaphore(%run_scoped3A : memref<!tpu.dma_semaphore, #tpu.memory_space<semaphore_mem>>)
        %dma_wait3A = arith.constant 0 : i32
        %dma_wait3A_128 = tpu.memref_slice %arg4[%add3A_39, %dma_wait3A] : memref<512x16xf32, #tpu.memory_space<hbm>> -> memref<1x16xf32, #tpu.memory_space<hbm>>
        %dma_wait3A_129 = tpu.memref_squeeze %dma_wait3A_128 : memref<1x16xf32, #tpu.memory_space<hbm>> -> memref<16xf32, #tpu.memory_space<hbm>>
        %dma_wait3A_130 = arith.constant 0 : i32
        %dma_wait3A_131 = tpu.memref_slice %arg4[%add3A_39, %dma_wait3A_130] : memref<512x16xf32, #tpu.memory_space<hbm>> -> memref<1x16xf32, #tpu.memory_space<hbm>>
        %dma_wait3A_132 = tpu.memref_squeeze %dma_wait3A_131 : memref<1x16xf32, #tpu.memory_space<hbm>> -> memref<16xf32, #tpu.memory_space<hbm>>
        tpu.wait_dma2 semaphore(%run_scoped3A : memref<!tpu.dma_semaphore, #tpu.memory_space<semaphore_mem>>) src(%arg10 : memref<16xf32, #tpu.memory_space<vmem>>) dst(%dma_wait3A_132 : memref<16xf32, #tpu.memory_space<hbm>>)
        tpu.yield
      }) : () -> ()
      %scan3A_122 = arith.constant 0 : i32
      scf.yield %scan3A_122 : i32
    }
    %scan3A_13 = arith.constant 16 : i32
    return
  }
}

#map = affine_map<(d0, d1) -> (0, 0)>
module attributes {stable_mosaic.version = 14 : i64} {
  func.func @_sc_topk(%arg0: i32, %arg1: i32, %arg2: memref<512x8192xf32, #tpu.memory_space<hbm>>, %arg3: memref<512x16xi32, #tpu.memory_space<hbm>>, %arg4: memref<512x16xf32, #tpu.memory_space<hbm>>, %arg5: memref<8x8192xf32, #tpu.memory_space<vmem>>, %arg6: memref<8208xf32, #tpu.memory_space<vmem>>, %arg7: memref<8208xi32, #tpu.memory_space<vmem>>, %arg8: memref<4096xi32, #tpu.memory_space<vmem>>, %arg9: memref<256xi32, #tpu.memory_space<vmem>>, %arg10: memref<16xf32, #tpu.memory_space<vmem>>, %arg11: memref<16xi32, #tpu.memory_space<vmem>>) attributes {dimension_semantics = [#tpu.dimension_semantics<core_parallel>, #tpu.dimension_semantics<subcore_parallel>], iteration_bounds = array<i64: 2, 16>, scalar_prefetch = 0 : i64, scratch_operands = 7 : i64, tpu.core_type = #tpu.core_type<sc_vector_subcore>, window_params = [{transform_indices = #map}, {transform_indices = #map}, {transform_indices = #map}]} {
    %mul3A = arith.constant 2 : i32
    %mul3A_0 = arith.muli %arg1, %mul3A : i32
    %add3A = arith.addi %mul3A_0, %arg0 : i32
    %iota3A = tpu.iota {dimensions = array<i32: 0>} : vector<16xi32>
    %broadcast_in_dim3A = arith.constant 0 : i32
    %broadcast_in_dim3A_1 = vector.broadcast %broadcast_in_dim3A : i32 to vector<16xi32>
    %broadcast_in_dim3A_2 = arith.constant 1 : i32
    %broadcast_in_dim3A_3 = vector.broadcast %broadcast_in_dim3A_2 : i32 to vector<16xi32>
    %broadcast_in_dim3A_4 = arith.constant 0xFF800000 : f32
    %broadcast_in_dim3A_5 = vector.broadcast %broadcast_in_dim3A_4 : f32 to vector<16xf32>
    %broadcast_in_dim3A_6 = arith.constant 8192 : i32
    %broadcast_in_dim3A_7 = vector.broadcast %broadcast_in_dim3A_6 : i32 to vector<16xi32>
    %scan3A = arith.constant 0 : i32
    %scan3A_8 = arith.constant 0 : i32
    %scan3A_9 = arith.constant 16 : i32
    %scan3A_10 = arith.addi %scan3A_8, %scan3A_9 : i32
    %scan3A_11 = arith.constant 1 : i32
    %scan3A_12 = scf.for %scan3A_14 = %scan3A_8 to %scan3A_10 step %scan3A_11 iter_args(%scan3A_15 = %scan3A) -> (i32)  : i32 {
      %jit3A = arith.constant 8 : i32
      %div3A = arith.divsi %scan3A_14, %jit3A : i32
      %sign3A = arith.constant 0 : i32
      %sign3A_16 = arith.cmpi sgt, %scan3A_14, %sign3A : i32
      %sign3A_17 = arith.extui %sign3A_16 : i1 to i32
      %sign3A_18 = arith.constant 0 : i32
      %sign3A_19 = arith.cmpi slt, %scan3A_14, %sign3A_18 : i32
      %sign3A_20 = arith.extui %sign3A_19 : i1 to i32
      %sign3A_21 = arith.subi %sign3A_17, %sign3A_20 : i32
      %sign3A_22 = arith.constant 0 : i32
      %sign3A_23 = arith.cmpi sgt, %jit3A, %sign3A_22 : i32
      %sign3A_24 = arith.extui %sign3A_23 : i1 to i32
      %sign3A_25 = arith.constant 0 : i32
      %sign3A_26 = arith.cmpi slt, %jit3A, %sign3A_25 : i32
      %sign3A_27 = arith.extui %sign3A_26 : i1 to i32
      %sign3A_28 = arith.subi %sign3A_24, %sign3A_27 : i32
      %ne3A = arith.cmpi ne, %sign3A_21, %sign3A_28 : i32
      %rem3A = arith.remsi %scan3A_14, %jit3A : i32
      %ne3A_29 = arith.constant 0 : i32
      %ne3A_30 = arith.cmpi ne, %rem3A, %ne3A_29 : i32
      %and3A = arith.andi %ne3A, %ne3A_30 : i1
      %sub3A = arith.constant 1 : i32
      %sub3A_31 = arith.subi %div3A, %sub3A : i32
      %select_n3A = arith.select %and3A, %sub3A_31, %div3A : i32
      %mul3A_32 = arith.constant 8 : i32
      %mul3A_33 = arith.muli %select_n3A, %mul3A_32 : i32
      %sub3A_34 = arith.subi %scan3A_14, %mul3A_33 : i32
      %eq3A = arith.constant 0 : i32
      %eq3A_35 = arith.cmpi eq, %sub3A_34, %eq3A : i32
      %convert_element_type3A = arith.extui %eq3A_35 : i1 to i32
      %cond3A = arith.constant 0 : i32
      %cond3A_36 = arith.cmpi ne, %convert_element_type3A, %cond3A : i32
      scf.if %cond3A_36 {
        %mul3A_123 = arith.constant 16 : i32
        %mul3A_124 = arith.muli %add3A, %mul3A_123 : i32
        %mul3A_125 = arith.constant 8 : i32
        %mul3A_126 = arith.muli %select_n3A, %mul3A_125 : i32
        %add3A_127 = arith.addi %mul3A_124, %mul3A_126 : i32
        "tpu.region"() ({
          %run_scoped3A = tpu.sem_alloc : memref<!tpu.dma_semaphore, #tpu.memory_space<semaphore_mem>>
          %dma_start3A = arith.constant 0 : i32
          %dma_start3A_128 = tpu.memref_slice %arg2[%add3A_127, %dma_start3A] : memref<512x8192xf32, #tpu.memory_space<hbm>> -> memref<8x8192xf32, #tpu.memory_space<hbm>>
          %dma_start3A_129 = arith.constant 0 : i32
          %dma_start3A_130 = tpu.memref_slice %arg2[%add3A_127, %dma_start3A_129] : memref<512x8192xf32, #tpu.memory_space<hbm>> -> memref<8x8192xf32, #tpu.memory_space<hbm>>
          tpu.enqueue_dma source(%dma_start3A_130 : memref<8x8192xf32, #tpu.memory_space<hbm>>) target(%arg5 : memref<8x8192xf32, #tpu.memory_space<vmem>>) target_semaphore(%run_scoped3A : memref<!tpu.dma_semaphore, #tpu.memory_space<semaphore_mem>>)
          %dma_wait3A = arith.constant 0 : i32
          %dma_wait3A_131 = tpu.memref_slice %arg2[%add3A_127, %dma_wait3A] : memref<512x8192xf32, #tpu.memory_space<hbm>> -> memref<8x8192xf32, #tpu.memory_space<hbm>>
          %dma_wait3A_132 = arith.constant 0 : i32
          %dma_wait3A_133 = tpu.memref_slice %arg2[%add3A_127, %dma_wait3A_132] : memref<512x8192xf32, #tpu.memory_space<hbm>> -> memref<8x8192xf32, #tpu.memory_space<hbm>>
          tpu.wait_dma2 semaphore(%run_scoped3A : memref<!tpu.dma_semaphore, #tpu.memory_space<semaphore_mem>>) src(%dma_wait3A_133 : memref<8x8192xf32, #tpu.memory_space<hbm>>) dst(%arg5 : memref<8x8192xf32, #tpu.memory_space<vmem>>)
          tpu.yield
        }) : () -> ()
      } else {
      }
      %mul3A_37 = arith.constant 16 : i32
      %mul3A_38 = arith.muli %add3A, %mul3A_37 : i32
      %add3A_39 = arith.addi %mul3A_38, %scan3A_14 : i32
      %scan3A_40 = arith.constant 0 : i32
      %scan3A_41 = arith.constant 0 : i32
      %scan3A_42 = arith.constant 64 : i32
      %scan3A_43 = arith.addi %scan3A_41, %scan3A_42 : i32
      %scan3A_44 = arith.constant 1 : i32
      %scan3A_45 = scf.for %scan3A_123 = %scan3A_41 to %scan3A_43 step %scan3A_44 iter_args(%scan3A_124 = %scan3A_40) -> (i32)  : i32 {
        %mul3A_125 = arith.constant 4 : i32
        %mul3A_126 = arith.muli %scan3A_123, %mul3A_125 : i32
        %add3A_127 = arith.constant 0 : i32
        %add3A_128 = arith.addi %mul3A_126, %add3A_127 : i32
        %mul3A_129 = arith.constant 16 : i32
        %mul3A_130 = arith.muli %add3A_128, %mul3A_129 : i32
        %swap3A_131 = arith.index_cast %mul3A_130 : i32 to index
        %swap3A_132 = tpu.vector_load %arg8[%swap3A_131] {strides = array<i32>} : memref<4096xi32, #tpu.memory_space<vmem>>, vector<16xi32>,
        tpu.vector_store %arg8[%swap3A_131], %broadcast_in_dim3A_1 {strides = array<i32>} : memref<4096xi32, #tpu.memory_space<vmem>>, vector<16xi32>,
        %mul3A_133 = arith.constant 4 : i32
        %mul3A_134 = arith.muli %scan3A_123, %mul3A_133 : i32
        %add3A_135 = arith.constant 1 : i32
        %add3A_136 = arith.addi %mul3A_134, %add3A_135 : i32
        %mul3A_137 = arith.constant 16 : i32
        %mul3A_138 = arith.muli %add3A_136, %mul3A_137 : i32
        %swap3A_139 = arith.index_cast %mul3A_138 : i32 to index
        %swap3A_140 = tpu.vector_load %arg8[%swap3A_139] {strides = array<i32>} : memref<4096xi32, #tpu.memory_space<vmem>>, vector<16xi32>,
        tpu.vector_store %arg8[%swap3A_139], %broadcast_in_dim3A_1 {strides = array<i32>} : memref<4096xi32, #tpu.memory_space<vmem>>, vector<16xi32>,
        %mul3A_141 = arith.constant 4 : i32
        %mul3A_142 = arith.muli %scan3A_123, %mul3A_141 : i32
        %add3A_143 = arith.constant 2 : i32
        %add3A_144 = arith.addi %mul3A_142, %add3A_143 : i32
        %mul3A_145 = arith.constant 16 : i32
        %mul3A_146 = arith.muli %add3A_144, %mul3A_145 : i32
        %swap3A_147 = arith.index_cast %mul3A_146 : i32 to index
        %swap3A_148 = tpu.vector_load %arg8[%swap3A_147] {strides = array<i32>} : memref<4096xi32, #tpu.memory_space<vmem>>, vector<16xi32>,
        tpu.vector_store %arg8[%swap3A_147], %broadcast_in_dim3A_1 {strides = array<i32>} : memref<4096xi32, #tpu.memory_space<vmem>>, vector<16xi32>,
        %mul3A_149 = arith.constant 4 : i32
        %mul3A_150 = arith.muli %scan3A_123, %mul3A_149 : i32
        %add3A_151 = arith.constant 3 : i32
        %add3A_152 = arith.addi %mul3A_150, %add3A_151 : i32
        %mul3A_153 = arith.constant 16 : i32
        %mul3A_154 = arith.muli %add3A_152, %mul3A_153 : i32
        %swap3A_155 = arith.index_cast %mul3A_154 : i32 to index
        %swap3A_156 = tpu.vector_load %arg8[%swap3A_155] {strides = array<i32>} : memref<4096xi32, #tpu.memory_space<vmem>>, vector<16xi32>,
        tpu.vector_store %arg8[%swap3A_155], %broadcast_in_dim3A_1 {strides = array<i32>} : memref<4096xi32, #tpu.memory_space<vmem>>, vector<16xi32>,
        %scan3A_157 = arith.constant 0 : i32
        scf.yield %scan3A_157 : i32
      }
      %scan3A_46 = arith.constant 64 : i32
      %scan3A_47 = arith.constant 0 : i32
      %scan3A_48 = arith.constant 0 : i32
      %scan3A_49 = arith.constant 128 : i32
      %scan3A_50 = arith.addi %scan3A_48, %scan3A_49 : i32
      %scan3A_51 = arith.constant 1 : i32
      %scan3A_52 = scf.for %scan3A_123 = %scan3A_48 to %scan3A_50 step %scan3A_51 iter_args(%scan3A_124 = %scan3A_47) -> (i32)  : i32 {
        %mul3A_125 = arith.constant 4 : i32
        %mul3A_126 = arith.muli %scan3A_123, %mul3A_125 : i32
        %add3A_127 = arith.constant 0 : i32
        %add3A_128 = arith.addi %mul3A_126, %add3A_127 : i32
        %mul3A_129 = arith.constant 16 : i32
        %mul3A_130 = arith.muli %add3A_128, %mul3A_129 : i32
        %get3A = arith.index_cast %sub3A_34 : i32 to index
        %get3A_131 = arith.index_cast %mul3A_130 : i32 to index
        %get3A_132 = tpu.vector_load %arg5[%get3A, %get3A_131] {strides = array<i32>} : memref<8x8192xf32, #tpu.memory_space<vmem>>, vector<16xf32>,
        %mul3A_133 = arith.constant 256 : i32
        %mul3A_134 = vector.broadcast %mul3A_133 : i32 to vector<16xi32>
        %mul3A_135 = arith.muli %iota3A, %mul3A_134 : vector<16xi32>
        %bitcast_convert_type3A_136 = tpu.bitcast %get3A_132 : vector<16xf32> -> vector<16xi32>
        %lt3A = arith.constant 0.000000e+00 : f32
        %lt3A_137 = vector.broadcast %lt3A : f32 to vector<16xf32>
        %lt3A_138 = arith.cmpf olt, %get3A_132, %lt3A_137 : vector<16xf32>
        %not3A_139 = arith.constant dense<-1> : vector<16xi32>
        %not3A_140 = arith.xori %bitcast_convert_type3A_136, %not3A_139 : vector<16xi32>
        %xor3A_141 = arith.constant -2147483648 : i32
        %xor3A_142 = vector.broadcast %xor3A_141 : i32 to vector<16xi32>
        %xor3A_143 = arith.xori %bitcast_convert_type3A_136, %xor3A_142 : vector<16xi32>
        %select_n3A_144 = arith.select %lt3A_138, %not3A_140, %xor3A_143 : vector<16xi1>, vector<16xi32>
        %shift_right_logical3A = arith.constant 24 : i32
        %shift_right_logical3A_145 = vector.broadcast %shift_right_logical3A : i32 to vector<16xi32>
        %shift_right_logical3A_146 = arith.shrui %select_n3A_144, %shift_right_logical3A_145 : vector<16xi32>
        %add3A_147 = arith.addi %mul3A_135, %shift_right_logical3A_146 : vector<16xi32>
        tpu.vector_store_idx %arg8[%add3A_147], %broadcast_in_dim3A_3 {add = true} : memref<4096xi32, #tpu.memory_space<vmem>>[vector<16xi32>], vector<16xi32>,
        %mul3A_148 = arith.constant 4 : i32
        %mul3A_149 = arith.muli %scan3A_123, %mul3A_148 : i32
        %add3A_150 = arith.constant 1 : i32
        %add3A_151 = arith.addi %mul3A_149, %add3A_150 : i32
        %mul3A_152 = arith.constant 16 : i32
        %mul3A_153 = arith.muli %add3A_151, %mul3A_152 : i32
        %get3A_154 = arith.index_cast %sub3A_34 : i32 to index
        %get3A_155 = arith.index_cast %mul3A_153 : i32 to index
        %get3A_156 = tpu.vector_load %arg5[%get3A_154, %get3A_155] {strides = array<i32>} : memref<8x8192xf32, #tpu.memory_space<vmem>>, vector<16xf32>,
        %mul3A_157 = arith.constant 256 : i32
        %mul3A_158 = vector.broadcast %mul3A_157 : i32 to vector<16xi32>
        %mul3A_159 = arith.muli %iota3A, %mul3A_158 : vector<16xi32>
        %bitcast_convert_type3A_160 = tpu.bitcast %get3A_156 : vector<16xf32> -> vector<16xi32>
        %lt3A_161 = arith.constant 0.000000e+00 : f32
        %lt3A_162 = vector.broadcast %lt3A_161 : f32 to vector<16xf32>
        %lt3A_163 = arith.cmpf olt, %get3A_156, %lt3A_162 : vector<16xf32>
        %not3A_164 = arith.constant dense<-1> : vector<16xi32>
        %not3A_165 = arith.xori %bitcast_convert_type3A_160, %not3A_164 : vector<16xi32>
        %xor3A_166 = arith.constant -2147483648 : i32
        %xor3A_167 = vector.broadcast %xor3A_166 : i32 to vector<16xi32>
        %xor3A_168 = arith.xori %bitcast_convert_type3A_160, %xor3A_167 : vector<16xi32>
        %select_n3A_169 = arith.select %lt3A_163, %not3A_165, %xor3A_168 : vector<16xi1>, vector<16xi32>
        %shift_right_logical3A_170 = arith.constant 24 : i32
        %shift_right_logical3A_171 = vector.broadcast %shift_right_logical3A_170 : i32 to vector<16xi32>
        %shift_right_logical3A_172 = arith.shrui %select_n3A_169, %shift_right_logical3A_171 : vector<16xi32>
        %add3A_173 = arith.addi %mul3A_159, %shift_right_logical3A_172 : vector<16xi32>
        tpu.vector_store_idx %arg8[%add3A_173], %broadcast_in_dim3A_3 {add = true} : memref<4096xi32, #tpu.memory_space<vmem>>[vector<16xi32>], vector<16xi32>,
        %mul3A_174 = arith.constant 4 : i32
        %mul3A_175 = arith.muli %scan3A_123, %mul3A_174 : i32
        %add3A_176 = arith.constant 2 : i32
        %add3A_177 = arith.addi %mul3A_175, %add3A_176 : i32
        %mul3A_178 = arith.constant 16 : i32
        %mul3A_179 = arith.muli %add3A_177, %mul3A_178 : i32
        %get3A_180 = arith.index_cast %sub3A_34 : i32 to index
        %get3A_181 = arith.index_cast %mul3A_179 : i32 to index
        %get3A_182 = tpu.vector_load %arg5[%get3A_180, %get3A_181] {strides = array<i32>} : memref<8x8192xf32, #tpu.memory_space<vmem>>, vector<16xf32>,
        %mul3A_183 = arith.constant 256 : i32
        %mul3A_184 = vector.broadcast %mul3A_183 : i32 to vector<16xi32>
        %mul3A_185 = arith.muli %iota3A, %mul3A_184 : vector<16xi32>
        %bitcast_convert_type3A_186 = tpu.bitcast %get3A_182 : vector<16xf32> -> vector<16xi32>
        %lt3A_187 = arith.constant 0.000000e+00 : f32
        %lt3A_188 = vector.broadcast %lt3A_187 : f32 to vector<16xf32>
        %lt3A_189 = arith.cmpf olt, %get3A_182, %lt3A_188 : vector<16xf32>
        %not3A_190 = arith.constant dense<-1> : vector<16xi32>
        %not3A_191 = arith.xori %bitcast_convert_type3A_186, %not3A_190 : vector<16xi32>
        %xor3A_192 = arith.constant -2147483648 : i32
        %xor3A_193 = vector.broadcast %xor3A_192 : i32 to vector<16xi32>
        %xor3A_194 = arith.xori %bitcast_convert_type3A_186, %xor3A_193 : vector<16xi32>
        %select_n3A_195 = arith.select %lt3A_189, %not3A_191, %xor3A_194 : vector<16xi1>, vector<16xi32>
        %shift_right_logical3A_196 = arith.constant 24 : i32
        %shift_right_logical3A_197 = vector.broadcast %shift_right_logical3A_196 : i32 to vector<16xi32>
        %shift_right_logical3A_198 = arith.shrui %select_n3A_195, %shift_right_logical3A_197 : vector<16xi32>
        %add3A_199 = arith.addi %mul3A_185, %shift_right_logical3A_198 : vector<16xi32>
        tpu.vector_store_idx %arg8[%add3A_199], %broadcast_in_dim3A_3 {add = true} : memref<4096xi32, #tpu.memory_space<vmem>>[vector<16xi32>], vector<16xi32>,
        %mul3A_200 = arith.constant 4 : i32
        %mul3A_201 = arith.muli %scan3A_123, %mul3A_200 : i32
        %add3A_202 = arith.constant 3 : i32
        %add3A_203 = arith.addi %mul3A_201, %add3A_202 : i32
        %mul3A_204 = arith.constant 16 : i32
        %mul3A_205 = arith.muli %add3A_203, %mul3A_204 : i32
        %get3A_206 = arith.index_cast %sub3A_34 : i32 to index
        %get3A_207 = arith.index_cast %mul3A_205 : i32 to index
        %get3A_208 = tpu.vector_load %arg5[%get3A_206, %get3A_207] {strides = array<i32>} : memref<8x8192xf32, #tpu.memory_space<vmem>>, vector<16xf32>,
        %mul3A_209 = arith.constant 256 : i32
        %mul3A_210 = vector.broadcast %mul3A_209 : i32 to vector<16xi32>
        %mul3A_211 = arith.muli %iota3A, %mul3A_210 : vector<16xi32>
        %bitcast_convert_type3A_212 = tpu.bitcast %get3A_208 : vector<16xf32> -> vector<16xi32>
        %lt3A_213 = arith.constant 0.000000e+00 : f32
        %lt3A_214 = vector.broadcast %lt3A_213 : f32 to vector<16xf32>
        %lt3A_215 = arith.cmpf olt, %get3A_208, %lt3A_214 : vector<16xf32>
        %not3A_216 = arith.constant dense<-1> : vector<16xi32>
        %not3A_217 = arith.xori %bitcast_convert_type3A_212, %not3A_216 : vector<16xi32>
        %xor3A_218 = arith.constant -2147483648 : i32
        %xor3A_219 = vector.broadcast %xor3A_218 : i32 to vector<16xi32>
        %xor3A_220 = arith.xori %bitcast_convert_type3A_212, %xor3A_219 : vector<16xi32>
        %select_n3A_221 = arith.select %lt3A_215, %not3A_217, %xor3A_220 : vector<16xi1>, vector<16xi32>
        %shift_right_logical3A_222 = arith.constant 24 : i32
        %shift_right_logical3A_223 = vector.broadcast %shift_right_logical3A_222 : i32 to vector<16xi32>
        %shift_right_logical3A_224 = arith.shrui %select_n3A_221, %shift_right_logical3A_223 : vector<16xi32>
        %add3A_225 = arith.addi %mul3A_211, %shift_right_logical3A_224 : vector<16xi32>
        tpu.vector_store_idx %arg8[%add3A_225], %broadcast_in_dim3A_3 {add = true} : memref<4096xi32, #tpu.memory_space<vmem>>[vector<16xi32>], vector<16xi32>,
        %scan3A_226 = arith.constant 0 : i32
        scf.yield %scan3A_226 : i32
      }
      %scan3A_53 = arith.constant 128 : i32
      %scan3A_54 = arith.constant 0 : i32
      %scan3A_55 = arith.constant 0 : i32
      %scan3A_56 = arith.constant 16 : i32
      %scan3A_57 = arith.addi %scan3A_55, %scan3A_56 : i32
      %scan3A_58 = arith.constant 1 : i32
      %scan3A_59 = scf.for %scan3A_123 = %scan3A_55 to %scan3A_57 step %scan3A_58 iter_args(%scan3A_124 = %scan3A_54) -> (i32)  : i32 {
        %mul3A_125 = arith.constant 16 : i32
        %mul3A_126 = arith.muli %scan3A_123, %mul3A_125 : i32
        %add3A_127 = arith.constant 0 : i32
        %add3A_128 = arith.addi %add3A_127, %mul3A_126 : i32
        %get3A = arith.index_cast %add3A_128 : i32 to index
        %get3A_129 = tpu.vector_load %arg8[%get3A] {strides = array<i32>} : memref<4096xi32, #tpu.memory_space<vmem>>, vector<16xi32>,
        %add3A_130 = arith.addi %broadcast_in_dim3A_1, %get3A_129 : vector<16xi32>
        %mul3A_131 = arith.constant 16 : i32
        %mul3A_132 = arith.muli %scan3A_123, %mul3A_131 : i32
        %add3A_133 = arith.constant 256 : i32
        %add3A_134 = arith.addi %add3A_133, %mul3A_132 : i32
        %get3A_135 = arith.index_cast %add3A_134 : i32 to index
        %get3A_136 = tpu.vector_load %arg8[%get3A_135] {strides = array<i32>} : memref<4096xi32, #tpu.memory_space<vmem>>, vector<16xi32>,
        %add3A_137 = arith.addi %add3A_130, %get3A_136 : vector<16xi32>
        %mul3A_138 = arith.constant 16 : i32
        %mul3A_139 = arith.muli %scan3A_123, %mul3A_138 : i32
        %add3A_140 = arith.constant 512 : i32
        %add3A_141 = arith.addi %add3A_140, %mul3A_139 : i32
        %get3A_142 = arith.index_cast %add3A_141 : i32 to index
        %get3A_143 = tpu.vector_load %arg8[%get3A_142] {strides = array<i32>} : memref<4096xi32, #tpu.memory_space<vmem>>, vector<16xi32>,
        %add3A_144 = arith.addi %add3A_137, %get3A_143 : vector<16xi32>
        %mul3A_145 = arith.constant 16 : i32
        %mul3A_146 = arith.muli %scan3A_123, %mul3A_145 : i32
        %add3A_147 = arith.constant 768 : i32
        %add3A_148 = arith.addi %add3A_147, %mul3A_146 : i32
        %get3A_149 = arith.index_cast %add3A_148 : i32 to index
        %get3A_150 = tpu.vector_load %arg8[%get3A_149] {strides = array<i32>} : memref<4096xi32, #tpu.memory_space<vmem>>, vector<16xi32>,
        %add3A_151 = arith.addi %add3A_144, %get3A_150 : vector<16xi32>
        %mul3A_152 = arith.constant 16 : i32
        %mul3A_153 = arith.muli %scan3A_123, %mul3A_152 : i32
        %add3A_154 = arith.constant 1024 : i32
        %add3A_155 = arith.addi %add3A_154, %mul3A_153 : i32
        %get3A_156 = arith.index_cast %add3A_155 : i32 to index
        %get3A_157 = tpu.vector_load %arg8[%get3A_156] {strides = array<i32>} : memref<4096xi32, #tpu.memory_space<vmem>>, vector<16xi32>,
        %add3A_158 = arith.addi %add3A_151, %get3A_157 : vector<16xi32>
        %mul3A_159 = arith.constant 16 : i32
        %mul3A_160 = arith.muli %scan3A_123, %mul3A_159 : i32
        %add3A_161 = arith.constant 1280 : i32
        %add3A_162 = arith.addi %add3A_161, %mul3A_160 : i32
        %get3A_163 = arith.index_cast %add3A_162 : i32 to index
        %get3A_164 = tpu.vector_load %arg8[%get3A_163] {strides = array<i32>} : memref<4096xi32, #tpu.memory_space<vmem>>, vector<16xi32>,
        %add3A_165 = arith.addi %add3A_158, %get3A_164 : vector<16xi32>
        %mul3A_166 = arith.constant 16 : i32
        %mul3A_167 = arith.muli %scan3A_123, %mul3A_166 : i32
        %add3A_168 = arith.constant 1536 : i32
        %add3A_169 = arith.addi %add3A_168, %mul3A_167 : i32
        %get3A_170 = arith.index_cast %add3A_169 : i32 to index
        %get3A_171 = tpu.vector_load %arg8[%get3A_170] {strides = array<i32>} : memref<4096xi32, #tpu.memory_space<vmem>>, vector<16xi32>,
        %add3A_172 = arith.addi %add3A_165, %get3A_171 : vector<16xi32>
        %mul3A_173 = arith.constant 16 : i32
        %mul3A_174 = arith.muli %scan3A_123, %mul3A_173 : i32
        %add3A_175 = arith.constant 1792 : i32
        %add3A_176 = arith.addi %add3A_175, %mul3A_174 : i32
        %get3A_177 = arith.index_cast %add3A_176 : i32 to index
        %get3A_178 = tpu.vector_load %arg8[%get3A_177] {strides = array<i32>} : memref<4096xi32, #tpu.memory_space<vmem>>, vector<16xi32>,
        %add3A_179 = arith.addi %add3A_172, %get3A_178 : vector<16xi32>
        %mul3A_180 = arith.constant 16 : i32
        %mul3A_181 = arith.muli %scan3A_123, %mul3A_180 : i32
        %add3A_182 = arith.constant 2048 : i32
        %add3A_183 = arith.addi %add3A_182, %mul3A_181 : i32
        %get3A_184 = arith.index_cast %add3A_183 : i32 to index
        %get3A_185 = tpu.vector_load %arg8[%get3A_184] {strides = array<i32>} : memref<4096xi32, #tpu.memory_space<vmem>>, vector<16xi32>,
        %add3A_186 = arith.addi %add3A_179, %get3A_185 : vector<16xi32>
        %mul3A_187 = arith.constant 16 : i32
        %mul3A_188 = arith.muli %scan3A_123, %mul3A_187 : i32
        %add3A_189 = arith.constant 2304 : i32
        %add3A_190 = arith.addi %add3A_189, %mul3A_188 : i32
        %get3A_191 = arith.index_cast %add3A_190 : i32 to index
        %get3A_192 = tpu.vector_load %arg8[%get3A_191] {strides = array<i32>} : memref<4096xi32, #tpu.memory_space<vmem>>, vector<16xi32>,
        %add3A_193 = arith.addi %add3A_186, %get3A_192 : vector<16xi32>
        %mul3A_194 = arith.constant 16 : i32
        %mul3A_195 = arith.muli %scan3A_123, %mul3A_194 : i32
        %add3A_196 = arith.constant 2560 : i32
        %add3A_197 = arith.addi %add3A_196, %mul3A_195 : i32
        %get3A_198 = arith.index_cast %add3A_197 : i32 to index
        %get3A_199 = tpu.vector_load %arg8[%get3A_198] {strides = array<i32>} : memref<4096xi32, #tpu.memory_space<vmem>>, vector<16xi32>,
        %add3A_200 = arith.addi %add3A_193, %get3A_199 : vector<16xi32>
        %mul3A_201 = arith.constant 16 : i32
        %mul3A_202 = arith.muli %scan3A_123, %mul3A_201 : i32
        %add3A_203 = arith.constant 2816 : i32
        %add3A_204 = arith.addi %add3A_203, %mul3A_202 : i32
        %get3A_205 = arith.index_cast %add3A_204 : i32 to index
        %get3A_206 = tpu.vector_load %arg8[%get3A_205] {strides = array<i32>} : memref<4096xi32, #tpu.memory_space<vmem>>, vector<16xi32>,
        %add3A_207 = arith.addi %add3A_200, %get3A_206 : vector<16xi32>
        %mul3A_208 = arith.constant 16 : i32
        %mul3A_209 = arith.muli %scan3A_123, %mul3A_208 : i32
        %add3A_210 = arith.constant 3072 : i32
        %add3A_211 = arith.addi %add3A_210, %mul3A_209 : i32
        %get3A_212 = arith.index_cast %add3A_211 : i32 to index
        %get3A_213 = tpu.vector_load %arg8[%get3A_212] {strides = array<i32>} : memref<4096xi32, #tpu.memory_space<vmem>>, vector<16xi32>,
        %add3A_214 = arith.addi %add3A_207, %get3A_213 : vector<16xi32>
        %mul3A_215 = arith.constant 16 : i32
        %mul3A_216 = arith.muli %scan3A_123, %mul3A_215 : i32
        %add3A_217 = arith.constant 3328 : i32
        %add3A_218 = arith.addi %add3A_217, %mul3A_216 : i32
        %get3A_219 = arith.index_cast %add3A_218 : i32 to index
        %get3A_220 = tpu.vector_load %arg8[%get3A_219] {strides = array<i32>} : memref<4096xi32, #tpu.memory_space<vmem>>, vector<16xi32>,
        %add3A_221 = arith.addi %add3A_214, %get3A_220 : vector<16xi32>
        %mul3A_222 = arith.constant 16 : i32
        %mul3A_223 = arith.muli %scan3A_123, %mul3A_222 : i32
        %add3A_224 = arith.constant 3584 : i32
        %add3A_225 = arith.addi %add3A_224, %mul3A_223 : i32
        %get3A_226 = arith.index_cast %add3A_225 : i32 to index
        %get3A_227 = tpu.vector_load %arg8[%get3A_226] {strides = array<i32>} : memref<4096xi32, #tpu.memory_space<vmem>>, vector<16xi32>,
        %add3A_228 = arith.addi %add3A_221, %get3A_227 : vector<16xi32>
        %mul3A_229 = arith.constant 16 : i32
        %mul3A_230 = arith.muli %scan3A_123, %mul3A_229 : i32
        %add3A_231 = arith.constant 3840 : i32
        %add3A_232 = arith.addi %add3A_231, %mul3A_230 : i32
        %get3A_233 = arith.index_cast %add3A_232 : i32 to index
        %get3A_234 = tpu.vector_load %arg8[%get3A_233] {strides = array<i32>} : memref<4096xi32, #tpu.memory_space<vmem>>, vector<16xi32>,
        %add3A_235 = arith.addi %add3A_228, %get3A_234 : vector<16xi32>
        %mul3A_236 = arith.constant 16 : i32
        %mul3A_237 = arith.muli %scan3A_123, %mul3A_236 : i32
        %swap3A_238 = arith.index_cast %mul3A_237 : i32 to index
        %swap3A_239 = tpu.vector_load %arg9[%swap3A_238] {strides = array<i32>} : memref<256xi32, #tpu.memory_space<vmem>>, vector<16xi32>,
        tpu.vector_store %arg9[%swap3A_238], %add3A_235 {strides = array<i32>} : memref<256xi32, #tpu.memory_space<vmem>>, vector<16xi32>,
        %scan3A_240 = arith.constant 0 : i32
        scf.yield %scan3A_240 : i32
      }
      %scan3A_60 = arith.constant 16 : i32
      %broadcast_in_dim3A_61 = arith.constant false
      %broadcast_in_dim3A_62 = vector.broadcast %broadcast_in_dim3A_61 : i1 to vector<16xi1>
      %scan3A_63 = arith.constant 0 : i32
      %scan3A_64 = arith.constant 0 : i32
      %scan3A_65 = arith.constant 16 : i32
      %scan3A_66 = arith.addi %scan3A_64, %scan3A_65 : i32
      %scan3A_67 = arith.constant 1 : i32
      %scan3A_68:3 = scf.for %scan3A_123 = %scan3A_64 to %scan3A_66 step %scan3A_67 iter_args(%scan3A_124 = %scan3A_63, %scan3A_125 = %broadcast_in_dim3A_1, %scan3A_126 = %broadcast_in_dim3A_62) -> (i32, vector<16xi32>, vector<16xi1>)  : i32 {
        %sub3A_127 = arith.constant 15 : i32
        %sub3A_128 = arith.subi %sub3A_127, %scan3A_123 : i32
        %mul3A_129 = arith.constant 16 : i32
        %mul3A_130 = arith.muli %sub3A_128, %mul3A_129 : i32
        %get3A = arith.index_cast %mul3A_130 : i32 to index
        %get3A_131 = tpu.vector_load %arg9[%get3A] {strides = array<i32>} : memref<256xi32, #tpu.memory_space<vmem>>, vector<16xi32>,
        %rev3A = arith.constant 15 : i32
        %rev3A_132 = vector.broadcast %rev3A : i32 to vector<16xi32>
        %rev3A_133 = tpu.iota {dimensions = array<i32: 0>} : vector<16xi32>
        %rev3A_134 = arith.subi %rev3A_132, %rev3A_133 : vector<16xi32>
        %rev3A_135 = tpu.dynamic_gather %get3A_131[%rev3A_134] in [0] : vector<16xi32>, vector<16xi32> -> vector<16xi32>
        %broadcast_in_dim3A_136 = arith.constant true
        %broadcast_in_dim3A_137 = vector.broadcast %broadcast_in_dim3A_136 : i1 to vector<16xi1>
        %masked_cumsum3A = tpu.scan <sum>, %rev3A_135 masked %broadcast_in_dim3A_137 : vector<16xi32>, vector<16xi1> -> vector<16xi32>
        %add3A_138 = vector.broadcast %scan3A_124 : i32 to vector<16xi32>
        %add3A_139 = arith.addi %masked_cumsum3A, %add3A_138 : vector<16xi32>
        %ge3A_140 = arith.constant 16 : i32
        %ge3A_141 = vector.broadcast %ge3A_140 : i32 to vector<16xi32>
        %ge3A_142 = arith.cmpi sge, %add3A_139, %ge3A_141 : vector<16xi32>
        %all_reduce_population_count3A = tpu.all_reduce %ge3A_142 {dim = 0 : i64, kind = #tpu.reduction_kind<sum>} : vector<16xi1> -> vector<16xi32>
        %all_reduce_ffs3A = tpu.all_reduce %ge3A_142 {dim = 0 : i64, kind = #tpu.reduction_kind<find_first_set>} : vector<16xi1> -> vector<16xi32>
        %sub3A_143 = arith.constant 15 : i32
        %sub3A_144 = vector.broadcast %sub3A_143 : i32 to vector<16xi32>
        %sub3A_145 = arith.subi %sub3A_144, %all_reduce_ffs3A : vector<16xi32>
        %mul3A_146 = arith.constant 16 : i32
        %mul3A_147 = arith.muli %sub3A_128, %mul3A_146 : i32
        %add3A_148 = vector.broadcast %mul3A_147 : i32 to vector<16xi32>
        %add3A_149 = arith.addi %sub3A_145, %add3A_148 : vector<16xi32>
        %not3A_150 = arith.constant dense<true> : vector<16xi1>
        %not3A_151 = arith.xori %scan3A_126, %not3A_150 : vector<16xi1>
        %gt3A = arith.constant 0 : i32
        %gt3A_152 = vector.broadcast %gt3A : i32 to vector<16xi32>
        %gt3A_153 = arith.cmpi sgt, %all_reduce_population_count3A, %gt3A_152 : vector<16xi32>
        %and3A_154 = arith.andi %not3A_151, %gt3A_153 : vector<16xi1>
        %select_n3A_155 = arith.select %and3A_154, %add3A_149, %scan3A_125 : vector<16xi1>, vector<16xi32>
        %gt3A_156 = arith.constant 0 : i32
        %gt3A_157 = vector.broadcast %gt3A_156 : i32 to vector<16xi32>
        %gt3A_158 = arith.cmpi sgt, %all_reduce_population_count3A, %gt3A_157 : vector<16xi32>
        %or3A = arith.ori %scan3A_126, %gt3A_158 : vector<16xi1>
        %reduce_sum3A = arith.constant true
        %reduce_sum3A_159 = vector.broadcast %reduce_sum3A : i1 to vector<16xi1>
        %reduce_sum3A_160 = tpu.scan <sum>, %get3A_131 masked %reduce_sum3A_159 : vector<16xi32>, vector<16xi1> -> vector<16xi32>
        %reduce_sum3A_161 = vector.extract %reduce_sum3A_160[15] : i32 from vector<16xi32>
        %add3A_162 = arith.addi %scan3A_124, %reduce_sum3A_161 : i32
        scf.yield %add3A_162, %select_n3A_155, %or3A : i32, vector<16xi32>, vector<16xi1>
      }
      %scan3A_69 = arith.constant 16 : i32
      %shift_left3A = arith.constant 24 : i32
      %shift_left3A_70 = vector.broadcast %shift_left3A : i32 to vector<16xi32>
      %shift_left3A_71 = arith.shli %scan3A_68#1, %shift_left3A_70 : vector<16xi32>
      %ge3A = arith.constant 128 : i32
      %ge3A_72 = vector.broadcast %ge3A : i32 to vector<16xi32>
      %ge3A_73 = arith.cmpi sge, %scan3A_68#1, %ge3A_72 : vector<16xi32>
      %xor3A = arith.constant -2147483648 : i32
      %xor3A_74 = vector.broadcast %xor3A : i32 to vector<16xi32>
      %xor3A_75 = arith.xori %shift_left3A_71, %xor3A_74 : vector<16xi32>
      %not3A = arith.constant dense<-1> : vector<16xi32>
      %not3A_76 = arith.xori %shift_left3A_71, %not3A : vector<16xi32>
      %select_n3A_77 = arith.select %ge3A_73, %xor3A_75, %not3A_76 : vector<16xi1>, vector<16xi32>
      %bitcast_convert_type3A = tpu.bitcast %select_n3A_77 : vector<16xi32> -> vector<16xf32>
      %scan3A_78 = arith.constant 0 : i32
      %scan3A_79 = arith.constant 0 : i32
      %scan3A_80 = arith.constant 128 : i32
      %scan3A_81 = arith.addi %scan3A_79, %scan3A_80 : i32
      %scan3A_82 = arith.constant 1 : i32
      %scan3A_83 = scf.for %scan3A_123 = %scan3A_79 to %scan3A_81 step %scan3A_82 iter_args(%scan3A_124 = %scan3A_78) -> (i32)  : i32 {
        %mul3A_125 = arith.constant 4 : i32
        %mul3A_126 = arith.muli %scan3A_123, %mul3A_125 : i32
        %add3A_127 = arith.constant 0 : i32
        %add3A_128 = arith.addi %mul3A_126, %add3A_127 : i32
        %mul3A_129 = arith.constant 16 : i32
        %mul3A_130 = arith.muli %add3A_128, %mul3A_129 : i32
        %get3A = arith.index_cast %sub3A_34 : i32 to index
        %get3A_131 = arith.index_cast %mul3A_130 : i32 to index
        %get3A_132 = tpu.vector_load %arg5[%get3A, %get3A_131] {strides = array<i32>} : memref<8x8192xf32, #tpu.memory_space<vmem>>, vector<16xf32>,
        %ge3A_133 = arith.cmpf oge, %get3A_132, %bitcast_convert_type3A : vector<16xf32>
        %swap3A_134 = arith.index_cast %scan3A_124 : i32 to index
        %swap3A_135 = tpu.vector_load %arg6[%swap3A_134] masked %ge3A_133 {strides = array<i32>} : memref<8208xf32, #tpu.memory_space<vmem>>, vector<16xf32>, vector<16xi1>
        tpu.vector_store %arg6[%swap3A_134], %get3A_132 masked %ge3A_133 {strides = array<i32>} : memref<8208xf32, #tpu.memory_space<vmem>>, vector<16xf32>, vector<16xi1>
        %mul3A_136 = arith.constant 16 : i32
        %mul3A_137 = arith.muli %add3A_128, %mul3A_136 : i32
        %add3A_138 = vector.broadcast %mul3A_137 : i32 to vector<16xi32>
        %add3A_139 = arith.addi %add3A_138, %iota3A : vector<16xi32>
        %swap3A_140 = arith.index_cast %scan3A_124 : i32 to index
        %swap3A_141 = tpu.vector_load %arg7[%swap3A_140] masked %ge3A_133 {strides = array<i32>} : memref<8208xi32, #tpu.memory_space<vmem>>, vector<16xi32>, vector<16xi1>
        tpu.vector_store %arg7[%swap3A_140], %add3A_139 masked %ge3A_133 {strides = array<i32>} : memref<8208xi32, #tpu.memory_space<vmem>>, vector<16xi32>, vector<16xi1>
        %all_reduce_population_count3A = tpu.all_reduce %ge3A_133 {dim = 0 : i64, kind = #tpu.reduction_kind<sum>} : vector<16xi1> -> vector<16xi32>
        %slice3A = vector.extract_strided_slice %all_reduce_population_count3A {offsets = [0], sizes = [1], strides = [1]} : vector<16xi32> to vector<1xi32>
        %squeeze3A = vector.extract %slice3A[0] : i32 from vector<1xi32>
        %add3A_142 = arith.addi %scan3A_124, %squeeze3A : i32
        %mul3A_143 = arith.constant 4 : i32
        %mul3A_144 = arith.muli %scan3A_123, %mul3A_143 : i32
        %add3A_145 = arith.constant 1 : i32
        %add3A_146 = arith.addi %mul3A_144, %add3A_145 : i32
        %mul3A_147 = arith.constant 16 : i32
        %mul3A_148 = arith.muli %add3A_146, %mul3A_147 : i32
        %get3A_149 = arith.index_cast %sub3A_34 : i32 to index
        %get3A_150 = arith.index_cast %mul3A_148 : i32 to index
        %get3A_151 = tpu.vector_load %arg5[%get3A_149, %get3A_150] {strides = array<i32>} : memref<8x8192xf32, #tpu.memory_space<vmem>>, vector<16xf32>,
        %ge3A_152 = arith.cmpf oge, %get3A_151, %bitcast_convert_type3A : vector<16xf32>
        %swap3A_153 = arith.index_cast %add3A_142 : i32 to index
        %swap3A_154 = tpu.vector_load %arg6[%swap3A_153] masked %ge3A_152 {strides = array<i32>} : memref<8208xf32, #tpu.memory_space<vmem>>, vector<16xf32>, vector<16xi1>
        tpu.vector_store %arg6[%swap3A_153], %get3A_151 masked %ge3A_152 {strides = array<i32>} : memref<8208xf32, #tpu.memory_space<vmem>>, vector<16xf32>, vector<16xi1>
        %mul3A_155 = arith.constant 16 : i32
        %mul3A_156 = arith.muli %add3A_146, %mul3A_155 : i32
        %add3A_157 = vector.broadcast %mul3A_156 : i32 to vector<16xi32>
        %add3A_158 = arith.addi %add3A_157, %iota3A : vector<16xi32>
        %swap3A_159 = arith.index_cast %add3A_142 : i32 to index
        %swap3A_160 = tpu.vector_load %arg7[%swap3A_159] masked %ge3A_152 {strides = array<i32>} : memref<8208xi32, #tpu.memory_space<vmem>>, vector<16xi32>, vector<16xi1>
        tpu.vector_store %arg7[%swap3A_159], %add3A_158 masked %ge3A_152 {strides = array<i32>} : memref<8208xi32, #tpu.memory_space<vmem>>, vector<16xi32>, vector<16xi1>
        %all_reduce_population_count3A_161 = tpu.all_reduce %ge3A_152 {dim = 0 : i64, kind = #tpu.reduction_kind<sum>} : vector<16xi1> -> vector<16xi32>
        %slice3A_162 = vector.extract_strided_slice %all_reduce_population_count3A_161 {offsets = [0], sizes = [1], strides = [1]} : vector<16xi32> to vector<1xi32>
        %squeeze3A_163 = vector.extract %slice3A_162[0] : i32 from vector<1xi32>
        %add3A_164 = arith.addi %add3A_142, %squeeze3A_163 : i32
        %mul3A_165 = arith.constant 4 : i32
        %mul3A_166 = arith.muli %scan3A_123, %mul3A_165 : i32
        %add3A_167 = arith.constant 2 : i32
        %add3A_168 = arith.addi %mul3A_166, %add3A_167 : i32
        %mul3A_169 = arith.constant 16 : i32
        %mul3A_170 = arith.muli %add3A_168, %mul3A_169 : i32
        %get3A_171 = arith.index_cast %sub3A_34 : i32 to index
        %get3A_172 = arith.index_cast %mul3A_170 : i32 to index
        %get3A_173 = tpu.vector_load %arg5[%get3A_171, %get3A_172] {strides = array<i32>} : memref<8x8192xf32, #tpu.memory_space<vmem>>, vector<16xf32>,
        %ge3A_174 = arith.cmpf oge, %get3A_173, %bitcast_convert_type3A : vector<16xf32>
        %swap3A_175 = arith.index_cast %add3A_164 : i32 to index
        %swap3A_176 = tpu.vector_load %arg6[%swap3A_175] masked %ge3A_174 {strides = array<i32>} : memref<8208xf32, #tpu.memory_space<vmem>>, vector<16xf32>, vector<16xi1>
        tpu.vector_store %arg6[%swap3A_175], %get3A_173 masked %ge3A_174 {strides = array<i32>} : memref<8208xf32, #tpu.memory_space<vmem>>, vector<16xf32>, vector<16xi1>
        %mul3A_177 = arith.constant 16 : i32
        %mul3A_178 = arith.muli %add3A_168, %mul3A_177 : i32
        %add3A_179 = vector.broadcast %mul3A_178 : i32 to vector<16xi32>
        %add3A_180 = arith.addi %add3A_179, %iota3A : vector<16xi32>
        %swap3A_181 = arith.index_cast %add3A_164 : i32 to index
        %swap3A_182 = tpu.vector_load %arg7[%swap3A_181] masked %ge3A_174 {strides = array<i32>} : memref<8208xi32, #tpu.memory_space<vmem>>, vector<16xi32>, vector<16xi1>
        tpu.vector_store %arg7[%swap3A_181], %add3A_180 masked %ge3A_174 {strides = array<i32>} : memref<8208xi32, #tpu.memory_space<vmem>>, vector<16xi32>, vector<16xi1>
        %all_reduce_population_count3A_183 = tpu.all_reduce %ge3A_174 {dim = 0 : i64, kind = #tpu.reduction_kind<sum>} : vector<16xi1> -> vector<16xi32>
        %slice3A_184 = vector.extract_strided_slice %all_reduce_population_count3A_183 {offsets = [0], sizes = [1], strides = [1]} : vector<16xi32> to vector<1xi32>
        %squeeze3A_185 = vector.extract %slice3A_184[0] : i32 from vector<1xi32>
        %add3A_186 = arith.addi %add3A_164, %squeeze3A_185 : i32
        %mul3A_187 = arith.constant 4 : i32
        %mul3A_188 = arith.muli %scan3A_123, %mul3A_187 : i32
        %add3A_189 = arith.constant 3 : i32
        %add3A_190 = arith.addi %mul3A_188, %add3A_189 : i32
        %mul3A_191 = arith.constant 16 : i32
        %mul3A_192 = arith.muli %add3A_190, %mul3A_191 : i32
        %get3A_193 = arith.index_cast %sub3A_34 : i32 to index
        %get3A_194 = arith.index_cast %mul3A_192 : i32 to index
        %get3A_195 = tpu.vector_load %arg5[%get3A_193, %get3A_194] {strides = array<i32>} : memref<8x8192xf32, #tpu.memory_space<vmem>>, vector<16xf32>,
        %ge3A_196 = arith.cmpf oge, %get3A_195, %bitcast_convert_type3A : vector<16xf32>
        %swap3A_197 = arith.index_cast %add3A_186 : i32 to index
        %swap3A_198 = tpu.vector_load %arg6[%swap3A_197] masked %ge3A_196 {strides = array<i32>} : memref<8208xf32, #tpu.memory_space<vmem>>, vector<16xf32>, vector<16xi1>
        tpu.vector_store %arg6[%swap3A_197], %get3A_195 masked %ge3A_196 {strides = array<i32>} : memref<8208xf32, #tpu.memory_space<vmem>>, vector<16xf32>, vector<16xi1>
        %mul3A_199 = arith.constant 16 : i32
        %mul3A_200 = arith.muli %add3A_190, %mul3A_199 : i32
        %add3A_201 = vector.broadcast %mul3A_200 : i32 to vector<16xi32>
        %add3A_202 = arith.addi %add3A_201, %iota3A : vector<16xi32>
        %swap3A_203 = arith.index_cast %add3A_186 : i32 to index
        %swap3A_204 = tpu.vector_load %arg7[%swap3A_203] masked %ge3A_196 {strides = array<i32>} : memref<8208xi32, #tpu.memory_space<vmem>>, vector<16xi32>, vector<16xi1>
        tpu.vector_store %arg7[%swap3A_203], %add3A_202 masked %ge3A_196 {strides = array<i32>} : memref<8208xi32, #tpu.memory_space<vmem>>, vector<16xi32>, vector<16xi1>
        %all_reduce_population_count3A_205 = tpu.all_reduce %ge3A_196 {dim = 0 : i64, kind = #tpu.reduction_kind<sum>} : vector<16xi1> -> vector<16xi32>
        %slice3A_206 = vector.extract_strided_slice %all_reduce_population_count3A_205 {offsets = [0], sizes = [1], strides = [1]} : vector<16xi32> to vector<1xi32>
        %squeeze3A_207 = vector.extract %slice3A_206[0] : i32 from vector<1xi32>
        %add3A_208 = arith.addi %add3A_186, %squeeze3A_207 : i32
        scf.yield %add3A_208 : i32
      }
      %scan3A_84 = arith.constant 128 : i32
      %swap3A = arith.index_cast %scan3A_83 : i32 to index
      %swap3A_85 = tpu.vector_load %arg6[%swap3A] {strides = array<i32>} : memref<8208xf32, #tpu.memory_space<vmem>>, vector<16xf32>,
      tpu.vector_store %arg6[%swap3A], %broadcast_in_dim3A_5 {strides = array<i32>} : memref<8208xf32, #tpu.memory_space<vmem>>, vector<16xf32>,
      %swap3A_86 = arith.index_cast %scan3A_83 : i32 to index
      %swap3A_87 = tpu.vector_load %arg7[%swap3A_86] {strides = array<i32>} : memref<8208xi32, #tpu.memory_space<vmem>>, vector<16xi32>,
      tpu.vector_store %arg7[%swap3A_86], %broadcast_in_dim3A_7 {strides = array<i32>} : memref<8208xi32, #tpu.memory_space<vmem>>, vector<16xi32>,
      %add3A_88 = arith.constant 15 : i32
      %add3A_89 = arith.addi %scan3A_83, %add3A_88 : i32
      %jit3A_90 = arith.constant 16 : i32
      %div3A_91 = arith.divsi %add3A_89, %jit3A_90 : i32
      %sign3A_92 = arith.constant 0 : i32
      %sign3A_93 = arith.cmpi sgt, %add3A_89, %sign3A_92 : i32
      %sign3A_94 = arith.extui %sign3A_93 : i1 to i32
      %sign3A_95 = arith.constant 0 : i32
      %sign3A_96 = arith.cmpi slt, %add3A_89, %sign3A_95 : i32
      %sign3A_97 = arith.extui %sign3A_96 : i1 to i32
      %sign3A_98 = arith.subi %sign3A_94, %sign3A_97 : i32
      %sign3A_99 = arith.constant 0 : i32
      %sign3A_100 = arith.cmpi sgt, %jit3A_90, %sign3A_99 : i32
      %sign3A_101 = arith.extui %sign3A_100 : i1 to i32
      %sign3A_102 = arith.constant 0 : i32
      %sign3A_103 = arith.cmpi slt, %jit3A_90, %sign3A_102 : i32
      %sign3A_104 = arith.extui %sign3A_103 : i1 to i32
      %sign3A_105 = arith.subi %sign3A_101, %sign3A_104 : i32
      %ne3A_106 = arith.cmpi ne, %sign3A_98, %sign3A_105 : i32
      %rem3A_107 = arith.remsi %add3A_89, %jit3A_90 : i32
      %ne3A_108 = arith.constant 0 : i32
      %ne3A_109 = arith.cmpi ne, %rem3A_107, %ne3A_108 : i32
      %and3A_110 = arith.andi %ne3A_106, %ne3A_109 : i1
      %sub3A_111 = arith.constant 1 : i32
      %sub3A_112 = arith.subi %div3A_91, %sub3A_111 : i32
      %select_n3A_113 = arith.select %and3A_110, %sub3A_112, %div3A_91 : i32
      %scan3A_114 = arith.constant 0x7F800000 : f32
      %scan3A_115 = arith.constant -1 : i32
      %scan3A_116 = arith.constant 0 : i32
      %scan3A_117 = arith.constant 16 : i32
      %scan3A_118 = arith.addi %scan3A_116, %scan3A_117 : i32
      %scan3A_119 = arith.constant 1 : i32
      %scan3A_120:2 = scf.for %scan3A_123 = %scan3A_116 to %scan3A_118 step %scan3A_119 iter_args(%scan3A_124 = %scan3A_114, %scan3A_125 = %scan3A_115) -> (f32, i32)  : i32 {
        %while3A = arith.constant 0 : i32
        %while3A_126 = arith.subi %select_n3A_113, %while3A : i32
        %while3A_127 = arith.addi %while3A, %while3A_126 : i32
        %while3A_128 = arith.constant 1 : i32
        %while3A_129 = arith.divsi %while3A_126, %while3A_128 : i32
        %while3A_130 = arith.muli %while3A_129, %while3A_128 : i32
        %while3A_131 = arith.addi %while3A, %while3A_130 : i32
        %while3A_132 = arith.constant 1 : i32
        %while3A_133:2 = scf.for %while3A_166 = %while3A to %while3A_131 step %while3A_132 iter_args(%while3A_167 = %broadcast_in_dim3A_5, %while3A_168 = %broadcast_in_dim3A_7) -> (vector<16xf32>, vector<16xi32>)  : i32 {
          %mul3A_169 = arith.constant 16 : i32
          %mul3A_170 = arith.muli %while3A_166, %mul3A_169 : i32
          %get3A_171 = arith.index_cast %mul3A_170 : i32 to index
          %get3A_172 = tpu.vector_load %arg6[%get3A_171] {strides = array<i32>} : memref<8208xf32, #tpu.memory_space<vmem>>, vector<16xf32>,
          %mul3A_173 = arith.constant 16 : i32
          %mul3A_174 = arith.muli %while3A_166, %mul3A_173 : i32
          %get3A_175 = arith.index_cast %mul3A_174 : i32 to index
          %get3A_176 = tpu.vector_load %arg7[%get3A_175] {strides = array<i32>} : memref<8208xi32, #tpu.memory_space<vmem>>, vector<16xi32>,
          %lt3A = vector.broadcast %scan3A_124 : f32 to vector<16xf32>
          %lt3A_177 = arith.cmpf olt, %get3A_172, %lt3A : vector<16xf32>
          %eq3A_178 = vector.broadcast %scan3A_124 : f32 to vector<16xf32>
          %eq3A_179 = arith.cmpf oeq, %get3A_172, %eq3A_178 : vector<16xf32>
          %gt3A = vector.broadcast %scan3A_125 : i32 to vector<16xi32>
          %gt3A_180 = arith.cmpi sgt, %get3A_176, %gt3A : vector<16xi32>
          %and3A_181 = arith.andi %eq3A_179, %gt3A_180 : vector<16xi1>
          %or3A = arith.ori %lt3A_177, %and3A_181 : vector<16xi1>
          %jit3A_182 = arith.constant 0xFF800000 : f32
          %broadcast_in_dim3A_183 = vector.broadcast %jit3A_182 : f32 to vector<16xf32>
          %select_n3A_184 = arith.select %or3A, %get3A_172, %broadcast_in_dim3A_183 : vector<16xi1>, vector<16xf32>
          %gt3A_185 = arith.cmpf ogt, %select_n3A_184, %while3A_167 : vector<16xf32>
          %eq3A_186 = arith.cmpf oeq, %select_n3A_184, %while3A_167 : vector<16xf32>
          %lt3A_187 = arith.cmpi slt, %get3A_176, %while3A_168 : vector<16xi32>
          %and3A_188 = arith.andi %eq3A_186, %lt3A_187 : vector<16xi1>
          %or3A_189 = arith.ori %gt3A_185, %and3A_188 : vector<16xi1>
          %select_n3A_190 = arith.select %or3A_189, %select_n3A_184, %while3A_167 : vector<16xi1>, vector<16xf32>
          %select_n3A_191 = arith.select %or3A_189, %get3A_176, %while3A_168 : vector<16xi1>, vector<16xi32>
          scf.yield %select_n3A_190, %select_n3A_191 : vector<16xf32>, vector<16xi32>
        }
        %while3A_134 = arith.constant 1 : i32
        %while3A_135:2 = scf.for %while3A_166 = %while3A_131 to %while3A_127 step %while3A_134 iter_args(%while3A_167 = %while3A_133#0, %while3A_168 = %while3A_133#1) -> (vector<16xf32>, vector<16xi32>)  : i32 {
          %mul3A_169 = arith.constant 16 : i32
          %mul3A_170 = arith.muli %while3A_166, %mul3A_169 : i32
          %get3A_171 = arith.index_cast %mul3A_170 : i32 to index
          %get3A_172 = tpu.vector_load %arg6[%get3A_171] {strides = array<i32>} : memref<8208xf32, #tpu.memory_space<vmem>>, vector<16xf32>,
          %mul3A_173 = arith.constant 16 : i32
          %mul3A_174 = arith.muli %while3A_166, %mul3A_173 : i32
          %get3A_175 = arith.index_cast %mul3A_174 : i32 to index
          %get3A_176 = tpu.vector_load %arg7[%get3A_175] {strides = array<i32>} : memref<8208xi32, #tpu.memory_space<vmem>>, vector<16xi32>,
          %lt3A = vector.broadcast %scan3A_124 : f32 to vector<16xf32>
          %lt3A_177 = arith.cmpf olt, %get3A_172, %lt3A : vector<16xf32>
          %eq3A_178 = vector.broadcast %scan3A_124 : f32 to vector<16xf32>
          %eq3A_179 = arith.cmpf oeq, %get3A_172, %eq3A_178 : vector<16xf32>
          %gt3A = vector.broadcast %scan3A_125 : i32 to vector<16xi32>
          %gt3A_180 = arith.cmpi sgt, %get3A_176, %gt3A : vector<16xi32>
          %and3A_181 = arith.andi %eq3A_179, %gt3A_180 : vector<16xi1>
          %or3A = arith.ori %lt3A_177, %and3A_181 : vector<16xi1>
          %jit3A_182 = arith.constant 0xFF800000 : f32
          %broadcast_in_dim3A_183 = vector.broadcast %jit3A_182 : f32 to vector<16xf32>
          %select_n3A_184 = arith.select %or3A, %get3A_172, %broadcast_in_dim3A_183 : vector<16xi1>, vector<16xf32>
          %gt3A_185 = arith.cmpf ogt, %select_n3A_184, %while3A_167 : vector<16xf32>
          %eq3A_186 = arith.cmpf oeq, %select_n3A_184, %while3A_167 : vector<16xf32>
          %lt3A_187 = arith.cmpi slt, %get3A_176, %while3A_168 : vector<16xi32>
          %and3A_188 = arith.andi %eq3A_186, %lt3A_187 : vector<16xi1>
          %or3A_189 = arith.ori %gt3A_185, %and3A_188 : vector<16xi1>
          %select_n3A_190 = arith.select %or3A_189, %select_n3A_184, %while3A_167 : vector<16xi1>, vector<16xf32>
          %select_n3A_191 = arith.select %or3A_189, %get3A_176, %while3A_168 : vector<16xi1>, vector<16xi32>
          scf.yield %select_n3A_190, %select_n3A_191 : vector<16xf32>, vector<16xi32>
        }
        %reduce_max3A = arith.constant true
        %reduce_max3A_136 = vector.broadcast %reduce_max3A : i1 to vector<16xi1>
        %reduce_max3A_137 = tpu.scan <max>, %while3A_135#0 masked %reduce_max3A_136 : vector<16xf32>, vector<16xi1> -> vector<16xf32>
        %reduce_max3A_138 = vector.extract %reduce_max3A_137[15] : f32 from vector<16xf32>
        %eq3A_139 = vector.broadcast %reduce_max3A_138 : f32 to vector<16xf32>
        %eq3A_140 = arith.cmpf oeq, %while3A_135#0, %eq3A_139 : vector<16xf32>
        %jit3A_141 = arith.constant 8192 : i32
        %broadcast_in_dim3A_142 = vector.broadcast %jit3A_141 : i32 to vector<16xi32>
        %select_n3A_143 = arith.select %eq3A_140, %while3A_135#1, %broadcast_in_dim3A_142 : vector<16xi1>, vector<16xi32>
        %reduce_min3A = arith.constant true
        %reduce_min3A_144 = vector.broadcast %reduce_min3A : i1 to vector<16xi1>
        %reduce_min3A_145 = arith.constant -2147483648 : i32
        %reduce_min3A_146 = vector.broadcast %reduce_min3A_145 : i32 to vector<16xi32>
        %reduce_min3A_147 = arith.xori %select_n3A_143, %reduce_min3A_146 : vector<16xi32>
        %reduce_min3A_148 = tpu.scan <min>, %reduce_min3A_147 masked %reduce_min3A_144 : vector<16xi32>, vector<16xi1> -> vector<16xi32>
        %reduce_min3A_149 = arith.xori %reduce_min3A_148, %reduce_min3A_146 : vector<16xi32>
        %reduce_min3A_150 = vector.extract %reduce_min3A_149[15] : i32 from vector<16xi32>
        %eq3A_151 = vector.broadcast %scan3A_123 : i32 to vector<16xi32>
        %eq3A_152 = arith.cmpi eq, %iota3A, %eq3A_151 : vector<16xi32>
        %get3A = arith.constant 0 : index
        %get3A_153 = tpu.vector_load %arg10[%get3A] {strides = array<i32>} : memref<16xf32, #tpu.memory_space<vmem>>, vector<16xf32>,
        %broadcast_in_dim3A_154 = vector.broadcast %reduce_max3A_138 : f32 to vector<16xf32>
        %select_n3A_155 = arith.select %eq3A_152, %broadcast_in_dim3A_154, %get3A_153 : vector<16xi1>, vector<16xf32>
        %swap3A_156 = arith.constant 0 : index
        %swap3A_157 = tpu.vector_load %arg10[%swap3A_156] {strides = array<i32>} : memref<16xf32, #tpu.memory_space<vmem>>, vector<16xf32>,
        tpu.vector_store %arg10[%swap3A_156], %select_n3A_155 {strides = array<i32>} : memref<16xf32, #tpu.memory_space<vmem>>, vector<16xf32>,
        %eq3A_158 = vector.broadcast %scan3A_123 : i32 to vector<16xi32>
        %eq3A_159 = arith.cmpi eq, %iota3A, %eq3A_158 : vector<16xi32>
        %get3A_160 = arith.constant 0 : index
        %get3A_161 = tpu.vector_load %arg11[%get3A_160] {strides = array<i32>} : memref<16xi32, #tpu.memory_space<vmem>>, vector<16xi32>,
        %broadcast_in_dim3A_162 = vector.broadcast %reduce_min3A_150 : i32 to vector<16xi32>
        %select_n3A_163 = arith.select %eq3A_159, %broadcast_in_dim3A_162, %get3A_161 : vector<16xi1>, vector<16xi32>
        %swap3A_164 = arith.constant 0 : index
        %swap3A_165 = tpu.vector_load %arg11[%swap3A_164] {strides = array<i32>} : memref<16xi32, #tpu.memory_space<vmem>>, vector<16xi32>,
        tpu.vector_store %arg11[%swap3A_164], %select_n3A_163 {strides = array<i32>} : memref<16xi32, #tpu.memory_space<vmem>>, vector<16xi32>,
        scf.yield %reduce_max3A_138, %reduce_min3A_150 : f32, i32
      }
      %scan3A_121 = arith.constant 16 : i32
      "tpu.region"() ({
        %run_scoped3A = tpu.sem_alloc : memref<!tpu.dma_semaphore, #tpu.memory_space<semaphore_mem>>
        %dma_start3A = arith.constant 0 : i32
        %dma_start3A_123 = tpu.memref_slice %arg3[%add3A_39, %dma_start3A] : memref<512x16xi32, #tpu.memory_space<hbm>> -> memref<1x16xi32, #tpu.memory_space<hbm>>
        %dma_start3A_124 = tpu.memref_squeeze %dma_start3A_123 : memref<1x16xi32, #tpu.memory_space<hbm>> -> memref<16xi32, #tpu.memory_space<hbm>>
        %dma_start3A_125 = arith.constant 0 : i32
        %dma_start3A_126 = tpu.memref_slice %arg3[%add3A_39, %dma_start3A_125] : memref<512x16xi32, #tpu.memory_space<hbm>> -> memref<1x16xi32, #tpu.memory_space<hbm>>
        %dma_start3A_127 = tpu.memref_squeeze %dma_start3A_126 : memref<1x16xi32, #tpu.memory_space<hbm>> -> memref<16xi32, #tpu.memory_space<hbm>>
        tpu.enqueue_dma source(%arg11 : memref<16xi32, #tpu.memory_space<vmem>>) target(%dma_start3A_127 : memref<16xi32, #tpu.memory_space<hbm>>) target_semaphore(%run_scoped3A : memref<!tpu.dma_semaphore, #tpu.memory_space<semaphore_mem>>)
        %dma_wait3A = arith.constant 0 : i32
        %dma_wait3A_128 = tpu.memref_slice %arg3[%add3A_39, %dma_wait3A] : memref<512x16xi32, #tpu.memory_space<hbm>> -> memref<1x16xi32, #tpu.memory_space<hbm>>
        %dma_wait3A_129 = tpu.memref_squeeze %dma_wait3A_128 : memref<1x16xi32, #tpu.memory_space<hbm>> -> memref<16xi32, #tpu.memory_space<hbm>>
        %dma_wait3A_130 = arith.constant 0 : i32
        %dma_wait3A_131 = tpu.memref_slice %arg3[%add3A_39, %dma_wait3A_130] : memref<512x16xi32, #tpu.memory_space<hbm>> -> memref<1x16xi32, #tpu.memory_space<hbm>>
        %dma_wait3A_132 = tpu.memref_squeeze %dma_wait3A_131 : memref<1x16xi32, #tpu.memory_space<hbm>> -> memref<16xi32, #tpu.memory_space<hbm>>
        tpu.wait_dma2 semaphore(%run_scoped3A : memref<!tpu.dma_semaphore, #tpu.memory_space<semaphore_mem>>) src(%arg11 : memref<16xi32, #tpu.memory_space<vmem>>) dst(%dma_wait3A_132 : memref<16xi32, #tpu.memory_space<hbm>>)
        tpu.yield
      }) : () -> ()
      "tpu.region"() ({
        %run_scoped3A = tpu.sem_alloc : memref<!tpu.dma_semaphore, #tpu.memory_space<semaphore_mem>>
        %dma_start3A = arith.constant 0 : i32
        %dma_start3A_123 = tpu.memref_slice %arg4[%add3A_39, %dma_start3A] : memref<512x16xf32, #tpu.memory_space<hbm>> -> memref<1x16xf32, #tpu.memory_space<hbm>>
        %dma_start3A_124 = tpu.memref_squeeze %dma_start3A_123 : memref<1x16xf32, #tpu.memory_space<hbm>> -> memref<16xf32, #tpu.memory_space<hbm>>
        %dma_start3A_125 = arith.constant 0 : i32
        %dma_start3A_126 = tpu.memref_slice %arg4[%add3A_39, %dma_start3A_125] : memref<512x16xf32, #tpu.memory_space<hbm>> -> memref<1x16xf32, #tpu.memory_space<hbm>>
        %dma_start3A_127 = tpu.memref_squeeze %dma_start3A_126 : memref<1x16xf32, #tpu.memory_space<hbm>> -> memref<16xf32, #tpu.memory_space<hbm>>
        tpu.enqueue_dma source(%arg10 : memref<16xf32, #tpu.memory_space<vmem>>) target(%dma_start3A_127 : memref<16xf32, #tpu.memory_space<hbm>>) target_semaphore(%run_scoped3A : memref<!tpu.dma_semaphore, #tpu.memory_space<semaphore_mem>>)
        %dma_wait3A = arith.constant 0 : i32
        %dma_wait3A_128 = tpu.memref_slice %arg4[%add3A_39, %dma_wait3A] : memref<512x16xf32, #tpu.memory_space<hbm>> -> memref<1x16xf32, #tpu.memory_space<hbm>>
        %dma_wait3A_129 = tpu.memref_squeeze %dma_wait3A_128 : memref<1x16xf32, #tpu.memory_space<hbm>> -> memref<16xf32, #tpu.memory_space<hbm>>
        %dma_wait3A_130 = arith.constant 0 : i32
        %dma_wait3A_131 = tpu.memref_slice %arg4[%add3A_39, %dma_wait3A_130] : memref<512x16xf32, #tpu.memory_space<hbm>> -> memref<1x16xf32, #tpu.memory_space<hbm>>
        %dma_wait3A_132 = tpu.memref_squeeze %dma_wait3A_131 : memref<1x16xf32, #tpu.memory_space<hbm>> -> memref<16xf32, #tpu.memory_space<hbm>>
        tpu.wait_dma2 semaphore(%run_scoped3A : memref<!tpu.dma_semaphore, #tpu.memory_space<semaphore_mem>>) src(%arg10 : memref<16xf32, #tpu.memory_space<vmem>>) dst(%dma_wait3A_132 : memref<16xf32, #tpu.memory_space<hbm>>)
        tpu.yield
      }) : () -> ()
      %scan3A_122 = arith.constant 0 : i32
      scf.yield %scan3A_122 : i32
    }
    %scan3A_13 = arith.constant 16 : i32
    return
  }
}

#map = affine_map<(d0, d1) -> (0, 0)>
module attributes {stable_mosaic.version = 14 : i64} {
  func.func @_sc_topk(%arg0: i32, %arg1: i32, %arg2: memref<512x8192xf32, #tpu.memory_space<hbm>>, %arg3: memref<512x16xi32, #tpu.memory_space<hbm>>, %arg4: memref<512x16xf32, #tpu.memory_space<hbm>>, %arg5: memref<8x8192xf32, #tpu.memory_space<vmem>>, %arg6: memref<8208xf32, #tpu.memory_space<vmem>>, %arg7: memref<8208xi32, #tpu.memory_space<vmem>>, %arg8: memref<4096xi32, #tpu.memory_space<vmem>>, %arg9: memref<256xi32, #tpu.memory_space<vmem>>, %arg10: memref<16xf32, #tpu.memory_space<vmem>>, %arg11: memref<16xi32, #tpu.memory_space<vmem>>) attributes {dimension_semantics = [#tpu.dimension_semantics<core_parallel>, #tpu.dimension_semantics<subcore_parallel>], iteration_bounds = array<i64: 2, 16>, scalar_prefetch = 0 : i64, scratch_operands = 7 : i64, tpu.core_type = #tpu.core_type<sc_vector_subcore>, window_params = [{transform_indices = #map}, {transform_indices = #map}, {transform_indices = #map}]} {
    %mul3A = arith.constant 2 : i32
    %mul3A_0 = arith.muli %arg1, %mul3A : i32
    %add3A = arith.addi %mul3A_0, %arg0 : i32
    %iota3A = tpu.iota {dimensions = array<i32: 0>} : vector<16xi32>
    %broadcast_in_dim3A = arith.constant 0 : i32
    %broadcast_in_dim3A_1 = vector.broadcast %broadcast_in_dim3A : i32 to vector<16xi32>
    %broadcast_in_dim3A_2 = arith.constant 1 : i32
    %broadcast_in_dim3A_3 = vector.broadcast %broadcast_in_dim3A_2 : i32 to vector<16xi32>
    %broadcast_in_dim3A_4 = arith.constant 0xFF800000 : f32
    %broadcast_in_dim3A_5 = vector.broadcast %broadcast_in_dim3A_4 : f32 to vector<16xf32>
    %broadcast_in_dim3A_6 = arith.constant 8192 : i32
    %broadcast_in_dim3A_7 = vector.broadcast %broadcast_in_dim3A_6 : i32 to vector<16xi32>
    %scan3A = arith.constant 0 : i32
    %scan3A_8 = arith.constant 0 : i32
    %scan3A_9 = arith.constant 16 : i32
    %scan3A_10 = arith.addi %scan3A_8, %scan3A_9 : i32
    %scan3A_11 = arith.constant 1 : i32
    %scan3A_12 = scf.for %scan3A_14 = %scan3A_8 to %scan3A_10 step %scan3A_11 iter_args(%scan3A_15 = %scan3A) -> (i32)  : i32 {
      %jit3A = arith.constant 8 : i32
      %div3A = arith.divsi %scan3A_14, %jit3A : i32
      %sign3A = arith.constant 0 : i32
      %sign3A_16 = arith.cmpi sgt, %scan3A_14, %sign3A : i32
      %sign3A_17 = arith.extui %sign3A_16 : i1 to i32
      %sign3A_18 = arith.constant 0 : i32
      %sign3A_19 = arith.cmpi slt, %scan3A_14, %sign3A_18 : i32
      %sign3A_20 = arith.extui %sign3A_19 : i1 to i32
      %sign3A_21 = arith.subi %sign3A_17, %sign3A_20 : i32
      %sign3A_22 = arith.constant 0 : i32
      %sign3A_23 = arith.cmpi sgt, %jit3A, %sign3A_22 : i32
      %sign3A_24 = arith.extui %sign3A_23 : i1 to i32
      %sign3A_25 = arith.constant 0 : i32
      %sign3A_26 = arith.cmpi slt, %jit3A, %sign3A_25 : i32
      %sign3A_27 = arith.extui %sign3A_26 : i1 to i32
      %sign3A_28 = arith.subi %sign3A_24, %sign3A_27 : i32
      %ne3A = arith.cmpi ne, %sign3A_21, %sign3A_28 : i32
      %rem3A = arith.remsi %scan3A_14, %jit3A : i32
      %ne3A_29 = arith.constant 0 : i32
      %ne3A_30 = arith.cmpi ne, %rem3A, %ne3A_29 : i32
      %and3A = arith.andi %ne3A, %ne3A_30 : i1
      %sub3A = arith.constant 1 : i32
      %sub3A_31 = arith.subi %div3A, %sub3A : i32
      %select_n3A = arith.select %and3A, %sub3A_31, %div3A : i32
      %mul3A_32 = arith.constant 8 : i32
      %mul3A_33 = arith.muli %select_n3A, %mul3A_32 : i32
      %sub3A_34 = arith.subi %scan3A_14, %mul3A_33 : i32
      %eq3A = arith.constant 0 : i32
      %eq3A_35 = arith.cmpi eq, %sub3A_34, %eq3A : i32
      %convert_element_type3A = arith.extui %eq3A_35 : i1 to i32
      %cond3A = arith.constant 0 : i32
      %cond3A_36 = arith.cmpi ne, %convert_element_type3A, %cond3A : i32
      scf.if %cond3A_36 {
        %mul3A_123 = arith.constant 16 : i32
        %mul3A_124 = arith.muli %add3A, %mul3A_123 : i32
        %mul3A_125 = arith.constant 8 : i32
        %mul3A_126 = arith.muli %select_n3A, %mul3A_125 : i32
        %add3A_127 = arith.addi %mul3A_124, %mul3A_126 : i32
        "tpu.region"() ({
          %run_scoped3A = tpu.sem_alloc : memref<!tpu.dma_semaphore, #tpu.memory_space<semaphore_mem>>
          %dma_start3A = arith.constant 0 : i32
          %dma_start3A_128 = tpu.memref_slice %arg2[%add3A_127, %dma_start3A] : memref<512x8192xf32, #tpu.memory_space<hbm>> -> memref<8x8192xf32, #tpu.memory_space<hbm>>
          %dma_start3A_129 = arith.constant 0 : i32
          %dma_start3A_130 = tpu.memref_slice %arg2[%add3A_127, %dma_start3A_129] : memref<512x8192xf32, #tpu.memory_space<hbm>> -> memref<8x8192xf32, #tpu.memory_space<hbm>>
          tpu.enqueue_dma source(%dma_start3A_130 : memref<8x8192xf32, #tpu.memory_space<hbm>>) target(%arg5 : memref<8x8192xf32, #tpu.memory_space<vmem>>) target_semaphore(%run_scoped3A : memref<!tpu.dma_semaphore, #tpu.memory_space<semaphore_mem>>)
          %dma_wait3A = arith.constant 0 : i32
          %dma_wait3A_131 = tpu.memref_slice %arg2[%add3A_127, %dma_wait3A] : memref<512x8192xf32, #tpu.memory_space<hbm>> -> memref<8x8192xf32, #tpu.memory_space<hbm>>
          %dma_wait3A_132 = arith.constant 0 : i32
          %dma_wait3A_133 = tpu.memref_slice %arg2[%add3A_127, %dma_wait3A_132] : memref<512x8192xf32, #tpu.memory_space<hbm>> -> memref<8x8192xf32, #tpu.memory_space<hbm>>
          tpu.wait_dma2 semaphore(%run_scoped3A : memref<!tpu.dma_semaphore, #tpu.memory_space<semaphore_mem>>) src(%dma_wait3A_133 : memref<8x8192xf32, #tpu.memory_space<hbm>>) dst(%arg5 : memref<8x8192xf32, #tpu.memory_space<vmem>>)
          tpu.yield
        }) : () -> ()
      } else {
      }
      %mul3A_37 = arith.constant 16 : i32
      %mul3A_38 = arith.muli %add3A, %mul3A_37 : i32
      %add3A_39 = arith.addi %mul3A_38, %scan3A_14 : i32
      %scan3A_40 = arith.constant 0 : i32
      %scan3A_41 = arith.constant 0 : i32
      %scan3A_42 = arith.constant 64 : i32
      %scan3A_43 = arith.addi %scan3A_41, %scan3A_42 : i32
      %scan3A_44 = arith.constant 1 : i32
      %scan3A_45 = scf.for %scan3A_123 = %scan3A_41 to %scan3A_43 step %scan3A_44 iter_args(%scan3A_124 = %scan3A_40) -> (i32)  : i32 {
        %mul3A_125 = arith.constant 4 : i32
        %mul3A_126 = arith.muli %scan3A_123, %mul3A_125 : i32
        %add3A_127 = arith.constant 0 : i32
        %add3A_128 = arith.addi %mul3A_126, %add3A_127 : i32
        %mul3A_129 = arith.constant 16 : i32
        %mul3A_130 = arith.muli %add3A_128, %mul3A_129 : i32
        %swap3A_131 = arith.index_cast %mul3A_130 : i32 to index
        %swap3A_132 = tpu.vector_load %arg8[%swap3A_131] {strides = array<i32>} : memref<4096xi32, #tpu.memory_space<vmem>>, vector<16xi32>,
        tpu.vector_store %arg8[%swap3A_131], %broadcast_in_dim3A_1 {strides = array<i32>} : memref<4096xi32, #tpu.memory_space<vmem>>, vector<16xi32>,
        %mul3A_133 = arith.constant 4 : i32
        %mul3A_134 = arith.muli %scan3A_123, %mul3A_133 : i32
        %add3A_135 = arith.constant 1 : i32
        %add3A_136 = arith.addi %mul3A_134, %add3A_135 : i32
        %mul3A_137 = arith.constant 16 : i32
        %mul3A_138 = arith.muli %add3A_136, %mul3A_137 : i32
        %swap3A_139 = arith.index_cast %mul3A_138 : i32 to index
        %swap3A_140 = tpu.vector_load %arg8[%swap3A_139] {strides = array<i32>} : memref<4096xi32, #tpu.memory_space<vmem>>, vector<16xi32>,
        tpu.vector_store %arg8[%swap3A_139], %broadcast_in_dim3A_1 {strides = array<i32>} : memref<4096xi32, #tpu.memory_space<vmem>>, vector<16xi32>,
        %mul3A_141 = arith.constant 4 : i32
        %mul3A_142 = arith.muli %scan3A_123, %mul3A_141 : i32
        %add3A_143 = arith.constant 2 : i32
        %add3A_144 = arith.addi %mul3A_142, %add3A_143 : i32
        %mul3A_145 = arith.constant 16 : i32
        %mul3A_146 = arith.muli %add3A_144, %mul3A_145 : i32
        %swap3A_147 = arith.index_cast %mul3A_146 : i32 to index
        %swap3A_148 = tpu.vector_load %arg8[%swap3A_147] {strides = array<i32>} : memref<4096xi32, #tpu.memory_space<vmem>>, vector<16xi32>,
        tpu.vector_store %arg8[%swap3A_147], %broadcast_in_dim3A_1 {strides = array<i32>} : memref<4096xi32, #tpu.memory_space<vmem>>, vector<16xi32>,
        %mul3A_149 = arith.constant 4 : i32
        %mul3A_150 = arith.muli %scan3A_123, %mul3A_149 : i32
        %add3A_151 = arith.constant 3 : i32
        %add3A_152 = arith.addi %mul3A_150, %add3A_151 : i32
        %mul3A_153 = arith.constant 16 : i32
        %mul3A_154 = arith.muli %add3A_152, %mul3A_153 : i32
        %swap3A_155 = arith.index_cast %mul3A_154 : i32 to index
        %swap3A_156 = tpu.vector_load %arg8[%swap3A_155] {strides = array<i32>} : memref<4096xi32, #tpu.memory_space<vmem>>, vector<16xi32>,
        tpu.vector_store %arg8[%swap3A_155], %broadcast_in_dim3A_1 {strides = array<i32>} : memref<4096xi32, #tpu.memory_space<vmem>>, vector<16xi32>,
        %scan3A_157 = arith.constant 0 : i32
        scf.yield %scan3A_157 : i32
      }
      %scan3A_46 = arith.constant 64 : i32
      %scan3A_47 = arith.constant 0 : i32
      %scan3A_48 = arith.constant 0 : i32
      %scan3A_49 = arith.constant 128 : i32
      %scan3A_50 = arith.addi %scan3A_48, %scan3A_49 : i32
      %scan3A_51 = arith.constant 1 : i32
      %scan3A_52 = scf.for %scan3A_123 = %scan3A_48 to %scan3A_50 step %scan3A_51 iter_args(%scan3A_124 = %scan3A_47) -> (i32)  : i32 {
        %mul3A_125 = arith.constant 4 : i32
        %mul3A_126 = arith.muli %scan3A_123, %mul3A_125 : i32
        %add3A_127 = arith.constant 0 : i32
        %add3A_128 = arith.addi %mul3A_126, %add3A_127 : i32
        %mul3A_129 = arith.constant 16 : i32
        %mul3A_130 = arith.muli %add3A_128, %mul3A_129 : i32
        %get3A = arith.index_cast %sub3A_34 : i32 to index
        %get3A_131 = arith.index_cast %mul3A_130 : i32 to index
        %get3A_132 = tpu.vector_load %arg5[%get3A, %get3A_131] {strides = array<i32>} : memref<8x8192xf32, #tpu.memory_space<vmem>>, vector<16xf32>,
        %mul3A_133 = arith.constant 256 : i32
        %mul3A_134 = vector.broadcast %mul3A_133 : i32 to vector<16xi32>
        %mul3A_135 = arith.muli %iota3A, %mul3A_134 : vector<16xi32>
        %bitcast_convert_type3A_136 = tpu.bitcast %get3A_132 : vector<16xf32> -> vector<16xi32>
        %lt3A = arith.constant 0.000000e+00 : f32
        %lt3A_137 = vector.broadcast %lt3A : f32 to vector<16xf32>
        %lt3A_138 = arith.cmpf olt, %get3A_132, %lt3A_137 : vector<16xf32>
        %not3A_139 = arith.constant dense<-1> : vector<16xi32>
        %not3A_140 = arith.xori %bitcast_convert_type3A_136, %not3A_139 : vector<16xi32>
        %xor3A_141 = arith.constant -2147483648 : i32
        %xor3A_142 = vector.broadcast %xor3A_141 : i32 to vector<16xi32>
        %xor3A_143 = arith.xori %bitcast_convert_type3A_136, %xor3A_142 : vector<16xi32>
        %select_n3A_144 = arith.select %lt3A_138, %not3A_140, %xor3A_143 : vector<16xi1>, vector<16xi32>
        %shift_right_logical3A = arith.constant 24 : i32
        %shift_right_logical3A_145 = vector.broadcast %shift_right_logical3A : i32 to vector<16xi32>
        %shift_right_logical3A_146 = arith.shrui %select_n3A_144, %shift_right_logical3A_145 : vector<16xi32>
        %add3A_147 = arith.addi %mul3A_135, %shift_right_logical3A_146 : vector<16xi32>
        tpu.vector_store_idx %arg8[%add3A_147], %broadcast_in_dim3A_3 {add = true} : memref<4096xi32, #tpu.memory_space<vmem>>[vector<16xi32>], vector<16xi32>,
        %mul3A_148 = arith.constant 4 : i32
        %mul3A_149 = arith.muli %scan3A_123, %mul3A_148 : i32
        %add3A_150 = arith.constant 1 : i32
        %add3A_151 = arith.addi %mul3A_149, %add3A_150 : i32
        %mul3A_152 = arith.constant 16 : i32
        %mul3A_153 = arith.muli %add3A_151, %mul3A_152 : i32
        %get3A_154 = arith.index_cast %sub3A_34 : i32 to index
        %get3A_155 = arith.index_cast %mul3A_153 : i32 to index
        %get3A_156 = tpu.vector_load %arg5[%get3A_154, %get3A_155] {strides = array<i32>} : memref<8x8192xf32, #tpu.memory_space<vmem>>, vector<16xf32>,
        %mul3A_157 = arith.constant 256 : i32
        %mul3A_158 = vector.broadcast %mul3A_157 : i32 to vector<16xi32>
        %mul3A_159 = arith.muli %iota3A, %mul3A_158 : vector<16xi32>
        %bitcast_convert_type3A_160 = tpu.bitcast %get3A_156 : vector<16xf32> -> vector<16xi32>
        %lt3A_161 = arith.constant 0.000000e+00 : f32
        %lt3A_162 = vector.broadcast %lt3A_161 : f32 to vector<16xf32>
        %lt3A_163 = arith.cmpf olt, %get3A_156, %lt3A_162 : vector<16xf32>
        %not3A_164 = arith.constant dense<-1> : vector<16xi32>
        %not3A_165 = arith.xori %bitcast_convert_type3A_160, %not3A_164 : vector<16xi32>
        %xor3A_166 = arith.constant -2147483648 : i32
        %xor3A_167 = vector.broadcast %xor3A_166 : i32 to vector<16xi32>
        %xor3A_168 = arith.xori %bitcast_convert_type3A_160, %xor3A_167 : vector<16xi32>
        %select_n3A_169 = arith.select %lt3A_163, %not3A_165, %xor3A_168 : vector<16xi1>, vector<16xi32>
        %shift_right_logical3A_170 = arith.constant 24 : i32
        %shift_right_logical3A_171 = vector.broadcast %shift_right_logical3A_170 : i32 to vector<16xi32>
        %shift_right_logical3A_172 = arith.shrui %select_n3A_169, %shift_right_logical3A_171 : vector<16xi32>
        %add3A_173 = arith.addi %mul3A_159, %shift_right_logical3A_172 : vector<16xi32>
        tpu.vector_store_idx %arg8[%add3A_173], %broadcast_in_dim3A_3 {add = true} : memref<4096xi32, #tpu.memory_space<vmem>>[vector<16xi32>], vector<16xi32>,
        %mul3A_174 = arith.constant 4 : i32
        %mul3A_175 = arith.muli %scan3A_123, %mul3A_174 : i32
        %add3A_176 = arith.constant 2 : i32
        %add3A_177 = arith.addi %mul3A_175, %add3A_176 : i32
        %mul3A_178 = arith.constant 16 : i32
        %mul3A_179 = arith.muli %add3A_177, %mul3A_178 : i32
        %get3A_180 = arith.index_cast %sub3A_34 : i32 to index
        %get3A_181 = arith.index_cast %mul3A_179 : i32 to index
        %get3A_182 = tpu.vector_load %arg5[%get3A_180, %get3A_181] {strides = array<i32>} : memref<8x8192xf32, #tpu.memory_space<vmem>>, vector<16xf32>,
        %mul3A_183 = arith.constant 256 : i32
        %mul3A_184 = vector.broadcast %mul3A_183 : i32 to vector<16xi32>
        %mul3A_185 = arith.muli %iota3A, %mul3A_184 : vector<16xi32>
        %bitcast_convert_type3A_186 = tpu.bitcast %get3A_182 : vector<16xf32> -> vector<16xi32>
        %lt3A_187 = arith.constant 0.000000e+00 : f32
        %lt3A_188 = vector.broadcast %lt3A_187 : f32 to vector<16xf32>
        %lt3A_189 = arith.cmpf olt, %get3A_182, %lt3A_188 : vector<16xf32>
        %not3A_190 = arith.constant dense<-1> : vector<16xi32>
        %not3A_191 = arith.xori %bitcast_convert_type3A_186, %not3A_190 : vector<16xi32>
        %xor3A_192 = arith.constant -2147483648 : i32
        %xor3A_193 = vector.broadcast %xor3A_192 : i32 to vector<16xi32>
        %xor3A_194 = arith.xori %bitcast_convert_type3A_186, %xor3A_193 : vector<16xi32>
        %select_n3A_195 = arith.select %lt3A_189, %not3A_191, %xor3A_194 : vector<16xi1>, vector<16xi32>
        %shift_right_logical3A_196 = arith.constant 24 : i32
        %shift_right_logical3A_197 = vector.broadcast %shift_right_logical3A_196 : i32 to vector<16xi32>
        %shift_right_logical3A_198 = arith.shrui %select_n3A_195, %shift_right_logical3A_197 : vector<16xi32>
        %add3A_199 = arith.addi %mul3A_185, %shift_right_logical3A_198 : vector<16xi32>
        tpu.vector_store_idx %arg8[%add3A_199], %broadcast_in_dim3A_3 {add = true} : memref<4096xi32, #tpu.memory_space<vmem>>[vector<16xi32>], vector<16xi32>,
        %mul3A_200 = arith.constant 4 : i32
        %mul3A_201 = arith.muli %scan3A_123, %mul3A_200 : i32
        %add3A_202 = arith.constant 3 : i32
        %add3A_203 = arith.addi %mul3A_201, %add3A_202 : i32
        %mul3A_204 = arith.constant 16 : i32
        %mul3A_205 = arith.muli %add3A_203, %mul3A_204 : i32
        %get3A_206 = arith.index_cast %sub3A_34 : i32 to index
        %get3A_207 = arith.index_cast %mul3A_205 : i32 to index
        %get3A_208 = tpu.vector_load %arg5[%get3A_206, %get3A_207] {strides = array<i32>} : memref<8x8192xf32, #tpu.memory_space<vmem>>, vector<16xf32>,
        %mul3A_209 = arith.constant 256 : i32
        %mul3A_210 = vector.broadcast %mul3A_209 : i32 to vector<16xi32>
        %mul3A_211 = arith.muli %iota3A, %mul3A_210 : vector<16xi32>
        %bitcast_convert_type3A_212 = tpu.bitcast %get3A_208 : vector<16xf32> -> vector<16xi32>
        %lt3A_213 = arith.constant 0.000000e+00 : f32
        %lt3A_214 = vector.broadcast %lt3A_213 : f32 to vector<16xf32>
        %lt3A_215 = arith.cmpf olt, %get3A_208, %lt3A_214 : vector<16xf32>
        %not3A_216 = arith.constant dense<-1> : vector<16xi32>
        %not3A_217 = arith.xori %bitcast_convert_type3A_212, %not3A_216 : vector<16xi32>
        %xor3A_218 = arith.constant -2147483648 : i32
        %xor3A_219 = vector.broadcast %xor3A_218 : i32 to vector<16xi32>
        %xor3A_220 = arith.xori %bitcast_convert_type3A_212, %xor3A_219 : vector<16xi32>
        %select_n3A_221 = arith.select %lt3A_215, %not3A_217, %xor3A_220 : vector<16xi1>, vector<16xi32>
        %shift_right_logical3A_222 = arith.constant 24 : i32
        %shift_right_logical3A_223 = vector.broadcast %shift_right_logical3A_222 : i32 to vector<16xi32>
        %shift_right_logical3A_224 = arith.shrui %select_n3A_221, %shift_right_logical3A_223 : vector<16xi32>
        %add3A_225 = arith.addi %mul3A_211, %shift_right_logical3A_224 : vector<16xi32>
        tpu.vector_store_idx %arg8[%add3A_225], %broadcast_in_dim3A_3 {add = true} : memref<4096xi32, #tpu.memory_space<vmem>>[vector<16xi32>], vector<16xi32>,
        %scan3A_226 = arith.constant 0 : i32
        scf.yield %scan3A_226 : i32
      }
      %scan3A_53 = arith.constant 128 : i32
      %scan3A_54 = arith.constant 0 : i32
      %scan3A_55 = arith.constant 0 : i32
      %scan3A_56 = arith.constant 16 : i32
      %scan3A_57 = arith.addi %scan3A_55, %scan3A_56 : i32
      %scan3A_58 = arith.constant 1 : i32
      %scan3A_59 = scf.for %scan3A_123 = %scan3A_55 to %scan3A_57 step %scan3A_58 iter_args(%scan3A_124 = %scan3A_54) -> (i32)  : i32 {
        %mul3A_125 = arith.constant 16 : i32
        %mul3A_126 = arith.muli %scan3A_123, %mul3A_125 : i32
        %add3A_127 = arith.constant 0 : i32
        %add3A_128 = arith.addi %add3A_127, %mul3A_126 : i32
        %get3A = arith.index_cast %add3A_128 : i32 to index
        %get3A_129 = tpu.vector_load %arg8[%get3A] {strides = array<i32>} : memref<4096xi32, #tpu.memory_space<vmem>>, vector<16xi32>,
        %add3A_130 = arith.addi %broadcast_in_dim3A_1, %get3A_129 : vector<16xi32>
        %mul3A_131 = arith.constant 16 : i32
        %mul3A_132 = arith.muli %scan3A_123, %mul3A_131 : i32
        %add3A_133 = arith.constant 256 : i32
        %add3A_134 = arith.addi %add3A_133, %mul3A_132 : i32
        %get3A_135 = arith.index_cast %add3A_134 : i32 to index
        %get3A_136 = tpu.vector_load %arg8[%get3A_135] {strides = array<i32>} : memref<4096xi32, #tpu.memory_space<vmem>>, vector<16xi32>,
        %add3A_137 = arith.addi %add3A_130, %get3A_136 : vector<16xi32>
        %mul3A_138 = arith.constant 16 : i32
        %mul3A_139 = arith.muli %scan3A_123, %mul3A_138 : i32
        %add3A_140 = arith.constant 512 : i32
        %add3A_141 = arith.addi %add3A_140, %mul3A_139 : i32
        %get3A_142 = arith.index_cast %add3A_141 : i32 to index
        %get3A_143 = tpu.vector_load %arg8[%get3A_142] {strides = array<i32>} : memref<4096xi32, #tpu.memory_space<vmem>>, vector<16xi32>,
        %add3A_144 = arith.addi %add3A_137, %get3A_143 : vector<16xi32>
        %mul3A_145 = arith.constant 16 : i32
        %mul3A_146 = arith.muli %scan3A_123, %mul3A_145 : i32
        %add3A_147 = arith.constant 768 : i32
        %add3A_148 = arith.addi %add3A_147, %mul3A_146 : i32
        %get3A_149 = arith.index_cast %add3A_148 : i32 to index
        %get3A_150 = tpu.vector_load %arg8[%get3A_149] {strides = array<i32>} : memref<4096xi32, #tpu.memory_space<vmem>>, vector<16xi32>,
        %add3A_151 = arith.addi %add3A_144, %get3A_150 : vector<16xi32>
        %mul3A_152 = arith.constant 16 : i32
        %mul3A_153 = arith.muli %scan3A_123, %mul3A_152 : i32
        %add3A_154 = arith.constant 1024 : i32
        %add3A_155 = arith.addi %add3A_154, %mul3A_153 : i32
        %get3A_156 = arith.index_cast %add3A_155 : i32 to index
        %get3A_157 = tpu.vector_load %arg8[%get3A_156] {strides = array<i32>} : memref<4096xi32, #tpu.memory_space<vmem>>, vector<16xi32>,
        %add3A_158 = arith.addi %add3A_151, %get3A_157 : vector<16xi32>
        %mul3A_159 = arith.constant 16 : i32
        %mul3A_160 = arith.muli %scan3A_123, %mul3A_159 : i32
        %add3A_161 = arith.constant 1280 : i32
        %add3A_162 = arith.addi %add3A_161, %mul3A_160 : i32
        %get3A_163 = arith.index_cast %add3A_162 : i32 to index
        %get3A_164 = tpu.vector_load %arg8[%get3A_163] {strides = array<i32>} : memref<4096xi32, #tpu.memory_space<vmem>>, vector<16xi32>,
        %add3A_165 = arith.addi %add3A_158, %get3A_164 : vector<16xi32>
        %mul3A_166 = arith.constant 16 : i32
        %mul3A_167 = arith.muli %scan3A_123, %mul3A_166 : i32
        %add3A_168 = arith.constant 1536 : i32
        %add3A_169 = arith.addi %add3A_168, %mul3A_167 : i32
        %get3A_170 = arith.index_cast %add3A_169 : i32 to index
        %get3A_171 = tpu.vector_load %arg8[%get3A_170] {strides = array<i32>} : memref<4096xi32, #tpu.memory_space<vmem>>, vector<16xi32>,
        %add3A_172 = arith.addi %add3A_165, %get3A_171 : vector<16xi32>
        %mul3A_173 = arith.constant 16 : i32
        %mul3A_174 = arith.muli %scan3A_123, %mul3A_173 : i32
        %add3A_175 = arith.constant 1792 : i32
        %add3A_176 = arith.addi %add3A_175, %mul3A_174 : i32
        %get3A_177 = arith.index_cast %add3A_176 : i32 to index
        %get3A_178 = tpu.vector_load %arg8[%get3A_177] {strides = array<i32>} : memref<4096xi32, #tpu.memory_space<vmem>>, vector<16xi32>,
        %add3A_179 = arith.addi %add3A_172, %get3A_178 : vector<16xi32>
        %mul3A_180 = arith.constant 16 : i32
        %mul3A_181 = arith.muli %scan3A_123, %mul3A_180 : i32
        %add3A_182 = arith.constant 2048 : i32
        %add3A_183 = arith.addi %add3A_182, %mul3A_181 : i32
        %get3A_184 = arith.index_cast %add3A_183 : i32 to index
        %get3A_185 = tpu.vector_load %arg8[%get3A_184] {strides = array<i32>} : memref<4096xi32, #tpu.memory_space<vmem>>, vector<16xi32>,
        %add3A_186 = arith.addi %add3A_179, %get3A_185 : vector<16xi32>
        %mul3A_187 = arith.constant 16 : i32
        %mul3A_188 = arith.muli %scan3A_123, %mul3A_187 : i32
        %add3A_189 = arith.constant 2304 : i32
        %add3A_190 = arith.addi %add3A_189, %mul3A_188 : i32
        %get3A_191 = arith.index_cast %add3A_190 : i32 to index
        %get3A_192 = tpu.vector_load %arg8[%get3A_191] {strides = array<i32>} : memref<4096xi32, #tpu.memory_space<vmem>>, vector<16xi32>,
        %add3A_193 = arith.addi %add3A_186, %get3A_192 : vector<16xi32>
        %mul3A_194 = arith.constant 16 : i32
        %mul3A_195 = arith.muli %scan3A_123, %mul3A_194 : i32
        %add3A_196 = arith.constant 2560 : i32
        %add3A_197 = arith.addi %add3A_196, %mul3A_195 : i32
        %get3A_198 = arith.index_cast %add3A_197 : i32 to index
        %get3A_199 = tpu.vector_load %arg8[%get3A_198] {strides = array<i32>} : memref<4096xi32, #tpu.memory_space<vmem>>, vector<16xi32>,
        %add3A_200 = arith.addi %add3A_193, %get3A_199 : vector<16xi32>
        %mul3A_201 = arith.constant 16 : i32
        %mul3A_202 = arith.muli %scan3A_123, %mul3A_201 : i32
        %add3A_203 = arith.constant 2816 : i32
        %add3A_204 = arith.addi %add3A_203, %mul3A_202 : i32
        %get3A_205 = arith.index_cast %add3A_204 : i32 to index
        %get3A_206 = tpu.vector_load %arg8[%get3A_205] {strides = array<i32>} : memref<4096xi32, #tpu.memory_space<vmem>>, vector<16xi32>,
        %add3A_207 = arith.addi %add3A_200, %get3A_206 : vector<16xi32>
        %mul3A_208 = arith.constant 16 : i32
        %mul3A_209 = arith.muli %scan3A_123, %mul3A_208 : i32
        %add3A_210 = arith.constant 3072 : i32
        %add3A_211 = arith.addi %add3A_210, %mul3A_209 : i32
        %get3A_212 = arith.index_cast %add3A_211 : i32 to index
        %get3A_213 = tpu.vector_load %arg8[%get3A_212] {strides = array<i32>} : memref<4096xi32, #tpu.memory_space<vmem>>, vector<16xi32>,
        %add3A_214 = arith.addi %add3A_207, %get3A_213 : vector<16xi32>
        %mul3A_215 = arith.constant 16 : i32
        %mul3A_216 = arith.muli %scan3A_123, %mul3A_215 : i32
        %add3A_217 = arith.constant 3328 : i32
        %add3A_218 = arith.addi %add3A_217, %mul3A_216 : i32
        %get3A_219 = arith.index_cast %add3A_218 : i32 to index
        %get3A_220 = tpu.vector_load %arg8[%get3A_219] {strides = array<i32>} : memref<4096xi32, #tpu.memory_space<vmem>>, vector<16xi32>,
        %add3A_221 = arith.addi %add3A_214, %get3A_220 : vector<16xi32>
        %mul3A_222 = arith.constant 16 : i32
        %mul3A_223 = arith.muli %scan3A_123, %mul3A_222 : i32
        %add3A_224 = arith.constant 3584 : i32
        %add3A_225 = arith.addi %add3A_224, %mul3A_223 : i32
        %get3A_226 = arith.index_cast %add3A_225 : i32 to index
        %get3A_227 = tpu.vector_load %arg8[%get3A_226] {strides = array<i32>} : memref<4096xi32, #tpu.memory_space<vmem>>, vector<16xi32>,
        %add3A_228 = arith.addi %add3A_221, %get3A_227 : vector<16xi32>
        %mul3A_229 = arith.constant 16 : i32
        %mul3A_230 = arith.muli %scan3A_123, %mul3A_229 : i32
        %add3A_231 = arith.constant 3840 : i32
        %add3A_232 = arith.addi %add3A_231, %mul3A_230 : i32
        %get3A_233 = arith.index_cast %add3A_232 : i32 to index
        %get3A_234 = tpu.vector_load %arg8[%get3A_233] {strides = array<i32>} : memref<4096xi32, #tpu.memory_space<vmem>>, vector<16xi32>,
        %add3A_235 = arith.addi %add3A_228, %get3A_234 : vector<16xi32>
        %mul3A_236 = arith.constant 16 : i32
        %mul3A_237 = arith.muli %scan3A_123, %mul3A_236 : i32
        %swap3A_238 = arith.index_cast %mul3A_237 : i32 to index
        %swap3A_239 = tpu.vector_load %arg9[%swap3A_238] {strides = array<i32>} : memref<256xi32, #tpu.memory_space<vmem>>, vector<16xi32>,
        tpu.vector_store %arg9[%swap3A_238], %add3A_235 {strides = array<i32>} : memref<256xi32, #tpu.memory_space<vmem>>, vector<16xi32>,
        %scan3A_240 = arith.constant 0 : i32
        scf.yield %scan3A_240 : i32
      }
      %scan3A_60 = arith.constant 16 : i32
      %broadcast_in_dim3A_61 = arith.constant false
      %broadcast_in_dim3A_62 = vector.broadcast %broadcast_in_dim3A_61 : i1 to vector<16xi1>
      %scan3A_63 = arith.constant 0 : i32
      %scan3A_64 = arith.constant 0 : i32
      %scan3A_65 = arith.constant 16 : i32
      %scan3A_66 = arith.addi %scan3A_64, %scan3A_65 : i32
      %scan3A_67 = arith.constant 1 : i32
      %scan3A_68:3 = scf.for %scan3A_123 = %scan3A_64 to %scan3A_66 step %scan3A_67 iter_args(%scan3A_124 = %scan3A_63, %scan3A_125 = %broadcast_in_dim3A_1, %scan3A_126 = %broadcast_in_dim3A_62) -> (i32, vector<16xi32>, vector<16xi1>)  : i32 {
        %sub3A_127 = arith.constant 15 : i32
        %sub3A_128 = arith.subi %sub3A_127, %scan3A_123 : i32
        %mul3A_129 = arith.constant 16 : i32
        %mul3A_130 = arith.muli %sub3A_128, %mul3A_129 : i32
        %get3A = arith.index_cast %mul3A_130 : i32 to index
        %get3A_131 = tpu.vector_load %arg9[%get3A] {strides = array<i32>} : memref<256xi32, #tpu.memory_space<vmem>>, vector<16xi32>,
        %rev3A = arith.constant 15 : i32
        %rev3A_132 = vector.broadcast %rev3A : i32 to vector<16xi32>
        %rev3A_133 = tpu.iota {dimensions = array<i32: 0>} : vector<16xi32>
        %rev3A_134 = arith.subi %rev3A_132, %rev3A_133 : vector<16xi32>
        %rev3A_135 = tpu.dynamic_gather %get3A_131[%rev3A_134] in [0] : vector<16xi32>, vector<16xi32> -> vector<16xi32>
        %broadcast_in_dim3A_136 = arith.constant true
        %broadcast_in_dim3A_137 = vector.broadcast %broadcast_in_dim3A_136 : i1 to vector<16xi1>
        %masked_cumsum3A = tpu.scan <sum>, %rev3A_135 masked %broadcast_in_dim3A_137 : vector<16xi32>, vector<16xi1> -> vector<16xi32>
        %add3A_138 = vector.broadcast %scan3A_124 : i32 to vector<16xi32>
        %add3A_139 = arith.addi %masked_cumsum3A, %add3A_138 : vector<16xi32>
        %ge3A_140 = arith.constant 16 : i32
        %ge3A_141 = vector.broadcast %ge3A_140 : i32 to vector<16xi32>
        %ge3A_142 = arith.cmpi sge, %add3A_139, %ge3A_141 : vector<16xi32>
        %all_reduce_population_count3A = tpu.all_reduce %ge3A_142 {dim = 0 : i64, kind = #tpu.reduction_kind<sum>} : vector<16xi1> -> vector<16xi32>
        %all_reduce_ffs3A = tpu.all_reduce %ge3A_142 {dim = 0 : i64, kind = #tpu.reduction_kind<find_first_set>} : vector<16xi1> -> vector<16xi32>
        %sub3A_143 = arith.constant 15 : i32
        %sub3A_144 = vector.broadcast %sub3A_143 : i32 to vector<16xi32>
        %sub3A_145 = arith.subi %sub3A_144, %all_reduce_ffs3A : vector<16xi32>
        %mul3A_146 = arith.constant 16 : i32
        %mul3A_147 = arith.muli %sub3A_128, %mul3A_146 : i32
        %add3A_148 = vector.broadcast %mul3A_147 : i32 to vector<16xi32>
        %add3A_149 = arith.addi %sub3A_145, %add3A_148 : vector<16xi32>
        %not3A_150 = arith.constant dense<true> : vector<16xi1>
        %not3A_151 = arith.xori %scan3A_126, %not3A_150 : vector<16xi1>
        %gt3A = arith.constant 0 : i32
        %gt3A_152 = vector.broadcast %gt3A : i32 to vector<16xi32>
        %gt3A_153 = arith.cmpi sgt, %all_reduce_population_count3A, %gt3A_152 : vector<16xi32>
        %and3A_154 = arith.andi %not3A_151, %gt3A_153 : vector<16xi1>
        %select_n3A_155 = arith.select %and3A_154, %add3A_149, %scan3A_125 : vector<16xi1>, vector<16xi32>
        %gt3A_156 = arith.constant 0 : i32
        %gt3A_157 = vector.broadcast %gt3A_156 : i32 to vector<16xi32>
        %gt3A_158 = arith.cmpi sgt, %all_reduce_population_count3A, %gt3A_157 : vector<16xi32>
        %or3A = arith.ori %scan3A_126, %gt3A_158 : vector<16xi1>
        %reduce_sum3A = arith.constant true
        %reduce_sum3A_159 = vector.broadcast %reduce_sum3A : i1 to vector<16xi1>
        %reduce_sum3A_160 = tpu.scan <sum>, %get3A_131 masked %reduce_sum3A_159 : vector<16xi32>, vector<16xi1> -> vector<16xi32>
        %reduce_sum3A_161 = vector.extract %reduce_sum3A_160[15] : i32 from vector<16xi32>
        %add3A_162 = arith.addi %scan3A_124, %reduce_sum3A_161 : i32
        scf.yield %add3A_162, %select_n3A_155, %or3A : i32, vector<16xi32>, vector<16xi1>
      }
      %scan3A_69 = arith.constant 16 : i32
      %shift_left3A = arith.constant 24 : i32
      %shift_left3A_70 = vector.broadcast %shift_left3A : i32 to vector<16xi32>
      %shift_left3A_71 = arith.shli %scan3A_68#1, %shift_left3A_70 : vector<16xi32>
      %ge3A = arith.constant 128 : i32
      %ge3A_72 = vector.broadcast %ge3A : i32 to vector<16xi32>
      %ge3A_73 = arith.cmpi sge, %scan3A_68#1, %ge3A_72 : vector<16xi32>
      %xor3A = arith.constant -2147483648 : i32
      %xor3A_74 = vector.broadcast %xor3A : i32 to vector<16xi32>
      %xor3A_75 = arith.xori %shift_left3A_71, %xor3A_74 : vector<16xi32>
      %not3A = arith.constant dense<-1> : vector<16xi32>
      %not3A_76 = arith.xori %shift_left3A_71, %not3A : vector<16xi32>
      %select_n3A_77 = arith.select %ge3A_73, %xor3A_75, %not3A_76 : vector<16xi1>, vector<16xi32>
      %bitcast_convert_type3A = tpu.bitcast %select_n3A_77 : vector<16xi32> -> vector<16xf32>
      %scan3A_78 = arith.constant 0 : i32
      %scan3A_79 = arith.constant 0 : i32
      %scan3A_80 = arith.constant 128 : i32
      %scan3A_81 = arith.addi %scan3A_79, %scan3A_80 : i32
      %scan3A_82 = arith.constant 1 : i32
      %scan3A_83 = scf.for %scan3A_123 = %scan3A_79 to %scan3A_81 step %scan3A_82 iter_args(%scan3A_124 = %scan3A_78) -> (i32)  : i32 {
        %mul3A_125 = arith.constant 4 : i32
        %mul3A_126 = arith.muli %scan3A_123, %mul3A_125 : i32
        %add3A_127 = arith.constant 0 : i32
        %add3A_128 = arith.addi %mul3A_126, %add3A_127 : i32
        %mul3A_129 = arith.constant 16 : i32
        %mul3A_130 = arith.muli %add3A_128, %mul3A_129 : i32
        %get3A = arith.index_cast %sub3A_34 : i32 to index
        %get3A_131 = arith.index_cast %mul3A_130 : i32 to index
        %get3A_132 = tpu.vector_load %arg5[%get3A, %get3A_131] {strides = array<i32>} : memref<8x8192xf32, #tpu.memory_space<vmem>>, vector<16xf32>,
        %ge3A_133 = arith.cmpf oge, %get3A_132, %bitcast_convert_type3A : vector<16xf32>
        %swap3A_134 = arith.index_cast %scan3A_124 : i32 to index
        %swap3A_135 = tpu.vector_load %arg6[%swap3A_134] masked %ge3A_133 {strides = array<i32>} : memref<8208xf32, #tpu.memory_space<vmem>>, vector<16xf32>, vector<16xi1>
        tpu.vector_store %arg6[%swap3A_134], %get3A_132 masked %ge3A_133 {strides = array<i32>} : memref<8208xf32, #tpu.memory_space<vmem>>, vector<16xf32>, vector<16xi1>
        %mul3A_136 = arith.constant 16 : i32
        %mul3A_137 = arith.muli %add3A_128, %mul3A_136 : i32
        %add3A_138 = vector.broadcast %mul3A_137 : i32 to vector<16xi32>
        %add3A_139 = arith.addi %add3A_138, %iota3A : vector<16xi32>
        %swap3A_140 = arith.index_cast %scan3A_124 : i32 to index
        %swap3A_141 = tpu.vector_load %arg7[%swap3A_140] masked %ge3A_133 {strides = array<i32>} : memref<8208xi32, #tpu.memory_space<vmem>>, vector<16xi32>, vector<16xi1>
        tpu.vector_store %arg7[%swap3A_140], %add3A_139 masked %ge3A_133 {strides = array<i32>} : memref<8208xi32, #tpu.memory_space<vmem>>, vector<16xi32>, vector<16xi1>
        %all_reduce_population_count3A = tpu.all_reduce %ge3A_133 {dim = 0 : i64, kind = #tpu.reduction_kind<sum>} : vector<16xi1> -> vector<16xi32>
        %slice3A = vector.extract_strided_slice %all_reduce_population_count3A {offsets = [0], sizes = [1], strides = [1]} : vector<16xi32> to vector<1xi32>
        %squeeze3A = vector.extract %slice3A[0] : i32 from vector<1xi32>
        %add3A_142 = arith.addi %scan3A_124, %squeeze3A : i32
        %mul3A_143 = arith.constant 4 : i32
        %mul3A_144 = arith.muli %scan3A_123, %mul3A_143 : i32
        %add3A_145 = arith.constant 1 : i32
        %add3A_146 = arith.addi %mul3A_144, %add3A_145 : i32
        %mul3A_147 = arith.constant 16 : i32
        %mul3A_148 = arith.muli %add3A_146, %mul3A_147 : i32
        %get3A_149 = arith.index_cast %sub3A_34 : i32 to index
        %get3A_150 = arith.index_cast %mul3A_148 : i32 to index
        %get3A_151 = tpu.vector_load %arg5[%get3A_149, %get3A_150] {strides = array<i32>} : memref<8x8192xf32, #tpu.memory_space<vmem>>, vector<16xf32>,
        %ge3A_152 = arith.cmpf oge, %get3A_151, %bitcast_convert_type3A : vector<16xf32>
        %swap3A_153 = arith.index_cast %add3A_142 : i32 to index
        %swap3A_154 = tpu.vector_load %arg6[%swap3A_153] masked %ge3A_152 {strides = array<i32>} : memref<8208xf32, #tpu.memory_space<vmem>>, vector<16xf32>, vector<16xi1>
        tpu.vector_store %arg6[%swap3A_153], %get3A_151 masked %ge3A_152 {strides = array<i32>} : memref<8208xf32, #tpu.memory_space<vmem>>, vector<16xf32>, vector<16xi1>
        %mul3A_155 = arith.constant 16 : i32
        %mul3A_156 = arith.muli %add3A_146, %mul3A_155 : i32
        %add3A_157 = vector.broadcast %mul3A_156 : i32 to vector<16xi32>
        %add3A_158 = arith.addi %add3A_157, %iota3A : vector<16xi32>
        %swap3A_159 = arith.index_cast %add3A_142 : i32 to index
        %swap3A_160 = tpu.vector_load %arg7[%swap3A_159] masked %ge3A_152 {strides = array<i32>} : memref<8208xi32, #tpu.memory_space<vmem>>, vector<16xi32>, vector<16xi1>
        tpu.vector_store %arg7[%swap3A_159], %add3A_158 masked %ge3A_152 {strides = array<i32>} : memref<8208xi32, #tpu.memory_space<vmem>>, vector<16xi32>, vector<16xi1>
        %all_reduce_population_count3A_161 = tpu.all_reduce %ge3A_152 {dim = 0 : i64, kind = #tpu.reduction_kind<sum>} : vector<16xi1> -> vector<16xi32>
        %slice3A_162 = vector.extract_strided_slice %all_reduce_population_count3A_161 {offsets = [0], sizes = [1], strides = [1]} : vector<16xi32> to vector<1xi32>
        %squeeze3A_163 = vector.extract %slice3A_162[0] : i32 from vector<1xi32>
        %add3A_164 = arith.addi %add3A_142, %squeeze3A_163 : i32
        %mul3A_165 = arith.constant 4 : i32
        %mul3A_166 = arith.muli %scan3A_123, %mul3A_165 : i32
        %add3A_167 = arith.constant 2 : i32
        %add3A_168 = arith.addi %mul3A_166, %add3A_167 : i32
        %mul3A_169 = arith.constant 16 : i32
        %mul3A_170 = arith.muli %add3A_168, %mul3A_169 : i32
        %get3A_171 = arith.index_cast %sub3A_34 : i32 to index
        %get3A_172 = arith.index_cast %mul3A_170 : i32 to index
        %get3A_173 = tpu.vector_load %arg5[%get3A_171, %get3A_172] {strides = array<i32>} : memref<8x8192xf32, #tpu.memory_space<vmem>>, vector<16xf32>,
        %ge3A_174 = arith.cmpf oge, %get3A_173, %bitcast_convert_type3A : vector<16xf32>
        %swap3A_175 = arith.index_cast %add3A_164 : i32 to index
        %swap3A_176 = tpu.vector_load %arg6[%swap3A_175] masked %ge3A_174 {strides = array<i32>} : memref<8208xf32, #tpu.memory_space<vmem>>, vector<16xf32>, vector<16xi1>
        tpu.vector_store %arg6[%swap3A_175], %get3A_173 masked %ge3A_174 {strides = array<i32>} : memref<8208xf32, #tpu.memory_space<vmem>>, vector<16xf32>, vector<16xi1>
        %mul3A_177 = arith.constant 16 : i32
        %mul3A_178 = arith.muli %add3A_168, %mul3A_177 : i32
        %add3A_179 = vector.broadcast %mul3A_178 : i32 to vector<16xi32>
        %add3A_180 = arith.addi %add3A_179, %iota3A : vector<16xi32>
        %swap3A_181 = arith.index_cast %add3A_164 : i32 to index
        %swap3A_182 = tpu.vector_load %arg7[%swap3A_181] masked %ge3A_174 {strides = array<i32>} : memref<8208xi32, #tpu.memory_space<vmem>>, vector<16xi32>, vector<16xi1>
        tpu.vector_store %arg7[%swap3A_181], %add3A_180 masked %ge3A_174 {strides = array<i32>} : memref<8208xi32, #tpu.memory_space<vmem>>, vector<16xi32>, vector<16xi1>
        %all_reduce_population_count3A_183 = tpu.all_reduce %ge3A_174 {dim = 0 : i64, kind = #tpu.reduction_kind<sum>} : vector<16xi1> -> vector<16xi32>
        %slice3A_184 = vector.extract_strided_slice %all_reduce_population_count3A_183 {offsets = [0], sizes = [1], strides = [1]} : vector<16xi32> to vector<1xi32>
        %squeeze3A_185 = vector.extract %slice3A_184[0] : i32 from vector<1xi32>
        %add3A_186 = arith.addi %add3A_164, %squeeze3A_185 : i32
        %mul3A_187 = arith.constant 4 : i32
        %mul3A_188 = arith.muli %scan3A_123, %mul3A_187 : i32
        %add3A_189 = arith.constant 3 : i32
        %add3A_190 = arith.addi %mul3A_188, %add3A_189 : i32
        %mul3A_191 = arith.constant 16 : i32
        %mul3A_192 = arith.muli %add3A_190, %mul3A_191 : i32
        %get3A_193 = arith.index_cast %sub3A_34 : i32 to index
        %get3A_194 = arith.index_cast %mul3A_192 : i32 to index
        %get3A_195 = tpu.vector_load %arg5[%get3A_193, %get3A_194] {strides = array<i32>} : memref<8x8192xf32, #tpu.memory_space<vmem>>, vector<16xf32>,
        %ge3A_196 = arith.cmpf oge, %get3A_195, %bitcast_convert_type3A : vector<16xf32>
        %swap3A_197 = arith.index_cast %add3A_186 : i32 to index
        %swap3A_198 = tpu.vector_load %arg6[%swap3A_197] masked %ge3A_196 {strides = array<i32>} : memref<8208xf32, #tpu.memory_space<vmem>>, vector<16xf32>, vector<16xi1>
        tpu.vector_store %arg6[%swap3A_197], %get3A_195 masked %ge3A_196 {strides = array<i32>} : memref<8208xf32, #tpu.memory_space<vmem>>, vector<16xf32>, vector<16xi1>
        %mul3A_199 = arith.constant 16 : i32
        %mul3A_200 = arith.muli %add3A_190, %mul3A_199 : i32
        %add3A_201 = vector.broadcast %mul3A_200 : i32 to vector<16xi32>
        %add3A_202 = arith.addi %add3A_201, %iota3A : vector<16xi32>
        %swap3A_203 = arith.index_cast %add3A_186 : i32 to index
        %swap3A_204 = tpu.vector_load %arg7[%swap3A_203] masked %ge3A_196 {strides = array<i32>} : memref<8208xi32, #tpu.memory_space<vmem>>, vector<16xi32>, vector<16xi1>
        tpu.vector_store %arg7[%swap3A_203], %add3A_202 masked %ge3A_196 {strides = array<i32>} : memref<8208xi32, #tpu.memory_space<vmem>>, vector<16xi32>, vector<16xi1>
        %all_reduce_population_count3A_205 = tpu.all_reduce %ge3A_196 {dim = 0 : i64, kind = #tpu.reduction_kind<sum>} : vector<16xi1> -> vector<16xi32>
        %slice3A_206 = vector.extract_strided_slice %all_reduce_population_count3A_205 {offsets = [0], sizes = [1], strides = [1]} : vector<16xi32> to vector<1xi32>
        %squeeze3A_207 = vector.extract %slice3A_206[0] : i32 from vector<1xi32>
        %add3A_208 = arith.addi %add3A_186, %squeeze3A_207 : i32
        scf.yield %add3A_208 : i32
      }
      %scan3A_84 = arith.constant 128 : i32
      %swap3A = arith.index_cast %scan3A_83 : i32 to index
      %swap3A_85 = tpu.vector_load %arg6[%swap3A] {strides = array<i32>} : memref<8208xf32, #tpu.memory_space<vmem>>, vector<16xf32>,
      tpu.vector_store %arg6[%swap3A], %broadcast_in_dim3A_5 {strides = array<i32>} : memref<8208xf32, #tpu.memory_space<vmem>>, vector<16xf32>,
      %swap3A_86 = arith.index_cast %scan3A_83 : i32 to index
      %swap3A_87 = tpu.vector_load %arg7[%swap3A_86] {strides = array<i32>} : memref<8208xi32, #tpu.memory_space<vmem>>, vector<16xi32>,
      tpu.vector_store %arg7[%swap3A_86], %broadcast_in_dim3A_7 {strides = array<i32>} : memref<8208xi32, #tpu.memory_space<vmem>>, vector<16xi32>,
      %add3A_88 = arith.constant 15 : i32
      %add3A_89 = arith.addi %scan3A_83, %add3A_88 : i32
      %jit3A_90 = arith.constant 16 : i32
      %div3A_91 = arith.divsi %add3A_89, %jit3A_90 : i32
      %sign3A_92 = arith.constant 0 : i32
      %sign3A_93 = arith.cmpi sgt, %add3A_89, %sign3A_92 : i32
      %sign3A_94 = arith.extui %sign3A_93 : i1 to i32
      %sign3A_95 = arith.constant 0 : i32
      %sign3A_96 = arith.cmpi slt, %add3A_89, %sign3A_95 : i32
      %sign3A_97 = arith.extui %sign3A_96 : i1 to i32
      %sign3A_98 = arith.subi %sign3A_94, %sign3A_97 : i32
      %sign3A_99 = arith.constant 0 : i32
      %sign3A_100 = arith.cmpi sgt, %jit3A_90, %sign3A_99 : i32
      %sign3A_101 = arith.extui %sign3A_100 : i1 to i32
      %sign3A_102 = arith.constant 0 : i32
      %sign3A_103 = arith.cmpi slt, %jit3A_90, %sign3A_102 : i32
      %sign3A_104 = arith.extui %sign3A_103 : i1 to i32
      %sign3A_105 = arith.subi %sign3A_101, %sign3A_104 : i32
      %ne3A_106 = arith.cmpi ne, %sign3A_98, %sign3A_105 : i32
      %rem3A_107 = arith.remsi %add3A_89, %jit3A_90 : i32
      %ne3A_108 = arith.constant 0 : i32
      %ne3A_109 = arith.cmpi ne, %rem3A_107, %ne3A_108 : i32
      %and3A_110 = arith.andi %ne3A_106, %ne3A_109 : i1
      %sub3A_111 = arith.constant 1 : i32
      %sub3A_112 = arith.subi %div3A_91, %sub3A_111 : i32
      %select_n3A_113 = arith.select %and3A_110, %sub3A_112, %div3A_91 : i32
      %scan3A_114 = arith.constant 0x7F800000 : f32
      %scan3A_115 = arith.constant -1 : i32
      %scan3A_116 = arith.constant 0 : i32
      %scan3A_117 = arith.constant 16 : i32
      %scan3A_118 = arith.addi %scan3A_116, %scan3A_117 : i32
      %scan3A_119 = arith.constant 1 : i32
      %scan3A_120:2 = scf.for %scan3A_123 = %scan3A_116 to %scan3A_118 step %scan3A_119 iter_args(%scan3A_124 = %scan3A_114, %scan3A_125 = %scan3A_115) -> (f32, i32)  : i32 {
        %while3A = arith.constant 0 : i32
        %while3A_126 = arith.subi %select_n3A_113, %while3A : i32
        %while3A_127 = arith.addi %while3A, %while3A_126 : i32
        %while3A_128 = arith.constant 1 : i32
        %while3A_129 = arith.divsi %while3A_126, %while3A_128 : i32
        %while3A_130 = arith.muli %while3A_129, %while3A_128 : i32
        %while3A_131 = arith.addi %while3A, %while3A_130 : i32
        %while3A_132 = arith.constant 1 : i32
        %while3A_133:2 = scf.for %while3A_166 = %while3A to %while3A_131 step %while3A_132 iter_args(%while3A_167 = %broadcast_in_dim3A_5, %while3A_168 = %broadcast_in_dim3A_7) -> (vector<16xf32>, vector<16xi32>)  : i32 {
          %mul3A_169 = arith.constant 16 : i32
          %mul3A_170 = arith.muli %while3A_166, %mul3A_169 : i32
          %get3A_171 = arith.index_cast %mul3A_170 : i32 to index
          %get3A_172 = tpu.vector_load %arg6[%get3A_171] {strides = array<i32>} : memref<8208xf32, #tpu.memory_space<vmem>>, vector<16xf32>,
          %mul3A_173 = arith.constant 16 : i32
          %mul3A_174 = arith.muli %while3A_166, %mul3A_173 : i32
          %get3A_175 = arith.index_cast %mul3A_174 : i32 to index
          %get3A_176 = tpu.vector_load %arg7[%get3A_175] {strides = array<i32>} : memref<8208xi32, #tpu.memory_space<vmem>>, vector<16xi32>,
          %lt3A = vector.broadcast %scan3A_124 : f32 to vector<16xf32>
          %lt3A_177 = arith.cmpf olt, %get3A_172, %lt3A : vector<16xf32>
          %eq3A_178 = vector.broadcast %scan3A_124 : f32 to vector<16xf32>
          %eq3A_179 = arith.cmpf oeq, %get3A_172, %eq3A_178 : vector<16xf32>
          %gt3A = vector.broadcast %scan3A_125 : i32 to vector<16xi32>
          %gt3A_180 = arith.cmpi sgt, %get3A_176, %gt3A : vector<16xi32>
          %and3A_181 = arith.andi %eq3A_179, %gt3A_180 : vector<16xi1>
          %or3A = arith.ori %lt3A_177, %and3A_181 : vector<16xi1>
          %jit3A_182 = arith.constant 0xFF800000 : f32
          %broadcast_in_dim3A_183 = vector.broadcast %jit3A_182 : f32 to vector<16xf32>
          %select_n3A_184 = arith.select %or3A, %get3A_172, %broadcast_in_dim3A_183 : vector<16xi1>, vector<16xf32>
          %gt3A_185 = arith.cmpf ogt, %select_n3A_184, %while3A_167 : vector<16xf32>
          %eq3A_186 = arith.cmpf oeq, %select_n3A_184, %while3A_167 : vector<16xf32>
          %lt3A_187 = arith.cmpi slt, %get3A_176, %while3A_168 : vector<16xi32>
          %and3A_188 = arith.andi %eq3A_186, %lt3A_187 : vector<16xi1>
          %or3A_189 = arith.ori %gt3A_185, %and3A_188 : vector<16xi1>
          %select_n3A_190 = arith.select %or3A_189, %select_n3A_184, %while3A_167 : vector<16xi1>, vector<16xf32>
          %select_n3A_191 = arith.select %or3A_189, %get3A_176, %while3A_168 : vector<16xi1>, vector<16xi32>
          scf.yield %select_n3A_190, %select_n3A_191 : vector<16xf32>, vector<16xi32>
        }
        %while3A_134 = arith.constant 1 : i32
        %while3A_135:2 = scf.for %while3A_166 = %while3A_131 to %while3A_127 step %while3A_134 iter_args(%while3A_167 = %while3A_133#0, %while3A_168 = %while3A_133#1) -> (vector<16xf32>, vector<16xi32>)  : i32 {
          %mul3A_169 = arith.constant 16 : i32
          %mul3A_170 = arith.muli %while3A_166, %mul3A_169 : i32
          %get3A_171 = arith.index_cast %mul3A_170 : i32 to index
          %get3A_172 = tpu.vector_load %arg6[%get3A_171] {strides = array<i32>} : memref<8208xf32, #tpu.memory_space<vmem>>, vector<16xf32>,
          %mul3A_173 = arith.constant 16 : i32
          %mul3A_174 = arith.muli %while3A_166, %mul3A_173 : i32
          %get3A_175 = arith.index_cast %mul3A_174 : i32 to index
          %get3A_176 = tpu.vector_load %arg7[%get3A_175] {strides = array<i32>} : memref<8208xi32, #tpu.memory_space<vmem>>, vector<16xi32>,
          %lt3A = vector.broadcast %scan3A_124 : f32 to vector<16xf32>
          %lt3A_177 = arith.cmpf olt, %get3A_172, %lt3A : vector<16xf32>
          %eq3A_178 = vector.broadcast %scan3A_124 : f32 to vector<16xf32>
          %eq3A_179 = arith.cmpf oeq, %get3A_172, %eq3A_178 : vector<16xf32>
          %gt3A = vector.broadcast %scan3A_125 : i32 to vector<16xi32>
          %gt3A_180 = arith.cmpi sgt, %get3A_176, %gt3A : vector<16xi32>
          %and3A_181 = arith.andi %eq3A_179, %gt3A_180 : vector<16xi1>
          %or3A = arith.ori %lt3A_177, %and3A_181 : vector<16xi1>
          %jit3A_182 = arith.constant 0xFF800000 : f32
          %broadcast_in_dim3A_183 = vector.broadcast %jit3A_182 : f32 to vector<16xf32>
          %select_n3A_184 = arith.select %or3A, %get3A_172, %broadcast_in_dim3A_183 : vector<16xi1>, vector<16xf32>
          %gt3A_185 = arith.cmpf ogt, %select_n3A_184, %while3A_167 : vector<16xf32>
          %eq3A_186 = arith.cmpf oeq, %select_n3A_184, %while3A_167 : vector<16xf32>
          %lt3A_187 = arith.cmpi slt, %get3A_176, %while3A_168 : vector<16xi32>
          %and3A_188 = arith.andi %eq3A_186, %lt3A_187 : vector<16xi1>
          %or3A_189 = arith.ori %gt3A_185, %and3A_188 : vector<16xi1>
          %select_n3A_190 = arith.select %or3A_189, %select_n3A_184, %while3A_167 : vector<16xi1>, vector<16xf32>
          %select_n3A_191 = arith.select %or3A_189, %get3A_176, %while3A_168 : vector<16xi1>, vector<16xi32>
          scf.yield %select_n3A_190, %select_n3A_191 : vector<16xf32>, vector<16xi32>
        }
        %reduce_max3A = arith.constant true
        %reduce_max3A_136 = vector.broadcast %reduce_max3A : i1 to vector<16xi1>
        %reduce_max3A_137 = tpu.scan <max>, %while3A_135#0 masked %reduce_max3A_136 : vector<16xf32>, vector<16xi1> -> vector<16xf32>
        %reduce_max3A_138 = vector.extract %reduce_max3A_137[15] : f32 from vector<16xf32>
        %eq3A_139 = vector.broadcast %reduce_max3A_138 : f32 to vector<16xf32>
        %eq3A_140 = arith.cmpf oeq, %while3A_135#0, %eq3A_139 : vector<16xf32>
        %jit3A_141 = arith.constant 8192 : i32
        %broadcast_in_dim3A_142 = vector.broadcast %jit3A_141 : i32 to vector<16xi32>
        %select_n3A_143 = arith.select %eq3A_140, %while3A_135#1, %broadcast_in_dim3A_142 : vector<16xi1>, vector<16xi32>
        %reduce_min3A = arith.constant true
        %reduce_min3A_144 = vector.broadcast %reduce_min3A : i1 to vector<16xi1>
        %reduce_min3A_145 = arith.constant -2147483648 : i32
        %reduce_min3A_146 = vector.broadcast %reduce_min3A_145 : i32 to vector<16xi32>
        %reduce_min3A_147 = arith.xori %select_n3A_143, %reduce_min3A_146 : vector<16xi32>
        %reduce_min3A_148 = tpu.scan <min>, %reduce_min3A_147 masked %reduce_min3A_144 : vector<16xi32>, vector<16xi1> -> vector<16xi32>
        %reduce_min3A_149 = arith.xori %reduce_min3A_148, %reduce_min3A_146 : vector<16xi32>
        %reduce_min3A_150 = vector.extract %reduce_min3A_149[15] : i32 from vector<16xi32>
        %eq3A_151 = vector.broadcast %scan3A_123 : i32 to vector<16xi32>
        %eq3A_152 = arith.cmpi eq, %iota3A, %eq3A_151 : vector<16xi32>
        %get3A = arith.constant 0 : index
        %get3A_153 = tpu.vector_load %arg10[%get3A] {strides = array<i32>} : memref<16xf32, #tpu.memory_space<vmem>>, vector<16xf32>,
        %broadcast_in_dim3A_154 = vector.broadcast %reduce_max3A_138 : f32 to vector<16xf32>
        %select_n3A_155 = arith.select %eq3A_152, %broadcast_in_dim3A_154, %get3A_153 : vector<16xi1>, vector<16xf32>
        %swap3A_156 = arith.constant 0 : index
        %swap3A_157 = tpu.vector_load %arg10[%swap3A_156] {strides = array<i32>} : memref<16xf32, #tpu.memory_space<vmem>>, vector<16xf32>,
        tpu.vector_store %arg10[%swap3A_156], %select_n3A_155 {strides = array<i32>} : memref<16xf32, #tpu.memory_space<vmem>>, vector<16xf32>,
        %eq3A_158 = vector.broadcast %scan3A_123 : i32 to vector<16xi32>
        %eq3A_159 = arith.cmpi eq, %iota3A, %eq3A_158 : vector<16xi32>
        %get3A_160 = arith.constant 0 : index
        %get3A_161 = tpu.vector_load %arg11[%get3A_160] {strides = array<i32>} : memref<16xi32, #tpu.memory_space<vmem>>, vector<16xi32>,
        %broadcast_in_dim3A_162 = vector.broadcast %reduce_min3A_150 : i32 to vector<16xi32>
        %select_n3A_163 = arith.select %eq3A_159, %broadcast_in_dim3A_162, %get3A_161 : vector<16xi1>, vector<16xi32>
        %swap3A_164 = arith.constant 0 : index
        %swap3A_165 = tpu.vector_load %arg11[%swap3A_164] {strides = array<i32>} : memref<16xi32, #tpu.memory_space<vmem>>, vector<16xi32>,
        tpu.vector_store %arg11[%swap3A_164], %select_n3A_163 {strides = array<i32>} : memref<16xi32, #tpu.memory_space<vmem>>, vector<16xi32>,
        scf.yield %reduce_max3A_138, %reduce_min3A_150 : f32, i32
      }
      %scan3A_121 = arith.constant 16 : i32
      "tpu.region"() ({
        %run_scoped3A = tpu.sem_alloc : memref<!tpu.dma_semaphore, #tpu.memory_space<semaphore_mem>>
        %dma_start3A = arith.constant 0 : i32
        %dma_start3A_123 = tpu.memref_slice %arg3[%add3A_39, %dma_start3A] : memref<512x16xi32, #tpu.memory_space<hbm>> -> memref<1x16xi32, #tpu.memory_space<hbm>>
        %dma_start3A_124 = tpu.memref_squeeze %dma_start3A_123 : memref<1x16xi32, #tpu.memory_space<hbm>> -> memref<16xi32, #tpu.memory_space<hbm>>
        %dma_start3A_125 = arith.constant 0 : i32
        %dma_start3A_126 = tpu.memref_slice %arg3[%add3A_39, %dma_start3A_125] : memref<512x16xi32, #tpu.memory_space<hbm>> -> memref<1x16xi32, #tpu.memory_space<hbm>>
        %dma_start3A_127 = tpu.memref_squeeze %dma_start3A_126 : memref<1x16xi32, #tpu.memory_space<hbm>> -> memref<16xi32, #tpu.memory_space<hbm>>
        tpu.enqueue_dma source(%arg11 : memref<16xi32, #tpu.memory_space<vmem>>) target(%dma_start3A_127 : memref<16xi32, #tpu.memory_space<hbm>>) target_semaphore(%run_scoped3A : memref<!tpu.dma_semaphore, #tpu.memory_space<semaphore_mem>>)
        %dma_wait3A = arith.constant 0 : i32
        %dma_wait3A_128 = tpu.memref_slice %arg3[%add3A_39, %dma_wait3A] : memref<512x16xi32, #tpu.memory_space<hbm>> -> memref<1x16xi32, #tpu.memory_space<hbm>>
        %dma_wait3A_129 = tpu.memref_squeeze %dma_wait3A_128 : memref<1x16xi32, #tpu.memory_space<hbm>> -> memref<16xi32, #tpu.memory_space<hbm>>
        %dma_wait3A_130 = arith.constant 0 : i32
        %dma_wait3A_131 = tpu.memref_slice %arg3[%add3A_39, %dma_wait3A_130] : memref<512x16xi32, #tpu.memory_space<hbm>> -> memref<1x16xi32, #tpu.memory_space<hbm>>
        %dma_wait3A_132 = tpu.memref_squeeze %dma_wait3A_131 : memref<1x16xi32, #tpu.memory_space<hbm>> -> memref<16xi32, #tpu.memory_space<hbm>>
        tpu.wait_dma2 semaphore(%run_scoped3A : memref<!tpu.dma_semaphore, #tpu.memory_space<semaphore_mem>>) src(%arg11 : memref<16xi32, #tpu.memory_space<vmem>>) dst(%dma_wait3A_132 : memref<16xi32, #tpu.memory_space<hbm>>)
        tpu.yield
      }) : () -> ()
      "tpu.region"() ({
        %run_scoped3A = tpu.sem_alloc : memref<!tpu.dma_semaphore, #tpu.memory_space<semaphore_mem>>
        %dma_start3A = arith.constant 0 : i32
        %dma_start3A_123 = tpu.memref_slice %arg4[%add3A_39, %dma_start3A] : memref<512x16xf32, #tpu.memory_space<hbm>> -> memref<1x16xf32, #tpu.memory_space<hbm>>
        %dma_start3A_124 = tpu.memref_squeeze %dma_start3A_123 : memref<1x16xf32, #tpu.memory_space<hbm>> -> memref<16xf32, #tpu.memory_space<hbm>>
        %dma_start3A_125 = arith.constant 0 : i32
        %dma_start3A_126 = tpu.memref_slice %arg4[%add3A_39, %dma_start3A_125] : memref<512x16xf32, #tpu.memory_space<hbm>> -> memref<1x16xf32, #tpu.memory_space<hbm>>
        %dma_start3A_127 = tpu.memref_squeeze %dma_start3A_126 : memref<1x16xf32, #tpu.memory_space<hbm>> -> memref<16xf32, #tpu.memory_space<hbm>>
        tpu.enqueue_dma source(%arg10 : memref<16xf32, #tpu.memory_space<vmem>>) target(%dma_start3A_127 : memref<16xf32, #tpu.memory_space<hbm>>) target_semaphore(%run_scoped3A : memref<!tpu.dma_semaphore, #tpu.memory_space<semaphore_mem>>)
        %dma_wait3A = arith.constant 0 : i32
        %dma_wait3A_128 = tpu.memref_slice %arg4[%add3A_39, %dma_wait3A] : memref<512x16xf32, #tpu.memory_space<hbm>> -> memref<1x16xf32, #tpu.memory_space<hbm>>
        %dma_wait3A_129 = tpu.memref_squeeze %dma_wait3A_128 : memref<1x16xf32, #tpu.memory_space<hbm>> -> memref<16xf32, #tpu.memory_space<hbm>>
        %dma_wait3A_130 = arith.constant 0 : i32
        %dma_wait3A_131 = tpu.memref_slice %arg4[%add3A_39, %dma_wait3A_130] : memref<512x16xf32, #tpu.memory_space<hbm>> -> memref<1x16xf32, #tpu.memory_space<hbm>>
        %dma_wait3A_132 = tpu.memref_squeeze %dma_wait3A_131 : memref<1x16xf32, #tpu.memory_space<hbm>> -> memref<16xf32, #tpu.memory_space<hbm>>
        tpu.wait_dma2 semaphore(%run_scoped3A : memref<!tpu.dma_semaphore, #tpu.memory_space<semaphore_mem>>) src(%arg10 : memref<16xf32, #tpu.memory_space<vmem>>) dst(%dma_wait3A_132 : memref<16xf32, #tpu.memory_space<hbm>>)
        tpu.yield
      }) : () -> ()
      %scan3A_122 = arith.constant 0 : i32
      scf.yield %scan3A_122 : i32
    }
    %scan3A_13 = arith.constant 16 : i32
    return
  }
}

#map = affine_map<(d0, d1) -> (0, 0)>
module attributes {stable_mosaic.version = 14 : i64} {
  func.func @_sc_topk(%arg0: i32, %arg1: i32, %arg2: memref<512x8192xf32, #tpu.memory_space<hbm>>, %arg3: memref<512x16xi32, #tpu.memory_space<hbm>>, %arg4: memref<512x16xf32, #tpu.memory_space<hbm>>, %arg5: memref<8x8192xf32, #tpu.memory_space<vmem>>, %arg6: memref<8208xf32, #tpu.memory_space<vmem>>, %arg7: memref<8208xi32, #tpu.memory_space<vmem>>, %arg8: memref<4096xi32, #tpu.memory_space<vmem>>, %arg9: memref<256xi32, #tpu.memory_space<vmem>>, %arg10: memref<16xf32, #tpu.memory_space<vmem>>, %arg11: memref<16xi32, #tpu.memory_space<vmem>>) attributes {dimension_semantics = [#tpu.dimension_semantics<core_parallel>, #tpu.dimension_semantics<subcore_parallel>], iteration_bounds = array<i64: 2, 16>, scalar_prefetch = 0 : i64, scratch_operands = 7 : i64, tpu.core_type = #tpu.core_type<sc_vector_subcore>, window_params = [{transform_indices = #map}, {transform_indices = #map}, {transform_indices = #map}]} {
    %mul3A = arith.constant 2 : i32
    %mul3A_0 = arith.muli %arg1, %mul3A : i32
    %add3A = arith.addi %mul3A_0, %arg0 : i32
    %iota3A = tpu.iota {dimensions = array<i32: 0>} : vector<16xi32>
    %broadcast_in_dim3A = arith.constant 0 : i32
    %broadcast_in_dim3A_1 = vector.broadcast %broadcast_in_dim3A : i32 to vector<16xi32>
    %broadcast_in_dim3A_2 = arith.constant 1 : i32
    %broadcast_in_dim3A_3 = vector.broadcast %broadcast_in_dim3A_2 : i32 to vector<16xi32>
    %broadcast_in_dim3A_4 = arith.constant 0xFF800000 : f32
    %broadcast_in_dim3A_5 = vector.broadcast %broadcast_in_dim3A_4 : f32 to vector<16xf32>
    %broadcast_in_dim3A_6 = arith.constant 8192 : i32
    %broadcast_in_dim3A_7 = vector.broadcast %broadcast_in_dim3A_6 : i32 to vector<16xi32>
    %scan3A = arith.constant 0 : i32
    %scan3A_8 = arith.constant 0 : i32
    %scan3A_9 = arith.constant 16 : i32
    %scan3A_10 = arith.addi %scan3A_8, %scan3A_9 : i32
    %scan3A_11 = arith.constant 1 : i32
    %scan3A_12 = scf.for %scan3A_14 = %scan3A_8 to %scan3A_10 step %scan3A_11 iter_args(%scan3A_15 = %scan3A) -> (i32)  : i32 {
      %jit3A = arith.constant 8 : i32
      %div3A = arith.divsi %scan3A_14, %jit3A : i32
      %sign3A = arith.constant 0 : i32
      %sign3A_16 = arith.cmpi sgt, %scan3A_14, %sign3A : i32
      %sign3A_17 = arith.extui %sign3A_16 : i1 to i32
      %sign3A_18 = arith.constant 0 : i32
      %sign3A_19 = arith.cmpi slt, %scan3A_14, %sign3A_18 : i32
      %sign3A_20 = arith.extui %sign3A_19 : i1 to i32
      %sign3A_21 = arith.subi %sign3A_17, %sign3A_20 : i32
      %sign3A_22 = arith.constant 0 : i32
      %sign3A_23 = arith.cmpi sgt, %jit3A, %sign3A_22 : i32
      %sign3A_24 = arith.extui %sign3A_23 : i1 to i32
      %sign3A_25 = arith.constant 0 : i32
      %sign3A_26 = arith.cmpi slt, %jit3A, %sign3A_25 : i32
      %sign3A_27 = arith.extui %sign3A_26 : i1 to i32
      %sign3A_28 = arith.subi %sign3A_24, %sign3A_27 : i32
      %ne3A = arith.cmpi ne, %sign3A_21, %sign3A_28 : i32
      %rem3A = arith.remsi %scan3A_14, %jit3A : i32
      %ne3A_29 = arith.constant 0 : i32
      %ne3A_30 = arith.cmpi ne, %rem3A, %ne3A_29 : i32
      %and3A = arith.andi %ne3A, %ne3A_30 : i1
      %sub3A = arith.constant 1 : i32
      %sub3A_31 = arith.subi %div3A, %sub3A : i32
      %select_n3A = arith.select %and3A, %sub3A_31, %div3A : i32
      %mul3A_32 = arith.constant 8 : i32
      %mul3A_33 = arith.muli %select_n3A, %mul3A_32 : i32
      %sub3A_34 = arith.subi %scan3A_14, %mul3A_33 : i32
      %eq3A = arith.constant 0 : i32
      %eq3A_35 = arith.cmpi eq, %sub3A_34, %eq3A : i32
      %convert_element_type3A = arith.extui %eq3A_35 : i1 to i32
      %cond3A = arith.constant 0 : i32
      %cond3A_36 = arith.cmpi ne, %convert_element_type3A, %cond3A : i32
      scf.if %cond3A_36 {
        %mul3A_123 = arith.constant 16 : i32
        %mul3A_124 = arith.muli %add3A, %mul3A_123 : i32
        %mul3A_125 = arith.constant 8 : i32
        %mul3A_126 = arith.muli %select_n3A, %mul3A_125 : i32
        %add3A_127 = arith.addi %mul3A_124, %mul3A_126 : i32
        "tpu.region"() ({
          %run_scoped3A = tpu.sem_alloc : memref<!tpu.dma_semaphore, #tpu.memory_space<semaphore_mem>>
          %dma_start3A = arith.constant 0 : i32
          %dma_start3A_128 = tpu.memref_slice %arg2[%add3A_127, %dma_start3A] : memref<512x8192xf32, #tpu.memory_space<hbm>> -> memref<8x8192xf32, #tpu.memory_space<hbm>>
          %dma_start3A_129 = arith.constant 0 : i32
          %dma_start3A_130 = tpu.memref_slice %arg2[%add3A_127, %dma_start3A_129] : memref<512x8192xf32, #tpu.memory_space<hbm>> -> memref<8x8192xf32, #tpu.memory_space<hbm>>
          tpu.enqueue_dma source(%dma_start3A_130 : memref<8x8192xf32, #tpu.memory_space<hbm>>) target(%arg5 : memref<8x8192xf32, #tpu.memory_space<vmem>>) target_semaphore(%run_scoped3A : memref<!tpu.dma_semaphore, #tpu.memory_space<semaphore_mem>>)
          %dma_wait3A = arith.constant 0 : i32
          %dma_wait3A_131 = tpu.memref_slice %arg2[%add3A_127, %dma_wait3A] : memref<512x8192xf32, #tpu.memory_space<hbm>> -> memref<8x8192xf32, #tpu.memory_space<hbm>>
          %dma_wait3A_132 = arith.constant 0 : i32
          %dma_wait3A_133 = tpu.memref_slice %arg2[%add3A_127, %dma_wait3A_132] : memref<512x8192xf32, #tpu.memory_space<hbm>> -> memref<8x8192xf32, #tpu.memory_space<hbm>>
          tpu.wait_dma2 semaphore(%run_scoped3A : memref<!tpu.dma_semaphore, #tpu.memory_space<semaphore_mem>>) src(%dma_wait3A_133 : memref<8x8192xf32, #tpu.memory_space<hbm>>) dst(%arg5 : memref<8x8192xf32, #tpu.memory_space<vmem>>)
          tpu.yield
        }) : () -> ()
      } else {
      }
      %mul3A_37 = arith.constant 16 : i32
      %mul3A_38 = arith.muli %add3A, %mul3A_37 : i32
      %add3A_39 = arith.addi %mul3A_38, %scan3A_14 : i32
      %scan3A_40 = arith.constant 0 : i32
      %scan3A_41 = arith.constant 0 : i32
      %scan3A_42 = arith.constant 64 : i32
      %scan3A_43 = arith.addi %scan3A_41, %scan3A_42 : i32
      %scan3A_44 = arith.constant 1 : i32
      %scan3A_45 = scf.for %scan3A_123 = %scan3A_41 to %scan3A_43 step %scan3A_44 iter_args(%scan3A_124 = %scan3A_40) -> (i32)  : i32 {
        %mul3A_125 = arith.constant 4 : i32
        %mul3A_126 = arith.muli %scan3A_123, %mul3A_125 : i32
        %add3A_127 = arith.constant 0 : i32
        %add3A_128 = arith.addi %mul3A_126, %add3A_127 : i32
        %mul3A_129 = arith.constant 16 : i32
        %mul3A_130 = arith.muli %add3A_128, %mul3A_129 : i32
        %swap3A_131 = arith.index_cast %mul3A_130 : i32 to index
        %swap3A_132 = tpu.vector_load %arg8[%swap3A_131] {strides = array<i32>} : memref<4096xi32, #tpu.memory_space<vmem>>, vector<16xi32>,
        tpu.vector_store %arg8[%swap3A_131], %broadcast_in_dim3A_1 {strides = array<i32>} : memref<4096xi32, #tpu.memory_space<vmem>>, vector<16xi32>,
        %mul3A_133 = arith.constant 4 : i32
        %mul3A_134 = arith.muli %scan3A_123, %mul3A_133 : i32
        %add3A_135 = arith.constant 1 : i32
        %add3A_136 = arith.addi %mul3A_134, %add3A_135 : i32
        %mul3A_137 = arith.constant 16 : i32
        %mul3A_138 = arith.muli %add3A_136, %mul3A_137 : i32
        %swap3A_139 = arith.index_cast %mul3A_138 : i32 to index
        %swap3A_140 = tpu.vector_load %arg8[%swap3A_139] {strides = array<i32>} : memref<4096xi32, #tpu.memory_space<vmem>>, vector<16xi32>,
        tpu.vector_store %arg8[%swap3A_139], %broadcast_in_dim3A_1 {strides = array<i32>} : memref<4096xi32, #tpu.memory_space<vmem>>, vector<16xi32>,
        %mul3A_141 = arith.constant 4 : i32
        %mul3A_142 = arith.muli %scan3A_123, %mul3A_141 : i32
        %add3A_143 = arith.constant 2 : i32
        %add3A_144 = arith.addi %mul3A_142, %add3A_143 : i32
        %mul3A_145 = arith.constant 16 : i32
        %mul3A_146 = arith.muli %add3A_144, %mul3A_145 : i32
        %swap3A_147 = arith.index_cast %mul3A_146 : i32 to index
        %swap3A_148 = tpu.vector_load %arg8[%swap3A_147] {strides = array<i32>} : memref<4096xi32, #tpu.memory_space<vmem>>, vector<16xi32>,
        tpu.vector_store %arg8[%swap3A_147], %broadcast_in_dim3A_1 {strides = array<i32>} : memref<4096xi32, #tpu.memory_space<vmem>>, vector<16xi32>,
        %mul3A_149 = arith.constant 4 : i32
        %mul3A_150 = arith.muli %scan3A_123, %mul3A_149 : i32
        %add3A_151 = arith.constant 3 : i32
        %add3A_152 = arith.addi %mul3A_150, %add3A_151 : i32
        %mul3A_153 = arith.constant 16 : i32
        %mul3A_154 = arith.muli %add3A_152, %mul3A_153 : i32
        %swap3A_155 = arith.index_cast %mul3A_154 : i32 to index
        %swap3A_156 = tpu.vector_load %arg8[%swap3A_155] {strides = array<i32>} : memref<4096xi32, #tpu.memory_space<vmem>>, vector<16xi32>,
        tpu.vector_store %arg8[%swap3A_155], %broadcast_in_dim3A_1 {strides = array<i32>} : memref<4096xi32, #tpu.memory_space<vmem>>, vector<16xi32>,
        %scan3A_157 = arith.constant 0 : i32
        scf.yield %scan3A_157 : i32
      }
      %scan3A_46 = arith.constant 64 : i32
      %scan3A_47 = arith.constant 0 : i32
      %scan3A_48 = arith.constant 0 : i32
      %scan3A_49 = arith.constant 128 : i32
      %scan3A_50 = arith.addi %scan3A_48, %scan3A_49 : i32
      %scan3A_51 = arith.constant 1 : i32
      %scan3A_52 = scf.for %scan3A_123 = %scan3A_48 to %scan3A_50 step %scan3A_51 iter_args(%scan3A_124 = %scan3A_47) -> (i32)  : i32 {
        %mul3A_125 = arith.constant 4 : i32
        %mul3A_126 = arith.muli %scan3A_123, %mul3A_125 : i32
        %add3A_127 = arith.constant 0 : i32
        %add3A_128 = arith.addi %mul3A_126, %add3A_127 : i32
        %mul3A_129 = arith.constant 16 : i32
        %mul3A_130 = arith.muli %add3A_128, %mul3A_129 : i32
        %get3A = arith.index_cast %sub3A_34 : i32 to index
        %get3A_131 = arith.index_cast %mul3A_130 : i32 to index
        %get3A_132 = tpu.vector_load %arg5[%get3A, %get3A_131] {strides = array<i32>} : memref<8x8192xf32, #tpu.memory_space<vmem>>, vector<16xf32>,
        %mul3A_133 = arith.constant 256 : i32
        %mul3A_134 = vector.broadcast %mul3A_133 : i32 to vector<16xi32>
        %mul3A_135 = arith.muli %iota3A, %mul3A_134 : vector<16xi32>
        %bitcast_convert_type3A_136 = tpu.bitcast %get3A_132 : vector<16xf32> -> vector<16xi32>
        %lt3A = arith.constant 0.000000e+00 : f32
        %lt3A_137 = vector.broadcast %lt3A : f32 to vector<16xf32>
        %lt3A_138 = arith.cmpf olt, %get3A_132, %lt3A_137 : vector<16xf32>
        %not3A_139 = arith.constant dense<-1> : vector<16xi32>
        %not3A_140 = arith.xori %bitcast_convert_type3A_136, %not3A_139 : vector<16xi32>
        %xor3A_141 = arith.constant -2147483648 : i32
        %xor3A_142 = vector.broadcast %xor3A_141 : i32 to vector<16xi32>
        %xor3A_143 = arith.xori %bitcast_convert_type3A_136, %xor3A_142 : vector<16xi32>
        %select_n3A_144 = arith.select %lt3A_138, %not3A_140, %xor3A_143 : vector<16xi1>, vector<16xi32>
        %shift_right_logical3A = arith.constant 24 : i32
        %shift_right_logical3A_145 = vector.broadcast %shift_right_logical3A : i32 to vector<16xi32>
        %shift_right_logical3A_146 = arith.shrui %select_n3A_144, %shift_right_logical3A_145 : vector<16xi32>
        %add3A_147 = arith.addi %mul3A_135, %shift_right_logical3A_146 : vector<16xi32>
        tpu.vector_store_idx %arg8[%add3A_147], %broadcast_in_dim3A_3 {add = true} : memref<4096xi32, #tpu.memory_space<vmem>>[vector<16xi32>], vector<16xi32>,
        %mul3A_148 = arith.constant 4 : i32
        %mul3A_149 = arith.muli %scan3A_123, %mul3A_148 : i32
        %add3A_150 = arith.constant 1 : i32
        %add3A_151 = arith.addi %mul3A_149, %add3A_150 : i32
        %mul3A_152 = arith.constant 16 : i32
        %mul3A_153 = arith.muli %add3A_151, %mul3A_152 : i32
        %get3A_154 = arith.index_cast %sub3A_34 : i32 to index
        %get3A_155 = arith.index_cast %mul3A_153 : i32 to index
        %get3A_156 = tpu.vector_load %arg5[%get3A_154, %get3A_155] {strides = array<i32>} : memref<8x8192xf32, #tpu.memory_space<vmem>>, vector<16xf32>,
        %mul3A_157 = arith.constant 256 : i32
        %mul3A_158 = vector.broadcast %mul3A_157 : i32 to vector<16xi32>
        %mul3A_159 = arith.muli %iota3A, %mul3A_158 : vector<16xi32>
        %bitcast_convert_type3A_160 = tpu.bitcast %get3A_156 : vector<16xf32> -> vector<16xi32>
        %lt3A_161 = arith.constant 0.000000e+00 : f32
        %lt3A_162 = vector.broadcast %lt3A_161 : f32 to vector<16xf32>
        %lt3A_163 = arith.cmpf olt, %get3A_156, %lt3A_162 : vector<16xf32>
        %not3A_164 = arith.constant dense<-1> : vector<16xi32>
        %not3A_165 = arith.xori %bitcast_convert_type3A_160, %not3A_164 : vector<16xi32>
        %xor3A_166 = arith.constant -2147483648 : i32
        %xor3A_167 = vector.broadcast %xor3A_166 : i32 to vector<16xi32>
        %xor3A_168 = arith.xori %bitcast_convert_type3A_160, %xor3A_167 : vector<16xi32>
        %select_n3A_169 = arith.select %lt3A_163, %not3A_165, %xor3A_168 : vector<16xi1>, vector<16xi32>
        %shift_right_logical3A_170 = arith.constant 24 : i32
        %shift_right_logical3A_171 = vector.broadcast %shift_right_logical3A_170 : i32 to vector<16xi32>
        %shift_right_logical3A_172 = arith.shrui %select_n3A_169, %shift_right_logical3A_171 : vector<16xi32>
        %add3A_173 = arith.addi %mul3A_159, %shift_right_logical3A_172 : vector<16xi32>
        tpu.vector_store_idx %arg8[%add3A_173], %broadcast_in_dim3A_3 {add = true} : memref<4096xi32, #tpu.memory_space<vmem>>[vector<16xi32>], vector<16xi32>,
        %mul3A_174 = arith.constant 4 : i32
        %mul3A_175 = arith.muli %scan3A_123, %mul3A_174 : i32
        %add3A_176 = arith.constant 2 : i32
        %add3A_177 = arith.addi %mul3A_175, %add3A_176 : i32
        %mul3A_178 = arith.constant 16 : i32
        %mul3A_179 = arith.muli %add3A_177, %mul3A_178 : i32
        %get3A_180 = arith.index_cast %sub3A_34 : i32 to index
        %get3A_181 = arith.index_cast %mul3A_179 : i32 to index
        %get3A_182 = tpu.vector_load %arg5[%get3A_180, %get3A_181] {strides = array<i32>} : memref<8x8192xf32, #tpu.memory_space<vmem>>, vector<16xf32>,
        %mul3A_183 = arith.constant 256 : i32
        %mul3A_184 = vector.broadcast %mul3A_183 : i32 to vector<16xi32>
        %mul3A_185 = arith.muli %iota3A, %mul3A_184 : vector<16xi32>
        %bitcast_convert_type3A_186 = tpu.bitcast %get3A_182 : vector<16xf32> -> vector<16xi32>
        %lt3A_187 = arith.constant 0.000000e+00 : f32
        %lt3A_188 = vector.broadcast %lt3A_187 : f32 to vector<16xf32>
        %lt3A_189 = arith.cmpf olt, %get3A_182, %lt3A_188 : vector<16xf32>
        %not3A_190 = arith.constant dense<-1> : vector<16xi32>
        %not3A_191 = arith.xori %bitcast_convert_type3A_186, %not3A_190 : vector<16xi32>
        %xor3A_192 = arith.constant -2147483648 : i32
        %xor3A_193 = vector.broadcast %xor3A_192 : i32 to vector<16xi32>
        %xor3A_194 = arith.xori %bitcast_convert_type3A_186, %xor3A_193 : vector<16xi32>
        %select_n3A_195 = arith.select %lt3A_189, %not3A_191, %xor3A_194 : vector<16xi1>, vector<16xi32>
        %shift_right_logical3A_196 = arith.constant 24 : i32
        %shift_right_logical3A_197 = vector.broadcast %shift_right_logical3A_196 : i32 to vector<16xi32>
        %shift_right_logical3A_198 = arith.shrui %select_n3A_195, %shift_right_logical3A_197 : vector<16xi32>
        %add3A_199 = arith.addi %mul3A_185, %shift_right_logical3A_198 : vector<16xi32>
        tpu.vector_store_idx %arg8[%add3A_199], %broadcast_in_dim3A_3 {add = true} : memref<4096xi32, #tpu.memory_space<vmem>>[vector<16xi32>], vector<16xi32>,
        %mul3A_200 = arith.constant 4 : i32
        %mul3A_201 = arith.muli %scan3A_123, %mul3A_200 : i32
        %add3A_202 = arith.constant 3 : i32
        %add3A_203 = arith.addi %mul3A_201, %add3A_202 : i32
        %mul3A_204 = arith.constant 16 : i32
        %mul3A_205 = arith.muli %add3A_203, %mul3A_204 : i32
        %get3A_206 = arith.index_cast %sub3A_34 : i32 to index
        %get3A_207 = arith.index_cast %mul3A_205 : i32 to index
        %get3A_208 = tpu.vector_load %arg5[%get3A_206, %get3A_207] {strides = array<i32>} : memref<8x8192xf32, #tpu.memory_space<vmem>>, vector<16xf32>,
        %mul3A_209 = arith.constant 256 : i32
        %mul3A_210 = vector.broadcast %mul3A_209 : i32 to vector<16xi32>
        %mul3A_211 = arith.muli %iota3A, %mul3A_210 : vector<16xi32>
        %bitcast_convert_type3A_212 = tpu.bitcast %get3A_208 : vector<16xf32> -> vector<16xi32>
        %lt3A_213 = arith.constant 0.000000e+00 : f32
        %lt3A_214 = vector.broadcast %lt3A_213 : f32 to vector<16xf32>
        %lt3A_215 = arith.cmpf olt, %get3A_208, %lt3A_214 : vector<16xf32>
        %not3A_216 = arith.constant dense<-1> : vector<16xi32>
        %not3A_217 = arith.xori %bitcast_convert_type3A_212, %not3A_216 : vector<16xi32>
        %xor3A_218 = arith.constant -2147483648 : i32
        %xor3A_219 = vector.broadcast %xor3A_218 : i32 to vector<16xi32>
        %xor3A_220 = arith.xori %bitcast_convert_type3A_212, %xor3A_219 : vector<16xi32>
        %select_n3A_221 = arith.select %lt3A_215, %not3A_217, %xor3A_220 : vector<16xi1>, vector<16xi32>
        %shift_right_logical3A_222 = arith.constant 24 : i32
        %shift_right_logical3A_223 = vector.broadcast %shift_right_logical3A_222 : i32 to vector<16xi32>
        %shift_right_logical3A_224 = arith.shrui %select_n3A_221, %shift_right_logical3A_223 : vector<16xi32>
        %add3A_225 = arith.addi %mul3A_211, %shift_right_logical3A_224 : vector<16xi32>
        tpu.vector_store_idx %arg8[%add3A_225], %broadcast_in_dim3A_3 {add = true} : memref<4096xi32, #tpu.memory_space<vmem>>[vector<16xi32>], vector<16xi32>,
        %scan3A_226 = arith.constant 0 : i32
        scf.yield %scan3A_226 : i32
      }
      %scan3A_53 = arith.constant 128 : i32
      %scan3A_54 = arith.constant 0 : i32
      %scan3A_55 = arith.constant 0 : i32
      %scan3A_56 = arith.constant 16 : i32
      %scan3A_57 = arith.addi %scan3A_55, %scan3A_56 : i32
      %scan3A_58 = arith.constant 1 : i32
      %scan3A_59 = scf.for %scan3A_123 = %scan3A_55 to %scan3A_57 step %scan3A_58 iter_args(%scan3A_124 = %scan3A_54) -> (i32)  : i32 {
        %mul3A_125 = arith.constant 16 : i32
        %mul3A_126 = arith.muli %scan3A_123, %mul3A_125 : i32
        %add3A_127 = arith.constant 0 : i32
        %add3A_128 = arith.addi %add3A_127, %mul3A_126 : i32
        %get3A = arith.index_cast %add3A_128 : i32 to index
        %get3A_129 = tpu.vector_load %arg8[%get3A] {strides = array<i32>} : memref<4096xi32, #tpu.memory_space<vmem>>, vector<16xi32>,
        %add3A_130 = arith.addi %broadcast_in_dim3A_1, %get3A_129 : vector<16xi32>
        %mul3A_131 = arith.constant 16 : i32
        %mul3A_132 = arith.muli %scan3A_123, %mul3A_131 : i32
        %add3A_133 = arith.constant 256 : i32
        %add3A_134 = arith.addi %add3A_133, %mul3A_132 : i32
        %get3A_135 = arith.index_cast %add3A_134 : i32 to index
        %get3A_136 = tpu.vector_load %arg8[%get3A_135] {strides = array<i32>} : memref<4096xi32, #tpu.memory_space<vmem>>, vector<16xi32>,
        %add3A_137 = arith.addi %add3A_130, %get3A_136 : vector<16xi32>
        %mul3A_138 = arith.constant 16 : i32
        %mul3A_139 = arith.muli %scan3A_123, %mul3A_138 : i32
        %add3A_140 = arith.constant 512 : i32
        %add3A_141 = arith.addi %add3A_140, %mul3A_139 : i32
        %get3A_142 = arith.index_cast %add3A_141 : i32 to index
        %get3A_143 = tpu.vector_load %arg8[%get3A_142] {strides = array<i32>} : memref<4096xi32, #tpu.memory_space<vmem>>, vector<16xi32>,
        %add3A_144 = arith.addi %add3A_137, %get3A_143 : vector<16xi32>
        %mul3A_145 = arith.constant 16 : i32
        %mul3A_146 = arith.muli %scan3A_123, %mul3A_145 : i32
        %add3A_147 = arith.constant 768 : i32
        %add3A_148 = arith.addi %add3A_147, %mul3A_146 : i32
        %get3A_149 = arith.index_cast %add3A_148 : i32 to index
        %get3A_150 = tpu.vector_load %arg8[%get3A_149] {strides = array<i32>} : memref<4096xi32, #tpu.memory_space<vmem>>, vector<16xi32>,
        %add3A_151 = arith.addi %add3A_144, %get3A_150 : vector<16xi32>
        %mul3A_152 = arith.constant 16 : i32
        %mul3A_153 = arith.muli %scan3A_123, %mul3A_152 : i32
        %add3A_154 = arith.constant 1024 : i32
        %add3A_155 = arith.addi %add3A_154, %mul3A_153 : i32
        %get3A_156 = arith.index_cast %add3A_155 : i32 to index
        %get3A_157 = tpu.vector_load %arg8[%get3A_156] {strides = array<i32>} : memref<4096xi32, #tpu.memory_space<vmem>>, vector<16xi32>,
        %add3A_158 = arith.addi %add3A_151, %get3A_157 : vector<16xi32>
        %mul3A_159 = arith.constant 16 : i32
        %mul3A_160 = arith.muli %scan3A_123, %mul3A_159 : i32
        %add3A_161 = arith.constant 1280 : i32
        %add3A_162 = arith.addi %add3A_161, %mul3A_160 : i32
        %get3A_163 = arith.index_cast %add3A_162 : i32 to index
        %get3A_164 = tpu.vector_load %arg8[%get3A_163] {strides = array<i32>} : memref<4096xi32, #tpu.memory_space<vmem>>, vector<16xi32>,
        %add3A_165 = arith.addi %add3A_158, %get3A_164 : vector<16xi32>
        %mul3A_166 = arith.constant 16 : i32
        %mul3A_167 = arith.muli %scan3A_123, %mul3A_166 : i32
        %add3A_168 = arith.constant 1536 : i32
        %add3A_169 = arith.addi %add3A_168, %mul3A_167 : i32
        %get3A_170 = arith.index_cast %add3A_169 : i32 to index
        %get3A_171 = tpu.vector_load %arg8[%get3A_170] {strides = array<i32>} : memref<4096xi32, #tpu.memory_space<vmem>>, vector<16xi32>,
        %add3A_172 = arith.addi %add3A_165, %get3A_171 : vector<16xi32>
        %mul3A_173 = arith.constant 16 : i32
        %mul3A_174 = arith.muli %scan3A_123, %mul3A_173 : i32
        %add3A_175 = arith.constant 1792 : i32
        %add3A_176 = arith.addi %add3A_175, %mul3A_174 : i32
        %get3A_177 = arith.index_cast %add3A_176 : i32 to index
        %get3A_178 = tpu.vector_load %arg8[%get3A_177] {strides = array<i32>} : memref<4096xi32, #tpu.memory_space<vmem>>, vector<16xi32>,
        %add3A_179 = arith.addi %add3A_172, %get3A_178 : vector<16xi32>
        %mul3A_180 = arith.constant 16 : i32
        %mul3A_181 = arith.muli %scan3A_123, %mul3A_180 : i32
        %add3A_182 = arith.constant 2048 : i32
        %add3A_183 = arith.addi %add3A_182, %mul3A_181 : i32
        %get3A_184 = arith.index_cast %add3A_183 : i32 to index
        %get3A_185 = tpu.vector_load %arg8[%get3A_184] {strides = array<i32>} : memref<4096xi32, #tpu.memory_space<vmem>>, vector<16xi32>,
        %add3A_186 = arith.addi %add3A_179, %get3A_185 : vector<16xi32>
        %mul3A_187 = arith.constant 16 : i32
        %mul3A_188 = arith.muli %scan3A_123, %mul3A_187 : i32
        %add3A_189 = arith.constant 2304 : i32
        %add3A_190 = arith.addi %add3A_189, %mul3A_188 : i32
        %get3A_191 = arith.index_cast %add3A_190 : i32 to index
        %get3A_192 = tpu.vector_load %arg8[%get3A_191] {strides = array<i32>} : memref<4096xi32, #tpu.memory_space<vmem>>, vector<16xi32>,
        %add3A_193 = arith.addi %add3A_186, %get3A_192 : vector<16xi32>
        %mul3A_194 = arith.constant 16 : i32
        %mul3A_195 = arith.muli %scan3A_123, %mul3A_194 : i32
        %add3A_196 = arith.constant 2560 : i32
        %add3A_197 = arith.addi %add3A_196, %mul3A_195 : i32
        %get3A_198 = arith.index_cast %add3A_197 : i32 to index
        %get3A_199 = tpu.vector_load %arg8[%get3A_198] {strides = array<i32>} : memref<4096xi32, #tpu.memory_space<vmem>>, vector<16xi32>,
        %add3A_200 = arith.addi %add3A_193, %get3A_199 : vector<16xi32>
        %mul3A_201 = arith.constant 16 : i32
        %mul3A_202 = arith.muli %scan3A_123, %mul3A_201 : i32
        %add3A_203 = arith.constant 2816 : i32
        %add3A_204 = arith.addi %add3A_203, %mul3A_202 : i32
        %get3A_205 = arith.index_cast %add3A_204 : i32 to index
        %get3A_206 = tpu.vector_load %arg8[%get3A_205] {strides = array<i32>} : memref<4096xi32, #tpu.memory_space<vmem>>, vector<16xi32>,
        %add3A_207 = arith.addi %add3A_200, %get3A_206 : vector<16xi32>
        %mul3A_208 = arith.constant 16 : i32
        %mul3A_209 = arith.muli %scan3A_123, %mul3A_208 : i32
        %add3A_210 = arith.constant 3072 : i32
        %add3A_211 = arith.addi %add3A_210, %mul3A_209 : i32
        %get3A_212 = arith.index_cast %add3A_211 : i32 to index
        %get3A_213 = tpu.vector_load %arg8[%get3A_212] {strides = array<i32>} : memref<4096xi32, #tpu.memory_space<vmem>>, vector<16xi32>,
        %add3A_214 = arith.addi %add3A_207, %get3A_213 : vector<16xi32>
        %mul3A_215 = arith.constant 16 : i32
        %mul3A_216 = arith.muli %scan3A_123, %mul3A_215 : i32
        %add3A_217 = arith.constant 3328 : i32
        %add3A_218 = arith.addi %add3A_217, %mul3A_216 : i32
        %get3A_219 = arith.index_cast %add3A_218 : i32 to index
        %get3A_220 = tpu.vector_load %arg8[%get3A_219] {strides = array<i32>} : memref<4096xi32, #tpu.memory_space<vmem>>, vector<16xi32>,
        %add3A_221 = arith.addi %add3A_214, %get3A_220 : vector<16xi32>
        %mul3A_222 = arith.constant 16 : i32
        %mul3A_223 = arith.muli %scan3A_123, %mul3A_222 : i32
        %add3A_224 = arith.constant 3584 : i32
        %add3A_225 = arith.addi %add3A_224, %mul3A_223 : i32
        %get3A_226 = arith.index_cast %add3A_225 : i32 to index
        %get3A_227 = tpu.vector_load %arg8[%get3A_226] {strides = array<i32>} : memref<4096xi32, #tpu.memory_space<vmem>>, vector<16xi32>,
        %add3A_228 = arith.addi %add3A_221, %get3A_227 : vector<16xi32>
        %mul3A_229 = arith.constant 16 : i32
        %mul3A_230 = arith.muli %scan3A_123, %mul3A_229 : i32
        %add3A_231 = arith.constant 3840 : i32
        %add3A_232 = arith.addi %add3A_231, %mul3A_230 : i32
        %get3A_233 = arith.index_cast %add3A_232 : i32 to index
        %get3A_234 = tpu.vector_load %arg8[%get3A_233] {strides = array<i32>} : memref<4096xi32, #tpu.memory_space<vmem>>, vector<16xi32>,
        %add3A_235 = arith.addi %add3A_228, %get3A_234 : vector<16xi32>
        %mul3A_236 = arith.constant 16 : i32
        %mul3A_237 = arith.muli %scan3A_123, %mul3A_236 : i32
        %swap3A_238 = arith.index_cast %mul3A_237 : i32 to index
        %swap3A_239 = tpu.vector_load %arg9[%swap3A_238] {strides = array<i32>} : memref<256xi32, #tpu.memory_space<vmem>>, vector<16xi32>,
        tpu.vector_store %arg9[%swap3A_238], %add3A_235 {strides = array<i32>} : memref<256xi32, #tpu.memory_space<vmem>>, vector<16xi32>,
        %scan3A_240 = arith.constant 0 : i32
        scf.yield %scan3A_240 : i32
      }
      %scan3A_60 = arith.constant 16 : i32
      %broadcast_in_dim3A_61 = arith.constant false
      %broadcast_in_dim3A_62 = vector.broadcast %broadcast_in_dim3A_61 : i1 to vector<16xi1>
      %scan3A_63 = arith.constant 0 : i32
      %scan3A_64 = arith.constant 0 : i32
      %scan3A_65 = arith.constant 16 : i32
      %scan3A_66 = arith.addi %scan3A_64, %scan3A_65 : i32
      %scan3A_67 = arith.constant 1 : i32
      %scan3A_68:3 = scf.for %scan3A_123 = %scan3A_64 to %scan3A_66 step %scan3A_67 iter_args(%scan3A_124 = %scan3A_63, %scan3A_125 = %broadcast_in_dim3A_1, %scan3A_126 = %broadcast_in_dim3A_62) -> (i32, vector<16xi32>, vector<16xi1>)  : i32 {
        %sub3A_127 = arith.constant 15 : i32
        %sub3A_128 = arith.subi %sub3A_127, %scan3A_123 : i32
        %mul3A_129 = arith.constant 16 : i32
        %mul3A_130 = arith.muli %sub3A_128, %mul3A_129 : i32
        %get3A = arith.index_cast %mul3A_130 : i32 to index
        %get3A_131 = tpu.vector_load %arg9[%get3A] {strides = array<i32>} : memref<256xi32, #tpu.memory_space<vmem>>, vector<16xi32>,
        %rev3A = arith.constant 15 : i32
        %rev3A_132 = vector.broadcast %rev3A : i32 to vector<16xi32>
        %rev3A_133 = tpu.iota {dimensions = array<i32: 0>} : vector<16xi32>
        %rev3A_134 = arith.subi %rev3A_132, %rev3A_133 : vector<16xi32>
        %rev3A_135 = tpu.dynamic_gather %get3A_131[%rev3A_134] in [0] : vector<16xi32>, vector<16xi32> -> vector<16xi32>
        %broadcast_in_dim3A_136 = arith.constant true
        %broadcast_in_dim3A_137 = vector.broadcast %broadcast_in_dim3A_136 : i1 to vector<16xi1>
        %masked_cumsum3A = tpu.scan <sum>, %rev3A_135 masked %broadcast_in_dim3A_137 : vector<16xi32>, vector<16xi1> -> vector<16xi32>
        %add3A_138 = vector.broadcast %scan3A_124 : i32 to vector<16xi32>
        %add3A_139 = arith.addi %masked_cumsum3A, %add3A_138 : vector<16xi32>
        %ge3A_140 = arith.constant 16 : i32
        %ge3A_141 = vector.broadcast %ge3A_140 : i32 to vector<16xi32>
        %ge3A_142 = arith.cmpi sge, %add3A_139, %ge3A_141 : vector<16xi32>
        %all_reduce_population_count3A = tpu.all_reduce %ge3A_142 {dim = 0 : i64, kind = #tpu.reduction_kind<sum>} : vector<16xi1> -> vector<16xi32>
        %all_reduce_ffs3A = tpu.all_reduce %ge3A_142 {dim = 0 : i64, kind = #tpu.reduction_kind<find_first_set>} : vector<16xi1> -> vector<16xi32>
        %sub3A_143 = arith.constant 15 : i32
        %sub3A_144 = vector.broadcast %sub3A_143 : i32 to vector<16xi32>
        %sub3A_145 = arith.subi %sub3A_144, %all_reduce_ffs3A : vector<16xi32>
        %mul3A_146 = arith.constant 16 : i32
        %mul3A_147 = arith.muli %sub3A_128, %mul3A_146 : i32
        %add3A_148 = vector.broadcast %mul3A_147 : i32 to vector<16xi32>
        %add3A_149 = arith.addi %sub3A_145, %add3A_148 : vector<16xi32>
        %not3A_150 = arith.constant dense<true> : vector<16xi1>
        %not3A_151 = arith.xori %scan3A_126, %not3A_150 : vector<16xi1>
        %gt3A = arith.constant 0 : i32
        %gt3A_152 = vector.broadcast %gt3A : i32 to vector<16xi32>
        %gt3A_153 = arith.cmpi sgt, %all_reduce_population_count3A, %gt3A_152 : vector<16xi32>
        %and3A_154 = arith.andi %not3A_151, %gt3A_153 : vector<16xi1>
        %select_n3A_155 = arith.select %and3A_154, %add3A_149, %scan3A_125 : vector<16xi1>, vector<16xi32>
        %gt3A_156 = arith.constant 0 : i32
        %gt3A_157 = vector.broadcast %gt3A_156 : i32 to vector<16xi32>
        %gt3A_158 = arith.cmpi sgt, %all_reduce_population_count3A, %gt3A_157 : vector<16xi32>
        %or3A = arith.ori %scan3A_126, %gt3A_158 : vector<16xi1>
        %reduce_sum3A = arith.constant true
        %reduce_sum3A_159 = vector.broadcast %reduce_sum3A : i1 to vector<16xi1>
        %reduce_sum3A_160 = tpu.scan <sum>, %get3A_131 masked %reduce_sum3A_159 : vector<16xi32>, vector<16xi1> -> vector<16xi32>
        %reduce_sum3A_161 = vector.extract %reduce_sum3A_160[15] : i32 from vector<16xi32>
        %add3A_162 = arith.addi %scan3A_124, %reduce_sum3A_161 : i32
        scf.yield %add3A_162, %select_n3A_155, %or3A : i32, vector<16xi32>, vector<16xi1>
      }
      %scan3A_69 = arith.constant 16 : i32
      %shift_left3A = arith.constant 24 : i32
      %shift_left3A_70 = vector.broadcast %shift_left3A : i32 to vector<16xi32>
      %shift_left3A_71 = arith.shli %scan3A_68#1, %shift_left3A_70 : vector<16xi32>
      %ge3A = arith.constant 128 : i32
      %ge3A_72 = vector.broadcast %ge3A : i32 to vector<16xi32>
      %ge3A_73 = arith.cmpi sge, %scan3A_68#1, %ge3A_72 : vector<16xi32>
      %xor3A = arith.constant -2147483648 : i32
      %xor3A_74 = vector.broadcast %xor3A : i32 to vector<16xi32>
      %xor3A_75 = arith.xori %shift_left3A_71, %xor3A_74 : vector<16xi32>
      %not3A = arith.constant dense<-1> : vector<16xi32>
      %not3A_76 = arith.xori %shift_left3A_71, %not3A : vector<16xi32>
      %select_n3A_77 = arith.select %ge3A_73, %xor3A_75, %not3A_76 : vector<16xi1>, vector<16xi32>
      %bitcast_convert_type3A = tpu.bitcast %select_n3A_77 : vector<16xi32> -> vector<16xf32>
      %scan3A_78 = arith.constant 0 : i32
      %scan3A_79 = arith.constant 0 : i32
      %scan3A_80 = arith.constant 128 : i32
      %scan3A_81 = arith.addi %scan3A_79, %scan3A_80 : i32
      %scan3A_82 = arith.constant 1 : i32
      %scan3A_83 = scf.for %scan3A_123 = %scan3A_79 to %scan3A_81 step %scan3A_82 iter_args(%scan3A_124 = %scan3A_78) -> (i32)  : i32 {
        %mul3A_125 = arith.constant 4 : i32
        %mul3A_126 = arith.muli %scan3A_123, %mul3A_125 : i32
        %add3A_127 = arith.constant 0 : i32
        %add3A_128 = arith.addi %mul3A_126, %add3A_127 : i32
        %mul3A_129 = arith.constant 16 : i32
        %mul3A_130 = arith.muli %add3A_128, %mul3A_129 : i32
        %get3A = arith.index_cast %sub3A_34 : i32 to index
        %get3A_131 = arith.index_cast %mul3A_130 : i32 to index
        %get3A_132 = tpu.vector_load %arg5[%get3A, %get3A_131] {strides = array<i32>} : memref<8x8192xf32, #tpu.memory_space<vmem>>, vector<16xf32>,
        %ge3A_133 = arith.cmpf oge, %get3A_132, %bitcast_convert_type3A : vector<16xf32>
        %swap3A_134 = arith.index_cast %scan3A_124 : i32 to index
        %swap3A_135 = tpu.vector_load %arg6[%swap3A_134] masked %ge3A_133 {strides = array<i32>} : memref<8208xf32, #tpu.memory_space<vmem>>, vector<16xf32>, vector<16xi1>
        tpu.vector_store %arg6[%swap3A_134], %get3A_132 masked %ge3A_133 {strides = array<i32>} : memref<8208xf32, #tpu.memory_space<vmem>>, vector<16xf32>, vector<16xi1>
        %mul3A_136 = arith.constant 16 : i32
        %mul3A_137 = arith.muli %add3A_128, %mul3A_136 : i32
        %add3A_138 = vector.broadcast %mul3A_137 : i32 to vector<16xi32>
        %add3A_139 = arith.addi %add3A_138, %iota3A : vector<16xi32>
        %swap3A_140 = arith.index_cast %scan3A_124 : i32 to index
        %swap3A_141 = tpu.vector_load %arg7[%swap3A_140] masked %ge3A_133 {strides = array<i32>} : memref<8208xi32, #tpu.memory_space<vmem>>, vector<16xi32>, vector<16xi1>
        tpu.vector_store %arg7[%swap3A_140], %add3A_139 masked %ge3A_133 {strides = array<i32>} : memref<8208xi32, #tpu.memory_space<vmem>>, vector<16xi32>, vector<16xi1>
        %all_reduce_population_count3A = tpu.all_reduce %ge3A_133 {dim = 0 : i64, kind = #tpu.reduction_kind<sum>} : vector<16xi1> -> vector<16xi32>
        %slice3A = vector.extract_strided_slice %all_reduce_population_count3A {offsets = [0], sizes = [1], strides = [1]} : vector<16xi32> to vector<1xi32>
        %squeeze3A = vector.extract %slice3A[0] : i32 from vector<1xi32>
        %add3A_142 = arith.addi %scan3A_124, %squeeze3A : i32
        %mul3A_143 = arith.constant 4 : i32
        %mul3A_144 = arith.muli %scan3A_123, %mul3A_143 : i32
        %add3A_145 = arith.constant 1 : i32
        %add3A_146 = arith.addi %mul3A_144, %add3A_145 : i32
        %mul3A_147 = arith.constant 16 : i32
        %mul3A_148 = arith.muli %add3A_146, %mul3A_147 : i32
        %get3A_149 = arith.index_cast %sub3A_34 : i32 to index
        %get3A_150 = arith.index_cast %mul3A_148 : i32 to index
        %get3A_151 = tpu.vector_load %arg5[%get3A_149, %get3A_150] {strides = array<i32>} : memref<8x8192xf32, #tpu.memory_space<vmem>>, vector<16xf32>,
        %ge3A_152 = arith.cmpf oge, %get3A_151, %bitcast_convert_type3A : vector<16xf32>
        %swap3A_153 = arith.index_cast %add3A_142 : i32 to index
        %swap3A_154 = tpu.vector_load %arg6[%swap3A_153] masked %ge3A_152 {strides = array<i32>} : memref<8208xf32, #tpu.memory_space<vmem>>, vector<16xf32>, vector<16xi1>
        tpu.vector_store %arg6[%swap3A_153], %get3A_151 masked %ge3A_152 {strides = array<i32>} : memref<8208xf32, #tpu.memory_space<vmem>>, vector<16xf32>, vector<16xi1>
        %mul3A_155 = arith.constant 16 : i32
        %mul3A_156 = arith.muli %add3A_146, %mul3A_155 : i32
        %add3A_157 = vector.broadcast %mul3A_156 : i32 to vector<16xi32>
        %add3A_158 = arith.addi %add3A_157, %iota3A : vector<16xi32>
        %swap3A_159 = arith.index_cast %add3A_142 : i32 to index
        %swap3A_160 = tpu.vector_load %arg7[%swap3A_159] masked %ge3A_152 {strides = array<i32>} : memref<8208xi32, #tpu.memory_space<vmem>>, vector<16xi32>, vector<16xi1>
        tpu.vector_store %arg7[%swap3A_159], %add3A_158 masked %ge3A_152 {strides = array<i32>} : memref<8208xi32, #tpu.memory_space<vmem>>, vector<16xi32>, vector<16xi1>
        %all_reduce_population_count3A_161 = tpu.all_reduce %ge3A_152 {dim = 0 : i64, kind = #tpu.reduction_kind<sum>} : vector<16xi1> -> vector<16xi32>
        %slice3A_162 = vector.extract_strided_slice %all_reduce_population_count3A_161 {offsets = [0], sizes = [1], strides = [1]} : vector<16xi32> to vector<1xi32>
        %squeeze3A_163 = vector.extract %slice3A_162[0] : i32 from vector<1xi32>
        %add3A_164 = arith.addi %add3A_142, %squeeze3A_163 : i32
        %mul3A_165 = arith.constant 4 : i32
        %mul3A_166 = arith.muli %scan3A_123, %mul3A_165 : i32
        %add3A_167 = arith.constant 2 : i32
        %add3A_168 = arith.addi %mul3A_166, %add3A_167 : i32
        %mul3A_169 = arith.constant 16 : i32
        %mul3A_170 = arith.muli %add3A_168, %mul3A_169 : i32
        %get3A_171 = arith.index_cast %sub3A_34 : i32 to index
        %get3A_172 = arith.index_cast %mul3A_170 : i32 to index
        %get3A_173 = tpu.vector_load %arg5[%get3A_171, %get3A_172] {strides = array<i32>} : memref<8x8192xf32, #tpu.memory_space<vmem>>, vector<16xf32>,
        %ge3A_174 = arith.cmpf oge, %get3A_173, %bitcast_convert_type3A : vector<16xf32>
        %swap3A_175 = arith.index_cast %add3A_164 : i32 to index
        %swap3A_176 = tpu.vector_load %arg6[%swap3A_175] masked %ge3A_174 {strides = array<i32>} : memref<8208xf32, #tpu.memory_space<vmem>>, vector<16xf32>, vector<16xi1>
        tpu.vector_store %arg6[%swap3A_175], %get3A_173 masked %ge3A_174 {strides = array<i32>} : memref<8208xf32, #tpu.memory_space<vmem>>, vector<16xf32>, vector<16xi1>
        %mul3A_177 = arith.constant 16 : i32
        %mul3A_178 = arith.muli %add3A_168, %mul3A_177 : i32
        %add3A_179 = vector.broadcast %mul3A_178 : i32 to vector<16xi32>
        %add3A_180 = arith.addi %add3A_179, %iota3A : vector<16xi32>
        %swap3A_181 = arith.index_cast %add3A_164 : i32 to index
        %swap3A_182 = tpu.vector_load %arg7[%swap3A_181] masked %ge3A_174 {strides = array<i32>} : memref<8208xi32, #tpu.memory_space<vmem>>, vector<16xi32>, vector<16xi1>
        tpu.vector_store %arg7[%swap3A_181], %add3A_180 masked %ge3A_174 {strides = array<i32>} : memref<8208xi32, #tpu.memory_space<vmem>>, vector<16xi32>, vector<16xi1>
        %all_reduce_population_count3A_183 = tpu.all_reduce %ge3A_174 {dim = 0 : i64, kind = #tpu.reduction_kind<sum>} : vector<16xi1> -> vector<16xi32>
        %slice3A_184 = vector.extract_strided_slice %all_reduce_population_count3A_183 {offsets = [0], sizes = [1], strides = [1]} : vector<16xi32> to vector<1xi32>
        %squeeze3A_185 = vector.extract %slice3A_184[0] : i32 from vector<1xi32>
        %add3A_186 = arith.addi %add3A_164, %squeeze3A_185 : i32
        %mul3A_187 = arith.constant 4 : i32
        %mul3A_188 = arith.muli %scan3A_123, %mul3A_187 : i32
        %add3A_189 = arith.constant 3 : i32
        %add3A_190 = arith.addi %mul3A_188, %add3A_189 : i32
        %mul3A_191 = arith.constant 16 : i32
        %mul3A_192 = arith.muli %add3A_190, %mul3A_191 : i32
        %get3A_193 = arith.index_cast %sub3A_34 : i32 to index
        %get3A_194 = arith.index_cast %mul3A_192 : i32 to index
        %get3A_195 = tpu.vector_load %arg5[%get3A_193, %get3A_194] {strides = array<i32>} : memref<8x8192xf32, #tpu.memory_space<vmem>>, vector<16xf32>,
        %ge3A_196 = arith.cmpf oge, %get3A_195, %bitcast_convert_type3A : vector<16xf32>
        %swap3A_197 = arith.index_cast %add3A_186 : i32 to index
        %swap3A_198 = tpu.vector_load %arg6[%swap3A_197] masked %ge3A_196 {strides = array<i32>} : memref<8208xf32, #tpu.memory_space<vmem>>, vector<16xf32>, vector<16xi1>
        tpu.vector_store %arg6[%swap3A_197], %get3A_195 masked %ge3A_196 {strides = array<i32>} : memref<8208xf32, #tpu.memory_space<vmem>>, vector<16xf32>, vector<16xi1>
        %mul3A_199 = arith.constant 16 : i32
        %mul3A_200 = arith.muli %add3A_190, %mul3A_199 : i32
        %add3A_201 = vector.broadcast %mul3A_200 : i32 to vector<16xi32>
        %add3A_202 = arith.addi %add3A_201, %iota3A : vector<16xi32>
        %swap3A_203 = arith.index_cast %add3A_186 : i32 to index
        %swap3A_204 = tpu.vector_load %arg7[%swap3A_203] masked %ge3A_196 {strides = array<i32>} : memref<8208xi32, #tpu.memory_space<vmem>>, vector<16xi32>, vector<16xi1>
        tpu.vector_store %arg7[%swap3A_203], %add3A_202 masked %ge3A_196 {strides = array<i32>} : memref<8208xi32, #tpu.memory_space<vmem>>, vector<16xi32>, vector<16xi1>
        %all_reduce_population_count3A_205 = tpu.all_reduce %ge3A_196 {dim = 0 : i64, kind = #tpu.reduction_kind<sum>} : vector<16xi1> -> vector<16xi32>
        %slice3A_206 = vector.extract_strided_slice %all_reduce_population_count3A_205 {offsets = [0], sizes = [1], strides = [1]} : vector<16xi32> to vector<1xi32>
        %squeeze3A_207 = vector.extract %slice3A_206[0] : i32 from vector<1xi32>
        %add3A_208 = arith.addi %add3A_186, %squeeze3A_207 : i32
        scf.yield %add3A_208 : i32
      }
      %scan3A_84 = arith.constant 128 : i32
      %swap3A = arith.index_cast %scan3A_83 : i32 to index
      %swap3A_85 = tpu.vector_load %arg6[%swap3A] {strides = array<i32>} : memref<8208xf32, #tpu.memory_space<vmem>>, vector<16xf32>,
      tpu.vector_store %arg6[%swap3A], %broadcast_in_dim3A_5 {strides = array<i32>} : memref<8208xf32, #tpu.memory_space<vmem>>, vector<16xf32>,
      %swap3A_86 = arith.index_cast %scan3A_83 : i32 to index
      %swap3A_87 = tpu.vector_load %arg7[%swap3A_86] {strides = array<i32>} : memref<8208xi32, #tpu.memory_space<vmem>>, vector<16xi32>,
      tpu.vector_store %arg7[%swap3A_86], %broadcast_in_dim3A_7 {strides = array<i32>} : memref<8208xi32, #tpu.memory_space<vmem>>, vector<16xi32>,
      %add3A_88 = arith.constant 15 : i32
      %add3A_89 = arith.addi %scan3A_83, %add3A_88 : i32
      %jit3A_90 = arith.constant 16 : i32
      %div3A_91 = arith.divsi %add3A_89, %jit3A_90 : i32
      %sign3A_92 = arith.constant 0 : i32
      %sign3A_93 = arith.cmpi sgt, %add3A_89, %sign3A_92 : i32
      %sign3A_94 = arith.extui %sign3A_93 : i1 to i32
      %sign3A_95 = arith.constant 0 : i32
      %sign3A_96 = arith.cmpi slt, %add3A_89, %sign3A_95 : i32
      %sign3A_97 = arith.extui %sign3A_96 : i1 to i32
      %sign3A_98 = arith.subi %sign3A_94, %sign3A_97 : i32
      %sign3A_99 = arith.constant 0 : i32
      %sign3A_100 = arith.cmpi sgt, %jit3A_90, %sign3A_99 : i32
      %sign3A_101 = arith.extui %sign3A_100 : i1 to i32
      %sign3A_102 = arith.constant 0 : i32
      %sign3A_103 = arith.cmpi slt, %jit3A_90, %sign3A_102 : i32
      %sign3A_104 = arith.extui %sign3A_103 : i1 to i32
      %sign3A_105 = arith.subi %sign3A_101, %sign3A_104 : i32
      %ne3A_106 = arith.cmpi ne, %sign3A_98, %sign3A_105 : i32
      %rem3A_107 = arith.remsi %add3A_89, %jit3A_90 : i32
      %ne3A_108 = arith.constant 0 : i32
      %ne3A_109 = arith.cmpi ne, %rem3A_107, %ne3A_108 : i32
      %and3A_110 = arith.andi %ne3A_106, %ne3A_109 : i1
      %sub3A_111 = arith.constant 1 : i32
      %sub3A_112 = arith.subi %div3A_91, %sub3A_111 : i32
      %select_n3A_113 = arith.select %and3A_110, %sub3A_112, %div3A_91 : i32
      %scan3A_114 = arith.constant 0x7F800000 : f32
      %scan3A_115 = arith.constant -1 : i32
      %scan3A_116 = arith.constant 0 : i32
      %scan3A_117 = arith.constant 16 : i32
      %scan3A_118 = arith.addi %scan3A_116, %scan3A_117 : i32
      %scan3A_119 = arith.constant 1 : i32
      %scan3A_120:2 = scf.for %scan3A_123 = %scan3A_116 to %scan3A_118 step %scan3A_119 iter_args(%scan3A_124 = %scan3A_114, %scan3A_125 = %scan3A_115) -> (f32, i32)  : i32 {
        %while3A = arith.constant 0 : i32
        %while3A_126 = arith.subi %select_n3A_113, %while3A : i32
        %while3A_127 = arith.addi %while3A, %while3A_126 : i32
        %while3A_128 = arith.constant 1 : i32
        %while3A_129 = arith.divsi %while3A_126, %while3A_128 : i32
        %while3A_130 = arith.muli %while3A_129, %while3A_128 : i32
        %while3A_131 = arith.addi %while3A, %while3A_130 : i32
        %while3A_132 = arith.constant 1 : i32
        %while3A_133:2 = scf.for %while3A_166 = %while3A to %while3A_131 step %while3A_132 iter_args(%while3A_167 = %broadcast_in_dim3A_5, %while3A_168 = %broadcast_in_dim3A_7) -> (vector<16xf32>, vector<16xi32>)  : i32 {
          %mul3A_169 = arith.constant 16 : i32
          %mul3A_170 = arith.muli %while3A_166, %mul3A_169 : i32
          %get3A_171 = arith.index_cast %mul3A_170 : i32 to index
          %get3A_172 = tpu.vector_load %arg6[%get3A_171] {strides = array<i32>} : memref<8208xf32, #tpu.memory_space<vmem>>, vector<16xf32>,
          %mul3A_173 = arith.constant 16 : i32
          %mul3A_174 = arith.muli %while3A_166, %mul3A_173 : i32
          %get3A_175 = arith.index_cast %mul3A_174 : i32 to index
          %get3A_176 = tpu.vector_load %arg7[%get3A_175] {strides = array<i32>} : memref<8208xi32, #tpu.memory_space<vmem>>, vector<16xi32>,
          %lt3A = vector.broadcast %scan3A_124 : f32 to vector<16xf32>
          %lt3A_177 = arith.cmpf olt, %get3A_172, %lt3A : vector<16xf32>
          %eq3A_178 = vector.broadcast %scan3A_124 : f32 to vector<16xf32>
          %eq3A_179 = arith.cmpf oeq, %get3A_172, %eq3A_178 : vector<16xf32>
          %gt3A = vector.broadcast %scan3A_125 : i32 to vector<16xi32>
          %gt3A_180 = arith.cmpi sgt, %get3A_176, %gt3A : vector<16xi32>
          %and3A_181 = arith.andi %eq3A_179, %gt3A_180 : vector<16xi1>
          %or3A = arith.ori %lt3A_177, %and3A_181 : vector<16xi1>
          %jit3A_182 = arith.constant 0xFF800000 : f32
          %broadcast_in_dim3A_183 = vector.broadcast %jit3A_182 : f32 to vector<16xf32>
          %select_n3A_184 = arith.select %or3A, %get3A_172, %broadcast_in_dim3A_183 : vector<16xi1>, vector<16xf32>
          %gt3A_185 = arith.cmpf ogt, %select_n3A_184, %while3A_167 : vector<16xf32>
          %eq3A_186 = arith.cmpf oeq, %select_n3A_184, %while3A_167 : vector<16xf32>
          %lt3A_187 = arith.cmpi slt, %get3A_176, %while3A_168 : vector<16xi32>
          %and3A_188 = arith.andi %eq3A_186, %lt3A_187 : vector<16xi1>
          %or3A_189 = arith.ori %gt3A_185, %and3A_188 : vector<16xi1>
          %select_n3A_190 = arith.select %or3A_189, %select_n3A_184, %while3A_167 : vector<16xi1>, vector<16xf32>
          %select_n3A_191 = arith.select %or3A_189, %get3A_176, %while3A_168 : vector<16xi1>, vector<16xi32>
          scf.yield %select_n3A_190, %select_n3A_191 : vector<16xf32>, vector<16xi32>
        }
        %while3A_134 = arith.constant 1 : i32
        %while3A_135:2 = scf.for %while3A_166 = %while3A_131 to %while3A_127 step %while3A_134 iter_args(%while3A_167 = %while3A_133#0, %while3A_168 = %while3A_133#1) -> (vector<16xf32>, vector<16xi32>)  : i32 {
          %mul3A_169 = arith.constant 16 : i32
          %mul3A_170 = arith.muli %while3A_166, %mul3A_169 : i32
          %get3A_171 = arith.index_cast %mul3A_170 : i32 to index
          %get3A_172 = tpu.vector_load %arg6[%get3A_171] {strides = array<i32>} : memref<8208xf32, #tpu.memory_space<vmem>>, vector<16xf32>,
          %mul3A_173 = arith.constant 16 : i32
          %mul3A_174 = arith.muli %while3A_166, %mul3A_173 : i32
          %get3A_175 = arith.index_cast %mul3A_174 : i32 to index
          %get3A_176 = tpu.vector_load %arg7[%get3A_175] {strides = array<i32>} : memref<8208xi32, #tpu.memory_space<vmem>>, vector<16xi32>,
          %lt3A = vector.broadcast %scan3A_124 : f32 to vector<16xf32>
          %lt3A_177 = arith.cmpf olt, %get3A_172, %lt3A : vector<16xf32>
          %eq3A_178 = vector.broadcast %scan3A_124 : f32 to vector<16xf32>
          %eq3A_179 = arith.cmpf oeq, %get3A_172, %eq3A_178 : vector<16xf32>
          %gt3A = vector.broadcast %scan3A_125 : i32 to vector<16xi32>
          %gt3A_180 = arith.cmpi sgt, %get3A_176, %gt3A : vector<16xi32>
          %and3A_181 = arith.andi %eq3A_179, %gt3A_180 : vector<16xi1>
          %or3A = arith.ori %lt3A_177, %and3A_181 : vector<16xi1>
          %jit3A_182 = arith.constant 0xFF800000 : f32
          %broadcast_in_dim3A_183 = vector.broadcast %jit3A_182 : f32 to vector<16xf32>
          %select_n3A_184 = arith.select %or3A, %get3A_172, %broadcast_in_dim3A_183 : vector<16xi1>, vector<16xf32>
          %gt3A_185 = arith.cmpf ogt, %select_n3A_184, %while3A_167 : vector<16xf32>
          %eq3A_186 = arith.cmpf oeq, %select_n3A_184, %while3A_167 : vector<16xf32>
          %lt3A_187 = arith.cmpi slt, %get3A_176, %while3A_168 : vector<16xi32>
          %and3A_188 = arith.andi %eq3A_186, %lt3A_187 : vector<16xi1>
          %or3A_189 = arith.ori %gt3A_185, %and3A_188 : vector<16xi1>
          %select_n3A_190 = arith.select %or3A_189, %select_n3A_184, %while3A_167 : vector<16xi1>, vector<16xf32>
          %select_n3A_191 = arith.select %or3A_189, %get3A_176, %while3A_168 : vector<16xi1>, vector<16xi32>
          scf.yield %select_n3A_190, %select_n3A_191 : vector<16xf32>, vector<16xi32>
        }
        %reduce_max3A = arith.constant true
        %reduce_max3A_136 = vector.broadcast %reduce_max3A : i1 to vector<16xi1>
        %reduce_max3A_137 = tpu.scan <max>, %while3A_135#0 masked %reduce_max3A_136 : vector<16xf32>, vector<16xi1> -> vector<16xf32>
        %reduce_max3A_138 = vector.extract %reduce_max3A_137[15] : f32 from vector<16xf32>
        %eq3A_139 = vector.broadcast %reduce_max3A_138 : f32 to vector<16xf32>
        %eq3A_140 = arith.cmpf oeq, %while3A_135#0, %eq3A_139 : vector<16xf32>
        %jit3A_141 = arith.constant 8192 : i32
        %broadcast_in_dim3A_142 = vector.broadcast %jit3A_141 : i32 to vector<16xi32>
        %select_n3A_143 = arith.select %eq3A_140, %while3A_135#1, %broadcast_in_dim3A_142 : vector<16xi1>, vector<16xi32>
        %reduce_min3A = arith.constant true
        %reduce_min3A_144 = vector.broadcast %reduce_min3A : i1 to vector<16xi1>
        %reduce_min3A_145 = arith.constant -2147483648 : i32
        %reduce_min3A_146 = vector.broadcast %reduce_min3A_145 : i32 to vector<16xi32>
        %reduce_min3A_147 = arith.xori %select_n3A_143, %reduce_min3A_146 : vector<16xi32>
        %reduce_min3A_148 = tpu.scan <min>, %reduce_min3A_147 masked %reduce_min3A_144 : vector<16xi32>, vector<16xi1> -> vector<16xi32>
        %reduce_min3A_149 = arith.xori %reduce_min3A_148, %reduce_min3A_146 : vector<16xi32>
        %reduce_min3A_150 = vector.extract %reduce_min3A_149[15] : i32 from vector<16xi32>
        %eq3A_151 = vector.broadcast %scan3A_123 : i32 to vector<16xi32>
        %eq3A_152 = arith.cmpi eq, %iota3A, %eq3A_151 : vector<16xi32>
        %get3A = arith.constant 0 : index
        %get3A_153 = tpu.vector_load %arg10[%get3A] {strides = array<i32>} : memref<16xf32, #tpu.memory_space<vmem>>, vector<16xf32>,
        %broadcast_in_dim3A_154 = vector.broadcast %reduce_max3A_138 : f32 to vector<16xf32>
        %select_n3A_155 = arith.select %eq3A_152, %broadcast_in_dim3A_154, %get3A_153 : vector<16xi1>, vector<16xf32>
        %swap3A_156 = arith.constant 0 : index
        %swap3A_157 = tpu.vector_load %arg10[%swap3A_156] {strides = array<i32>} : memref<16xf32, #tpu.memory_space<vmem>>, vector<16xf32>,
        tpu.vector_store %arg10[%swap3A_156], %select_n3A_155 {strides = array<i32>} : memref<16xf32, #tpu.memory_space<vmem>>, vector<16xf32>,
        %eq3A_158 = vector.broadcast %scan3A_123 : i32 to vector<16xi32>
        %eq3A_159 = arith.cmpi eq, %iota3A, %eq3A_158 : vector<16xi32>
        %get3A_160 = arith.constant 0 : index
        %get3A_161 = tpu.vector_load %arg11[%get3A_160] {strides = array<i32>} : memref<16xi32, #tpu.memory_space<vmem>>, vector<16xi32>,
        %broadcast_in_dim3A_162 = vector.broadcast %reduce_min3A_150 : i32 to vector<16xi32>
        %select_n3A_163 = arith.select %eq3A_159, %broadcast_in_dim3A_162, %get3A_161 : vector<16xi1>, vector<16xi32>
        %swap3A_164 = arith.constant 0 : index
        %swap3A_165 = tpu.vector_load %arg11[%swap3A_164] {strides = array<i32>} : memref<16xi32, #tpu.memory_space<vmem>>, vector<16xi32>,
        tpu.vector_store %arg11[%swap3A_164], %select_n3A_163 {strides = array<i32>} : memref<16xi32, #tpu.memory_space<vmem>>, vector<16xi32>,
        scf.yield %reduce_max3A_138, %reduce_min3A_150 : f32, i32
      }
      %scan3A_121 = arith.constant 16 : i32
      "tpu.region"() ({
        %run_scoped3A = tpu.sem_alloc : memref<!tpu.dma_semaphore, #tpu.memory_space<semaphore_mem>>
        %dma_start3A = arith.constant 0 : i32
        %dma_start3A_123 = tpu.memref_slice %arg3[%add3A_39, %dma_start3A] : memref<512x16xi32, #tpu.memory_space<hbm>> -> memref<1x16xi32, #tpu.memory_space<hbm>>
        %dma_start3A_124 = tpu.memref_squeeze %dma_start3A_123 : memref<1x16xi32, #tpu.memory_space<hbm>> -> memref<16xi32, #tpu.memory_space<hbm>>
        %dma_start3A_125 = arith.constant 0 : i32
        %dma_start3A_126 = tpu.memref_slice %arg3[%add3A_39, %dma_start3A_125] : memref<512x16xi32, #tpu.memory_space<hbm>> -> memref<1x16xi32, #tpu.memory_space<hbm>>
        %dma_start3A_127 = tpu.memref_squeeze %dma_start3A_126 : memref<1x16xi32, #tpu.memory_space<hbm>> -> memref<16xi32, #tpu.memory_space<hbm>>
        tpu.enqueue_dma source(%arg11 : memref<16xi32, #tpu.memory_space<vmem>>) target(%dma_start3A_127 : memref<16xi32, #tpu.memory_space<hbm>>) target_semaphore(%run_scoped3A : memref<!tpu.dma_semaphore, #tpu.memory_space<semaphore_mem>>)
        %dma_wait3A = arith.constant 0 : i32
        %dma_wait3A_128 = tpu.memref_slice %arg3[%add3A_39, %dma_wait3A] : memref<512x16xi32, #tpu.memory_space<hbm>> -> memref<1x16xi32, #tpu.memory_space<hbm>>
        %dma_wait3A_129 = tpu.memref_squeeze %dma_wait3A_128 : memref<1x16xi32, #tpu.memory_space<hbm>> -> memref<16xi32, #tpu.memory_space<hbm>>
        %dma_wait3A_130 = arith.constant 0 : i32
        %dma_wait3A_131 = tpu.memref_slice %arg3[%add3A_39, %dma_wait3A_130] : memref<512x16xi32, #tpu.memory_space<hbm>> -> memref<1x16xi32, #tpu.memory_space<hbm>>
        %dma_wait3A_132 = tpu.memref_squeeze %dma_wait3A_131 : memref<1x16xi32, #tpu.memory_space<hbm>> -> memref<16xi32, #tpu.memory_space<hbm>>
        tpu.wait_dma2 semaphore(%run_scoped3A : memref<!tpu.dma_semaphore, #tpu.memory_space<semaphore_mem>>) src(%arg11 : memref<16xi32, #tpu.memory_space<vmem>>) dst(%dma_wait3A_132 : memref<16xi32, #tpu.memory_space<hbm>>)
        tpu.yield
      }) : () -> ()
      "tpu.region"() ({
        %run_scoped3A = tpu.sem_alloc : memref<!tpu.dma_semaphore, #tpu.memory_space<semaphore_mem>>
        %dma_start3A = arith.constant 0 : i32
        %dma_start3A_123 = tpu.memref_slice %arg4[%add3A_39, %dma_start3A] : memref<512x16xf32, #tpu.memory_space<hbm>> -> memref<1x16xf32, #tpu.memory_space<hbm>>
        %dma_start3A_124 = tpu.memref_squeeze %dma_start3A_123 : memref<1x16xf32, #tpu.memory_space<hbm>> -> memref<16xf32, #tpu.memory_space<hbm>>
        %dma_start3A_125 = arith.constant 0 : i32
        %dma_start3A_126 = tpu.memref_slice %arg4[%add3A_39, %dma_start3A_125] : memref<512x16xf32, #tpu.memory_space<hbm>> -> memref<1x16xf32, #tpu.memory_space<hbm>>
        %dma_start3A_127 = tpu.memref_squeeze %dma_start3A_126 : memref<1x16xf32, #tpu.memory_space<hbm>> -> memref<16xf32, #tpu.memory_space<hbm>>
        tpu.enqueue_dma source(%arg10 : memref<16xf32, #tpu.memory_space<vmem>>) target(%dma_start3A_127 : memref<16xf32, #tpu.memory_space<hbm>>) target_semaphore(%run_scoped3A : memref<!tpu.dma_semaphore, #tpu.memory_space<semaphore_mem>>)
        %dma_wait3A = arith.constant 0 : i32
        %dma_wait3A_128 = tpu.memref_slice %arg4[%add3A_39, %dma_wait3A] : memref<512x16xf32, #tpu.memory_space<hbm>> -> memref<1x16xf32, #tpu.memory_space<hbm>>
        %dma_wait3A_129 = tpu.memref_squeeze %dma_wait3A_128 : memref<1x16xf32, #tpu.memory_space<hbm>> -> memref<16xf32, #tpu.memory_space<hbm>>
        %dma_wait3A_130 = arith.constant 0 : i32
        %dma_wait3A_131 = tpu.memref_slice %arg4[%add3A_39, %dma_wait3A_130] : memref<512x16xf32, #tpu.memory_space<hbm>> -> memref<1x16xf32, #tpu.memory_space<hbm>>
        %dma_wait3A_132 = tpu.memref_squeeze %dma_wait3A_131 : memref<1x16xf32, #tpu.memory_space<hbm>> -> memref<16xf32, #tpu.memory_space<hbm>>
        tpu.wait_dma2 semaphore(%run_scoped3A : memref<!tpu.dma_semaphore, #tpu.memory_space<semaphore_mem>>) src(%arg10 : memref<16xf32, #tpu.memory_space<vmem>>) dst(%dma_wait3A_132 : memref<16xf32, #tpu.memory_space<hbm>>)
        tpu.yield
      }) : () -> ()
      %scan3A_122 = arith.constant 0 : i32
      scf.yield %scan3A_122 : i32
    }
    %scan3A_13 = arith.constant 16 : i32
    return
  }
}

module attributes {stable_mosaic.version = 14 : i64} {
  func.func @_tc_body(%arg0: i32, %arg1: i32, %arg2: memref<1x8x2048xf32, #tpu.memory_space<vmem>>, %arg3: memref<2048x512xf32, #tpu.memory_space<vmem>>, %arg4: memref<2048x512xf32, #tpu.memory_space<vmem>>, %arg5: memref<1x16x512x128xf32, #tpu.memory_space<vmem>>, %arg6: memref<1x128x512xf32, #tpu.memory_space<vmem>>, %arg7: memref<128x512xf32, #tpu.memory_space<vmem>>) attributes {dimension_semantics = [#tpu.dimension_semantics<arbitrary>, #tpu.dimension_semantics<arbitrary>], iteration_bounds = array<i64: 4, 16>, scalar_prefetch = 0 : i64, scratch_operands = 1 : i64, tpu.core_type = #tpu.core_type<tc>, window_params = [{transform_indices = @transform_0, window_bounds = array<i64: 1, 8, 2048>}, {pipeline_mode = #tpu.pipeline_mode<synchronous>, transform_indices = @transform_1, window_bounds = array<i64: 2048, 512>}, {pipeline_mode = #tpu.pipeline_mode<synchronous>, transform_indices = @transform_2, window_bounds = array<i64: 2048, 512>}, {transform_indices = @transform_3, window_bounds = array<i64: 1, 16, 512, 128>}, {transform_indices = @transform_4, window_bounds = array<i64: 1, 128, 512>}]} {
    %eq3A = arith.constant 0 : i32
    %eq3A_0 = arith.cmpi eq, %arg1, %eq3A : i32
    %convert_element_type3A = arith.extui %eq3A_0 : i1 to i32
    %cond3A = arith.constant 0 : i32
    %cond3A_1 = arith.cmpi ne, %convert_element_type3A, %cond3A : i32
    scf.if %cond3A_1 {
      %get3A_103 = arith.constant 0 : index
      %get3A_104 = arith.constant 0 : index
      %get3A_105 = arith.constant 0 : index
      %get3A_106 = vector.load %arg2[%get3A_103, %get3A_104, %get3A_105] : memref<1x8x2048xf32, #tpu.memory_space<vmem>>, vector<1x8x2048xf32>
      %get3A_107 = vector.shape_cast %get3A_106 : vector<1x8x2048xf32> to vector<8x2048xf32>
      %get3A_108 = arith.constant 0 : index
      %get3A_109 = arith.constant 0 : index
      %get3A_110 = vector.load %arg3[%get3A_108, %get3A_109] : memref<2048x512xf32, #tpu.memory_space<vmem>>, vector<2048x512xf32>
      %dot_general3A_111 = arith.constant dense<0.000000e+00> : vector<8x512xf32>
      %dot_general3A_112 = tpu.matmul %get3A_107, %get3A_110, %dot_general3A_111 {dimension_numbers = #tpu.dot_dimension_numbers<[1], [0], [0], [1], [0, 0, 1, 1], [], []>, transpose_lhs_hint = false} : vector<8x2048xf32>, vector<2048x512xf32>, vector<8x512xf32> -> vector<8x512xf32>
      %concatenate3A_113 = tpu.concatenate %dot_general3A_112, %dot_general3A_112, %dot_general3A_112, %dot_general3A_112, %dot_general3A_112, %dot_general3A_112, %dot_general3A_112, %dot_general3A_112, %dot_general3A_112, %dot_general3A_112, %dot_general3A_112, %dot_general3A_112, %dot_general3A_112, %dot_general3A_112, %dot_general3A_112, %dot_general3A_112 in 0 : vector<8x512xf32>, vector<8x512xf32>, vector<8x512xf32>, vector<8x512xf32>, vector<8x512xf32>, vector<8x512xf32>, vector<8x512xf32>, vector<8x512xf32>, vector<8x512xf32>, vector<8x512xf32>, vector<8x512xf32>, vector<8x512xf32>, vector<8x512xf32>, vector<8x512xf32>, vector<8x512xf32>, vector<8x512xf32> -> vector<128x512xf32>
      %iota3A = tpu.iota {dimensions = array<i32: 0>} : vector<128x512xi32>
      %jit3A = arith.constant 8 : i32
      %div3A = vector.broadcast %jit3A : i32 to vector<128x512xi32>
      %div3A_114 = arith.divsi %iota3A, %div3A : vector<128x512xi32>
      %sign3A = arith.constant 0 : i32
      %sign3A_115 = vector.broadcast %sign3A : i32 to vector<128x512xi32>
      %sign3A_116 = arith.cmpi sgt, %iota3A, %sign3A_115 : vector<128x512xi32>
      %sign3A_117 = arith.extui %sign3A_116 : vector<128x512xi1> to vector<128x512xi32>
      %sign3A_118 = arith.constant 0 : i32
      %sign3A_119 = vector.broadcast %sign3A_118 : i32 to vector<128x512xi32>
      %sign3A_120 = arith.cmpi slt, %iota3A, %sign3A_119 : vector<128x512xi32>
      %sign3A_121 = arith.extui %sign3A_120 : vector<128x512xi1> to vector<128x512xi32>
      %sign3A_122 = arith.subi %sign3A_117, %sign3A_121 : vector<128x512xi32>
      %sign3A_123 = arith.constant 0 : i32
      %sign3A_124 = arith.cmpi sgt, %jit3A, %sign3A_123 : i32
      %sign3A_125 = arith.extui %sign3A_124 : i1 to i32
      %sign3A_126 = arith.constant 0 : i32
      %sign3A_127 = arith.cmpi slt, %jit3A, %sign3A_126 : i32
      %sign3A_128 = arith.extui %sign3A_127 : i1 to i32
      %sign3A_129 = arith.subi %sign3A_125, %sign3A_128 : i32
      %ne3A = vector.broadcast %sign3A_129 : i32 to vector<128x512xi32>
      %ne3A_130 = arith.cmpi ne, %sign3A_122, %ne3A : vector<128x512xi32>
      %rem3A = vector.broadcast %jit3A : i32 to vector<128x512xi32>
      %rem3A_131 = arith.remsi %iota3A, %rem3A : vector<128x512xi32>
      %ne3A_132 = arith.constant 0 : i32
      %ne3A_133 = vector.broadcast %ne3A_132 : i32 to vector<128x512xi32>
      %ne3A_134 = arith.cmpi ne, %rem3A_131, %ne3A_133 : vector<128x512xi32>
      %and3A = arith.andi %ne3A_130, %ne3A_134 : vector<128x512xi1>
      %sub3A = arith.constant 1 : i32
      %sub3A_135 = vector.broadcast %sub3A : i32 to vector<128x512xi32>
      %sub3A_136 = arith.subi %div3A_114, %sub3A_135 : vector<128x512xi32>
      %select_n3A = arith.select %and3A, %sub3A_136, %div3A_114 : vector<128x512xi1>, vector<128x512xi32>
      %iota3A_137 = tpu.iota {dimensions = array<i32: 1>} : vector<128x512xi32>
      %jit3A_138 = arith.constant 32 : i32
      %div3A_139 = vector.broadcast %jit3A_138 : i32 to vector<128x512xi32>
      %div3A_140 = arith.divsi %iota3A_137, %div3A_139 : vector<128x512xi32>
      %sign3A_141 = arith.constant 0 : i32
      %sign3A_142 = vector.broadcast %sign3A_141 : i32 to vector<128x512xi32>
      %sign3A_143 = arith.cmpi sgt, %iota3A_137, %sign3A_142 : vector<128x512xi32>
      %sign3A_144 = arith.extui %sign3A_143 : vector<128x512xi1> to vector<128x512xi32>
      %sign3A_145 = arith.constant 0 : i32
      %sign3A_146 = vector.broadcast %sign3A_145 : i32 to vector<128x512xi32>
      %sign3A_147 = arith.cmpi slt, %iota3A_137, %sign3A_146 : vector<128x512xi32>
      %sign3A_148 = arith.extui %sign3A_147 : vector<128x512xi1> to vector<128x512xi32>
      %sign3A_149 = arith.subi %sign3A_144, %sign3A_148 : vector<128x512xi32>
      %sign3A_150 = arith.constant 0 : i32
      %sign3A_151 = arith.cmpi sgt, %jit3A_138, %sign3A_150 : i32
      %sign3A_152 = arith.extui %sign3A_151 : i1 to i32
      %sign3A_153 = arith.constant 0 : i32
      %sign3A_154 = arith.cmpi slt, %jit3A_138, %sign3A_153 : i32
      %sign3A_155 = arith.extui %sign3A_154 : i1 to i32
      %sign3A_156 = arith.subi %sign3A_152, %sign3A_155 : i32
      %ne3A_157 = vector.broadcast %sign3A_156 : i32 to vector<128x512xi32>
      %ne3A_158 = arith.cmpi ne, %sign3A_149, %ne3A_157 : vector<128x512xi32>
      %rem3A_159 = vector.broadcast %jit3A_138 : i32 to vector<128x512xi32>
      %rem3A_160 = arith.remsi %iota3A_137, %rem3A_159 : vector<128x512xi32>
      %ne3A_161 = arith.constant 0 : i32
      %ne3A_162 = vector.broadcast %ne3A_161 : i32 to vector<128x512xi32>
      %ne3A_163 = arith.cmpi ne, %rem3A_160, %ne3A_162 : vector<128x512xi32>
      %and3A_164 = arith.andi %ne3A_158, %ne3A_163 : vector<128x512xi1>
      %sub3A_165 = arith.constant 1 : i32
      %sub3A_166 = vector.broadcast %sub3A_165 : i32 to vector<128x512xi32>
      %sub3A_167 = arith.subi %div3A_140, %sub3A_166 : vector<128x512xi32>
      %select_n3A_168 = arith.select %and3A_164, %sub3A_167, %div3A_140 : vector<128x512xi1>, vector<128x512xi32>
      %eq3A_169 = arith.cmpi eq, %select_n3A, %select_n3A_168 : vector<128x512xi32>
      %jit3A_170 = arith.constant 0.000000e+00 : f32
      %broadcast_in_dim3A_171 = vector.broadcast %jit3A_170 : f32 to vector<128x512xf32>
      %select_n3A_172 = arith.select %eq3A_169, %concatenate3A_113, %broadcast_in_dim3A_171 : vector<128x512xi1>, vector<128x512xf32>
      %swap3A_173 = arith.constant 0 : index
      %swap3A_174 = arith.constant 0 : index
      %swap3A_175 = vector.load %arg7[%swap3A_173, %swap3A_174] : memref<128x512xf32, #tpu.memory_space<vmem>>, vector<128x512xf32>
      tpu.vector_store %arg7[%swap3A_173, %swap3A_174], %select_n3A_172 {strides = array<i32>} : memref<128x512xf32, #tpu.memory_space<vmem>>, vector<128x512xf32>,
    } else {
    }
    %get3A = arith.constant 0 : index
    %get3A_2 = arith.constant 0 : index
    %get3A_3 = arith.constant 0 : index
    %get3A_4 = arith.constant 0 : index
    %get3A_5 = vector.load %arg5[%get3A, %get3A_2, %get3A_3, %get3A_4] : memref<1x16x512x128xf32, #tpu.memory_space<vmem>>, vector<1x16x512x128xf32>
    %get3A_6 = vector.shape_cast %get3A_5 : vector<1x16x512x128xf32> to vector<16x512x128xf32>
    %broadcast_in_dim3A = arith.constant 0.000000e+00 : f32
    %broadcast_in_dim3A_7 = vector.broadcast %broadcast_in_dim3A : f32 to vector<512x512xf32>
    %slice3A = vector.extract_strided_slice %get3A_6 {offsets = [0, 0, 0], sizes = [1, 512, 128], strides = [1, 1, 1]} : vector<16x512x128xf32> to vector<1x512x128xf32>
    %squeeze3A = vector.shape_cast %slice3A : vector<1x512x128xf32> to vector<512x128xf32>
    %slice3A_8 = vector.extract_strided_slice %get3A_6 {offsets = [1, 0, 0], sizes = [1, 512, 128], strides = [1, 1, 1]} : vector<16x512x128xf32> to vector<1x512x128xf32>
    %squeeze3A_9 = vector.shape_cast %slice3A_8 : vector<1x512x128xf32> to vector<512x128xf32>
    %concatenate3A = tpu.concatenate %squeeze3A, %squeeze3A_9 in 1 : vector<512x128xf32>, vector<512x128xf32> -> vector<512x256xf32>
    %get3A_10 = arith.constant 0 : index
    %get3A_11 = arith.constant 0 : index
    %get3A_12 = vector.load %arg4[%get3A_10, %get3A_11] : memref<2048x512xf32, #tpu.memory_space<vmem>>, vector<256x512xf32>
    %dot_general3A = arith.constant dense<0.000000e+00> : vector<512x512xf32>
    %dot_general3A_13 = tpu.matmul %concatenate3A, %get3A_12, %dot_general3A {dimension_numbers = #tpu.dot_dimension_numbers<[1], [0], [0], [1], [0, 0, 1, 1], [], []>, transpose_lhs_hint = false} : vector<512x256xf32>, vector<256x512xf32>, vector<512x512xf32> -> vector<512x512xf32>
    %add3A = arith.addf %broadcast_in_dim3A_7, %dot_general3A_13 : vector<512x512xf32>
    %slice3A_14 = vector.extract_strided_slice %get3A_6 {offsets = [2, 0, 0], sizes = [1, 512, 128], strides = [1, 1, 1]} : vector<16x512x128xf32> to vector<1x512x128xf32>
    %squeeze3A_15 = vector.shape_cast %slice3A_14 : vector<1x512x128xf32> to vector<512x128xf32>
    %slice3A_16 = vector.extract_strided_slice %get3A_6 {offsets = [3, 0, 0], sizes = [1, 512, 128], strides = [1, 1, 1]} : vector<16x512x128xf32> to vector<1x512x128xf32>
    %squeeze3A_17 = vector.shape_cast %slice3A_16 : vector<1x512x128xf32> to vector<512x128xf32>
    %concatenate3A_18 = tpu.concatenate %squeeze3A_15, %squeeze3A_17 in 1 : vector<512x128xf32>, vector<512x128xf32> -> vector<512x256xf32>
    %get3A_19 = arith.constant 256 : index
    %get3A_20 = arith.constant 0 : index
    %get3A_21 = vector.load %arg4[%get3A_19, %get3A_20] : memref<2048x512xf32, #tpu.memory_space<vmem>>, vector<256x512xf32>
    %dot_general3A_22 = arith.constant dense<0.000000e+00> : vector<512x512xf32>
    %dot_general3A_23 = tpu.matmul %concatenate3A_18, %get3A_21, %dot_general3A_22 {dimension_numbers = #tpu.dot_dimension_numbers<[1], [0], [0], [1], [0, 0, 1, 1], [], []>, transpose_lhs_hint = false} : vector<512x256xf32>, vector<256x512xf32>, vector<512x512xf32> -> vector<512x512xf32>
    %add3A_24 = arith.addf %add3A, %dot_general3A_23 : vector<512x512xf32>
    %slice3A_25 = vector.extract_strided_slice %get3A_6 {offsets = [4, 0, 0], sizes = [1, 512, 128], strides = [1, 1, 1]} : vector<16x512x128xf32> to vector<1x512x128xf32>
    %squeeze3A_26 = vector.shape_cast %slice3A_25 : vector<1x512x128xf32> to vector<512x128xf32>
    %slice3A_27 = vector.extract_strided_slice %get3A_6 {offsets = [5, 0, 0], sizes = [1, 512, 128], strides = [1, 1, 1]} : vector<16x512x128xf32> to vector<1x512x128xf32>
    %squeeze3A_28 = vector.shape_cast %slice3A_27 : vector<1x512x128xf32> to vector<512x128xf32>
    %concatenate3A_29 = tpu.concatenate %squeeze3A_26, %squeeze3A_28 in 1 : vector<512x128xf32>, vector<512x128xf32> -> vector<512x256xf32>
    %get3A_30 = arith.constant 512 : index
    %get3A_31 = arith.constant 0 : index
    %get3A_32 = vector.load %arg4[%get3A_30, %get3A_31] : memref<2048x512xf32, #tpu.memory_space<vmem>>, vector<256x512xf32>
    %dot_general3A_33 = arith.constant dense<0.000000e+00> : vector<512x512xf32>
    %dot_general3A_34 = tpu.matmul %concatenate3A_29, %get3A_32, %dot_general3A_33 {dimension_numbers = #tpu.dot_dimension_numbers<[1], [0], [0], [1], [0, 0, 1, 1], [], []>, transpose_lhs_hint = false} : vector<512x256xf32>, vector<256x512xf32>, vector<512x512xf32> -> vector<512x512xf32>
    %add3A_35 = arith.addf %add3A_24, %dot_general3A_34 : vector<512x512xf32>
    %slice3A_36 = vector.extract_strided_slice %get3A_6 {offsets = [6, 0, 0], sizes = [1, 512, 128], strides = [1, 1, 1]} : vector<16x512x128xf32> to vector<1x512x128xf32>
    %squeeze3A_37 = vector.shape_cast %slice3A_36 : vector<1x512x128xf32> to vector<512x128xf32>
    %slice3A_38 = vector.extract_strided_slice %get3A_6 {offsets = [7, 0, 0], sizes = [1, 512, 128], strides = [1, 1, 1]} : vector<16x512x128xf32> to vector<1x512x128xf32>
    %squeeze3A_39 = vector.shape_cast %slice3A_38 : vector<1x512x128xf32> to vector<512x128xf32>
    %concatenate3A_40 = tpu.concatenate %squeeze3A_37, %squeeze3A_39 in 1 : vector<512x128xf32>, vector<512x128xf32> -> vector<512x256xf32>
    %get3A_41 = arith.constant 768 : index
    %get3A_42 = arith.constant 0 : index
    %get3A_43 = vector.load %arg4[%get3A_41, %get3A_42] : memref<2048x512xf32, #tpu.memory_space<vmem>>, vector<256x512xf32>
    %dot_general3A_44 = arith.constant dense<0.000000e+00> : vector<512x512xf32>
    %dot_general3A_45 = tpu.matmul %concatenate3A_40, %get3A_43, %dot_general3A_44 {dimension_numbers = #tpu.dot_dimension_numbers<[1], [0], [0], [1], [0, 0, 1, 1], [], []>, transpose_lhs_hint = false} : vector<512x256xf32>, vector<256x512xf32>, vector<512x512xf32> -> vector<512x512xf32>
    %add3A_46 = arith.addf %add3A_35, %dot_general3A_45 : vector<512x512xf32>
    %slice3A_47 = vector.extract_strided_slice %get3A_6 {offsets = [8, 0, 0], sizes = [1, 512, 128], strides = [1, 1, 1]} : vector<16x512x128xf32> to vector<1x512x128xf32>
    %squeeze3A_48 = vector.shape_cast %slice3A_47 : vector<1x512x128xf32> to vector<512x128xf32>
    %slice3A_49 = vector.extract_strided_slice %get3A_6 {offsets = [9, 0, 0], sizes = [1, 512, 128], strides = [1, 1, 1]} : vector<16x512x128xf32> to vector<1x512x128xf32>
    %squeeze3A_50 = vector.shape_cast %slice3A_49 : vector<1x512x128xf32> to vector<512x128xf32>
    %concatenate3A_51 = tpu.concatenate %squeeze3A_48, %squeeze3A_50 in 1 : vector<512x128xf32>, vector<512x128xf32> -> vector<512x256xf32>
    %get3A_52 = arith.constant 1024 : index
    %get3A_53 = arith.constant 0 : index
    %get3A_54 = vector.load %arg4[%get3A_52, %get3A_53] : memref<2048x512xf32, #tpu.memory_space<vmem>>, vector<256x512xf32>
    %dot_general3A_55 = arith.constant dense<0.000000e+00> : vector<512x512xf32>
    %dot_general3A_56 = tpu.matmul %concatenate3A_51, %get3A_54, %dot_general3A_55 {dimension_numbers = #tpu.dot_dimension_numbers<[1], [0], [0], [1], [0, 0, 1, 1], [], []>, transpose_lhs_hint = false} : vector<512x256xf32>, vector<256x512xf32>, vector<512x512xf32> -> vector<512x512xf32>
    %add3A_57 = arith.addf %add3A_46, %dot_general3A_56 : vector<512x512xf32>
    %slice3A_58 = vector.extract_strided_slice %get3A_6 {offsets = [10, 0, 0], sizes = [1, 512, 128], strides = [1, 1, 1]} : vector<16x512x128xf32> to vector<1x512x128xf32>
    %squeeze3A_59 = vector.shape_cast %slice3A_58 : vector<1x512x128xf32> to vector<512x128xf32>
    %slice3A_60 = vector.extract_strided_slice %get3A_6 {offsets = [11, 0, 0], sizes = [1, 512, 128], strides = [1, 1, 1]} : vector<16x512x128xf32> to vector<1x512x128xf32>
    %squeeze3A_61 = vector.shape_cast %slice3A_60 : vector<1x512x128xf32> to vector<512x128xf32>
    %concatenate3A_62 = tpu.concatenate %squeeze3A_59, %squeeze3A_61 in 1 : vector<512x128xf32>, vector<512x128xf32> -> vector<512x256xf32>
    %get3A_63 = arith.constant 1280 : index
    %get3A_64 = arith.constant 0 : index
    %get3A_65 = vector.load %arg4[%get3A_63, %get3A_64] : memref<2048x512xf32, #tpu.memory_space<vmem>>, vector<256x512xf32>
    %dot_general3A_66 = arith.constant dense<0.000000e+00> : vector<512x512xf32>
    %dot_general3A_67 = tpu.matmul %concatenate3A_62, %get3A_65, %dot_general3A_66 {dimension_numbers = #tpu.dot_dimension_numbers<[1], [0], [0], [1], [0, 0, 1, 1], [], []>, transpose_lhs_hint = false} : vector<512x256xf32>, vector<256x512xf32>, vector<512x512xf32> -> vector<512x512xf32>
    %add3A_68 = arith.addf %add3A_57, %dot_general3A_67 : vector<512x512xf32>
    %slice3A_69 = vector.extract_strided_slice %get3A_6 {offsets = [12, 0, 0], sizes = [1, 512, 128], strides = [1, 1, 1]} : vector<16x512x128xf32> to vector<1x512x128xf32>
    %squeeze3A_70 = vector.shape_cast %slice3A_69 : vector<1x512x128xf32> to vector<512x128xf32>
    %slice3A_71 = vector.extract_strided_slice %get3A_6 {offsets = [13, 0, 0], sizes = [1, 512, 128], strides = [1, 1, 1]} : vector<16x512x128xf32> to vector<1x512x128xf32>
    %squeeze3A_72 = vector.shape_cast %slice3A_71 : vector<1x512x128xf32> to vector<512x128xf32>
    %concatenate3A_73 = tpu.concatenate %squeeze3A_70, %squeeze3A_72 in 1 : vector<512x128xf32>, vector<512x128xf32> -> vector<512x256xf32>
    %get3A_74 = arith.constant 1536 : index
    %get3A_75 = arith.constant 0 : index
    %get3A_76 = vector.load %arg4[%get3A_74, %get3A_75] : memref<2048x512xf32, #tpu.memory_space<vmem>>, vector<256x512xf32>
    %dot_general3A_77 = arith.constant dense<0.000000e+00> : vector<512x512xf32>
    %dot_general3A_78 = tpu.matmul %concatenate3A_73, %get3A_76, %dot_general3A_77 {dimension_numbers = #tpu.dot_dimension_numbers<[1], [0], [0], [1], [0, 0, 1, 1], [], []>, transpose_lhs_hint = false} : vector<512x256xf32>, vector<256x512xf32>, vector<512x512xf32> -> vector<512x512xf32>
    %add3A_79 = arith.addf %add3A_68, %dot_general3A_78 : vector<512x512xf32>
    %slice3A_80 = vector.extract_strided_slice %get3A_6 {offsets = [14, 0, 0], sizes = [1, 512, 128], strides = [1, 1, 1]} : vector<16x512x128xf32> to vector<1x512x128xf32>
    %squeeze3A_81 = vector.shape_cast %slice3A_80 : vector<1x512x128xf32> to vector<512x128xf32>
    %slice3A_82 = vector.extract_strided_slice %get3A_6 {offsets = [15, 0, 0], sizes = [1, 512, 128], strides = [1, 1, 1]} : vector<16x512x128xf32> to vector<1x512x128xf32>
    %squeeze3A_83 = vector.shape_cast %slice3A_82 : vector<1x512x128xf32> to vector<512x128xf32>
    %concatenate3A_84 = tpu.concatenate %squeeze3A_81, %squeeze3A_83 in 1 : vector<512x128xf32>, vector<512x128xf32> -> vector<512x256xf32>
    %get3A_85 = arith.constant 1792 : index
    %get3A_86 = arith.constant 0 : index
    %get3A_87 = vector.load %arg4[%get3A_85, %get3A_86] : memref<2048x512xf32, #tpu.memory_space<vmem>>, vector<256x512xf32>
    %dot_general3A_88 = arith.constant dense<0.000000e+00> : vector<512x512xf32>
    %dot_general3A_89 = tpu.matmul %concatenate3A_84, %get3A_87, %dot_general3A_88 {dimension_numbers = #tpu.dot_dimension_numbers<[1], [0], [0], [1], [0, 0, 1, 1], [], []>, transpose_lhs_hint = false} : vector<512x256xf32>, vector<256x512xf32>, vector<512x512xf32> -> vector<512x512xf32>
    %add3A_90 = arith.addf %add3A_79, %dot_general3A_89 : vector<512x512xf32>
    %get3A_91 = arith.constant 0 : index
    %get3A_92 = arith.constant 0 : index
    %get3A_93 = vector.load %arg7[%get3A_91, %get3A_92] : memref<128x512xf32, #tpu.memory_space<vmem>>, vector<128x512xf32>
    %dot_general3A_94 = arith.constant dense<0.000000e+00> : vector<128x512xf32>
    %dot_general3A_95 = tpu.matmul %get3A_93, %add3A_90, %dot_general3A_94 {dimension_numbers = #tpu.dot_dimension_numbers<[1], [1], [0], [0], [0, 0, 1, 0], [], []>, transpose_lhs_hint = false} : vector<128x512xf32>, vector<512x512xf32>, vector<128x512xf32> -> vector<128x512xf32>
    %mul3A = arith.constant 0.176776692 : f32
    %mul3A_96 = vector.broadcast %mul3A : f32 to vector<128x512xf32>
    %mul3A_97 = arith.mulf %dot_general3A_95, %mul3A_96 : vector<128x512xf32>
    %swap3A = arith.constant 0 : index
    %swap3A_98 = arith.constant 0 : index
    %swap3A_99 = arith.constant 0 : index
    %swap3A_100 = vector.load %arg6[%swap3A, %swap3A_98, %swap3A_99] : memref<1x128x512xf32, #tpu.memory_space<vmem>>, vector<1x128x512xf32>
    %swap3A_101 = vector.shape_cast %swap3A_100 : vector<1x128x512xf32> to vector<128x512xf32>
    %swap3A_102 = vector.shape_cast %mul3A_97 : vector<128x512xf32> to vector<1x128x512xf32>
    tpu.vector_store %arg6[%swap3A, %swap3A_98, %swap3A_99], %swap3A_102 {strides = array<i32>} : memref<1x128x512xf32, #tpu.memory_space<vmem>>, vector<1x128x512xf32>,
    return
  }
  func.func @transform_0(%arg0: i32, %arg1: i32) -> (i32, i32, i32) {
    %add3A = arith.constant 4 : i32
    %add3A_0 = arith.addi %add3A, %arg0 : i32
    %c0_i32 = arith.constant 0 : i32
    %c0_i32_1 = arith.constant 0 : i32
    %c0_i32_2 = arith.constant 0 : i32
    return %add3A_0, %c0_i32, %c0_i32_1 : i32, i32, i32
  }
  func.func @transform_1(%arg0: i32, %arg1: i32) -> (i32, i32) {
    %c0_i32 = arith.constant 0 : i32
    %c0_i32_0 = arith.constant 0 : i32
    %c0_i32_1 = arith.constant 0 : i32
    return %c0_i32, %c0_i32_0 : i32, i32
  }
  func.func @transform_2(%arg0: i32, %arg1: i32) -> (i32, i32) {
    %c0_i32 = arith.constant 0 : i32
    %c0_i32_0 = arith.constant 0 : i32
    %c0_i32_1 = arith.constant 0 : i32
    return %c0_i32, %c0_i32_0 : i32, i32
  }
  func.func @transform_3(%arg0: i32, %arg1: i32) -> (i32, i32, i32, i32) {
    %add3A = arith.constant 4 : i32
    %add3A_0 = arith.addi %add3A, %arg0 : i32
    %c0_i32 = arith.constant 0 : i32
    %c0_i32_1 = arith.constant 0 : i32
    %c0_i32_2 = arith.constant 0 : i32
    return %add3A_0, %c0_i32, %arg1, %c0_i32_1 : i32, i32, i32, i32
  }
  func.func @transform_4(%arg0: i32, %arg1: i32) -> (i32, i32, i32) {
    %c0_i32 = arith.constant 0 : i32
    %c0_i32_0 = arith.constant 0 : i32
    return %arg0, %c0_i32, %arg1 : i32, i32, i32
  }
}

module attributes {stable_mosaic.version = 14 : i64} {
  func.func @_tc_body(%arg0: i32, %arg1: i32, %arg2: memref<1x8x2048xf32, #tpu.memory_space<vmem>>, %arg3: memref<2048x512xf32, #tpu.memory_space<vmem>>, %arg4: memref<2048x512xf32, #tpu.memory_space<vmem>>, %arg5: memref<1x16x512x128xf32, #tpu.memory_space<vmem>>, %arg6: memref<1x128x512xf32, #tpu.memory_space<vmem>>, %arg7: memref<128x512xf32, #tpu.memory_space<vmem>>) attributes {dimension_semantics = [#tpu.dimension_semantics<arbitrary>, #tpu.dimension_semantics<arbitrary>], iteration_bounds = array<i64: 4, 16>, scalar_prefetch = 0 : i64, scratch_operands = 1 : i64, tpu.core_type = #tpu.core_type<tc>, window_params = [{transform_indices = @transform_0, window_bounds = array<i64: 1, 8, 2048>}, {pipeline_mode = #tpu.pipeline_mode<synchronous>, transform_indices = @transform_1, window_bounds = array<i64: 2048, 512>}, {pipeline_mode = #tpu.pipeline_mode<synchronous>, transform_indices = @transform_2, window_bounds = array<i64: 2048, 512>}, {transform_indices = @transform_3, window_bounds = array<i64: 1, 16, 512, 128>}, {transform_indices = @transform_4, window_bounds = array<i64: 1, 128, 512>}]} {
    %eq3A = arith.constant 0 : i32
    %eq3A_0 = arith.cmpi eq, %arg1, %eq3A : i32
    %convert_element_type3A = arith.extui %eq3A_0 : i1 to i32
    %cond3A = arith.constant 0 : i32
    %cond3A_1 = arith.cmpi ne, %convert_element_type3A, %cond3A : i32
    scf.if %cond3A_1 {
      %get3A_103 = arith.constant 0 : index
      %get3A_104 = arith.constant 0 : index
      %get3A_105 = arith.constant 0 : index
      %get3A_106 = vector.load %arg2[%get3A_103, %get3A_104, %get3A_105] : memref<1x8x2048xf32, #tpu.memory_space<vmem>>, vector<1x8x2048xf32>
      %get3A_107 = vector.shape_cast %get3A_106 : vector<1x8x2048xf32> to vector<8x2048xf32>
      %get3A_108 = arith.constant 0 : index
      %get3A_109 = arith.constant 0 : index
      %get3A_110 = vector.load %arg3[%get3A_108, %get3A_109] : memref<2048x512xf32, #tpu.memory_space<vmem>>, vector<2048x512xf32>
      %dot_general3A_111 = arith.constant dense<0.000000e+00> : vector<8x512xf32>
      %dot_general3A_112 = tpu.matmul %get3A_107, %get3A_110, %dot_general3A_111 {dimension_numbers = #tpu.dot_dimension_numbers<[1], [0], [0], [1], [0, 0, 1, 1], [], []>, transpose_lhs_hint = false} : vector<8x2048xf32>, vector<2048x512xf32>, vector<8x512xf32> -> vector<8x512xf32>
      %concatenate3A_113 = tpu.concatenate %dot_general3A_112, %dot_general3A_112, %dot_general3A_112, %dot_general3A_112, %dot_general3A_112, %dot_general3A_112, %dot_general3A_112, %dot_general3A_112, %dot_general3A_112, %dot_general3A_112, %dot_general3A_112, %dot_general3A_112, %dot_general3A_112, %dot_general3A_112, %dot_general3A_112, %dot_general3A_112 in 0 : vector<8x512xf32>, vector<8x512xf32>, vector<8x512xf32>, vector<8x512xf32>, vector<8x512xf32>, vector<8x512xf32>, vector<8x512xf32>, vector<8x512xf32>, vector<8x512xf32>, vector<8x512xf32>, vector<8x512xf32>, vector<8x512xf32>, vector<8x512xf32>, vector<8x512xf32>, vector<8x512xf32>, vector<8x512xf32> -> vector<128x512xf32>
      %iota3A = tpu.iota {dimensions = array<i32: 0>} : vector<128x512xi32>
      %jit3A = arith.constant 8 : i32
      %div3A = vector.broadcast %jit3A : i32 to vector<128x512xi32>
      %div3A_114 = arith.divsi %iota3A, %div3A : vector<128x512xi32>
      %sign3A = arith.constant 0 : i32
      %sign3A_115 = vector.broadcast %sign3A : i32 to vector<128x512xi32>
      %sign3A_116 = arith.cmpi sgt, %iota3A, %sign3A_115 : vector<128x512xi32>
      %sign3A_117 = arith.extui %sign3A_116 : vector<128x512xi1> to vector<128x512xi32>
      %sign3A_118 = arith.constant 0 : i32
      %sign3A_119 = vector.broadcast %sign3A_118 : i32 to vector<128x512xi32>
      %sign3A_120 = arith.cmpi slt, %iota3A, %sign3A_119 : vector<128x512xi32>
      %sign3A_121 = arith.extui %sign3A_120 : vector<128x512xi1> to vector<128x512xi32>
      %sign3A_122 = arith.subi %sign3A_117, %sign3A_121 : vector<128x512xi32>
      %sign3A_123 = arith.constant 0 : i32
      %sign3A_124 = arith.cmpi sgt, %jit3A, %sign3A_123 : i32
      %sign3A_125 = arith.extui %sign3A_124 : i1 to i32
      %sign3A_126 = arith.constant 0 : i32
      %sign3A_127 = arith.cmpi slt, %jit3A, %sign3A_126 : i32
      %sign3A_128 = arith.extui %sign3A_127 : i1 to i32
      %sign3A_129 = arith.subi %sign3A_125, %sign3A_128 : i32
      %ne3A = vector.broadcast %sign3A_129 : i32 to vector<128x512xi32>
      %ne3A_130 = arith.cmpi ne, %sign3A_122, %ne3A : vector<128x512xi32>
      %rem3A = vector.broadcast %jit3A : i32 to vector<128x512xi32>
      %rem3A_131 = arith.remsi %iota3A, %rem3A : vector<128x512xi32>
      %ne3A_132 = arith.constant 0 : i32
      %ne3A_133 = vector.broadcast %ne3A_132 : i32 to vector<128x512xi32>
      %ne3A_134 = arith.cmpi ne, %rem3A_131, %ne3A_133 : vector<128x512xi32>
      %and3A = arith.andi %ne3A_130, %ne3A_134 : vector<128x512xi1>
      %sub3A = arith.constant 1 : i32
      %sub3A_135 = vector.broadcast %sub3A : i32 to vector<128x512xi32>
      %sub3A_136 = arith.subi %div3A_114, %sub3A_135 : vector<128x512xi32>
      %select_n3A = arith.select %and3A, %sub3A_136, %div3A_114 : vector<128x512xi1>, vector<128x512xi32>
      %iota3A_137 = tpu.iota {dimensions = array<i32: 1>} : vector<128x512xi32>
      %jit3A_138 = arith.constant 32 : i32
      %div3A_139 = vector.broadcast %jit3A_138 : i32 to vector<128x512xi32>
      %div3A_140 = arith.divsi %iota3A_137, %div3A_139 : vector<128x512xi32>
      %sign3A_141 = arith.constant 0 : i32
      %sign3A_142 = vector.broadcast %sign3A_141 : i32 to vector<128x512xi32>
      %sign3A_143 = arith.cmpi sgt, %iota3A_137, %sign3A_142 : vector<128x512xi32>
      %sign3A_144 = arith.extui %sign3A_143 : vector<128x512xi1> to vector<128x512xi32>
      %sign3A_145 = arith.constant 0 : i32
      %sign3A_146 = vector.broadcast %sign3A_145 : i32 to vector<128x512xi32>
      %sign3A_147 = arith.cmpi slt, %iota3A_137, %sign3A_146 : vector<128x512xi32>
      %sign3A_148 = arith.extui %sign3A_147 : vector<128x512xi1> to vector<128x512xi32>
      %sign3A_149 = arith.subi %sign3A_144, %sign3A_148 : vector<128x512xi32>
      %sign3A_150 = arith.constant 0 : i32
      %sign3A_151 = arith.cmpi sgt, %jit3A_138, %sign3A_150 : i32
      %sign3A_152 = arith.extui %sign3A_151 : i1 to i32
      %sign3A_153 = arith.constant 0 : i32
      %sign3A_154 = arith.cmpi slt, %jit3A_138, %sign3A_153 : i32
      %sign3A_155 = arith.extui %sign3A_154 : i1 to i32
      %sign3A_156 = arith.subi %sign3A_152, %sign3A_155 : i32
      %ne3A_157 = vector.broadcast %sign3A_156 : i32 to vector<128x512xi32>
      %ne3A_158 = arith.cmpi ne, %sign3A_149, %ne3A_157 : vector<128x512xi32>
      %rem3A_159 = vector.broadcast %jit3A_138 : i32 to vector<128x512xi32>
      %rem3A_160 = arith.remsi %iota3A_137, %rem3A_159 : vector<128x512xi32>
      %ne3A_161 = arith.constant 0 : i32
      %ne3A_162 = vector.broadcast %ne3A_161 : i32 to vector<128x512xi32>
      %ne3A_163 = arith.cmpi ne, %rem3A_160, %ne3A_162 : vector<128x512xi32>
      %and3A_164 = arith.andi %ne3A_158, %ne3A_163 : vector<128x512xi1>
      %sub3A_165 = arith.constant 1 : i32
      %sub3A_166 = vector.broadcast %sub3A_165 : i32 to vector<128x512xi32>
      %sub3A_167 = arith.subi %div3A_140, %sub3A_166 : vector<128x512xi32>
      %select_n3A_168 = arith.select %and3A_164, %sub3A_167, %div3A_140 : vector<128x512xi1>, vector<128x512xi32>
      %eq3A_169 = arith.cmpi eq, %select_n3A, %select_n3A_168 : vector<128x512xi32>
      %jit3A_170 = arith.constant 0.000000e+00 : f32
      %broadcast_in_dim3A_171 = vector.broadcast %jit3A_170 : f32 to vector<128x512xf32>
      %select_n3A_172 = arith.select %eq3A_169, %concatenate3A_113, %broadcast_in_dim3A_171 : vector<128x512xi1>, vector<128x512xf32>
      %swap3A_173 = arith.constant 0 : index
      %swap3A_174 = arith.constant 0 : index
      %swap3A_175 = vector.load %arg7[%swap3A_173, %swap3A_174] : memref<128x512xf32, #tpu.memory_space<vmem>>, vector<128x512xf32>
      tpu.vector_store %arg7[%swap3A_173, %swap3A_174], %select_n3A_172 {strides = array<i32>} : memref<128x512xf32, #tpu.memory_space<vmem>>, vector<128x512xf32>,
    } else {
    }
    %get3A = arith.constant 0 : index
    %get3A_2 = arith.constant 0 : index
    %get3A_3 = arith.constant 0 : index
    %get3A_4 = arith.constant 0 : index
    %get3A_5 = vector.load %arg5[%get3A, %get3A_2, %get3A_3, %get3A_4] : memref<1x16x512x128xf32, #tpu.memory_space<vmem>>, vector<1x16x512x128xf32>
    %get3A_6 = vector.shape_cast %get3A_5 : vector<1x16x512x128xf32> to vector<16x512x128xf32>
    %broadcast_in_dim3A = arith.constant 0.000000e+00 : f32
    %broadcast_in_dim3A_7 = vector.broadcast %broadcast_in_dim3A : f32 to vector<512x512xf32>
    %slice3A = vector.extract_strided_slice %get3A_6 {offsets = [0, 0, 0], sizes = [1, 512, 128], strides = [1, 1, 1]} : vector<16x512x128xf32> to vector<1x512x128xf32>
    %squeeze3A = vector.shape_cast %slice3A : vector<1x512x128xf32> to vector<512x128xf32>
    %slice3A_8 = vector.extract_strided_slice %get3A_6 {offsets = [1, 0, 0], sizes = [1, 512, 128], strides = [1, 1, 1]} : vector<16x512x128xf32> to vector<1x512x128xf32>
    %squeeze3A_9 = vector.shape_cast %slice3A_8 : vector<1x512x128xf32> to vector<512x128xf32>
    %concatenate3A = tpu.concatenate %squeeze3A, %squeeze3A_9 in 1 : vector<512x128xf32>, vector<512x128xf32> -> vector<512x256xf32>
    %get3A_10 = arith.constant 0 : index
    %get3A_11 = arith.constant 0 : index
    %get3A_12 = vector.load %arg4[%get3A_10, %get3A_11] : memref<2048x512xf32, #tpu.memory_space<vmem>>, vector<256x512xf32>
    %dot_general3A = arith.constant dense<0.000000e+00> : vector<512x512xf32>
    %dot_general3A_13 = tpu.matmul %concatenate3A, %get3A_12, %dot_general3A {dimension_numbers = #tpu.dot_dimension_numbers<[1], [0], [0], [1], [0, 0, 1, 1], [], []>, transpose_lhs_hint = false} : vector<512x256xf32>, vector<256x512xf32>, vector<512x512xf32> -> vector<512x512xf32>
    %add3A = arith.addf %broadcast_in_dim3A_7, %dot_general3A_13 : vector<512x512xf32>
    %slice3A_14 = vector.extract_strided_slice %get3A_6 {offsets = [2, 0, 0], sizes = [1, 512, 128], strides = [1, 1, 1]} : vector<16x512x128xf32> to vector<1x512x128xf32>
    %squeeze3A_15 = vector.shape_cast %slice3A_14 : vector<1x512x128xf32> to vector<512x128xf32>
    %slice3A_16 = vector.extract_strided_slice %get3A_6 {offsets = [3, 0, 0], sizes = [1, 512, 128], strides = [1, 1, 1]} : vector<16x512x128xf32> to vector<1x512x128xf32>
    %squeeze3A_17 = vector.shape_cast %slice3A_16 : vector<1x512x128xf32> to vector<512x128xf32>
    %concatenate3A_18 = tpu.concatenate %squeeze3A_15, %squeeze3A_17 in 1 : vector<512x128xf32>, vector<512x128xf32> -> vector<512x256xf32>
    %get3A_19 = arith.constant 256 : index
    %get3A_20 = arith.constant 0 : index
    %get3A_21 = vector.load %arg4[%get3A_19, %get3A_20] : memref<2048x512xf32, #tpu.memory_space<vmem>>, vector<256x512xf32>
    %dot_general3A_22 = arith.constant dense<0.000000e+00> : vector<512x512xf32>
    %dot_general3A_23 = tpu.matmul %concatenate3A_18, %get3A_21, %dot_general3A_22 {dimension_numbers = #tpu.dot_dimension_numbers<[1], [0], [0], [1], [0, 0, 1, 1], [], []>, transpose_lhs_hint = false} : vector<512x256xf32>, vector<256x512xf32>, vector<512x512xf32> -> vector<512x512xf32>
    %add3A_24 = arith.addf %add3A, %dot_general3A_23 : vector<512x512xf32>
    %slice3A_25 = vector.extract_strided_slice %get3A_6 {offsets = [4, 0, 0], sizes = [1, 512, 128], strides = [1, 1, 1]} : vector<16x512x128xf32> to vector<1x512x128xf32>
    %squeeze3A_26 = vector.shape_cast %slice3A_25 : vector<1x512x128xf32> to vector<512x128xf32>
    %slice3A_27 = vector.extract_strided_slice %get3A_6 {offsets = [5, 0, 0], sizes = [1, 512, 128], strides = [1, 1, 1]} : vector<16x512x128xf32> to vector<1x512x128xf32>
    %squeeze3A_28 = vector.shape_cast %slice3A_27 : vector<1x512x128xf32> to vector<512x128xf32>
    %concatenate3A_29 = tpu.concatenate %squeeze3A_26, %squeeze3A_28 in 1 : vector<512x128xf32>, vector<512x128xf32> -> vector<512x256xf32>
    %get3A_30 = arith.constant 512 : index
    %get3A_31 = arith.constant 0 : index
    %get3A_32 = vector.load %arg4[%get3A_30, %get3A_31] : memref<2048x512xf32, #tpu.memory_space<vmem>>, vector<256x512xf32>
    %dot_general3A_33 = arith.constant dense<0.000000e+00> : vector<512x512xf32>
    %dot_general3A_34 = tpu.matmul %concatenate3A_29, %get3A_32, %dot_general3A_33 {dimension_numbers = #tpu.dot_dimension_numbers<[1], [0], [0], [1], [0, 0, 1, 1], [], []>, transpose_lhs_hint = false} : vector<512x256xf32>, vector<256x512xf32>, vector<512x512xf32> -> vector<512x512xf32>
    %add3A_35 = arith.addf %add3A_24, %dot_general3A_34 : vector<512x512xf32>
    %slice3A_36 = vector.extract_strided_slice %get3A_6 {offsets = [6, 0, 0], sizes = [1, 512, 128], strides = [1, 1, 1]} : vector<16x512x128xf32> to vector<1x512x128xf32>
    %squeeze3A_37 = vector.shape_cast %slice3A_36 : vector<1x512x128xf32> to vector<512x128xf32>
    %slice3A_38 = vector.extract_strided_slice %get3A_6 {offsets = [7, 0, 0], sizes = [1, 512, 128], strides = [1, 1, 1]} : vector<16x512x128xf32> to vector<1x512x128xf32>
    %squeeze3A_39 = vector.shape_cast %slice3A_38 : vector<1x512x128xf32> to vector<512x128xf32>
    %concatenate3A_40 = tpu.concatenate %squeeze3A_37, %squeeze3A_39 in 1 : vector<512x128xf32>, vector<512x128xf32> -> vector<512x256xf32>
    %get3A_41 = arith.constant 768 : index
    %get3A_42 = arith.constant 0 : index
    %get3A_43 = vector.load %arg4[%get3A_41, %get3A_42] : memref<2048x512xf32, #tpu.memory_space<vmem>>, vector<256x512xf32>
    %dot_general3A_44 = arith.constant dense<0.000000e+00> : vector<512x512xf32>
    %dot_general3A_45 = tpu.matmul %concatenate3A_40, %get3A_43, %dot_general3A_44 {dimension_numbers = #tpu.dot_dimension_numbers<[1], [0], [0], [1], [0, 0, 1, 1], [], []>, transpose_lhs_hint = false} : vector<512x256xf32>, vector<256x512xf32>, vector<512x512xf32> -> vector<512x512xf32>
    %add3A_46 = arith.addf %add3A_35, %dot_general3A_45 : vector<512x512xf32>
    %slice3A_47 = vector.extract_strided_slice %get3A_6 {offsets = [8, 0, 0], sizes = [1, 512, 128], strides = [1, 1, 1]} : vector<16x512x128xf32> to vector<1x512x128xf32>
    %squeeze3A_48 = vector.shape_cast %slice3A_47 : vector<1x512x128xf32> to vector<512x128xf32>
    %slice3A_49 = vector.extract_strided_slice %get3A_6 {offsets = [9, 0, 0], sizes = [1, 512, 128], strides = [1, 1, 1]} : vector<16x512x128xf32> to vector<1x512x128xf32>
    %squeeze3A_50 = vector.shape_cast %slice3A_49 : vector<1x512x128xf32> to vector<512x128xf32>
    %concatenate3A_51 = tpu.concatenate %squeeze3A_48, %squeeze3A_50 in 1 : vector<512x128xf32>, vector<512x128xf32> -> vector<512x256xf32>
    %get3A_52 = arith.constant 1024 : index
    %get3A_53 = arith.constant 0 : index
    %get3A_54 = vector.load %arg4[%get3A_52, %get3A_53] : memref<2048x512xf32, #tpu.memory_space<vmem>>, vector<256x512xf32>
    %dot_general3A_55 = arith.constant dense<0.000000e+00> : vector<512x512xf32>
    %dot_general3A_56 = tpu.matmul %concatenate3A_51, %get3A_54, %dot_general3A_55 {dimension_numbers = #tpu.dot_dimension_numbers<[1], [0], [0], [1], [0, 0, 1, 1], [], []>, transpose_lhs_hint = false} : vector<512x256xf32>, vector<256x512xf32>, vector<512x512xf32> -> vector<512x512xf32>
    %add3A_57 = arith.addf %add3A_46, %dot_general3A_56 : vector<512x512xf32>
    %slice3A_58 = vector.extract_strided_slice %get3A_6 {offsets = [10, 0, 0], sizes = [1, 512, 128], strides = [1, 1, 1]} : vector<16x512x128xf32> to vector<1x512x128xf32>
    %squeeze3A_59 = vector.shape_cast %slice3A_58 : vector<1x512x128xf32> to vector<512x128xf32>
    %slice3A_60 = vector.extract_strided_slice %get3A_6 {offsets = [11, 0, 0], sizes = [1, 512, 128], strides = [1, 1, 1]} : vector<16x512x128xf32> to vector<1x512x128xf32>
    %squeeze3A_61 = vector.shape_cast %slice3A_60 : vector<1x512x128xf32> to vector<512x128xf32>
    %concatenate3A_62 = tpu.concatenate %squeeze3A_59, %squeeze3A_61 in 1 : vector<512x128xf32>, vector<512x128xf32> -> vector<512x256xf32>
    %get3A_63 = arith.constant 1280 : index
    %get3A_64 = arith.constant 0 : index
    %get3A_65 = vector.load %arg4[%get3A_63, %get3A_64] : memref<2048x512xf32, #tpu.memory_space<vmem>>, vector<256x512xf32>
    %dot_general3A_66 = arith.constant dense<0.000000e+00> : vector<512x512xf32>
    %dot_general3A_67 = tpu.matmul %concatenate3A_62, %get3A_65, %dot_general3A_66 {dimension_numbers = #tpu.dot_dimension_numbers<[1], [0], [0], [1], [0, 0, 1, 1], [], []>, transpose_lhs_hint = false} : vector<512x256xf32>, vector<256x512xf32>, vector<512x512xf32> -> vector<512x512xf32>
    %add3A_68 = arith.addf %add3A_57, %dot_general3A_67 : vector<512x512xf32>
    %slice3A_69 = vector.extract_strided_slice %get3A_6 {offsets = [12, 0, 0], sizes = [1, 512, 128], strides = [1, 1, 1]} : vector<16x512x128xf32> to vector<1x512x128xf32>
    %squeeze3A_70 = vector.shape_cast %slice3A_69 : vector<1x512x128xf32> to vector<512x128xf32>
    %slice3A_71 = vector.extract_strided_slice %get3A_6 {offsets = [13, 0, 0], sizes = [1, 512, 128], strides = [1, 1, 1]} : vector<16x512x128xf32> to vector<1x512x128xf32>
    %squeeze3A_72 = vector.shape_cast %slice3A_71 : vector<1x512x128xf32> to vector<512x128xf32>
    %concatenate3A_73 = tpu.concatenate %squeeze3A_70, %squeeze3A_72 in 1 : vector<512x128xf32>, vector<512x128xf32> -> vector<512x256xf32>
    %get3A_74 = arith.constant 1536 : index
    %get3A_75 = arith.constant 0 : index
    %get3A_76 = vector.load %arg4[%get3A_74, %get3A_75] : memref<2048x512xf32, #tpu.memory_space<vmem>>, vector<256x512xf32>
    %dot_general3A_77 = arith.constant dense<0.000000e+00> : vector<512x512xf32>
    %dot_general3A_78 = tpu.matmul %concatenate3A_73, %get3A_76, %dot_general3A_77 {dimension_numbers = #tpu.dot_dimension_numbers<[1], [0], [0], [1], [0, 0, 1, 1], [], []>, transpose_lhs_hint = false} : vector<512x256xf32>, vector<256x512xf32>, vector<512x512xf32> -> vector<512x512xf32>
    %add3A_79 = arith.addf %add3A_68, %dot_general3A_78 : vector<512x512xf32>
    %slice3A_80 = vector.extract_strided_slice %get3A_6 {offsets = [14, 0, 0], sizes = [1, 512, 128], strides = [1, 1, 1]} : vector<16x512x128xf32> to vector<1x512x128xf32>
    %squeeze3A_81 = vector.shape_cast %slice3A_80 : vector<1x512x128xf32> to vector<512x128xf32>
    %slice3A_82 = vector.extract_strided_slice %get3A_6 {offsets = [15, 0, 0], sizes = [1, 512, 128], strides = [1, 1, 1]} : vector<16x512x128xf32> to vector<1x512x128xf32>
    %squeeze3A_83 = vector.shape_cast %slice3A_82 : vector<1x512x128xf32> to vector<512x128xf32>
    %concatenate3A_84 = tpu.concatenate %squeeze3A_81, %squeeze3A_83 in 1 : vector<512x128xf32>, vector<512x128xf32> -> vector<512x256xf32>
    %get3A_85 = arith.constant 1792 : index
    %get3A_86 = arith.constant 0 : index
    %get3A_87 = vector.load %arg4[%get3A_85, %get3A_86] : memref<2048x512xf32, #tpu.memory_space<vmem>>, vector<256x512xf32>
    %dot_general3A_88 = arith.constant dense<0.000000e+00> : vector<512x512xf32>
    %dot_general3A_89 = tpu.matmul %concatenate3A_84, %get3A_87, %dot_general3A_88 {dimension_numbers = #tpu.dot_dimension_numbers<[1], [0], [0], [1], [0, 0, 1, 1], [], []>, transpose_lhs_hint = false} : vector<512x256xf32>, vector<256x512xf32>, vector<512x512xf32> -> vector<512x512xf32>
    %add3A_90 = arith.addf %add3A_79, %dot_general3A_89 : vector<512x512xf32>
    %get3A_91 = arith.constant 0 : index
    %get3A_92 = arith.constant 0 : index
    %get3A_93 = vector.load %arg7[%get3A_91, %get3A_92] : memref<128x512xf32, #tpu.memory_space<vmem>>, vector<128x512xf32>
    %dot_general3A_94 = arith.constant dense<0.000000e+00> : vector<128x512xf32>
    %dot_general3A_95 = tpu.matmul %get3A_93, %add3A_90, %dot_general3A_94 {dimension_numbers = #tpu.dot_dimension_numbers<[1], [1], [0], [0], [0, 0, 1, 0], [], []>, transpose_lhs_hint = false} : vector<128x512xf32>, vector<512x512xf32>, vector<128x512xf32> -> vector<128x512xf32>
    %mul3A = arith.constant 0.176776692 : f32
    %mul3A_96 = vector.broadcast %mul3A : f32 to vector<128x512xf32>
    %mul3A_97 = arith.mulf %dot_general3A_95, %mul3A_96 : vector<128x512xf32>
    %swap3A = arith.constant 0 : index
    %swap3A_98 = arith.constant 0 : index
    %swap3A_99 = arith.constant 0 : index
    %swap3A_100 = vector.load %arg6[%swap3A, %swap3A_98, %swap3A_99] : memref<1x128x512xf32, #tpu.memory_space<vmem>>, vector<1x128x512xf32>
    %swap3A_101 = vector.shape_cast %swap3A_100 : vector<1x128x512xf32> to vector<128x512xf32>
    %swap3A_102 = vector.shape_cast %mul3A_97 : vector<128x512xf32> to vector<1x128x512xf32>
    tpu.vector_store %arg6[%swap3A, %swap3A_98, %swap3A_99], %swap3A_102 {strides = array<i32>} : memref<1x128x512xf32, #tpu.memory_space<vmem>>, vector<1x128x512xf32>,
    return
  }
  func.func @transform_0(%arg0: i32, %arg1: i32) -> (i32, i32, i32) {
    %add3A = arith.constant 8 : i32
    %add3A_0 = arith.addi %add3A, %arg0 : i32
    %c0_i32 = arith.constant 0 : i32
    %c0_i32_1 = arith.constant 0 : i32
    %c0_i32_2 = arith.constant 0 : i32
    return %add3A_0, %c0_i32, %c0_i32_1 : i32, i32, i32
  }
  func.func @transform_1(%arg0: i32, %arg1: i32) -> (i32, i32) {
    %c0_i32 = arith.constant 0 : i32
    %c0_i32_0 = arith.constant 0 : i32
    %c0_i32_1 = arith.constant 0 : i32
    return %c0_i32, %c0_i32_0 : i32, i32
  }
  func.func @transform_2(%arg0: i32, %arg1: i32) -> (i32, i32) {
    %c0_i32 = arith.constant 0 : i32
    %c0_i32_0 = arith.constant 0 : i32
    %c0_i32_1 = arith.constant 0 : i32
    return %c0_i32, %c0_i32_0 : i32, i32
  }
  func.func @transform_3(%arg0: i32, %arg1: i32) -> (i32, i32, i32, i32) {
    %add3A = arith.constant 8 : i32
    %add3A_0 = arith.addi %add3A, %arg0 : i32
    %c0_i32 = arith.constant 0 : i32
    %c0_i32_1 = arith.constant 0 : i32
    %c0_i32_2 = arith.constant 0 : i32
    return %add3A_0, %c0_i32, %arg1, %c0_i32_1 : i32, i32, i32, i32
  }
  func.func @transform_4(%arg0: i32, %arg1: i32) -> (i32, i32, i32) {
    %c0_i32 = arith.constant 0 : i32
    %c0_i32_0 = arith.constant 0 : i32
    return %arg0, %c0_i32, %arg1 : i32, i32, i32
  }
}

module attributes {stable_mosaic.version = 14 : i64} {
  func.func @_tc_body(%arg0: i32, %arg1: i32, %arg2: memref<1x8x2048xf32, #tpu.memory_space<vmem>>, %arg3: memref<2048x512xf32, #tpu.memory_space<vmem>>, %arg4: memref<2048x512xf32, #tpu.memory_space<vmem>>, %arg5: memref<1x16x512x128xf32, #tpu.memory_space<vmem>>, %arg6: memref<1x128x512xf32, #tpu.memory_space<vmem>>, %arg7: memref<128x512xf32, #tpu.memory_space<vmem>>) attributes {dimension_semantics = [#tpu.dimension_semantics<arbitrary>, #tpu.dimension_semantics<arbitrary>], iteration_bounds = array<i64: 4, 16>, scalar_prefetch = 0 : i64, scratch_operands = 1 : i64, tpu.core_type = #tpu.core_type<tc>, window_params = [{transform_indices = @transform_0, window_bounds = array<i64: 1, 8, 2048>}, {pipeline_mode = #tpu.pipeline_mode<synchronous>, transform_indices = @transform_1, window_bounds = array<i64: 2048, 512>}, {pipeline_mode = #tpu.pipeline_mode<synchronous>, transform_indices = @transform_2, window_bounds = array<i64: 2048, 512>}, {transform_indices = @transform_3, window_bounds = array<i64: 1, 16, 512, 128>}, {transform_indices = @transform_4, window_bounds = array<i64: 1, 128, 512>}]} {
    %eq3A = arith.constant 0 : i32
    %eq3A_0 = arith.cmpi eq, %arg1, %eq3A : i32
    %convert_element_type3A = arith.extui %eq3A_0 : i1 to i32
    %cond3A = arith.constant 0 : i32
    %cond3A_1 = arith.cmpi ne, %convert_element_type3A, %cond3A : i32
    scf.if %cond3A_1 {
      %get3A_103 = arith.constant 0 : index
      %get3A_104 = arith.constant 0 : index
      %get3A_105 = arith.constant 0 : index
      %get3A_106 = vector.load %arg2[%get3A_103, %get3A_104, %get3A_105] : memref<1x8x2048xf32, #tpu.memory_space<vmem>>, vector<1x8x2048xf32>
      %get3A_107 = vector.shape_cast %get3A_106 : vector<1x8x2048xf32> to vector<8x2048xf32>
      %get3A_108 = arith.constant 0 : index
      %get3A_109 = arith.constant 0 : index
      %get3A_110 = vector.load %arg3[%get3A_108, %get3A_109] : memref<2048x512xf32, #tpu.memory_space<vmem>>, vector<2048x512xf32>
      %dot_general3A_111 = arith.constant dense<0.000000e+00> : vector<8x512xf32>
      %dot_general3A_112 = tpu.matmul %get3A_107, %get3A_110, %dot_general3A_111 {dimension_numbers = #tpu.dot_dimension_numbers<[1], [0], [0], [1], [0, 0, 1, 1], [], []>, transpose_lhs_hint = false} : vector<8x2048xf32>, vector<2048x512xf32>, vector<8x512xf32> -> vector<8x512xf32>
      %concatenate3A_113 = tpu.concatenate %dot_general3A_112, %dot_general3A_112, %dot_general3A_112, %dot_general3A_112, %dot_general3A_112, %dot_general3A_112, %dot_general3A_112, %dot_general3A_112, %dot_general3A_112, %dot_general3A_112, %dot_general3A_112, %dot_general3A_112, %dot_general3A_112, %dot_general3A_112, %dot_general3A_112, %dot_general3A_112 in 0 : vector<8x512xf32>, vector<8x512xf32>, vector<8x512xf32>, vector<8x512xf32>, vector<8x512xf32>, vector<8x512xf32>, vector<8x512xf32>, vector<8x512xf32>, vector<8x512xf32>, vector<8x512xf32>, vector<8x512xf32>, vector<8x512xf32>, vector<8x512xf32>, vector<8x512xf32>, vector<8x512xf32>, vector<8x512xf32> -> vector<128x512xf32>
      %iota3A = tpu.iota {dimensions = array<i32: 0>} : vector<128x512xi32>
      %jit3A = arith.constant 8 : i32
      %div3A = vector.broadcast %jit3A : i32 to vector<128x512xi32>
      %div3A_114 = arith.divsi %iota3A, %div3A : vector<128x512xi32>
      %sign3A = arith.constant 0 : i32
      %sign3A_115 = vector.broadcast %sign3A : i32 to vector<128x512xi32>
      %sign3A_116 = arith.cmpi sgt, %iota3A, %sign3A_115 : vector<128x512xi32>
      %sign3A_117 = arith.extui %sign3A_116 : vector<128x512xi1> to vector<128x512xi32>
      %sign3A_118 = arith.constant 0 : i32
      %sign3A_119 = vector.broadcast %sign3A_118 : i32 to vector<128x512xi32>
      %sign3A_120 = arith.cmpi slt, %iota3A, %sign3A_119 : vector<128x512xi32>
      %sign3A_121 = arith.extui %sign3A_120 : vector<128x512xi1> to vector<128x512xi32>
      %sign3A_122 = arith.subi %sign3A_117, %sign3A_121 : vector<128x512xi32>
      %sign3A_123 = arith.constant 0 : i32
      %sign3A_124 = arith.cmpi sgt, %jit3A, %sign3A_123 : i32
      %sign3A_125 = arith.extui %sign3A_124 : i1 to i32
      %sign3A_126 = arith.constant 0 : i32
      %sign3A_127 = arith.cmpi slt, %jit3A, %sign3A_126 : i32
      %sign3A_128 = arith.extui %sign3A_127 : i1 to i32
      %sign3A_129 = arith.subi %sign3A_125, %sign3A_128 : i32
      %ne3A = vector.broadcast %sign3A_129 : i32 to vector<128x512xi32>
      %ne3A_130 = arith.cmpi ne, %sign3A_122, %ne3A : vector<128x512xi32>
      %rem3A = vector.broadcast %jit3A : i32 to vector<128x512xi32>
      %rem3A_131 = arith.remsi %iota3A, %rem3A : vector<128x512xi32>
      %ne3A_132 = arith.constant 0 : i32
      %ne3A_133 = vector.broadcast %ne3A_132 : i32 to vector<128x512xi32>
      %ne3A_134 = arith.cmpi ne, %rem3A_131, %ne3A_133 : vector<128x512xi32>
      %and3A = arith.andi %ne3A_130, %ne3A_134 : vector<128x512xi1>
      %sub3A = arith.constant 1 : i32
      %sub3A_135 = vector.broadcast %sub3A : i32 to vector<128x512xi32>
      %sub3A_136 = arith.subi %div3A_114, %sub3A_135 : vector<128x512xi32>
      %select_n3A = arith.select %and3A, %sub3A_136, %div3A_114 : vector<128x512xi1>, vector<128x512xi32>
      %iota3A_137 = tpu.iota {dimensions = array<i32: 1>} : vector<128x512xi32>
      %jit3A_138 = arith.constant 32 : i32
      %div3A_139 = vector.broadcast %jit3A_138 : i32 to vector<128x512xi32>
      %div3A_140 = arith.divsi %iota3A_137, %div3A_139 : vector<128x512xi32>
      %sign3A_141 = arith.constant 0 : i32
      %sign3A_142 = vector.broadcast %sign3A_141 : i32 to vector<128x512xi32>
      %sign3A_143 = arith.cmpi sgt, %iota3A_137, %sign3A_142 : vector<128x512xi32>
      %sign3A_144 = arith.extui %sign3A_143 : vector<128x512xi1> to vector<128x512xi32>
      %sign3A_145 = arith.constant 0 : i32
      %sign3A_146 = vector.broadcast %sign3A_145 : i32 to vector<128x512xi32>
      %sign3A_147 = arith.cmpi slt, %iota3A_137, %sign3A_146 : vector<128x512xi32>
      %sign3A_148 = arith.extui %sign3A_147 : vector<128x512xi1> to vector<128x512xi32>
      %sign3A_149 = arith.subi %sign3A_144, %sign3A_148 : vector<128x512xi32>
      %sign3A_150 = arith.constant 0 : i32
      %sign3A_151 = arith.cmpi sgt, %jit3A_138, %sign3A_150 : i32
      %sign3A_152 = arith.extui %sign3A_151 : i1 to i32
      %sign3A_153 = arith.constant 0 : i32
      %sign3A_154 = arith.cmpi slt, %jit3A_138, %sign3A_153 : i32
      %sign3A_155 = arith.extui %sign3A_154 : i1 to i32
      %sign3A_156 = arith.subi %sign3A_152, %sign3A_155 : i32
      %ne3A_157 = vector.broadcast %sign3A_156 : i32 to vector<128x512xi32>
      %ne3A_158 = arith.cmpi ne, %sign3A_149, %ne3A_157 : vector<128x512xi32>
      %rem3A_159 = vector.broadcast %jit3A_138 : i32 to vector<128x512xi32>
      %rem3A_160 = arith.remsi %iota3A_137, %rem3A_159 : vector<128x512xi32>
      %ne3A_161 = arith.constant 0 : i32
      %ne3A_162 = vector.broadcast %ne3A_161 : i32 to vector<128x512xi32>
      %ne3A_163 = arith.cmpi ne, %rem3A_160, %ne3A_162 : vector<128x512xi32>
      %and3A_164 = arith.andi %ne3A_158, %ne3A_163 : vector<128x512xi1>
      %sub3A_165 = arith.constant 1 : i32
      %sub3A_166 = vector.broadcast %sub3A_165 : i32 to vector<128x512xi32>
      %sub3A_167 = arith.subi %div3A_140, %sub3A_166 : vector<128x512xi32>
      %select_n3A_168 = arith.select %and3A_164, %sub3A_167, %div3A_140 : vector<128x512xi1>, vector<128x512xi32>
      %eq3A_169 = arith.cmpi eq, %select_n3A, %select_n3A_168 : vector<128x512xi32>
      %jit3A_170 = arith.constant 0.000000e+00 : f32
      %broadcast_in_dim3A_171 = vector.broadcast %jit3A_170 : f32 to vector<128x512xf32>
      %select_n3A_172 = arith.select %eq3A_169, %concatenate3A_113, %broadcast_in_dim3A_171 : vector<128x512xi1>, vector<128x512xf32>
      %swap3A_173 = arith.constant 0 : index
      %swap3A_174 = arith.constant 0 : index
      %swap3A_175 = vector.load %arg7[%swap3A_173, %swap3A_174] : memref<128x512xf32, #tpu.memory_space<vmem>>, vector<128x512xf32>
      tpu.vector_store %arg7[%swap3A_173, %swap3A_174], %select_n3A_172 {strides = array<i32>} : memref<128x512xf32, #tpu.memory_space<vmem>>, vector<128x512xf32>,
    } else {
    }
    %get3A = arith.constant 0 : index
    %get3A_2 = arith.constant 0 : index
    %get3A_3 = arith.constant 0 : index
    %get3A_4 = arith.constant 0 : index
    %get3A_5 = vector.load %arg5[%get3A, %get3A_2, %get3A_3, %get3A_4] : memref<1x16x512x128xf32, #tpu.memory_space<vmem>>, vector<1x16x512x128xf32>
    %get3A_6 = vector.shape_cast %get3A_5 : vector<1x16x512x128xf32> to vector<16x512x128xf32>
    %broadcast_in_dim3A = arith.constant 0.000000e+00 : f32
    %broadcast_in_dim3A_7 = vector.broadcast %broadcast_in_dim3A : f32 to vector<512x512xf32>
    %slice3A = vector.extract_strided_slice %get3A_6 {offsets = [0, 0, 0], sizes = [1, 512, 128], strides = [1, 1, 1]} : vector<16x512x128xf32> to vector<1x512x128xf32>
    %squeeze3A = vector.shape_cast %slice3A : vector<1x512x128xf32> to vector<512x128xf32>
    %slice3A_8 = vector.extract_strided_slice %get3A_6 {offsets = [1, 0, 0], sizes = [1, 512, 128], strides = [1, 1, 1]} : vector<16x512x128xf32> to vector<1x512x128xf32>
    %squeeze3A_9 = vector.shape_cast %slice3A_8 : vector<1x512x128xf32> to vector<512x128xf32>
    %concatenate3A = tpu.concatenate %squeeze3A, %squeeze3A_9 in 1 : vector<512x128xf32>, vector<512x128xf32> -> vector<512x256xf32>
    %get3A_10 = arith.constant 0 : index
    %get3A_11 = arith.constant 0 : index
    %get3A_12 = vector.load %arg4[%get3A_10, %get3A_11] : memref<2048x512xf32, #tpu.memory_space<vmem>>, vector<256x512xf32>
    %dot_general3A = arith.constant dense<0.000000e+00> : vector<512x512xf32>
    %dot_general3A_13 = tpu.matmul %concatenate3A, %get3A_12, %dot_general3A {dimension_numbers = #tpu.dot_dimension_numbers<[1], [0], [0], [1], [0, 0, 1, 1], [], []>, transpose_lhs_hint = false} : vector<512x256xf32>, vector<256x512xf32>, vector<512x512xf32> -> vector<512x512xf32>
    %add3A = arith.addf %broadcast_in_dim3A_7, %dot_general3A_13 : vector<512x512xf32>
    %slice3A_14 = vector.extract_strided_slice %get3A_6 {offsets = [2, 0, 0], sizes = [1, 512, 128], strides = [1, 1, 1]} : vector<16x512x128xf32> to vector<1x512x128xf32>
    %squeeze3A_15 = vector.shape_cast %slice3A_14 : vector<1x512x128xf32> to vector<512x128xf32>
    %slice3A_16 = vector.extract_strided_slice %get3A_6 {offsets = [3, 0, 0], sizes = [1, 512, 128], strides = [1, 1, 1]} : vector<16x512x128xf32> to vector<1x512x128xf32>
    %squeeze3A_17 = vector.shape_cast %slice3A_16 : vector<1x512x128xf32> to vector<512x128xf32>
    %concatenate3A_18 = tpu.concatenate %squeeze3A_15, %squeeze3A_17 in 1 : vector<512x128xf32>, vector<512x128xf32> -> vector<512x256xf32>
    %get3A_19 = arith.constant 256 : index
    %get3A_20 = arith.constant 0 : index
    %get3A_21 = vector.load %arg4[%get3A_19, %get3A_20] : memref<2048x512xf32, #tpu.memory_space<vmem>>, vector<256x512xf32>
    %dot_general3A_22 = arith.constant dense<0.000000e+00> : vector<512x512xf32>
    %dot_general3A_23 = tpu.matmul %concatenate3A_18, %get3A_21, %dot_general3A_22 {dimension_numbers = #tpu.dot_dimension_numbers<[1], [0], [0], [1], [0, 0, 1, 1], [], []>, transpose_lhs_hint = false} : vector<512x256xf32>, vector<256x512xf32>, vector<512x512xf32> -> vector<512x512xf32>
    %add3A_24 = arith.addf %add3A, %dot_general3A_23 : vector<512x512xf32>
    %slice3A_25 = vector.extract_strided_slice %get3A_6 {offsets = [4, 0, 0], sizes = [1, 512, 128], strides = [1, 1, 1]} : vector<16x512x128xf32> to vector<1x512x128xf32>
    %squeeze3A_26 = vector.shape_cast %slice3A_25 : vector<1x512x128xf32> to vector<512x128xf32>
    %slice3A_27 = vector.extract_strided_slice %get3A_6 {offsets = [5, 0, 0], sizes = [1, 512, 128], strides = [1, 1, 1]} : vector<16x512x128xf32> to vector<1x512x128xf32>
    %squeeze3A_28 = vector.shape_cast %slice3A_27 : vector<1x512x128xf32> to vector<512x128xf32>
    %concatenate3A_29 = tpu.concatenate %squeeze3A_26, %squeeze3A_28 in 1 : vector<512x128xf32>, vector<512x128xf32> -> vector<512x256xf32>
    %get3A_30 = arith.constant 512 : index
    %get3A_31 = arith.constant 0 : index
    %get3A_32 = vector.load %arg4[%get3A_30, %get3A_31] : memref<2048x512xf32, #tpu.memory_space<vmem>>, vector<256x512xf32>
    %dot_general3A_33 = arith.constant dense<0.000000e+00> : vector<512x512xf32>
    %dot_general3A_34 = tpu.matmul %concatenate3A_29, %get3A_32, %dot_general3A_33 {dimension_numbers = #tpu.dot_dimension_numbers<[1], [0], [0], [1], [0, 0, 1, 1], [], []>, transpose_lhs_hint = false} : vector<512x256xf32>, vector<256x512xf32>, vector<512x512xf32> -> vector<512x512xf32>
    %add3A_35 = arith.addf %add3A_24, %dot_general3A_34 : vector<512x512xf32>
    %slice3A_36 = vector.extract_strided_slice %get3A_6 {offsets = [6, 0, 0], sizes = [1, 512, 128], strides = [1, 1, 1]} : vector<16x512x128xf32> to vector<1x512x128xf32>
    %squeeze3A_37 = vector.shape_cast %slice3A_36 : vector<1x512x128xf32> to vector<512x128xf32>
    %slice3A_38 = vector.extract_strided_slice %get3A_6 {offsets = [7, 0, 0], sizes = [1, 512, 128], strides = [1, 1, 1]} : vector<16x512x128xf32> to vector<1x512x128xf32>
    %squeeze3A_39 = vector.shape_cast %slice3A_38 : vector<1x512x128xf32> to vector<512x128xf32>
    %concatenate3A_40 = tpu.concatenate %squeeze3A_37, %squeeze3A_39 in 1 : vector<512x128xf32>, vector<512x128xf32> -> vector<512x256xf32>
    %get3A_41 = arith.constant 768 : index
    %get3A_42 = arith.constant 0 : index
    %get3A_43 = vector.load %arg4[%get3A_41, %get3A_42] : memref<2048x512xf32, #tpu.memory_space<vmem>>, vector<256x512xf32>
    %dot_general3A_44 = arith.constant dense<0.000000e+00> : vector<512x512xf32>
    %dot_general3A_45 = tpu.matmul %concatenate3A_40, %get3A_43, %dot_general3A_44 {dimension_numbers = #tpu.dot_dimension_numbers<[1], [0], [0], [1], [0, 0, 1, 1], [], []>, transpose_lhs_hint = false} : vector<512x256xf32>, vector<256x512xf32>, vector<512x512xf32> -> vector<512x512xf32>
    %add3A_46 = arith.addf %add3A_35, %dot_general3A_45 : vector<512x512xf32>
    %slice3A_47 = vector.extract_strided_slice %get3A_6 {offsets = [8, 0, 0], sizes = [1, 512, 128], strides = [1, 1, 1]} : vector<16x512x128xf32> to vector<1x512x128xf32>
    %squeeze3A_48 = vector.shape_cast %slice3A_47 : vector<1x512x128xf32> to vector<512x128xf32>
    %slice3A_49 = vector.extract_strided_slice %get3A_6 {offsets = [9, 0, 0], sizes = [1, 512, 128], strides = [1, 1, 1]} : vector<16x512x128xf32> to vector<1x512x128xf32>
    %squeeze3A_50 = vector.shape_cast %slice3A_49 : vector<1x512x128xf32> to vector<512x128xf32>
    %concatenate3A_51 = tpu.concatenate %squeeze3A_48, %squeeze3A_50 in 1 : vector<512x128xf32>, vector<512x128xf32> -> vector<512x256xf32>
    %get3A_52 = arith.constant 1024 : index
    %get3A_53 = arith.constant 0 : index
    %get3A_54 = vector.load %arg4[%get3A_52, %get3A_53] : memref<2048x512xf32, #tpu.memory_space<vmem>>, vector<256x512xf32>
    %dot_general3A_55 = arith.constant dense<0.000000e+00> : vector<512x512xf32>
    %dot_general3A_56 = tpu.matmul %concatenate3A_51, %get3A_54, %dot_general3A_55 {dimension_numbers = #tpu.dot_dimension_numbers<[1], [0], [0], [1], [0, 0, 1, 1], [], []>, transpose_lhs_hint = false} : vector<512x256xf32>, vector<256x512xf32>, vector<512x512xf32> -> vector<512x512xf32>
    %add3A_57 = arith.addf %add3A_46, %dot_general3A_56 : vector<512x512xf32>
    %slice3A_58 = vector.extract_strided_slice %get3A_6 {offsets = [10, 0, 0], sizes = [1, 512, 128], strides = [1, 1, 1]} : vector<16x512x128xf32> to vector<1x512x128xf32>
    %squeeze3A_59 = vector.shape_cast %slice3A_58 : vector<1x512x128xf32> to vector<512x128xf32>
    %slice3A_60 = vector.extract_strided_slice %get3A_6 {offsets = [11, 0, 0], sizes = [1, 512, 128], strides = [1, 1, 1]} : vector<16x512x128xf32> to vector<1x512x128xf32>
    %squeeze3A_61 = vector.shape_cast %slice3A_60 : vector<1x512x128xf32> to vector<512x128xf32>
    %concatenate3A_62 = tpu.concatenate %squeeze3A_59, %squeeze3A_61 in 1 : vector<512x128xf32>, vector<512x128xf32> -> vector<512x256xf32>
    %get3A_63 = arith.constant 1280 : index
    %get3A_64 = arith.constant 0 : index
    %get3A_65 = vector.load %arg4[%get3A_63, %get3A_64] : memref<2048x512xf32, #tpu.memory_space<vmem>>, vector<256x512xf32>
    %dot_general3A_66 = arith.constant dense<0.000000e+00> : vector<512x512xf32>
    %dot_general3A_67 = tpu.matmul %concatenate3A_62, %get3A_65, %dot_general3A_66 {dimension_numbers = #tpu.dot_dimension_numbers<[1], [0], [0], [1], [0, 0, 1, 1], [], []>, transpose_lhs_hint = false} : vector<512x256xf32>, vector<256x512xf32>, vector<512x512xf32> -> vector<512x512xf32>
    %add3A_68 = arith.addf %add3A_57, %dot_general3A_67 : vector<512x512xf32>
    %slice3A_69 = vector.extract_strided_slice %get3A_6 {offsets = [12, 0, 0], sizes = [1, 512, 128], strides = [1, 1, 1]} : vector<16x512x128xf32> to vector<1x512x128xf32>
    %squeeze3A_70 = vector.shape_cast %slice3A_69 : vector<1x512x128xf32> to vector<512x128xf32>
    %slice3A_71 = vector.extract_strided_slice %get3A_6 {offsets = [13, 0, 0], sizes = [1, 512, 128], strides = [1, 1, 1]} : vector<16x512x128xf32> to vector<1x512x128xf32>
    %squeeze3A_72 = vector.shape_cast %slice3A_71 : vector<1x512x128xf32> to vector<512x128xf32>
    %concatenate3A_73 = tpu.concatenate %squeeze3A_70, %squeeze3A_72 in 1 : vector<512x128xf32>, vector<512x128xf32> -> vector<512x256xf32>
    %get3A_74 = arith.constant 1536 : index
    %get3A_75 = arith.constant 0 : index
    %get3A_76 = vector.load %arg4[%get3A_74, %get3A_75] : memref<2048x512xf32, #tpu.memory_space<vmem>>, vector<256x512xf32>
    %dot_general3A_77 = arith.constant dense<0.000000e+00> : vector<512x512xf32>
    %dot_general3A_78 = tpu.matmul %concatenate3A_73, %get3A_76, %dot_general3A_77 {dimension_numbers = #tpu.dot_dimension_numbers<[1], [0], [0], [1], [0, 0, 1, 1], [], []>, transpose_lhs_hint = false} : vector<512x256xf32>, vector<256x512xf32>, vector<512x512xf32> -> vector<512x512xf32>
    %add3A_79 = arith.addf %add3A_68, %dot_general3A_78 : vector<512x512xf32>
    %slice3A_80 = vector.extract_strided_slice %get3A_6 {offsets = [14, 0, 0], sizes = [1, 512, 128], strides = [1, 1, 1]} : vector<16x512x128xf32> to vector<1x512x128xf32>
    %squeeze3A_81 = vector.shape_cast %slice3A_80 : vector<1x512x128xf32> to vector<512x128xf32>
    %slice3A_82 = vector.extract_strided_slice %get3A_6 {offsets = [15, 0, 0], sizes = [1, 512, 128], strides = [1, 1, 1]} : vector<16x512x128xf32> to vector<1x512x128xf32>
    %squeeze3A_83 = vector.shape_cast %slice3A_82 : vector<1x512x128xf32> to vector<512x128xf32>
    %concatenate3A_84 = tpu.concatenate %squeeze3A_81, %squeeze3A_83 in 1 : vector<512x128xf32>, vector<512x128xf32> -> vector<512x256xf32>
    %get3A_85 = arith.constant 1792 : index
    %get3A_86 = arith.constant 0 : index
    %get3A_87 = vector.load %arg4[%get3A_85, %get3A_86] : memref<2048x512xf32, #tpu.memory_space<vmem>>, vector<256x512xf32>
    %dot_general3A_88 = arith.constant dense<0.000000e+00> : vector<512x512xf32>
    %dot_general3A_89 = tpu.matmul %concatenate3A_84, %get3A_87, %dot_general3A_88 {dimension_numbers = #tpu.dot_dimension_numbers<[1], [0], [0], [1], [0, 0, 1, 1], [], []>, transpose_lhs_hint = false} : vector<512x256xf32>, vector<256x512xf32>, vector<512x512xf32> -> vector<512x512xf32>
    %add3A_90 = arith.addf %add3A_79, %dot_general3A_89 : vector<512x512xf32>
    %get3A_91 = arith.constant 0 : index
    %get3A_92 = arith.constant 0 : index
    %get3A_93 = vector.load %arg7[%get3A_91, %get3A_92] : memref<128x512xf32, #tpu.memory_space<vmem>>, vector<128x512xf32>
    %dot_general3A_94 = arith.constant dense<0.000000e+00> : vector<128x512xf32>
    %dot_general3A_95 = tpu.matmul %get3A_93, %add3A_90, %dot_general3A_94 {dimension_numbers = #tpu.dot_dimension_numbers<[1], [1], [0], [0], [0, 0, 1, 0], [], []>, transpose_lhs_hint = false} : vector<128x512xf32>, vector<512x512xf32>, vector<128x512xf32> -> vector<128x512xf32>
    %mul3A = arith.constant 0.176776692 : f32
    %mul3A_96 = vector.broadcast %mul3A : f32 to vector<128x512xf32>
    %mul3A_97 = arith.mulf %dot_general3A_95, %mul3A_96 : vector<128x512xf32>
    %swap3A = arith.constant 0 : index
    %swap3A_98 = arith.constant 0 : index
    %swap3A_99 = arith.constant 0 : index
    %swap3A_100 = vector.load %arg6[%swap3A, %swap3A_98, %swap3A_99] : memref<1x128x512xf32, #tpu.memory_space<vmem>>, vector<1x128x512xf32>
    %swap3A_101 = vector.shape_cast %swap3A_100 : vector<1x128x512xf32> to vector<128x512xf32>
    %swap3A_102 = vector.shape_cast %mul3A_97 : vector<128x512xf32> to vector<1x128x512xf32>
    tpu.vector_store %arg6[%swap3A, %swap3A_98, %swap3A_99], %swap3A_102 {strides = array<i32>} : memref<1x128x512xf32, #tpu.memory_space<vmem>>, vector<1x128x512xf32>,
    return
  }
  func.func @transform_0(%arg0: i32, %arg1: i32) -> (i32, i32, i32) {
    %add3A = arith.constant 12 : i32
    %add3A_0 = arith.addi %add3A, %arg0 : i32
    %c0_i32 = arith.constant 0 : i32
    %c0_i32_1 = arith.constant 0 : i32
    %c0_i32_2 = arith.constant 0 : i32
    return %add3A_0, %c0_i32, %c0_i32_1 : i32, i32, i32
  }
  func.func @transform_1(%arg0: i32, %arg1: i32) -> (i32, i32) {
    %c0_i32 = arith.constant 0 : i32
    %c0_i32_0 = arith.constant 0 : i32
    %c0_i32_1 = arith.constant 0 : i32
    return %c0_i32, %c0_i32_0 : i32, i32
  }
  func.func @transform_2(%arg0: i32, %arg1: i32) -> (i32, i32) {
    %c0_i32 = arith.constant 0 : i32
    %c0_i32_0 = arith.constant 0 : i32
    %c0_i32_1 = arith.constant 0 : i32
    return %c0_i32, %c0_i32_0 : i32, i32
  }
  func.func @transform_3(%arg0: i32, %arg1: i32) -> (i32, i32, i32, i32) {
    %add3A = arith.constant 12 : i32
    %add3A_0 = arith.addi %add3A, %arg0 : i32
    %c0_i32 = arith.constant 0 : i32
    %c0_i32_1 = arith.constant 0 : i32
    %c0_i32_2 = arith.constant 0 : i32
    return %add3A_0, %c0_i32, %arg1, %c0_i32_1 : i32, i32, i32, i32
  }
  func.func @transform_4(%arg0: i32, %arg1: i32) -> (i32, i32, i32) {
    %c0_i32 = arith.constant 0 : i32
    %c0_i32_0 = arith.constant 0 : i32
    return %arg0, %c0_i32, %arg1 : i32, i32, i32
  }
}

module attributes {stable_mosaic.version = 14 : i64} {
  func.func @_tc_body(%arg0: i32, %arg1: i32, %arg2: memref<1x8x2048xf32, #tpu.memory_space<vmem>>, %arg3: memref<2048x512xf32, #tpu.memory_space<vmem>>, %arg4: memref<2048x512xf32, #tpu.memory_space<vmem>>, %arg5: memref<1x16x512x128xf32, #tpu.memory_space<vmem>>, %arg6: memref<1x128x512xf32, #tpu.memory_space<vmem>>, %arg7: memref<128x512xf32, #tpu.memory_space<vmem>>) attributes {dimension_semantics = [#tpu.dimension_semantics<arbitrary>, #tpu.dimension_semantics<arbitrary>], iteration_bounds = array<i64: 4, 16>, scalar_prefetch = 0 : i64, scratch_operands = 1 : i64, tpu.core_type = #tpu.core_type<tc>, window_params = [{transform_indices = @transform_0, window_bounds = array<i64: 1, 8, 2048>}, {pipeline_mode = #tpu.pipeline_mode<synchronous>, transform_indices = @transform_1, window_bounds = array<i64: 2048, 512>}, {pipeline_mode = #tpu.pipeline_mode<synchronous>, transform_indices = @transform_2, window_bounds = array<i64: 2048, 512>}, {transform_indices = @transform_3, window_bounds = array<i64: 1, 16, 512, 128>}, {transform_indices = @transform_4, window_bounds = array<i64: 1, 128, 512>}]} {
    %eq3A = arith.constant 0 : i32
    %eq3A_0 = arith.cmpi eq, %arg1, %eq3A : i32
    %convert_element_type3A = arith.extui %eq3A_0 : i1 to i32
    %cond3A = arith.constant 0 : i32
    %cond3A_1 = arith.cmpi ne, %convert_element_type3A, %cond3A : i32
    scf.if %cond3A_1 {
      %get3A_103 = arith.constant 0 : index
      %get3A_104 = arith.constant 0 : index
      %get3A_105 = arith.constant 0 : index
      %get3A_106 = vector.load %arg2[%get3A_103, %get3A_104, %get3A_105] : memref<1x8x2048xf32, #tpu.memory_space<vmem>>, vector<1x8x2048xf32>
      %get3A_107 = vector.shape_cast %get3A_106 : vector<1x8x2048xf32> to vector<8x2048xf32>
      %get3A_108 = arith.constant 0 : index
      %get3A_109 = arith.constant 0 : index
      %get3A_110 = vector.load %arg3[%get3A_108, %get3A_109] : memref<2048x512xf32, #tpu.memory_space<vmem>>, vector<2048x512xf32>
      %dot_general3A_111 = arith.constant dense<0.000000e+00> : vector<8x512xf32>
      %dot_general3A_112 = tpu.matmul %get3A_107, %get3A_110, %dot_general3A_111 {dimension_numbers = #tpu.dot_dimension_numbers<[1], [0], [0], [1], [0, 0, 1, 1], [], []>, transpose_lhs_hint = false} : vector<8x2048xf32>, vector<2048x512xf32>, vector<8x512xf32> -> vector<8x512xf32>
      %concatenate3A_113 = tpu.concatenate %dot_general3A_112, %dot_general3A_112, %dot_general3A_112, %dot_general3A_112, %dot_general3A_112, %dot_general3A_112, %dot_general3A_112, %dot_general3A_112, %dot_general3A_112, %dot_general3A_112, %dot_general3A_112, %dot_general3A_112, %dot_general3A_112, %dot_general3A_112, %dot_general3A_112, %dot_general3A_112 in 0 : vector<8x512xf32>, vector<8x512xf32>, vector<8x512xf32>, vector<8x512xf32>, vector<8x512xf32>, vector<8x512xf32>, vector<8x512xf32>, vector<8x512xf32>, vector<8x512xf32>, vector<8x512xf32>, vector<8x512xf32>, vector<8x512xf32>, vector<8x512xf32>, vector<8x512xf32>, vector<8x512xf32>, vector<8x512xf32> -> vector<128x512xf32>
      %iota3A = tpu.iota {dimensions = array<i32: 0>} : vector<128x512xi32>
      %jit3A = arith.constant 8 : i32
      %div3A = vector.broadcast %jit3A : i32 to vector<128x512xi32>
      %div3A_114 = arith.divsi %iota3A, %div3A : vector<128x512xi32>
      %sign3A = arith.constant 0 : i32
      %sign3A_115 = vector.broadcast %sign3A : i32 to vector<128x512xi32>
      %sign3A_116 = arith.cmpi sgt, %iota3A, %sign3A_115 : vector<128x512xi32>
      %sign3A_117 = arith.extui %sign3A_116 : vector<128x512xi1> to vector<128x512xi32>
      %sign3A_118 = arith.constant 0 : i32
      %sign3A_119 = vector.broadcast %sign3A_118 : i32 to vector<128x512xi32>
      %sign3A_120 = arith.cmpi slt, %iota3A, %sign3A_119 : vector<128x512xi32>
      %sign3A_121 = arith.extui %sign3A_120 : vector<128x512xi1> to vector<128x512xi32>
      %sign3A_122 = arith.subi %sign3A_117, %sign3A_121 : vector<128x512xi32>
      %sign3A_123 = arith.constant 0 : i32
      %sign3A_124 = arith.cmpi sgt, %jit3A, %sign3A_123 : i32
      %sign3A_125 = arith.extui %sign3A_124 : i1 to i32
      %sign3A_126 = arith.constant 0 : i32
      %sign3A_127 = arith.cmpi slt, %jit3A, %sign3A_126 : i32
      %sign3A_128 = arith.extui %sign3A_127 : i1 to i32
      %sign3A_129 = arith.subi %sign3A_125, %sign3A_128 : i32
      %ne3A = vector.broadcast %sign3A_129 : i32 to vector<128x512xi32>
      %ne3A_130 = arith.cmpi ne, %sign3A_122, %ne3A : vector<128x512xi32>
      %rem3A = vector.broadcast %jit3A : i32 to vector<128x512xi32>
      %rem3A_131 = arith.remsi %iota3A, %rem3A : vector<128x512xi32>
      %ne3A_132 = arith.constant 0 : i32
      %ne3A_133 = vector.broadcast %ne3A_132 : i32 to vector<128x512xi32>
      %ne3A_134 = arith.cmpi ne, %rem3A_131, %ne3A_133 : vector<128x512xi32>
      %and3A = arith.andi %ne3A_130, %ne3A_134 : vector<128x512xi1>
      %sub3A = arith.constant 1 : i32
      %sub3A_135 = vector.broadcast %sub3A : i32 to vector<128x512xi32>
      %sub3A_136 = arith.subi %div3A_114, %sub3A_135 : vector<128x512xi32>
      %select_n3A = arith.select %and3A, %sub3A_136, %div3A_114 : vector<128x512xi1>, vector<128x512xi32>
      %iota3A_137 = tpu.iota {dimensions = array<i32: 1>} : vector<128x512xi32>
      %jit3A_138 = arith.constant 32 : i32
      %div3A_139 = vector.broadcast %jit3A_138 : i32 to vector<128x512xi32>
      %div3A_140 = arith.divsi %iota3A_137, %div3A_139 : vector<128x512xi32>
      %sign3A_141 = arith.constant 0 : i32
      %sign3A_142 = vector.broadcast %sign3A_141 : i32 to vector<128x512xi32>
      %sign3A_143 = arith.cmpi sgt, %iota3A_137, %sign3A_142 : vector<128x512xi32>
      %sign3A_144 = arith.extui %sign3A_143 : vector<128x512xi1> to vector<128x512xi32>
      %sign3A_145 = arith.constant 0 : i32
      %sign3A_146 = vector.broadcast %sign3A_145 : i32 to vector<128x512xi32>
      %sign3A_147 = arith.cmpi slt, %iota3A_137, %sign3A_146 : vector<128x512xi32>
      %sign3A_148 = arith.extui %sign3A_147 : vector<128x512xi1> to vector<128x512xi32>
      %sign3A_149 = arith.subi %sign3A_144, %sign3A_148 : vector<128x512xi32>
      %sign3A_150 = arith.constant 0 : i32
      %sign3A_151 = arith.cmpi sgt, %jit3A_138, %sign3A_150 : i32
      %sign3A_152 = arith.extui %sign3A_151 : i1 to i32
      %sign3A_153 = arith.constant 0 : i32
      %sign3A_154 = arith.cmpi slt, %jit3A_138, %sign3A_153 : i32
      %sign3A_155 = arith.extui %sign3A_154 : i1 to i32
      %sign3A_156 = arith.subi %sign3A_152, %sign3A_155 : i32
      %ne3A_157 = vector.broadcast %sign3A_156 : i32 to vector<128x512xi32>
      %ne3A_158 = arith.cmpi ne, %sign3A_149, %ne3A_157 : vector<128x512xi32>
      %rem3A_159 = vector.broadcast %jit3A_138 : i32 to vector<128x512xi32>
      %rem3A_160 = arith.remsi %iota3A_137, %rem3A_159 : vector<128x512xi32>
      %ne3A_161 = arith.constant 0 : i32
      %ne3A_162 = vector.broadcast %ne3A_161 : i32 to vector<128x512xi32>
      %ne3A_163 = arith.cmpi ne, %rem3A_160, %ne3A_162 : vector<128x512xi32>
      %and3A_164 = arith.andi %ne3A_158, %ne3A_163 : vector<128x512xi1>
      %sub3A_165 = arith.constant 1 : i32
      %sub3A_166 = vector.broadcast %sub3A_165 : i32 to vector<128x512xi32>
      %sub3A_167 = arith.subi %div3A_140, %sub3A_166 : vector<128x512xi32>
      %select_n3A_168 = arith.select %and3A_164, %sub3A_167, %div3A_140 : vector<128x512xi1>, vector<128x512xi32>
      %eq3A_169 = arith.cmpi eq, %select_n3A, %select_n3A_168 : vector<128x512xi32>
      %jit3A_170 = arith.constant 0.000000e+00 : f32
      %broadcast_in_dim3A_171 = vector.broadcast %jit3A_170 : f32 to vector<128x512xf32>
      %select_n3A_172 = arith.select %eq3A_169, %concatenate3A_113, %broadcast_in_dim3A_171 : vector<128x512xi1>, vector<128x512xf32>
      %swap3A_173 = arith.constant 0 : index
      %swap3A_174 = arith.constant 0 : index
      %swap3A_175 = vector.load %arg7[%swap3A_173, %swap3A_174] : memref<128x512xf32, #tpu.memory_space<vmem>>, vector<128x512xf32>
      tpu.vector_store %arg7[%swap3A_173, %swap3A_174], %select_n3A_172 {strides = array<i32>} : memref<128x512xf32, #tpu.memory_space<vmem>>, vector<128x512xf32>,
    } else {
    }
    %get3A = arith.constant 0 : index
    %get3A_2 = arith.constant 0 : index
    %get3A_3 = arith.constant 0 : index
    %get3A_4 = arith.constant 0 : index
    %get3A_5 = vector.load %arg5[%get3A, %get3A_2, %get3A_3, %get3A_4] : memref<1x16x512x128xf32, #tpu.memory_space<vmem>>, vector<1x16x512x128xf32>
    %get3A_6 = vector.shape_cast %get3A_5 : vector<1x16x512x128xf32> to vector<16x512x128xf32>
    %broadcast_in_dim3A = arith.constant 0.000000e+00 : f32
    %broadcast_in_dim3A_7 = vector.broadcast %broadcast_in_dim3A : f32 to vector<512x512xf32>
    %slice3A = vector.extract_strided_slice %get3A_6 {offsets = [0, 0, 0], sizes = [1, 512, 128], strides = [1, 1, 1]} : vector<16x512x128xf32> to vector<1x512x128xf32>
    %squeeze3A = vector.shape_cast %slice3A : vector<1x512x128xf32> to vector<512x128xf32>
    %slice3A_8 = vector.extract_strided_slice %get3A_6 {offsets = [1, 0, 0], sizes = [1, 512, 128], strides = [1, 1, 1]} : vector<16x512x128xf32> to vector<1x512x128xf32>
    %squeeze3A_9 = vector.shape_cast %slice3A_8 : vector<1x512x128xf32> to vector<512x128xf32>
    %concatenate3A = tpu.concatenate %squeeze3A, %squeeze3A_9 in 1 : vector<512x128xf32>, vector<512x128xf32> -> vector<512x256xf32>
    %get3A_10 = arith.constant 0 : index
    %get3A_11 = arith.constant 0 : index
    %get3A_12 = vector.load %arg4[%get3A_10, %get3A_11] : memref<2048x512xf32, #tpu.memory_space<vmem>>, vector<256x512xf32>
    %dot_general3A = arith.constant dense<0.000000e+00> : vector<512x512xf32>
    %dot_general3A_13 = tpu.matmul %concatenate3A, %get3A_12, %dot_general3A {dimension_numbers = #tpu.dot_dimension_numbers<[1], [0], [0], [1], [0, 0, 1, 1], [], []>, transpose_lhs_hint = false} : vector<512x256xf32>, vector<256x512xf32>, vector<512x512xf32> -> vector<512x512xf32>
    %add3A = arith.addf %broadcast_in_dim3A_7, %dot_general3A_13 : vector<512x512xf32>
    %slice3A_14 = vector.extract_strided_slice %get3A_6 {offsets = [2, 0, 0], sizes = [1, 512, 128], strides = [1, 1, 1]} : vector<16x512x128xf32> to vector<1x512x128xf32>
    %squeeze3A_15 = vector.shape_cast %slice3A_14 : vector<1x512x128xf32> to vector<512x128xf32>
    %slice3A_16 = vector.extract_strided_slice %get3A_6 {offsets = [3, 0, 0], sizes = [1, 512, 128], strides = [1, 1, 1]} : vector<16x512x128xf32> to vector<1x512x128xf32>
    %squeeze3A_17 = vector.shape_cast %slice3A_16 : vector<1x512x128xf32> to vector<512x128xf32>
    %concatenate3A_18 = tpu.concatenate %squeeze3A_15, %squeeze3A_17 in 1 : vector<512x128xf32>, vector<512x128xf32> -> vector<512x256xf32>
    %get3A_19 = arith.constant 256 : index
    %get3A_20 = arith.constant 0 : index
    %get3A_21 = vector.load %arg4[%get3A_19, %get3A_20] : memref<2048x512xf32, #tpu.memory_space<vmem>>, vector<256x512xf32>
    %dot_general3A_22 = arith.constant dense<0.000000e+00> : vector<512x512xf32>
    %dot_general3A_23 = tpu.matmul %concatenate3A_18, %get3A_21, %dot_general3A_22 {dimension_numbers = #tpu.dot_dimension_numbers<[1], [0], [0], [1], [0, 0, 1, 1], [], []>, transpose_lhs_hint = false} : vector<512x256xf32>, vector<256x512xf32>, vector<512x512xf32> -> vector<512x512xf32>
    %add3A_24 = arith.addf %add3A, %dot_general3A_23 : vector<512x512xf32>
    %slice3A_25 = vector.extract_strided_slice %get3A_6 {offsets = [4, 0, 0], sizes = [1, 512, 128], strides = [1, 1, 1]} : vector<16x512x128xf32> to vector<1x512x128xf32>
    %squeeze3A_26 = vector.shape_cast %slice3A_25 : vector<1x512x128xf32> to vector<512x128xf32>
    %slice3A_27 = vector.extract_strided_slice %get3A_6 {offsets = [5, 0, 0], sizes = [1, 512, 128], strides = [1, 1, 1]} : vector<16x512x128xf32> to vector<1x512x128xf32>
    %squeeze3A_28 = vector.shape_cast %slice3A_27 : vector<1x512x128xf32> to vector<512x128xf32>
    %concatenate3A_29 = tpu.concatenate %squeeze3A_26, %squeeze3A_28 in 1 : vector<512x128xf32>, vector<512x128xf32> -> vector<512x256xf32>
    %get3A_30 = arith.constant 512 : index
    %get3A_31 = arith.constant 0 : index
    %get3A_32 = vector.load %arg4[%get3A_30, %get3A_31] : memref<2048x512xf32, #tpu.memory_space<vmem>>, vector<256x512xf32>
    %dot_general3A_33 = arith.constant dense<0.000000e+00> : vector<512x512xf32>
    %dot_general3A_34 = tpu.matmul %concatenate3A_29, %get3A_32, %dot_general3A_33 {dimension_numbers = #tpu.dot_dimension_numbers<[1], [0], [0], [1], [0, 0, 1, 1], [], []>, transpose_lhs_hint = false} : vector<512x256xf32>, vector<256x512xf32>, vector<512x512xf32> -> vector<512x512xf32>
    %add3A_35 = arith.addf %add3A_24, %dot_general3A_34 : vector<512x512xf32>
    %slice3A_36 = vector.extract_strided_slice %get3A_6 {offsets = [6, 0, 0], sizes = [1, 512, 128], strides = [1, 1, 1]} : vector<16x512x128xf32> to vector<1x512x128xf32>
    %squeeze3A_37 = vector.shape_cast %slice3A_36 : vector<1x512x128xf32> to vector<512x128xf32>
    %slice3A_38 = vector.extract_strided_slice %get3A_6 {offsets = [7, 0, 0], sizes = [1, 512, 128], strides = [1, 1, 1]} : vector<16x512x128xf32> to vector<1x512x128xf32>
    %squeeze3A_39 = vector.shape_cast %slice3A_38 : vector<1x512x128xf32> to vector<512x128xf32>
    %concatenate3A_40 = tpu.concatenate %squeeze3A_37, %squeeze3A_39 in 1 : vector<512x128xf32>, vector<512x128xf32> -> vector<512x256xf32>
    %get3A_41 = arith.constant 768 : index
    %get3A_42 = arith.constant 0 : index
    %get3A_43 = vector.load %arg4[%get3A_41, %get3A_42] : memref<2048x512xf32, #tpu.memory_space<vmem>>, vector<256x512xf32>
    %dot_general3A_44 = arith.constant dense<0.000000e+00> : vector<512x512xf32>
    %dot_general3A_45 = tpu.matmul %concatenate3A_40, %get3A_43, %dot_general3A_44 {dimension_numbers = #tpu.dot_dimension_numbers<[1], [0], [0], [1], [0, 0, 1, 1], [], []>, transpose_lhs_hint = false} : vector<512x256xf32>, vector<256x512xf32>, vector<512x512xf32> -> vector<512x512xf32>
    %add3A_46 = arith.addf %add3A_35, %dot_general3A_45 : vector<512x512xf32>
    %slice3A_47 = vector.extract_strided_slice %get3A_6 {offsets = [8, 0, 0], sizes = [1, 512, 128], strides = [1, 1, 1]} : vector<16x512x128xf32> to vector<1x512x128xf32>
    %squeeze3A_48 = vector.shape_cast %slice3A_47 : vector<1x512x128xf32> to vector<512x128xf32>
    %slice3A_49 = vector.extract_strided_slice %get3A_6 {offsets = [9, 0, 0], sizes = [1, 512, 128], strides = [1, 1, 1]} : vector<16x512x128xf32> to vector<1x512x128xf32>
    %squeeze3A_50 = vector.shape_cast %slice3A_49 : vector<1x512x128xf32> to vector<512x128xf32>
    %concatenate3A_51 = tpu.concatenate %squeeze3A_48, %squeeze3A_50 in 1 : vector<512x128xf32>, vector<512x128xf32> -> vector<512x256xf32>
    %get3A_52 = arith.constant 1024 : index
    %get3A_53 = arith.constant 0 : index
    %get3A_54 = vector.load %arg4[%get3A_52, %get3A_53] : memref<2048x512xf32, #tpu.memory_space<vmem>>, vector<256x512xf32>
    %dot_general3A_55 = arith.constant dense<0.000000e+00> : vector<512x512xf32>
    %dot_general3A_56 = tpu.matmul %concatenate3A_51, %get3A_54, %dot_general3A_55 {dimension_numbers = #tpu.dot_dimension_numbers<[1], [0], [0], [1], [0, 0, 1, 1], [], []>, transpose_lhs_hint = false} : vector<512x256xf32>, vector<256x512xf32>, vector<512x512xf32> -> vector<512x512xf32>
    %add3A_57 = arith.addf %add3A_46, %dot_general3A_56 : vector<512x512xf32>
    %slice3A_58 = vector.extract_strided_slice %get3A_6 {offsets = [10, 0, 0], sizes = [1, 512, 128], strides = [1, 1, 1]} : vector<16x512x128xf32> to vector<1x512x128xf32>
    %squeeze3A_59 = vector.shape_cast %slice3A_58 : vector<1x512x128xf32> to vector<512x128xf32>
    %slice3A_60 = vector.extract_strided_slice %get3A_6 {offsets = [11, 0, 0], sizes = [1, 512, 128], strides = [1, 1, 1]} : vector<16x512x128xf32> to vector<1x512x128xf32>
    %squeeze3A_61 = vector.shape_cast %slice3A_60 : vector<1x512x128xf32> to vector<512x128xf32>
    %concatenate3A_62 = tpu.concatenate %squeeze3A_59, %squeeze3A_61 in 1 : vector<512x128xf32>, vector<512x128xf32> -> vector<512x256xf32>
    %get3A_63 = arith.constant 1280 : index
    %get3A_64 = arith.constant 0 : index
    %get3A_65 = vector.load %arg4[%get3A_63, %get3A_64] : memref<2048x512xf32, #tpu.memory_space<vmem>>, vector<256x512xf32>
    %dot_general3A_66 = arith.constant dense<0.000000e+00> : vector<512x512xf32>
    %dot_general3A_67 = tpu.matmul %concatenate3A_62, %get3A_65, %dot_general3A_66 {dimension_numbers = #tpu.dot_dimension_numbers<[1], [0], [0], [1], [0, 0, 1, 1], [], []>, transpose_lhs_hint = false} : vector<512x256xf32>, vector<256x512xf32>, vector<512x512xf32> -> vector<512x512xf32>
    %add3A_68 = arith.addf %add3A_57, %dot_general3A_67 : vector<512x512xf32>
    %slice3A_69 = vector.extract_strided_slice %get3A_6 {offsets = [12, 0, 0], sizes = [1, 512, 128], strides = [1, 1, 1]} : vector<16x512x128xf32> to vector<1x512x128xf32>
    %squeeze3A_70 = vector.shape_cast %slice3A_69 : vector<1x512x128xf32> to vector<512x128xf32>
    %slice3A_71 = vector.extract_strided_slice %get3A_6 {offsets = [13, 0, 0], sizes = [1, 512, 128], strides = [1, 1, 1]} : vector<16x512x128xf32> to vector<1x512x128xf32>
    %squeeze3A_72 = vector.shape_cast %slice3A_71 : vector<1x512x128xf32> to vector<512x128xf32>
    %concatenate3A_73 = tpu.concatenate %squeeze3A_70, %squeeze3A_72 in 1 : vector<512x128xf32>, vector<512x128xf32> -> vector<512x256xf32>
    %get3A_74 = arith.constant 1536 : index
    %get3A_75 = arith.constant 0 : index
    %get3A_76 = vector.load %arg4[%get3A_74, %get3A_75] : memref<2048x512xf32, #tpu.memory_space<vmem>>, vector<256x512xf32>
    %dot_general3A_77 = arith.constant dense<0.000000e+00> : vector<512x512xf32>
    %dot_general3A_78 = tpu.matmul %concatenate3A_73, %get3A_76, %dot_general3A_77 {dimension_numbers = #tpu.dot_dimension_numbers<[1], [0], [0], [1], [0, 0, 1, 1], [], []>, transpose_lhs_hint = false} : vector<512x256xf32>, vector<256x512xf32>, vector<512x512xf32> -> vector<512x512xf32>
    %add3A_79 = arith.addf %add3A_68, %dot_general3A_78 : vector<512x512xf32>
    %slice3A_80 = vector.extract_strided_slice %get3A_6 {offsets = [14, 0, 0], sizes = [1, 512, 128], strides = [1, 1, 1]} : vector<16x512x128xf32> to vector<1x512x128xf32>
    %squeeze3A_81 = vector.shape_cast %slice3A_80 : vector<1x512x128xf32> to vector<512x128xf32>
    %slice3A_82 = vector.extract_strided_slice %get3A_6 {offsets = [15, 0, 0], sizes = [1, 512, 128], strides = [1, 1, 1]} : vector<16x512x128xf32> to vector<1x512x128xf32>
    %squeeze3A_83 = vector.shape_cast %slice3A_82 : vector<1x512x128xf32> to vector<512x128xf32>
    %concatenate3A_84 = tpu.concatenate %squeeze3A_81, %squeeze3A_83 in 1 : vector<512x128xf32>, vector<512x128xf32> -> vector<512x256xf32>
    %get3A_85 = arith.constant 1792 : index
    %get3A_86 = arith.constant 0 : index
    %get3A_87 = vector.load %arg4[%get3A_85, %get3A_86] : memref<2048x512xf32, #tpu.memory_space<vmem>>, vector<256x512xf32>
    %dot_general3A_88 = arith.constant dense<0.000000e+00> : vector<512x512xf32>
    %dot_general3A_89 = tpu.matmul %concatenate3A_84, %get3A_87, %dot_general3A_88 {dimension_numbers = #tpu.dot_dimension_numbers<[1], [0], [0], [1], [0, 0, 1, 1], [], []>, transpose_lhs_hint = false} : vector<512x256xf32>, vector<256x512xf32>, vector<512x512xf32> -> vector<512x512xf32>
    %add3A_90 = arith.addf %add3A_79, %dot_general3A_89 : vector<512x512xf32>
    %get3A_91 = arith.constant 0 : index
    %get3A_92 = arith.constant 0 : index
    %get3A_93 = vector.load %arg7[%get3A_91, %get3A_92] : memref<128x512xf32, #tpu.memory_space<vmem>>, vector<128x512xf32>
    %dot_general3A_94 = arith.constant dense<0.000000e+00> : vector<128x512xf32>
    %dot_general3A_95 = tpu.matmul %get3A_93, %add3A_90, %dot_general3A_94 {dimension_numbers = #tpu.dot_dimension_numbers<[1], [1], [0], [0], [0, 0, 1, 0], [], []>, transpose_lhs_hint = false} : vector<128x512xf32>, vector<512x512xf32>, vector<128x512xf32> -> vector<128x512xf32>
    %mul3A = arith.constant 0.176776692 : f32
    %mul3A_96 = vector.broadcast %mul3A : f32 to vector<128x512xf32>
    %mul3A_97 = arith.mulf %dot_general3A_95, %mul3A_96 : vector<128x512xf32>
    %swap3A = arith.constant 0 : index
    %swap3A_98 = arith.constant 0 : index
    %swap3A_99 = arith.constant 0 : index
    %swap3A_100 = vector.load %arg6[%swap3A, %swap3A_98, %swap3A_99] : memref<1x128x512xf32, #tpu.memory_space<vmem>>, vector<1x128x512xf32>
    %swap3A_101 = vector.shape_cast %swap3A_100 : vector<1x128x512xf32> to vector<128x512xf32>
    %swap3A_102 = vector.shape_cast %mul3A_97 : vector<128x512xf32> to vector<1x128x512xf32>
    tpu.vector_store %arg6[%swap3A, %swap3A_98, %swap3A_99], %swap3A_102 {strides = array<i32>} : memref<1x128x512xf32, #tpu.memory_space<vmem>>, vector<1x128x512xf32>,
    return
  }
  func.func @transform_0(%arg0: i32, %arg1: i32) -> (i32, i32, i32) {
    %add3A = arith.constant 0 : i32
    %add3A_0 = arith.addi %add3A, %arg0 : i32
    %c0_i32 = arith.constant 0 : i32
    %c0_i32_1 = arith.constant 0 : i32
    %c0_i32_2 = arith.constant 0 : i32
    return %add3A_0, %c0_i32, %c0_i32_1 : i32, i32, i32
  }
  func.func @transform_1(%arg0: i32, %arg1: i32) -> (i32, i32) {
    %c0_i32 = arith.constant 0 : i32
    %c0_i32_0 = arith.constant 0 : i32
    %c0_i32_1 = arith.constant 0 : i32
    return %c0_i32, %c0_i32_0 : i32, i32
  }
  func.func @transform_2(%arg0: i32, %arg1: i32) -> (i32, i32) {
    %c0_i32 = arith.constant 0 : i32
    %c0_i32_0 = arith.constant 0 : i32
    %c0_i32_1 = arith.constant 0 : i32
    return %c0_i32, %c0_i32_0 : i32, i32
  }
  func.func @transform_3(%arg0: i32, %arg1: i32) -> (i32, i32, i32, i32) {
    %add3A = arith.constant 0 : i32
    %add3A_0 = arith.addi %add3A, %arg0 : i32
    %c0_i32 = arith.constant 0 : i32
    %c0_i32_1 = arith.constant 0 : i32
    %c0_i32_2 = arith.constant 0 : i32
    return %add3A_0, %c0_i32, %arg1, %c0_i32_1 : i32, i32, i32, i32
  }
  func.func @transform_4(%arg0: i32, %arg1: i32) -> (i32, i32, i32) {
    %c0_i32 = arith.constant 0 : i32
    %c0_i32_0 = arith.constant 0 : i32
    return %arg0, %c0_i32, %arg1 : i32, i32, i32
  }
}

</mosaic_0001>

<sc_bundles>
// kernel: kernel.10.cloned.1.call-start
scs
__scs_entry_jumppad:
0x0: {  	(pc) =	sbr.rel $0x88, $3  }
0x1: {  	(tag) =	ssettag $0x0;
	lr =	simm.s32 $0x1  }
0x2: {  	[smem:$0x3F9D] =	sst lr;
	_ =	strace $0xD0000000  }
0x3: {  	_ = 	snop  }
0x4: {  	_ = 	snop  }
0x5: {  	_ = 	snop  }
0x6: {  	_ = 	snop  }
0x7: {  	_ = 	snop  }
__scs_overlays_trampoline_lowered:
0x8: {  	[smem:$0x3FAC] =	sst s0  }
0x9: {  	[smem:$0x3FAD] =	sst s1  }
0xa: {  	[smem:$0x3FAE] =	sst s2  }
0xb: {  	[smem:$0x3FAF] =	sst s3  }
0xc: {  	[smem:$0x3FB0] =	sst s4  }
0xd: {  	[smem:$0x3FB1] =	sst s5  }
0xe: {  	[smem:$0x3FB2] =	sst s6  }
0xf: {  	[smem:$0x3FB3] =	sst s7  }
0x10: {  	[smem:$0x3FB4] =	sst s8  }
0x11: {  	[smem:$0x3FB5] =	sst s9;
	s0 =	simm.s32 @!p0 $0x0  }
0x12: {  	s1 =	sld [smem:$0x3F9B];
	s0 =	simm.s32 @p0 $0x1  }
0x13: {  	[smem:$0x3FB6] =	sst s0;
	s0 =	simm.s32 @!p1 $0x0  }
0x14: {  	s2 =	sld [smem:$0x3F9A];
	s0 =	simm.s32 @p1 $0x1  }
0x15: {  	[smem:$0x3FB7] =	sst s0;
	s0 =	simm.s32 @!p2 $0x0  }
0x16: {  	s3 =	sld [smem:$0x3FDB];
	s0 =	simm.s32 @p2 $0x1  }
0x17: {  	s4 =	simm.s32 $0x1BF5;
	[smem:$0x3FB9] =	sst s0  }
0x18: {  	s0 =	sld [smem:$0x3F9C];
	_ =	swait.ge [sflag:s4], $0x0  }
0x19: {  	s7 =	sld [smem:$0x3F9D]  }
0x1a: {  	s8 =	sadd.s32 $0xFFFFE003, lr  }
0x1b: {  	s9 =	sadd.s32 $0xFFFFFEF7, lr;
	s5 =	simm.s32 $0xFFFFFFFF;
	p2 =	slt.u32 s8, $0xFFFFF086  }
0x1c: {  	p1 =	slt.u32 s9, $0xF7A;
	s5 =	simm.s32 @!p2 $0x0  }
0x1d: {  	s5 =	simm.s32 @p1 $0x1;
	p0 =	seq.s32 s7, s2  }
0x1e: {  	s7 =	smul.u32 @!p0 $0xF7A, s2;
	p2 =	seq.s32 @!p0 s5, $0x0  }
0x1f: {  	s9 =	smul.u32 $0xF7A, s1;
	s8 =	simm.s32 @!p0 $0x1BF5;
	p2 =	por !p2, p0  }
0x20: {  	[sflag:s8] =	ssyncset.s32 @!p0 $0xFFFFF086;
	s6 =	sadd.s32 @!p0 s3, s7;
	s7 =	simm.s32 @!p0 $0x108  }
0x21: {  	s3 =	sadd.s32 s3, s9;
	s6 =	sadd.s32 @!p0 $0x88, s6;
	s7 =	simm.s32 @p2 $0x1082  }
0x22: {  	[simem:s7], [sflag:s8] =	dma.local @!p0 [hbm:s6], $0xF7A  }
0x23: {  	s9 =	sor.u32 $0xD0000000, s2;
	s6 =	simm.s32 $0x108;
	_ =	swait.ge @!p0 [sflag:s8], $0x0  }
0x24: {  	s3 =	sadd.s32 $0x88, s3;
	s6 =	simm.s32 @!p1 $0x1082;
	[sflag:s4] =	ssyncset.s32 $0xFFFFF086  }
0x25: {  	[simem:s6], [sflag:s4] =	dma.local [hbm:s3], $0xF7A  }
0x26: {  	[smem:$0x3F9D] =	sst s1;
	(tag) =	ssettag s2;
	_ =	strace s9  }
0x27: {  	s1 =	sld [smem:$0x3FAD]  }
0x28: {  	s2 =	sld [smem:$0x3FAE]  }
0x29: {  	s4 =	sld [smem:$0x3FB0]  }
0x2a: {  	p0 =	seq.s32 s5, $0x0;
	s5 =	sld [smem:$0x3FB1]  }
0x2b: {  	s6 =	sld [smem:$0x3FB2]  }
0x2c: {  	s7 =	sld [smem:$0x3FB3]  }
0x2d: {  	s3 =	simm.s32 $0x108;
	s8 =	sld [smem:$0x3FB4]  }
0x2e: {  	s3 =	simm.s32 @!p0 $0x1082;
	s9 =	sld [smem:$0x3FB5]  }
0x2f: {  	lr =	sadd.s32 s0, s3;
	s0 =	sld [smem:$0x3FAC]  }
0x30: {  	s3 =	sld [smem:$0x3FAF]  }
0x31: {  	[smem:$0x3FB8] =	sst s10  }
0x32: {  	s10 =	sld [smem:$0x3FB6];
	_ =	sdelay $0x3  }
0x33: {  	p0 =	seq.s32 s10, $0x1;
	s10 =	sld [smem:$0x3FB8];
	_ =	sdelay $0x3  }
0x34: {  	[smem:$0x3FB8] =	sst s10  }
0x35: {  	s10 =	sld [smem:$0x3FB7];
	_ =	sdelay $0x3  }
0x36: {  	p1 =	seq.s32 s10, $0x1;
	s10 =	sld [smem:$0x3FB8];
	_ =	sdelay $0x3  }
0x37: {  	[smem:$0x3FB8] =	sst s10  }
0x38: {  	s10 =	sld [smem:$0x3FB9]  }
0x39: {  	_ = 	snop;
	(pc) =	sbr.ind lr, $3  }
0x3a: {  	_ = 	snop  }
0x3b: {  	_ = 	snop  }
0x3c: {  	p2 =	seq.s32 s10, $0x1;
	s10 =	sld [smem:$0x3FB8]  }
0x3d: {  	_ =	shalt  }
0x3e: {  	_ =	shalt  }
0x3f: {  	_ =	shalt  }
0x40: {  	_ =	shalt  }
0x41: {  	_ =	shalt  }
0x42: {  	_ =	shalt  }
0x43: {  	_ =	shalt  }
0x44: {  	_ =	shalt  }
0x45: {  	_ =	shalt  }
0x46: {  	_ =	shalt  }
0x47: {  	_ =	shalt  }
0x48: {  	_ =	shalt  }
0x49: {  	_ =	shalt  }
0x4a: {  	_ =	shalt  }
0x4b: {  	_ =	shalt  }
0x4c: {  	_ =	shalt  }
0x4d: {  	_ =	shalt  }
0x4e: {  	_ =	shalt  }
0x4f: {  	_ =	shalt  }
0x50: {  	_ =	shalt  }
0x51: {  	_ =	shalt  }
0x52: {  	_ =	shalt  }
0x53: {  	_ =	shalt  }
0x54: {  	_ =	shalt  }
0x55: {  	_ =	shalt  }
0x56: {  	_ =	shalt  }
0x57: {  	_ =	shalt  }
0x58: {  	_ =	shalt  }
0x59: {  	_ =	shalt  }
0x5a: {  	_ =	shalt  }
0x5b: {  	_ =	shalt  }
0x5c: {  	_ =	shalt  }
0x5d: {  	_ =	shalt  }
0x5e: {  	_ =	shalt  }
0x5f: {  	_ =	shalt  }
0x60: {  	_ =	shalt  }
0x61: {  	_ =	shalt  }
0x62: {  	_ =	shalt  }
0x63: {  	_ =	shalt  }
0x64: {  	_ =	shalt  }
0x65: {  	_ =	shalt  }
0x66: {  	_ =	shalt  }
0x67: {  	_ =	shalt  }
0x68: {  	_ =	shalt  }
0x69: {  	_ =	shalt  }
0x6a: {  	_ =	shalt  }
0x6b: {  	_ =	shalt  }
0x6c: {  	_ =	shalt  }
0x6d: {  	_ =	shalt  }
0x6e: {  	_ =	shalt  }
0x6f: {  	_ =	shalt  }
0x70: {  	_ =	shalt  }
0x71: {  	_ =	shalt  }
0x72: {  	_ =	shalt  }
0x73: {  	_ =	shalt  }
0x74: {  	_ =	shalt  }
0x75: {  	_ =	shalt  }
0x76: {  	_ =	shalt  }
0x77: {  	_ =	shalt  }
0x78: {  	_ =	shalt  }
0x79: {  	_ =	shalt  }
0x7a: {  	_ =	shalt  }
0x7b: {  	_ =	shalt  }
0x7c: {  	_ =	shalt  }
0x7d: {  	_ =	shalt  }
0x7e: {  	_ =	shalt  }
0x7f: {  	_ =	shalt  }
0x80: {  	_ =	shalt  }
0x81: {  	_ =	shalt  }
0x82: {  	_ =	shalt  }
0x83: {  	_ =	shalt  }
0x84: {  	_ =	shalt  }
0x85: {  	_ =	shalt  }
0x86: {  	_ =	shalt  }
0x87: {  	_ =	shalt  }
.Lfunc_end0:
.L_simem_size_0:
called_computation_lowered:
.L_overlay_start_0:
0x88: {  	s2 =	sld [smem:$0x3FD9]  }
0x89: {  	s3 =	sld [smem:$0x3FFE];
	_ =	sdelay $0x1  }
0x8a: {  	s1 =	srdreg.scid  }
0x8b: {  	s0 =	sand.u32 $0x1, s1  }
0x8c: {  	s15 =	sshll.u32 s0, $0xA;
	s2 =	sadd.s32 s3, s2  }
0x8d: {  	s2 =	sadd.s32 s2, s15  }
0x8e: {  	[smem:$0x3FC4] =	sst s2  }
0x8f: {  	_ = 	snop  }
0x90: {  	s2 =	sld [smem:$0x3FD0];
	_ =	sdelay $0x2  }
0x91: {  	s4 =	simm.s32 $0xD;
	s16 =	simm.s32 $0x10  }
0x92: {  	[smem:s16], [sflag:s4] =	dma.local [hbm:s2], $0x1  }
0x93: {  	_ =	swait.eq [sflag:s4], $0x1  }
0x94: {  	[sflag:s4] =	ssyncset.done $0x0  }
0x95: {  	s17 =	sld [smem:$0x10];
	[sflag:s4] =	ssyncadd.s32 $0xFFFFFFFF  }
0x96: {  	s18 =	sld [smem:$0x11];
	(tm) =	ssettm $0x1  }
0x97: {  	s19 =	sld [smem:$0x3FFB];
	_ =	sdelay $0x3  }
0x98: {  	_ =	strace s19  }
0x99: {  	s2 =	sld [smem:$0x3FFC];
	_ =	sdelay $0x3  }
0x9a: {  	_ =	strace s2  }
0x9b: {  	s2 =	sld [smem:$0x3FFD];
	_ =	sdelay $0x3  }
0x9c: {  	_ =	strace s2  }
0x9d: {  	_ =	strace $0x8FFFFFFF  }
0x9e: {  	s20 =	sld [smem:$0x3FDB];
	_ =	sdelay $0x1  }
0x9f: {  	s5 =	simm.s32 $_scs_section_size  }
0xa0: {  	s6 =	simm.s32 $_size__tile_overlayer_lowered;
	s7 =	simm.s32 $_tile_overlayer_lowered  }
0xa1: {  	s8 =	simm.s32 $0x1BFF;
	s21 =	sshll.u32 s7, $0x1;
	s5 =	sadd.s32 s5, s20  }
0xa2: {  	s22 =	simm.s32 $0x0;
	s6 =	sshll.u32 s6, $0x1;
	s7 =	sadd.s32 s21, s5  }
0xa3: {  	[timem:s22], [sflag:s8] =	dma.local [hbm:s7], s6  }
0xa4: {  	_ =	swait.ge [sflag:s8], s6  }
0xa5: {  	s6 =	ssub.s32 $0x0, s6;
	[sflag:s8] =	ssyncset.done $0x0  }
0xa6: {  	[sflag:s8] =	ssyncadd.s32 s6;
	_ =	sdelay $0x1  }
0xa7: {  	s23 =	simm.s32 $0x1B8B  }
0xa8: {  	_ =	swait.ge [sflag:s23], $0x1  }
0xa9: {  	[sflag:s23] =	ssyncset.done $0x0  }
0xaa: {  	[sflag:s23] =	ssyncadd.s32 $0xFFFFFFFF  }
0xab: {  	s6 =	sld [smem:$0x0]  }
0xac: {  	s7 =	sand.u32 $0xFFFFFFFE, s1  }
0xad: {  	p0 =	sne.s32 s1, s7  }
0xae: {  	s7 =	sshll.u32 @p0 s7, $0xE  }
0xaf: {  	s7 =	sadd.s32 @p0 $0x11B8D, s7;
	s8 =	sshll.u32 @p0 s6, $0x11  }
0xb0: {  	s7 =	sor.u32 @p0 s8, s7  }
0xb1: {  	[sflag:s7] =	ssyncadd.remote.s32 @p0 $0x1;
	_ =	sdelay $0x1  }
0xb2: {  	s7 =	simm.s32 @p0 $0x1B8D  }
0xb3: {  	_ =	swait.eq @p0 [sflag:s7], $0x1  }
0xb4: {  	[sflag:s7] =	ssyncadd.s32 @p0 $0xFFFFFFFF  }
0xb5: {  	s8 =	sshll.u32 @!p0 s1, $0xE  }
0xb6: {  	s8 =	sor.u32 @!p0 $0x4000, s8;
	s7 =	simm.s32 @!p0 $0x1B8D  }
0xb7: {  	s6 =	sshll.u32 @!p0 s6, $0x11;
	s8 =	sadd.s32 @!p0 $0x11B8D, s8;
	_ =	swait.eq @!p0 [sflag:s7], $0x1  }
0xb8: {  	s6 =	sor.u32 @!p0 s6, s8;
	[sflag:s7] =	ssyncadd.s32 @!p0 $0xFFFFFFFF  }
0xb9: {  	s25 =	simm.s32 $0x1B8E;
	s24 =	sld [smem:$0x3FFE];
	[sflag:s6] =	ssyncadd.remote.s32 @!p0 $0x1  }
0xba: {  	s26 =	simm.s32 $execute0_lowered;
	[smem:$0x3FD2] =	sst s25  }
0xbb: {  	s7 =	sshll.u32 s26, $0x1;
	_ =	strace $0x8000004F;
	[dreg:$0x1] =	wrdreg $0xFFFFFFFF  }
0xbc: {  	s28 =	simm.s32 $_size_execute0_lowered;
	s5 =	sadd.s32 s5, s7;
	[dreg:$0x0] =	wrdreg $0x0  }
0xbd: {  	s7 =	sshll.u32 s28, $0x1;
	[dreg:$0x2] =	wrdreg s5  }
0xbe: {  	[dreg:$0x3] =	wrdreg s7  }
0xbf: {  	[dreg:$0x4] =	wrdreg $0xC0  }
0xc0: {  	_ =	task [dreg:s22], $0x5FFFF  }
0xc1: {  	[dreg:$0x1] =	wrdreg $0xFFFFFFFF  }
0xc2: {  	[dreg:$0x0] =	wrdreg $0x60  }
0xc3: {  	[dreg:$0x2] =	wrdreg s24  }
0xc4: {  	[dreg:$0x3] =	wrdreg s18  }
0xc5: {  	[dreg:$0x4] =	wrdreg s17  }
0xc6: {  	[dreg:$0x5] =	wrdreg $0x9  }
0xc7: {  	_ =	task.clear_ibuf [dreg:s22], $0x6FFFF;
	_ =	strace $0x9000004F  }
0xc8: {  	s29 =	simm.s32 $0x9;
	_ =	strace $0x80000051  }
0xc9: {  	_ =	swait.ge [sflag:s29], $0x1  }
0xca: {  	[sflag:s29] =	ssyncadd.s32 $0xFFFFFFFF  }
0xcb: {  	_ =	strace $0x90000051  }
0xcc: {  	_ =	sfence  }
0xcd: {  	s30 =	sld [smem:$0x0];
	_ =	sdelay $0x2  }
0xce: {  	s31 =	sshll.u32 s1, $0xD;
	s1 =	sshrl.u32 s1, $0x2  }
0xcf: {  	s4 =	sand.u32 $0x4000, s31;
	s1 =	sadd.s32 s1, s30  }
0xd0: {  	s0 =	sor.u32 s4, s0;
	s1 =	sshll.u32 s1, $0x11  }
0xd1: {  	s0 =	sor.u32 s1, s0  }
0xd2: {  	s0 =	sadd.s32 $0x8F2B, s0  }
0xd3: {  	[sflag:s0] =	ssyncadd.remote.s32 $0x1  }
0xd4: {  	_ =	sfence.sel $0xFFFF  }
0xd5: {  	[dreg:$0x0] =	wrdreg $0xFFFFFFFF;
	(pc) =	sbr.abs _section_cstart, $3  }
0xd6: {  	[dreg:$0x1] =	wrdreg $0xFFFFFFFF  }
0xd7: {  	_ =	task.clear_ibuf [dreg:s22], $0x2FFFF;
	_ =	strace $0x9FFFFFFF  }
0xd8: {  	(tm) =	ssettm $0x7FFFFFFF  }
0xd9: {  	_ =	shalt  }
tec
execute0_lowered:
.L_overlay_start_1:
0x0: {  	(tag) =	ssettag $0x1  }
0x1: {  	s5 =	rddreg [dreg:$0x0]  }
0x2: {  	s2 =	rddreg [dreg:$0x1]  }
0x3: {  	s1 =	srdreg.scid;
	s0 =	stileid.u32  }
0x4: {  	s3 =	rddreg [dreg:$0x2];
	s9 =	simm.s32 $0x15280;
	s10 =	simm.s32 $0x15200  }
0x5: {  	s11 =	simm.s32 $0x0;
	s6 =	sand.u32 $0x1, s1;
	s4 =	sshll.u32 s0, $0x1  }
.Ltmp0:
0x6: {  	s1 =	rddreg [dreg:$0x3];
	s7 =	sor.u32 s6, s4;
	(pc) =	sbr.rel .LBB2_1-.Ltmp0, $4  }
0x7: {  	v0 =	vlaneseq.u32;
	s4 =	simm.s32 $0x0;
	s6 =	ssub.s32 $0x2, s6;
	s8 =	sshll.u32 s7, $0xE  }
0x8: {  	v1 =	vimm.s32 $0x0;
	v3 =	vimm.s32 $0x1;
	v4 =	vmul.u32 $0xFFFFFFFF, v0;
	[smem:$0x7FF] =	sst s4;
	s31 =	sshrl.u32 s6, $0x1;
	s5 =	sadd.s32 s8, s5  }
0x9: {  	vm0 =	vmxor vm0, vm0;
	v5 =	vimm.s32 $0xFFFFFFFF;
	v6 =	vimm.f32 $-Inf;
	_ =	strace $0x80000050;
	s8 =	ssub.s32 s6, s31;
	s6 =	sshll.u32 s7, $0x8  }
0xa: {  	v7 =	vimm.s32 $0x2000;
	v2 =	vmul.u32 $0x100, v0;
	v4 =	vadd.s32 $0xF, v4;
	s5 =	sadd.s32 $0x18E200, s5;
	s7 =	smax.u32 s8, $0x1;
	s8 =	simm.s32 $0x1  }
.LBB2_24:
0xb: {  	s11 =	sadd.s32 $0x1, s11  }
0xc: {  	p0 =	sne.s32 s11, s7  }
.Ltmp1:
0xd: {  	_ = 	snop;
	(pc) =	sbr.rel @!p0 .LBB2_25-.Ltmp1, $1  }
0xe: {  	_ =	sdelay $0x3  }
.LBB2_1:
.Ltmp2:
0xf: {  	(pc) =	sbr.rel .LBB2_2-.Ltmp2, $2  }
0x10: {  	_ =	sdelay $0x2  }
0x11: {  	s12 =	simm.s32 $0x0  }
.LBB2_23:
0x12: {  	s13 =	sshll.u32 s12, $0x4  }
0x13: {  	s13 =	sadd.s32 s6, s13  }
0x14: {  	s14 =	sadd.s32 s2, s13  }
0x15: {  	[hbm4b:s14+s4] =	stream.linear.scatter [tilespmem:s9], [sflag:$0x1], $0x80, $0x38;
	[tilespmem:$0x15300] =	vst v63  }
0x16: {  	s12 =	sadd.s32 $0x1, s12;
	_ =	swait.ge [sflag:s8], $0x80  }
0x17: {  	p0 =	sne.s32 s12, $0x10;
	[sflag:s8] =	ssyncset.done $0x0  }
.Ltmp3:
0x18: {  	s13 =	sadd.s32 s3, s13;
	[sflag:s8] =	ssyncadd.s32 $0xFFFFFF80;
	(pc) =	sbr.rel @!p0 .LBB2_24-.Ltmp3, $4  }
0x19: {  	[hbm4b:s13+s4] =	stream.linear.scatter [tilespmem:s10], [sflag:$0x1], $0x80, $0x38;
	[tilespmem:$0x15300] =	vst v63  }
0x1a: {  	_ =	swait.ge [sflag:s8], $0x80  }
0x1b: {  	[sflag:s8] =	ssyncset.done $0x0  }
0x1c: {  	[sflag:s8] =	ssyncadd.s32 $0xFFFFFF80  }
.LBB2_2:
0x1d: {  	s13 =	sand.u32 $0x7, s12  }
0x1e: {  	p0 =	seq.s32 s13, $0x0  }
0x1f: {  	s13 =	sshll.u32 @p0 s12, $0xA  }
0x20: {  	s14 =	simm.s32 @p0 $0x0;
	s13 =	sadd.s32 @p0 s13, s5  }
0x21: {  	[tilespmem:s14], [sflag:$0x1] =	stream.linear.gather @p0 [hbm4b:s13+s14], $0x10000, $0x38;
	[tilespmem:$0x15300] =	vst v63  }
0x22: {  	s13 =	simm.s32 @p0 $0x1  }
0x23: {  	_ =	swait.ge @p0 [sflag:s13], $0x10000  }
0x24: {  	[sflag:s13] =	ssyncset.done @p0 $0x0  }
0x25: {  	s14 =	simm.s32 $0x100;
	[sflag:s13] =	ssyncadd.s32 @p0 $0xFFFF0000;
	s13 =	simm.s32 $0x0  }
.LBB2_3:
0x26: {  	p0 =	seq.s32 s14, $0x3F00;
	[tilespmem:s13+$0x14130] =	vst v1;
	s15 =	smov.u32 s14;
	s14 =	sadd.s32 $0x100, s14  }
.Ltmp4:
0x27: {  	[tilespmem:s13+$0x14120] =	vst v1;
	(pc) =	sbr.rel @!p0 .LBB2_3-.Ltmp4, $3  }
0x28: {  	[tilespmem:s13+$0x14100] =	vst v1  }
0x29: {  	[tilespmem:s13+$0x14110] =	vst v1;
	_ =	sdelay $0x1  }
0x2a: {  	s13 =	sshra.s32 s15, $0x2  }
0x2b: {  	s31 =	sshll.u32 s12, $0x7  }
0x2c: {  	[tilespmem:s13+$0x14130] =	vst v1;
	s14 =	sand.u32 $0x380, s31  }
0x2d: {  	[tilespmem:s13+$0x14120] =	vst v1;
	v8 =	vmov s14  }
0x2e: {  	[tilespmem:s13+$0x14100] =	vst v1  }
0x2f: {  	[tilespmem:s13+$0x14110] =	vst v1;
	s13 =	simm.s32 $0x0;
	s15 =	simm.s32 $0x0;
	s14 =	simm.s32 $0x0  }
.LBB2_5:
0x30: {  	s16 =	sand.u32 $0x40, s15;
	s17 =	sand.u32 $0xFC00, s14  }
0x31: {  	s17 =	sor.u32 s16, s17  }
0x32: {  	v9 =	vld.idx.msk [tilespmem:v8+s17+$0x0 ss:$0x1], $0xffff;
	_ =	sdelay $0x4  }
0x33: {  	vm1 =	vlt.f32 v9, $0.0e+00;
	v10 =	vxor.u32 $0xFFFFFFFF, v9;
	v9 =	vxor.u32 $0x80000000, v9  }
0x34: {  	v9 =	vsel vm1, v10, v9  }
0x35: {  	v9 =	vshrl.u32 v9, $0x18  }
0x36: {  	v10 =	vand.u32 $0x80, v9  }
0x37: {  	v9 =	vand.u32 $0x7F, v9;
	v10 =	vor.u32 v2, v10  }
0x38: {  	v9 =	vor.u32 v9, v10;
	_ =	sdelay $0x3  }
0x39: {  	s16 =	simm.s32 $0x14100  }
0x3a: {  	[tilespmem:v9+s16+$0x0] =	vst.idx.add.s32.msk $0xffff, v3  }
0x3b: {  	v9 =	vld.idx.msk [tilespmem:v8+s17+$0x10 ss:$0x1], $0xffff;
	_ =	sdelay $0x4  }
0x3c: {  	vm1 =	vlt.f32 v9, $0.0e+00;
	v10 =	vxor.u32 $0xFFFFFFFF, v9;
	v9 =	vxor.u32 $0x80000000, v9  }
0x3d: {  	v9 =	vsel vm1, v10, v9  }
0x3e: {  	v9 =	vshrl.u32 v9, $0x18  }
0x3f: {  	v10 =	vand.u32 $0x80, v9  }
0x40: {  	v9 =	vand.u32 $0x7F, v9;
	v10 =	vor.u32 v2, v10  }
0x41: {  	v9 =	vor.u32 v9, v10;
	_ =	sdelay $0x4  }
0x42: {  	[tilespmem:v9+s16+$0x0] =	vst.idx.add.s32.msk $0xffff, v3  }
0x43: {  	v9 =	vld.idx.msk [tilespmem:v8+s17+$0x20 ss:$0x1], $0xffff;
	_ =	sdelay $0x4  }
0x44: {  	vm1 =	vlt.f32 v9, $0.0e+00;
	v10 =	vxor.u32 $0xFFFFFFFF, v9;
	v9 =	vxor.u32 $0x80000000, v9  }
0x45: {  	v9 =	vsel vm1, v10, v9  }
0x46: {  	v9 =	vshrl.u32 v9, $0x18  }
0x47: {  	v10 =	vand.u32 $0x80, v9  }
0x48: {  	v9 =	vand.u32 $0x7F, v9;
	v10 =	vor.u32 v2, v10  }
0x49: {  	v9 =	vor.u32 v9, v10;
	_ =	sdelay $0x4  }
0x4a: {  	[tilespmem:v9+s16+$0x0] =	vst.idx.add.s32.msk $0xffff, v3  }
0x4b: {  	v9 =	vld.idx.msk [tilespmem:v8+s17+$0x30 ss:$0x1], $0xffff;
	_ =	sdelay $0x4  }
0x4c: {  	vm1 =	vlt.f32 v9, $0.0e+00;
	v10 =	vxor.u32 $0xFFFFFFFF, v9;
	v9 =	vxor.u32 $0x80000000, v9  }
0x4d: {  	v9 =	vsel vm1, v10, v9  }
0x4e: {  	v9 =	vshrl.u32 v9, $0x18  }
0x4f: {  	v10 =	vand.u32 $0x80, v9  }
0x50: {  	v9 =	vand.u32 $0x7F, v9;
	v10 =	vor.u32 v2, v10  }
0x51: {  	p0 =	sne.s32 s15, $0x1FC0;
	v9 =	vor.u32 v9, v10  }
.Ltmp5:
0x52: {  	_ = 	snop;
	(pc) =	sbr.rel @p0 .LBB2_5-.Ltmp5, $2  }
0x53: {  	_ =	sdelay $0x2  }
0x54: {  	s14 =	sadd.s32 $0x200, s14;
	s15 =	sadd.s32 $0x40, s15;
	[tilespmem:v9+s16+$0x0] =	vst.idx.add.s32.msk $0xffff, v3  }
0x55: {  	s13 =	sand.u32 $0xF0, s13;
	v10 =	vld [tilespmem:s16+$0x0]  }
0x56: {  	v9 =	vld [tilespmem:s13+$0x14200]  }
0x57: {  	v11 =	vld [tilespmem:s13+$0x14300]  }
0x58: {  	v12 =	vld [tilespmem:s13+$0x14400]  }
0x59: {  	v13 =	vld [tilespmem:s13+$0x14500]  }
0x5a: {  	v14 =	vld [tilespmem:s13+$0x14600]  }
0x5b: {  	v9 =	vadd.s32 v10, v9;
	v10 =	vld [tilespmem:s13+$0x14700]  }
0x5c: {  	v9 =	vadd.s32 v11, v9;
	v11 =	vld [tilespmem:s13+$0x14800]  }
0x5d: {  	v58 =	vld [tilespmem:s13+$0x14900];
	v9 =	vadd.s32 v12, v9  }
0x5e: {  	v59 =	vld [tilespmem:s13+$0x14A00];
	v9 =	vadd.s32 v13, v9  }
0x5f: {  	v60 =	vld [tilespmem:s13+$0x14B00];
	v9 =	vadd.s32 v14, v9  }
0x60: {  	v9 =	vadd.s32 v10, v9;
	v10 =	vld [tilespmem:s13+$0x14C00]  }
0x61: {  	v9 =	vadd.s32 v11, v9;
	v11 =	vld [tilespmem:s13+$0x14D00]  }
0x62: {  	v61 =	vld [tilespmem:s13+$0x14E00];
	v9 =	vadd.s32 v58, v9  }
0x63: {  	v62 =	vld [tilespmem:s13+$0x14F00];
	v9 =	vadd.s32 v59, v9  }
0x64: {  	v63 =	vld [tilespmem:s13+$0x15000];
	v9 =	vadd.s32 v60, v9  }
0x65: {  	v9 =	vadd.s32 v10, v9  }
0x66: {  	v9 =	vadd.s32 v11, v9  }
0x67: {  	v9 =	vadd.s32 v61, v9  }
0x68: {  	v9 =	vadd.s32 v62, v9  }
0x69: {  	s14 =	simm.s32 $0x10;
	s13 =	simm.s32 $0x15100;
	v9 =	vadd.s32 v63, v9  }
0x6a: {  	s14 =	sand.u32 $0xF0, s14;
	[tilespmem:s13+$0x0] =	vst v9  }
0x6b: {  	s16 =	simm.s32 $0x20;
	s15 =	simm.s32 $0x14110;
	v9 =	vld [tilespmem:s14+$0x14200]  }
.LBB2_7:
0x6c: {  	p0 =	sne.s32 s16, $0xF0;
	v10 =	vld [tilespmem:s15+$0x0]  }
0x6d: {  	v11 =	vld [tilespmem:s14+$0x14300]  }
0x6e: {  	v12 =	vld [tilespmem:s14+$0x14400]  }
0x6f: {  	v13 =	vld [tilespmem:s14+$0x14500]  }
0x70: {  	v14 =	vld [tilespmem:s14+$0x14600]  }
0x71: {  	v9 =	vadd.s32 v10, v9;
	v10 =	vld [tilespmem:s14+$0x14700]  }
0x72: {  	v9 =	vadd.s32 v11, v9;
	v11 =	vld [tilespmem:s14+$0x14800]  }
0x73: {  	v9 =	vadd.s32 v12, v9;
	v12 =	vld [tilespmem:s14+$0x14900]  }
0x74: {  	v9 =	vadd.s32 v13, v9;
	v13 =	vld [tilespmem:s14+$0x14A00]  }
0x75: {  	v9 =	vadd.s32 v14, v9;
	v14 =	vld [tilespmem:s14+$0x14B00]  }
0x76: {  	v9 =	vadd.s32 v10, v9;
	v10 =	vld [tilespmem:s14+$0x14C00]  }
0x77: {  	v9 =	vadd.s32 v11, v9;
	v11 =	vld [tilespmem:s14+$0x14D00]  }
0x78: {  	v9 =	vadd.s32 v12, v9;
	v12 =	vld [tilespmem:s14+$0x14E00]  }
0x79: {  	v9 =	vadd.s32 v13, v9;
	v13 =	vld [tilespmem:s14+$0x14F00]  }
0x7a: {  	v9 =	vadd.s32 v14, v9;
	v14 =	vld [tilespmem:s14+$0x15000]  }
0x7b: {  	v9 =	vadd.s32 v10, v9  }
0x7c: {  	v9 =	vadd.s32 v11, v9  }
.Ltmp6:
0x7d: {  	v9 =	vadd.s32 v12, v9;
	(pc) =	sbr.rel @p0 .LBB2_7-.Ltmp6, $4  }
0x7e: {  	v9 =	vadd.s32 v13, v9  }
0x7f: {  	s13 =	sadd.s32 $0x10, s13;
	v9 =	vadd.s32 v14, v9  }
0x80: {  	s14 =	sand.u32 $0xF0, s16;
	[tilespmem:s13+$0x0] =	vst v9  }
0x81: {  	s15 =	sadd.s32 $0x10, s15;
	s16 =	sadd.s32 $0x10, s16;
	v9 =	vld [tilespmem:s14+$0x14200]  }
0x82: {  	v10 =	vld [tilespmem:s15+$0x0]  }
0x83: {  	v11 =	vld [tilespmem:s14+$0x14300]  }
0x84: {  	v12 =	vld [tilespmem:s14+$0x14400]  }
0x85: {  	v13 =	vld [tilespmem:s14+$0x14500]  }
0x86: {  	v14 =	vld [tilespmem:s14+$0x14600]  }
0x87: {  	v9 =	vadd.s32 v10, v9;
	v10 =	vld [tilespmem:s14+$0x14700]  }
0x88: {  	v9 =	vadd.s32 v11, v9;
	v11 =	vld [tilespmem:s14+$0x14800]  }
0x89: {  	v9 =	vadd.s32 v12, v9;
	v12 =	vld [tilespmem:s14+$0x14900]  }
0x8a: {  	v9 =	vadd.s32 v13, v9;
	v13 =	vld [tilespmem:s14+$0x14A00]  }
0x8b: {  	v9 =	vadd.s32 v14, v9;
	v14 =	vld [tilespmem:s14+$0x14B00]  }
0x8c: {  	v9 =	vadd.s32 v10, v9;
	v10 =	vld [tilespmem:s14+$0x14C00]  }
0x8d: {  	v9 =	vadd.s32 v11, v9;
	v11 =	vld [tilespmem:s14+$0x14D00]  }
0x8e: {  	v9 =	vadd.s32 v12, v9;
	v12 =	vld [tilespmem:s14+$0x14E00]  }
0x8f: {  	v9 =	vadd.s32 v13, v9;
	v13 =	vld [tilespmem:s14+$0x14F00]  }
0x90: {  	v9 =	vadd.s32 v14, v9;
	v14 =	vld [tilespmem:s14+$0x15000]  }
0x91: {  	v9 =	vadd.s32 v10, v9  }
0x92: {  	v9 =	vadd.s32 v11, v9  }
0x93: {  	v9 =	vadd.s32 v12, v9  }
0x94: {  	v9 =	vadd.s32 v13, v9  }
0x95: {  	s13 =	sadd.s32 $0x10, s13;
	v9 =	vadd.s32 v14, v9  }
0x96: {  	s22 =	simm.s32 $0x151F0;
	[tilespmem:s13+$0x0] =	vst v9  }
0x97: {  	v9 =	vld [tilespmem:s22+$0x0];
	_ =	sdelay $0x4  }
0x98: {  	(xrf0) =	vadd.scan.msk.s32 $0xffff, v9;
	_ =	sdelay $0x2  }
0x99: {  	s23 =	simm.s32 $0x151E0  }
0x9a: {  	v10 =	vld [tilespmem:s23+$0x0];
	_ =	sdelay $0x1  }
0x9b: {  	s24 =	simm.s32 $0x151D0;
	v9 =	vperm.xlane v9, v4;
	v11, _, _ =	vpop (xrf0)  }
0x9c: {  	(v2sf) =	vpush v11, $0xF;
	v11 =	vld [tilespmem:s24+$0x0]  }
0x9d: {  	(xrf0) =	vadd.scan.msk.s32 $0xffff, v9  }
0x9e: {  	v9 =	vperm.xlane v10, v4  }
0x9f: {  	(xrf0) =	vadd.scan.msk.s32 $0xffff, v10  }
0xa0: {  	(xrf0) =	vadd.scan.msk.s32 $0xffff, v9  }
0xa1: {  	(xrf0) =	vadd.scan.msk.s32 $0xffff, v11;
	_ =	sdelay $0x1  }
0xa2: {  	s28 =	simm.s32 $0x0;
	v9 =	vperm.xlane v11, v4;
	v11, _, _ =	vpop (xrf0)  }
0xa3: {  	v11 =	vadd.s32 s28, v11  }
0xa4: {  	s25 =	simm.s32 $0x151C0;
	v13, _, _ =	vpop (xrf0)  }
0xa5: {  	v10 =	vld [tilespmem:s25+$0x0];
	v15, _, _ =	vpop (xrf0);
	(v2sf) =	vpush v13, $0xF  }
0xa6: {  	vm1 =	vgt.s32 v11, $0xF;
	v11, _, _ =	vpop (xrf0)  }
0xa7: {  	(v2sf) =	vpush v11, $0xF  }
0xa8: {  	s26 =	simm.s32 $0xF0;
	s29 =	simm.s32 $0x151B0  }
0xa9: {  	v12 =	vmov s26;
	v14 =	vld [tilespmem:s29+$0x0];
	(xrf0) =	vadd.scan.msk.s32 $0xffff, v9  }
0xaa: {  	v12 =	vadd.s32 $0xF, v12;
	(xrf0) =	vadd.scan.msk.s32 $0xffff, v10;
	v10 =	vperm.xlane v10, v4  }
0xab: {  	v12 =	vbroadcast v12, $0x0;
	v16 =	vmctz.xlane vm1  }
0xac: {  	v13 =	vmpcnt.ones.xlane vm1;
	(xrf0) =	vadd.scan.msk.s32 $0xffff, v10  }
0xad: {  	s30 =	simm.s32 $0xE0;
	v9 =	vimm.s32 $0x0;
	vm1 =	vmneg vm0;
	v12 =	vsub.s32 v12, v16  }
0xae: {  	vm2 =	vgt.s32 v13, $0x0;
	v13 =	vperm.xlane v14, v4;
	v11 =	vmov s30;
	s31 =	spop (v2sf)  }
0xaf: {  	s15 =	simm.s32 $0xD0;
	s17 =	simm.s32 $0xA0;
	vm3 =	vmand vm2, vm1;
	vm1 =	vmor vm0, vm2;
	v11 =	vadd.s32 $0xF, v11;
	v10, _, _ =	vpop (xrf0);
	s16 =	sadd.s32 $0x0, s31  }
0xb0: {  	s18 =	simm.s32 $0x151A0;
	s14 =	simm.s32 $0xC0;
	s13 =	simm.s32 $0xB0;
	(xrf0) =	vadd.scan.msk.s32 $0xffff, v14;
	vm2 =	vmneg vm1;
	v11 =	vbroadcast v11, $0x0;
	v14, _, _ =	vpop (xrf0);
	v15 =	vadd.s32 s16, v15  }
.LBB2_9:
0xb1: {  	v16 =	vld [tilespmem:s18+$0x0];
	p0 =	sne.s32 s17, $0x0;
	(v2sf) =	vpush v14, $0xF;
	vm4 =	vgt.s32 v15, $0xF;
	v9 =	vsel vm3, v12, v9;
	v15 =	vmovc v10;
	s19 =	smov.u32 s17;
	s17 =	sadd.s32 $0xFFFFFFF0, s17  }
.Ltmp7:
0xb2: {  	(xrf0) =	vadd.scan.msk.s32 $0xffff, v13;
	v10, _, _ =	vpop (xrf0);
	v13 =	vmpcnt.ones.xlane vm4;
	v12 =	vmctz.xlane vm4;
	(pc) =	sbr.rel @p0 .LBB2_9-.Ltmp7, $4  }
0xb3: {  	v14 =	vmov s15;
	s15 =	smov.u32 s14;
	s14 =	smov.u32 s13;
	s13 =	smov.u32 s19  }
0xb4: {  	v17 =	vadd.s32 $0xF, v14;
	v12 =	vsub.s32 v11, v12;
	vm4 =	vgt.s32 v13, $0x0;
	s19 =	spop (v2sf)  }
0xb5: {  	v11 =	vbroadcast v17, $0x0;
	vm3 =	vmand vm4, vm2;
	vm1 =	vmor vm1, vm4;
	s16 =	sadd.s32 s16, s19  }
0xb6: {  	s18 =	sadd.s32 $0xFFFFFFF0, s18;
	v13 =	vperm.xlane v16, v4;
	(xrf0) =	vadd.scan.msk.s32 $0xffff, v16;
	v14, _, _ =	vpop (xrf0);
	v15 =	vadd.s32 s16, v15;
	vm2 =	vmneg vm1  }
0xb7: {  	(v2sf) =	vpush v14, $0xF;
	_ =	sdelay $0x5  }
0xb8: {  	vm4 =	vgt.s32 v15, $0xF  }
0xb9: {  	s30 =	spop (v2sf);
	v15 =	vmpcnt.ones.xlane vm4  }
0xba: {  	v16 =	vmov s15;
	v9 =	vsel vm3, v12, v9;
	s15 =	sadd.s32 s16, s30  }
0xbb: {  	v53 =	vmctz.xlane vm4;
	v10 =	vadd.s32 s15, v10;
	vm3 =	vgt.s32 v15, $0x0  }
0xbc: {  	(xrf0) =	vadd.scan.msk.s32 $0xffff, v13;
	vm2 =	vmand vm3, vm2;
	vm1 =	vmor vm1, vm3;
	vm3 =	vgt.s32 v10, $0xF  }
0xbd: {  	v56 =	vmov s14;
	v54 =	vadd.s32 $0xF, v16;
	v10 =	vmpcnt.ones.xlane vm3;
	s31 =	spop (v2sf)  }
0xbe: {  	v61 =	vmov s13;
	v57, _, _ =	vpop (xrf0);
	v12 =	vbroadcast v54, $0x0;
	v11 =	vsub.s32 v11, v53;
	s14 =	sadd.s32 s15, s31  }
0xbf: {  	v9 =	vsel vm2, v11, v9;
	vm2 =	vgt.s32 v10, $0x0;
	v10 =	vadd.s32 s14, v57  }
0xc0: {  	v15 =	vadd.s32 $0xF, v61;
	v55 =	vmctz.xlane vm3;
	v11 =	vadd.s32 $0xF, v56  }
0xc1: {  	v62 =	vbroadcast v15, $0x0;
	vm3 =	vmneg vm1;
	v58, _, _ =	vpop (xrf0);
	v11 =	vbroadcast v11, $0x0;
	s16 =	spop (v2sf)  }
0xc2: {  	v12 =	vsub.s32 v12, v55;
	vm3 =	vmand vm2, vm3;
	vm14 =	vgt.s32 v10, $0xF;
	v10, _, _ =	vpop (xrf0);
	s14 =	sadd.s32 s14, s16  }
0xc3: {  	v59 =	vmpcnt.ones.xlane vm14;
	v60 =	vmctz.xlane vm14;
	v10 =	vadd.s32 s14, v10  }
0xc4: {  	vm1 =	vmor vm1, vm2;
	v9 =	vsel vm3, v12, v9;
	vm3 =	vgt.s32 v10, $0xF  }
0xc5: {  	s17 =	simm.s32 $0x0;
	vm15 =	vgt.s32 v59, $0x0;
	v10 =	vsub.s32 v11, v60;
	v11 =	vmpcnt.ones.xlane vm3  }
0xc6: {  	s18 =	sand.u32 $0x40, s17;
	s19 =	sand.u32 $0xFC00, s17;
	vm2 =	vmneg vm1;
	vm1 =	vmor vm1, vm15;
	v63 =	vmctz.xlane vm3  }
0xc7: {  	vm2 =	vmand vm15, vm2;
	vm1 =	vmneg vm1;
	s14 =	sor.u32 s18, s19;
	vm3 =	vgt.s32 v11, $0x0  }
0xc8: {  	v9 =	vsel vm2, v10, v9;
	v10 =	vsub.s32 v62, v63;
	v11 =	vld.idx.msk [tilespmem:v8+s14+$0x0 ss:$0x1], $0xffff;
	vm1 =	vmand vm3, vm1  }
0xc9: {  	v9 =	vsel vm1, v10, v9  }
0xca: {  	vm1 =	vgt.s32 v9, $0x7F  }
0xcb: {  	v9 =	vshll.u32 v9, $0x18;
	v10 =	vsel vm1, $0x80000000, v5  }
0xcc: {  	v9 =	vxor.u32 v9, v10  }
0xcd: {  	s20 =	simm.s32 $0x10;
	vm1 =	vge.f32 v11, v9  }
0xce: {  	s21 =	sand.u32 $0x50, s20;
	v10 =	vor.u32 s17, v0;
	[tilespmem:s17+$0x10000] =	vst.msk vm1, v11;
	v11 =	vmpcnt.ones.xlane vm1  }
0xcf: {  	s22 =	sor.u32 s21, s19;
	(v2sf) =	vpush v58, $0xF;
	[tilespmem:s17+$0x12080] =	vst.msk vm1, v10  }
0xd0: {  	v10 =	vld.idx.msk [tilespmem:v8+s22+$0x0 ss:$0x1], $0xffff;
	(v2sf) =	vpush v11, $0x0;
	_ =	sdelay $0x4  }
0xd1: {  	vm1 =	vge.f32 v10, v9  }
0xd2: {  	v11 =	vmpcnt.ones.xlane vm1;
	_ =	sdelay $0x1  }
0xd3: {  	(v2sf) =	vpush v11, $0x0;
	_ =	sdelay $0x5  }
0xd4: {  	s23 =	spop (v2sf)  }
0xd5: {  	s13 =	spop (v2sf)  }
0xd6: {  	s24 =	simm.s32 $0x20;
	s13 =	sadd.s32 $0x0, s13  }
0xd7: {  	s25 =	sand.u32 $0x60, s24;
	[tilespmem:s13+$0x10000] =	vst.msk vm1, v10;
	v10 =	vor.u32 s20, v0  }
0xd8: {  	s14 =	sor.u32 s25, s19;
	[tilespmem:s13+$0x12080] =	vst.msk vm1, v10  }
0xd9: {  	v10 =	vld.idx.msk [tilespmem:v8+s14+$0x0 ss:$0x1], $0xffff;
	_ =	sdelay $0x3  }
0xda: {  	s26 =	spop (v2sf)  }
0xdb: {  	s17 =	simm.s32 $0x30;
	s13 =	sadd.s32 s13, s26;
	vm1 =	vge.f32 v10, v9  }
0xdc: {  	s28 =	sand.u32 $0x70, s17;
	[tilespmem:s13+$0x10000] =	vst.msk vm1, v10;
	v10 =	vor.u32 s24, v0  }
0xdd: {  	s14 =	sor.u32 s28, s19;
	v11 =	vmpcnt.ones.xlane vm1;
	[tilespmem:s13+$0x12080] =	vst.msk vm1, v10  }
0xde: {  	v10 =	vld.idx.msk [tilespmem:v8+s14+$0x0 ss:$0x1], $0xffff  }
0xdf: {  	(v2sf) =	vpush v11, $0x0;
	_ =	sdelay $0x3  }
0xe0: {  	vm1 =	vge.f32 v10, v9  }
0xe1: {  	v11 =	vmpcnt.ones.xlane vm1;
	_ =	sdelay $0x1  }
0xe2: {  	(v2sf) =	vpush v11, $0x0;
	_ =	sdelay $0x7  }
0xe3: {  	s29 =	spop (v2sf)  }
0xe4: {  	s15 =	simm.s32 $0x200;
	s14 =	simm.s32 $0x40;
	s19 =	sadd.s32 s13, s29  }
0xe5: {  	s18 =	sand.u32 $0xFC00, s15;
	s30 =	sand.u32 $0x40, s14;
	[tilespmem:s19+$0x10000] =	vst.msk vm1, v10;
	v10 =	vor.u32 s17, v0  }
0xe6: {  	s21 =	sor.u32 s30, s18;
	[tilespmem:s19+$0x12080] =	vst.msk vm1, v10  }
0xe7: {  	v10 =	vld.idx.msk [tilespmem:v8+s21+$0x0 ss:$0x1], $0xffff  }
0xe8: {  	s13 =	simm.s32 $0x70  }
0xe9: {  	s31 =	sand.u32 $0x70, s13  }
0xea: {  	s20 =	simm.s32 $0x80;
	s16 =	sor.u32 s31, s18;
	s21 =	spop (v2sf)  }
.LBB2_11:
0xeb: {  	s22 =	sadd.s32 $0x10, s14  }
0xec: {  	vm1 =	vge.f32 v10, v9;
	s19 =	sadd.s32 s19, s21;
	s21 =	smov.u32 s20;
	s17 =	sadd.s32 $0x40, s20  }
0xed: {  	p0 =	sne.s32 s20, $0x1FC0;
	[tilespmem:s19+$0x10000] =	vst.msk vm1, v10;
	v10 =	vor.u32 s14, v0;
	v11 =	vmpcnt.ones.xlane vm1;
	s20 =	sand.u32 $0x50, s22  }
0xee: {  	[tilespmem:s19+$0x12080] =	vst.msk vm1, v10;
	s20 =	sor.u32 s20, s18  }
0xef: {  	v10 =	vld.idx.msk [tilespmem:v8+s20+$0x0 ss:$0x1], $0xffff;
	(v2sf) =	vpush v11, $0x0;
	_ =	sdelay $0x5  }
0xf0: {  	vm1 =	vge.f32 v10, v9  }
0xf1: {  	v11 =	vmpcnt.ones.xlane vm1;
	_ =	sdelay $0x1  }
0xf2: {  	(v2sf) =	vpush v11, $0x0;
	_ =	sdelay $0x5  }
0xf3: {  	s20 =	spop (v2sf)  }
0xf4: {  	s19 =	sadd.s32 s19, s20;
	s20 =	sadd.s32 $0x20, s14;
	s14 =	smov.u32 s21  }
0xf5: {  	[tilespmem:s19+$0x10000] =	vst.msk vm1, v10;
	v10 =	vor.u32 s22, v0;
	s21 =	sand.u32 $0x60, s20  }
0xf6: {  	[tilespmem:s19+$0x12080] =	vst.msk vm1, v10;
	s18 =	sor.u32 s21, s18  }
0xf7: {  	v10 =	vld.idx.msk [tilespmem:v8+s18+$0x0 ss:$0x1], $0xffff;
	_ =	sdelay $0x4  }
0xf8: {  	s18 =	spop (v2sf)  }
0xf9: {  	vm1 =	vge.f32 v10, v9;
	s18 =	sadd.s32 s19, s18  }
0xfa: {  	v11 =	vmpcnt.ones.xlane vm1;
	[tilespmem:s18+$0x10000] =	vst.msk vm1, v10;
	v10 =	vor.u32 s20, v0  }
0xfb: {  	[tilespmem:s18+$0x12080] =	vst.msk vm1, v10  }
0xfc: {  	v10 =	vld.idx.msk [tilespmem:v8+s16+$0x0 ss:$0x1], $0xffff;
	(v2sf) =	vpush v11, $0x0;
	_ =	sdelay $0x5  }
0xfd: {  	vm1 =	vge.f32 v10, v9  }
0xfe: {  	v11 =	vmpcnt.ones.xlane vm1;
	_ =	sdelay $0x1  }
0xff: {  	(v2sf) =	vpush v11, $0x0;
	_ =	sdelay $0x5  }
0x100: {  	s16 =	spop (v2sf)  }
0x101: {  	s15 =	sadd.s32 $0x200, s15;
	s20 =	sadd.s32 $0x30, s14;
	s19 =	sadd.s32 s18, s16  }
0x102: {  	s21 =	sand.u32 $0x70, s20;
	s16 =	sand.u32 $0x40, s14;
	s18 =	sand.u32 $0xFC00, s15;
	[tilespmem:s19+$0x10000] =	vst.msk vm1, v10;
	v10 =	vor.u32 s13, v0  }
0x103: {  	s22 =	sor.u32 s16, s18;
	s16 =	sor.u32 s21, s18;
	s13 =	smov.u32 s20;
	[tilespmem:s19+$0x12080] =	vst.msk vm1, v10  }
0x104: {  	v10 =	vld.idx.msk [tilespmem:v8+s22+$0x0 ss:$0x1], $0xffff  }
.Ltmp8:
0x105: {  	(pc) =	sbr.rel @p0 .LBB2_11-.Ltmp8, $2  }
0x106: {  	_ =	sdelay $0x2  }
0x107: {  	s20 =	smov.u32 s17;
	s21 =	spop (v2sf)  }
0x108: {  	_ = 	snop  }
0x109: {  	vm1 =	vge.f32 v10, v9;
	s15 =	sadd.s32 $0x10, s14;
	s17 =	sadd.s32 s19, s21  }
0x10a: {  	v59 =	vor.u32 s14, v0;
	[tilespmem:s17+$0x10000] =	vst.msk vm1, v10;
	v11 =	vmpcnt.ones.xlane vm1;
	s31 =	sand.u32 $0x50, s15  }
0x10b: {  	[tilespmem:s17+$0x12080] =	vst.msk vm1, v59;
	s19 =	sor.u32 s31, s18  }
0x10c: {  	v10 =	vld.idx.msk [tilespmem:v8+s19+$0x0 ss:$0x1], $0xffff;
	(v2sf) =	vpush v11, $0x0;
	_ =	sdelay $0x4  }
0x10d: {  	vm1 =	vge.f32 v10, v9  }
0x10e: {  	v60 =	vmpcnt.ones.xlane vm1;
	_ =	sdelay $0x1  }
0x10f: {  	(v2sf) =	vpush v60, $0x0;
	_ =	sdelay $0x6  }
0x110: {  	s20 =	spop (v2sf)  }
0x111: {  	s21 =	sadd.s32 $0x20, s14;
	s17 =	sadd.s32 s17, s20  }
0x112: {  	v61 =	vor.u32 s15, v0;
	s22 =	sand.u32 $0x60, s21;
	[tilespmem:s17+$0x10000] =	vst.msk vm1, v10  }
0x113: {  	s15 =	sor.u32 s22, s18;
	[tilespmem:s17+$0x12080] =	vst.msk vm1, v61  }
0x114: {  	v10 =	vld.idx.msk [tilespmem:v8+s15+$0x0 ss:$0x1], $0xffff;
	_ =	sdelay $0x3  }
0x115: {  	s23 =	spop (v2sf)  }
0x116: {  	s15 =	sadd.s32 s17, s23;
	vm1 =	vge.f32 v10, v9  }
0x117: {  	v62 =	vor.u32 s21, v0;
	[tilespmem:s15+$0x10000] =	vst.msk vm1, v10  }
0x118: {  	[tilespmem:s15+$0x12080] =	vst.msk vm1, v62  }
0x119: {  	v8 =	vld.idx.msk [tilespmem:v8+s16+$0x0 ss:$0x1], $0xffff;
	_ =	sdelay $0x4  }
0x11a: {  	v63 =	vmpcnt.ones.xlane vm1;
	vm1 =	vge.f32 v8, v9  }
0x11b: {  	v9 =	vmpcnt.ones.xlane vm1  }
0x11c: {  	(v2sf) =	vpush v63, $0x0  }
0x11d: {  	(v2sf) =	vpush v9, $0x0;
	_ =	sdelay $0xd  }
0x11e: {  	s24 =	spop (v2sf)  }
0x11f: {  	s14 =	sadd.s32 s15, s24;
	s25 =	spop (v2sf)  }
0x120: {  	s15 =	sadd.s32 s14, s25  }
0x121: {  	s26 =	sadd.s32 $0xF, s15  }
0x122: {  	s28 =	sand.u32 $0xF, s26  }
0x123: {  	s29 =	sshra.s32 s26, $0x1F;
	p0 =	slt.s32 s26, $0x1;
	p1 =	sne.s32 s28, $0x0  }
.Ltmp9:
0x124: {  	s30 =	sshrl.u32 s29, $0x1C;
	p0 =	por !p0, !p1;
	(pc) =	sbr.rel .LBB2_13-.Ltmp9, $4  }
0x125: {  	s16 =	simm.s32 $0x1;
	[tilespmem:s14+$0x10000] =	vst.msk vm1, v8;
	v8 =	vor.u32 s13, v0;
	s31 =	sadd.s32 s30, s26;
	p0 =	por !p0, !p0  }
0x126: {  	[tilespmem:s14+$0x12080] =	vst.msk vm1, v8;
	s13 =	sshra.s32 s31, $0x4;
	s16 =	simm.s32 @!p0 $0x0  }
0x127: {  	s14 =	simm.s32 $0x0;
	[tilespmem:s15+$0x10000] =	vst v6;
	s13 =	ssub.s32 s13, s16  }
0x128: {  	[tilespmem:s15+$0x12080] =	vst v7;
	s15 =	simm.f32 $+Inf;
	s16 =	simm.s32 $0xFFFFFFFF;
	p0 =	slt.s32 s13, $0x1  }
.LBB2_14:
0x129: {  	v8 =	vimm.s32 $0x80002000;
	v9 =	vimm.f32 $-Inf  }
.LBB2_22:
0x12a: {  	(xrf0) =	vmax.scan.msk.f32 $0xffff, v9;
	_ =	sdelay $0x5  }
0x12b: {  	v10, _, _ =	vpop (xrf0)  }
0x12c: {  	v11 =	vbroadcast v10, $0xF;
	_ =	sdelay $0x1  }
0x12d: {  	vm1 =	veq.f32 v9, v11  }
0x12e: {  	v8 =	vnsel vm1, $0x80002000, v8  }
0x12f: {  	(xrf0) =	vmin.scan.msk.u32 $0xffff, v8;
	_ =	sdelay $0x5  }
0x130: {  	(v2sf) =	vpush v10, $0xF;
	v8, _, _ =	vpop (xrf0)  }
0x131: {  	(v2sf) =	vpush v8, $0xF;
	_ =	sdelay $0xa  }
0x132: {  	v8 =	vld [tilespmem:$0x15200]  }
0x133: {  	v62 =	vld [tilespmem:$0x15280];
	v63 =	vmov s14;
	s14 =	sadd.s32 $0x1, s14  }
0x134: {  	p1 =	sne.s32 s14, $0x10  }
.Ltmp10:
0x135: {  	s15 =	spop (v2sf);
	(pc) =	sbr.rel @!p1 .LBB2_23-.Ltmp10, $4  }
0x136: {  	vm1 =	veq.s32 v63, v0;
	s16 =	spop (v2sf)  }
0x137: {  	v8 =	vsel vm1, v11, v8;
	s16 =	sxor.u32 $0x80000000, s16  }
0x138: {  	[tilespmem:$0x15200] =	vst v8;
	v8 =	vsel vm1, s16, v62  }
0x139: {  	[tilespmem:$0x15280] =	vst v8  }
.LBB2_13:
.Ltmp11:
0x13a: {  	(pc) =	sbr.rel @p0 .LBB2_14-.Ltmp11, $1  }
0x13b: {  	_ =	sdelay $0x3  }
0x13c: {  	s17 =	simm.s32 $0x10000  }
0x13d: {  	p2 =	sne.s32 s13, $0x1;
	v18 =	vld [tilespmem:s17+$0x0]  }
.Ltmp12:
0x13e: {  	s31 =	simm.s32 $0x12080;
	(pc) =	sbr.rel @!p2 .LBB2_16-.Ltmp12, $3  }
0x13f: {  	v12 =	vld [tilespmem:s31+$0x0];
	_ =	sdelay $0x1  }
0x140: {  	v10 =	vmov s15;
	v11 =	vmov s16  }
0x141: {  	v9 =	vimm.f32 $-Inf;
	v8 =	vimm.s32 $0x2000;
	s16 =	sadd.s32 $0xFFFFFFFF, s13;
	s15 =	simm.s32 $0x10010;
	p1 =	por $0x0, $0x0;
	vm1 =	vlt.f32 v18, v10  }
0x142: {  	_ = 	snop  }
0x143: {  	v17 =	vld [tilespmem:s15+$0x0];
	vm2 =	veq.f32 v18, v10;
	s15 =	simm.s32 $0x12090;
	p2 =	sne.s32 s16, $0x1;
	vm3 =	vgt.s32 v12, v11  }
.Ltmp13:
0x144: {  	v13 =	vld [tilespmem:s15+$0x0];
	vm2 =	vmand vm2, vm3;
	(pc) =	sbr.rel @!p2 .LBB2_18-.Ltmp13, $4  }
0x145: {  	vm1 =	vmor vm1, vm2  }
0x146: {  	v15 =	vimm.f32 $-Inf;
	v14 =	vnsel vm1, $0xFF800000, v18  }
0x147: {  	v16 =	vimm.s32 $0x2000;
	vm4 =	vlt.s32 v12, v8;
	vm3 =	veq.f32 v14, v9  }
0x148: {  	s16 =	sadd.s32 $0xFFFFFFFF, s16;
	s17 =	simm.s32 $0x10020;
	p1 =	por $0x1, $0x1;
	vm1 =	vlt.f32 v17, v10;
	vm2 =	vgt.f32 v14, v9;
	vm3 =	vmand vm4, vm3  }
.LBB2_19:
0x149: {  	v18 =	vld [tilespmem:s17+$0x0];
	vm4 =	veq.f32 v17, v10;
	vm5 =	vgt.s32 v13, v11;
	s15 =	sadd.s32 $0x10, s15;
	vm2 =	vmor vm2, vm3;
	p2 =	sne.s32 s16, $0x1  }
.Ltmp14:
0x14a: {  	s16 =	sadd.s32 $0xFFFFFFFF, s16;
	vm3 =	vmand vm4, vm5;
	v15 =	vsel vm2, v14, v15;
	v16 =	vsel vm2, v12, v16;
	v12 =	vmovc v13;
	v13 =	vld [tilespmem:s15+$0x0];
	(pc) =	sbr.rel @p2 .LBB2_19-.Ltmp14, $4  }
0x14b: {  	vm1 =	vmor vm1, vm3  }
0x14c: {  	v14 =	vnsel vm1, $0xFF800000, v17  }
0x14d: {  	vm4 =	vlt.s32 v12, v16;
	vm3 =	veq.f32 v14, v15  }
0x14e: {  	s17 =	sadd.s32 $0x10, s17;
	vm2 =	vgt.f32 v14, v15;
	vm1 =	vlt.f32 v18, v10;
	vm3 =	vmand vm4, vm3;
	v17 =	vmovc v18  }
0x14f: {  	v18 =	vmov v17  }
.LBB2_21:
0x150: {  	vm4 =	veq.f32 v18, v10;
	vm5 =	vgt.s32 v13, v11  }
0x151: {  	vm2 =	vmor @p1 vm2, vm3;
	vm3 =	vmand vm4, vm5  }
0x152: {  	v10 =	vsel @p1 vm2, v14, v15;
	v11 =	vsel @p1 vm2, v12, v16;
	vm1 =	vmor vm1, vm3  }
0x153: {  	v9 =	vpsel p1, v10, v9;
	v8 =	vpsel p1, v11, v8;
	v63 =	vnsel vm1, $0xFF800000, v18  }
.Ltmp15:
0x154: {  	vm2 =	vlt.s32 v13, v8;
	vm1 =	veq.f32 v63, v9;
	(pc) =	sbr.rel .LBB2_22-.Ltmp15, $4  }
0x155: {  	vm3 =	vgt.f32 v63, v9;
	vm1 =	vmand vm2, vm1  }
0x156: {  	vm1 =	vmor vm3, vm1  }
0x157: {  	v8 =	vsel vm1, v13, v8  }
0x158: {  	v9 =	vsel vm1, v63, v9;
	v8 =	vxor.u32 $0x80000000, v8  }
.LBB2_16:
.Ltmp16:
0x159: {  	(pc) =	sbr.rel .LBB2_21-.Ltmp16, $2  }
0x15a: {  	_ =	sdelay $0x2  }
0x15b: {  	v15 =	vimm.f32 $-Inf;
	v16 =	vimm.s32 $0x2000;
	v13 =	vmov v12  }
.LBB2_18:
.Ltmp17:
0x15c: {  	(pc) =	sbr.rel .LBB2_21-.Ltmp17, $2  }
0x15d: {  	_ =	sdelay $0x2  }
0x15e: {  	v18 =	vmov v17;
	v15 =	vimm.f32 $-Inf;
	v16 =	vimm.s32 $0x2000  }
.LBB2_25:
0x15f: {  	_ =	sfence.sel $0x180000  }
0x160: {  	[bflag:$0x0] =	sbarrier.arrive $0xFFFF  }
0x161: {  	p0 =	sne.s32 s0, $0x0;
	_ =	strace $0x90000050  }
0x162: {  	s0 =	sadd.s32 @!p0 $0x100000, s1;
	[bflag:$0x2] =	sbarrier.arrive $0xFFFF  }
0x163: {  	[sflag:s0] =	ssyncadd.tile.s32 @!p0 $0x1;
	_ =	shalt  }
.Lfunc_end2:
_tile_overlayer_lowered:
.L_overlay_start_2:
0x164: {  	(tag) =	ssettag $0x2  }
0x165: {  	s0 =	rddreg [dreg:$0x0];
	s2 =	stileid.u32  }
0x166: {  	s1 =	rddreg [dreg:$0x1];
	p0 =	sne.s32 s2, $0x0  }
0x167: {  	s3 =	rddreg [dreg:$0x2];
	[bflag:$0x3] =	sbarrier.arrive $0xFFFF;
	s2 =	simm.s32 @!p0 $0x1C01  }
0x168: {  	[timem:s3], [sflag:s2] =	dma.local @!p0 [hbm:s0], s1  }
0x169: {  	s0 =	simm.s32 @!p0 $0x1  }
0x16a: {  	_ =	swait.ge @!p0 [sflag:s0], s1  }
0x16b: {  	s1 =	ssub.s32 @!p0 $0x0, s1;
	[sflag:s0] =	ssyncset.done @!p0 $0x0  }
0x16c: {  	[sflag:s0] =	ssyncadd.s32 @!p0 s1  }
0x16d: {  	[bflag:$0x3] =	sbarrier.arrive $0xFFFF  }
0x16e: {  	_ =	shalt  }

// kernel: kernel.13.cloned.1.call-start
scs
__scs_entry_jumppad:
0x0: {  	(pc) =	sbr.rel $0x88, $3  }
0x1: {  	(tag) =	ssettag $0x0;
	lr =	simm.s32 $0x1  }
0x2: {  	[smem:$0x3F9D] =	sst lr;
	_ =	strace $0xD0000000  }
0x3: {  	_ = 	snop  }
0x4: {  	_ = 	snop  }
0x5: {  	_ = 	snop  }
0x6: {  	_ = 	snop  }
0x7: {  	_ = 	snop  }
__scs_overlays_trampoline_lowered:
0x8: {  	[smem:$0x3FAC] =	sst s0  }
0x9: {  	[smem:$0x3FAD] =	sst s1  }
0xa: {  	[smem:$0x3FAE] =	sst s2  }
0xb: {  	[smem:$0x3FAF] =	sst s3  }
0xc: {  	[smem:$0x3FB0] =	sst s4  }
0xd: {  	[smem:$0x3FB1] =	sst s5  }
0xe: {  	[smem:$0x3FB2] =	sst s6  }
0xf: {  	[smem:$0x3FB3] =	sst s7  }
0x10: {  	[smem:$0x3FB4] =	sst s8  }
0x11: {  	[smem:$0x3FB5] =	sst s9;
	s0 =	simm.s32 @!p0 $0x0  }
0x12: {  	s1 =	sld [smem:$0x3F9B];
	s0 =	simm.s32 @p0 $0x1  }
0x13: {  	[smem:$0x3FB6] =	sst s0;
	s0 =	simm.s32 @!p1 $0x0  }
0x14: {  	s2 =	sld [smem:$0x3F9A];
	s0 =	simm.s32 @p1 $0x1  }
0x15: {  	[smem:$0x3FB7] =	sst s0;
	s0 =	simm.s32 @!p2 $0x0  }
0x16: {  	s3 =	sld [smem:$0x3FDB];
	s0 =	simm.s32 @p2 $0x1  }
0x17: {  	s4 =	simm.s32 $0x1BF5;
	[smem:$0x3FB9] =	sst s0  }
0x18: {  	s0 =	sld [smem:$0x3F9C];
	_ =	swait.ge [sflag:s4], $0x0  }
0x19: {  	s7 =	sld [smem:$0x3F9D]  }
0x1a: {  	s8 =	sadd.s32 $0xFFFFE003, lr  }
0x1b: {  	s9 =	sadd.s32 $0xFFFFFEF7, lr;
	s5 =	simm.s32 $0xFFFFFFFF;
	p2 =	slt.u32 s8, $0xFFFFF086  }
0x1c: {  	p1 =	slt.u32 s9, $0xF7A;
	s5 =	simm.s32 @!p2 $0x0  }
0x1d: {  	s5 =	simm.s32 @p1 $0x1;
	p0 =	seq.s32 s7, s2  }
0x1e: {  	s7 =	smul.u32 @!p0 $0xF7A, s2;
	p2 =	seq.s32 @!p0 s5, $0x0  }
0x1f: {  	s9 =	smul.u32 $0xF7A, s1;
	s8 =	simm.s32 @!p0 $0x1BF5;
	p2 =	por !p2, p0  }
0x20: {  	[sflag:s8] =	ssyncset.s32 @!p0 $0xFFFFF086;
	s6 =	sadd.s32 @!p0 s3, s7;
	s7 =	simm.s32 @!p0 $0x108  }
0x21: {  	s3 =	sadd.s32 s3, s9;
	s6 =	sadd.s32 @!p0 $0x88, s6;
	s7 =	simm.s32 @p2 $0x1082  }
0x22: {  	[simem:s7], [sflag:s8] =	dma.local @!p0 [hbm:s6], $0xF7A  }
0x23: {  	s9 =	sor.u32 $0xD0000000, s2;
	s6 =	simm.s32 $0x108;
	_ =	swait.ge @!p0 [sflag:s8], $0x0  }
0x24: {  	s3 =	sadd.s32 $0x88, s3;
	s6 =	simm.s32 @!p1 $0x1082;
	[sflag:s4] =	ssyncset.s32 $0xFFFFF086  }
0x25: {  	[simem:s6], [sflag:s4] =	dma.local [hbm:s3], $0xF7A  }
0x26: {  	[smem:$0x3F9D] =	sst s1;
	(tag) =	ssettag s2;
	_ =	strace s9  }
0x27: {  	s1 =	sld [smem:$0x3FAD]  }
0x28: {  	s2 =	sld [smem:$0x3FAE]  }
0x29: {  	s4 =	sld [smem:$0x3FB0]  }
0x2a: {  	p0 =	seq.s32 s5, $0x0;
	s5 =	sld [smem:$0x3FB1]  }
0x2b: {  	s6 =	sld [smem:$0x3FB2]  }
0x2c: {  	s7 =	sld [smem:$0x3FB3]  }
0x2d: {  	s3 =	simm.s32 $0x108;
	s8 =	sld [smem:$0x3FB4]  }
0x2e: {  	s3 =	simm.s32 @!p0 $0x1082;
	s9 =	sld [smem:$0x3FB5]  }
0x2f: {  	lr =	sadd.s32 s0, s3;
	s0 =	sld [smem:$0x3FAC]  }
0x30: {  	s3 =	sld [smem:$0x3FAF]  }
0x31: {  	[smem:$0x3FB8] =	sst s10  }
0x32: {  	s10 =	sld [smem:$0x3FB6];
	_ =	sdelay $0x3  }
0x33: {  	p0 =	seq.s32 s10, $0x1;
	s10 =	sld [smem:$0x3FB8];
	_ =	sdelay $0x3  }
0x34: {  	[smem:$0x3FB8] =	sst s10  }
0x35: {  	s10 =	sld [smem:$0x3FB7];
	_ =	sdelay $0x3  }
0x36: {  	p1 =	seq.s32 s10, $0x1;
	s10 =	sld [smem:$0x3FB8];
	_ =	sdelay $0x3  }
0x37: {  	[smem:$0x3FB8] =	sst s10  }
0x38: {  	s10 =	sld [smem:$0x3FB9]  }
0x39: {  	_ = 	snop;
	(pc) =	sbr.ind lr, $3  }
0x3a: {  	_ = 	snop  }
0x3b: {  	_ = 	snop  }
0x3c: {  	p2 =	seq.s32 s10, $0x1;
	s10 =	sld [smem:$0x3FB8]  }
0x3d: {  	_ =	shalt  }
0x3e: {  	_ =	shalt  }
0x3f: {  	_ =	shalt  }
0x40: {  	_ =	shalt  }
0x41: {  	_ =	shalt  }
0x42: {  	_ =	shalt  }
0x43: {  	_ =	shalt  }
0x44: {  	_ =	shalt  }
0x45: {  	_ =	shalt  }
0x46: {  	_ =	shalt  }
0x47: {  	_ =	shalt  }
0x48: {  	_ =	shalt  }
0x49: {  	_ =	shalt  }
0x4a: {  	_ =	shalt  }
0x4b: {  	_ =	shalt  }
0x4c: {  	_ =	shalt  }
0x4d: {  	_ =	shalt  }
0x4e: {  	_ =	shalt  }
0x4f: {  	_ =	shalt  }
0x50: {  	_ =	shalt  }
0x51: {  	_ =	shalt  }
0x52: {  	_ =	shalt  }
0x53: {  	_ =	shalt  }
0x54: {  	_ =	shalt  }
0x55: {  	_ =	shalt  }
0x56: {  	_ =	shalt  }
0x57: {  	_ =	shalt  }
0x58: {  	_ =	shalt  }
0x59: {  	_ =	shalt  }
0x5a: {  	_ =	shalt  }
0x5b: {  	_ =	shalt  }
0x5c: {  	_ =	shalt  }
0x5d: {  	_ =	shalt  }
0x5e: {  	_ =	shalt  }
0x5f: {  	_ =	shalt  }
0x60: {  	_ =	shalt  }
0x61: {  	_ =	shalt  }
0x62: {  	_ =	shalt  }
0x63: {  	_ =	shalt  }
0x64: {  	_ =	shalt  }
0x65: {  	_ =	shalt  }
0x66: {  	_ =	shalt  }
0x67: {  	_ =	shalt  }
0x68: {  	_ =	shalt  }
0x69: {  	_ =	shalt  }
0x6a: {  	_ =	shalt  }
0x6b: {  	_ =	shalt  }
0x6c: {  	_ =	shalt  }
0x6d: {  	_ =	shalt  }
0x6e: {  	_ =	shalt  }
0x6f: {  	_ =	shalt  }
0x70: {  	_ =	shalt  }
0x71: {  	_ =	shalt  }
0x72: {  	_ =	shalt  }
0x73: {  	_ =	shalt  }
0x74: {  	_ =	shalt  }
0x75: {  	_ =	shalt  }
0x76: {  	_ =	shalt  }
0x77: {  	_ =	shalt  }
0x78: {  	_ =	shalt  }
0x79: {  	_ =	shalt  }
0x7a: {  	_ =	shalt  }
0x7b: {  	_ =	shalt  }
0x7c: {  	_ =	shalt  }
0x7d: {  	_ =	shalt  }
0x7e: {  	_ =	shalt  }
0x7f: {  	_ =	shalt  }
0x80: {  	_ =	shalt  }
0x81: {  	_ =	shalt  }
0x82: {  	_ =	shalt  }
0x83: {  	_ =	shalt  }
0x84: {  	_ =	shalt  }
0x85: {  	_ =	shalt  }
0x86: {  	_ =	shalt  }
0x87: {  	_ =	shalt  }
.Lfunc_end0:
.L_simem_size_0:
called_computation.1_lowered:
.L_overlay_start_0:
0x88: {  	s2 =	sld [smem:$0x3FD9]  }
0x89: {  	s3 =	sld [smem:$0x3FFE];
	_ =	sdelay $0x1  }
0x8a: {  	s1 =	srdreg.scid  }
0x8b: {  	s0 =	sand.u32 $0x1, s1  }
0x8c: {  	s17 =	sshll.u32 s0, $0xA;
	s2 =	sadd.s32 s3, s2  }
0x8d: {  	s2 =	sadd.s32 s2, s17  }
0x8e: {  	[smem:$0x3FC4] =	sst s2  }
0x8f: {  	_ = 	snop  }
0x90: {  	(tm) =	ssettm $0x1  }
0x91: {  	s18 =	sld [smem:$0x3FFB];
	_ =	sdelay $0x3  }
0x92: {  	_ =	strace s18  }
0x93: {  	s2 =	sld [smem:$0x3FFC];
	_ =	sdelay $0x3  }
0x94: {  	_ =	strace s2  }
0x95: {  	s2 =	sld [smem:$0x3FFD];
	_ =	sdelay $0x3  }
0x96: {  	_ =	strace s2  }
0x97: {  	_ =	strace $0x8FFFFFFF  }
0x98: {  	s19 =	sld [smem:$0x3FDB];
	_ =	sdelay $0x1  }
0x99: {  	s20 =	simm.s32 $_scs_section_size  }
0x9a: {  	s4 =	simm.s32 $_size__tile_overlayer_lowered;
	s5 =	simm.s32 $_tile_overlayer_lowered  }
0x9b: {  	s6 =	simm.s32 $0x1BFF;
	s21 =	sshll.u32 s5, $0x1;
	s3 =	sadd.s32 s20, s19  }
0x9c: {  	s22 =	simm.s32 $0x0;
	s4 =	sshll.u32 s4, $0x1;
	s5 =	sadd.s32 s21, s3  }
0x9d: {  	[timem:s22], [sflag:s6] =	dma.local [hbm:s5], s4  }
0x9e: {  	_ =	swait.ge [sflag:s6], s4  }
0x9f: {  	s4 =	ssub.s32 $0x0, s4;
	[sflag:s6] =	ssyncset.done $0x0  }
0xa0: {  	[sflag:s6] =	ssyncadd.s32 s4;
	_ =	sdelay $0x1  }
0xa1: {  	s23 =	simm.s32 $0x1B8B  }
0xa2: {  	_ =	swait.ge [sflag:s23], $0x1  }
0xa3: {  	[sflag:s23] =	ssyncset.done $0x0  }
0xa4: {  	[sflag:s23] =	ssyncadd.s32 $0xFFFFFFFF  }
0xa5: {  	s4 =	sld [smem:$0x0]  }
0xa6: {  	s5 =	sand.u32 $0xFFFFFFFE, s1  }
0xa7: {  	p0 =	sne.s32 s1, s5  }
0xa8: {  	s5 =	sshll.u32 @p0 s5, $0xE  }
0xa9: {  	s5 =	sadd.s32 @p0 $0x11B8D, s5;
	s6 =	sshll.u32 @p0 s4, $0x11  }
0xaa: {  	s5 =	sor.u32 @p0 s6, s5  }
0xab: {  	[sflag:s5] =	ssyncadd.remote.s32 @p0 $0x1;
	_ =	sdelay $0x1  }
0xac: {  	s5 =	simm.s32 @p0 $0x1B8D  }
0xad: {  	_ =	swait.eq @p0 [sflag:s5], $0x1  }
0xae: {  	[sflag:s5] =	ssyncadd.s32 @p0 $0xFFFFFFFF  }
0xaf: {  	s6 =	sshll.u32 @!p0 s1, $0xE  }
0xb0: {  	s6 =	sor.u32 @!p0 $0x4000, s6;
	s5 =	simm.s32 @!p0 $0x1B8D  }
0xb1: {  	s4 =	sshll.u32 @!p0 s4, $0x11;
	s6 =	sadd.s32 @!p0 $0x11B8D, s6;
	_ =	swait.eq @!p0 [sflag:s5], $0x1  }
0xb2: {  	s4 =	sor.u32 @!p0 s4, s6;
	[sflag:s5] =	ssyncadd.s32 @!p0 $0xFFFFFFFF  }
0xb3: {  	s25 =	simm.s32 $0x1B8E;
	s24 =	sld [smem:$0x3FFE];
	[sflag:s4] =	ssyncadd.remote.s32 @!p0 $0x1  }
0xb4: {  	s26 =	simm.s32 $execute0_lowered;
	[smem:$0x3FD2] =	sst s25  }
0xb5: {  	s5 =	sshll.u32 s26, $0x1;
	_ =	strace $0x8000004C;
	[dreg:$0x1] =	wrdreg $0xFFFFFFFF  }
0xb6: {  	s28 =	simm.s32 $_size_execute0_lowered;
	s3 =	sadd.s32 s3, s5;
	[dreg:$0x0] =	wrdreg $0x0  }
0xb7: {  	s5 =	sshll.u32 s28, $0x1;
	[dreg:$0x2] =	wrdreg s3  }
0xb8: {  	[dreg:$0x3] =	wrdreg s5  }
0xb9: {  	[dreg:$0x4] =	wrdreg $0xC0  }
0xba: {  	_ =	task [dreg:s22], $0x5FFFF  }
0xbb: {  	[dreg:$0x1] =	wrdreg $0xFFFFFFFF  }
0xbc: {  	[dreg:$0x0] =	wrdreg $0x60  }
0xbd: {  	[dreg:$0x2] =	wrdreg s24  }
0xbe: {  	[dreg:$0x3] =	wrdreg $0xA  }
0xbf: {  	_ =	task.clear_ibuf [dreg:s22], $0x4FFFF;
	_ =	strace $0x9000004C  }
0xc0: {  	s29 =	simm.s32 $0xA;
	_ =	strace $0x8000004E  }
0xc1: {  	_ =	swait.ge [sflag:s29], $0x1  }
0xc2: {  	[sflag:s29] =	ssyncadd.s32 $0xFFFFFFFF  }
0xc3: {  	_ =	strace $0x9000004E  }
0xc4: {  	_ =	sfence  }
0xc5: {  	s30 =	sld [smem:$0x0];
	_ =	sdelay $0x2  }
0xc6: {  	s31 =	sshll.u32 s1, $0xD;
	s1 =	sshrl.u32 s1, $0x2  }
0xc7: {  	s4 =	sand.u32 $0x4000, s31;
	s1 =	sadd.s32 s1, s30  }
0xc8: {  	s0 =	sor.u32 s4, s0;
	s1 =	sshll.u32 s1, $0x11  }
0xc9: {  	s0 =	sor.u32 s1, s0  }
0xca: {  	s0 =	sadd.s32 $0x8F2B, s0  }
0xcb: {  	[sflag:s0] =	ssyncadd.remote.s32 $0x1  }
0xcc: {  	_ =	sfence.sel $0xFFFF  }
0xcd: {  	[dreg:$0x0] =	wrdreg $0xFFFFFFFF;
	(pc) =	sbr.abs _section_cstart, $3  }
0xce: {  	[dreg:$0x1] =	wrdreg $0xFFFFFFFF  }
0xcf: {  	_ =	task.clear_ibuf [dreg:s22], $0x2FFFF;
	_ =	strace $0x9FFFFFFF  }
0xd0: {  	(tm) =	ssettm $0x7FFFFFFF  }
0xd1: {  	_ =	shalt  }
tec
execute0_lowered:
.L_overlay_start_1:
0x0: {  	(tag) =	ssettag $0x1  }
0x1: {  	s4 =	rddreg [dreg:$0x0]  }
0x2: {  	s0 =	rddreg [dreg:$0x1]  }
0x3: {  	s3 =	srdreg.scid;
	s1 =	stileid.u32  }
0x4: {  	s2 =	simm.s32 $0x0;
	s9 =	simm.s32 $0x15280;
	s10 =	simm.s32 $0x15200  }
0x5: {  	s11 =	simm.s32 $0x0;
	s3 =	sand.u32 $0x1, s3;
	s5 =	sshll.u32 s1, $0x1  }
.Ltmp0:
0x6: {  	[smem:$0x7FF] =	sst s2;
	s6 =	sor.u32 s3, s5;
	(pc) =	sbr.rel .LBB2_1-.Ltmp0, $4  }
0x7: {  	v0 =	vlaneseq.u32;
	_ =	strace $0x8000004D;
	s7 =	ssub.s32 $0x2, s3;
	s3 =	sadd.s32 $0x18A200, s4  }
0x8: {  	v1 =	vimm.s32 $0x0;
	v3 =	vimm.s32 $0x1;
	v4 =	vmul.u32 $0xFFFFFFFF, v0;
	s5 =	sshll.u32 s6, $0xE;
	s8 =	sshrl.u32 s7, $0x1;
	s6 =	sshll.u32 s6, $0x8  }
0x9: {  	vm0 =	vmxor vm0, vm0;
	v5 =	vimm.s32 $0xFFFFFFFF;
	v6 =	vimm.f32 $-Inf;
	s5 =	sadd.s32 s5, s4;
	s4 =	sadd.s32 $0x18C200, s4;
	s7 =	ssub.s32 s7, s8  }
0xa: {  	v7 =	vimm.s32 $0x2000;
	v2 =	vmul.u32 $0x100, v0;
	v4 =	vadd.s32 $0xF, v4;
	s8 =	simm.s32 $0x1;
	s5 =	sadd.s32 $0x10A200, s5;
	s7 =	smax.u32 s7, $0x1  }
.LBB2_24:
0xb: {  	s11 =	sadd.s32 $0x1, s11  }
0xc: {  	p0 =	sne.s32 s11, s7  }
.Ltmp1:
0xd: {  	_ = 	snop;
	(pc) =	sbr.rel @!p0 .LBB2_25-.Ltmp1, $1  }
0xe: {  	_ =	sdelay $0x3  }
.LBB2_1:
.Ltmp2:
0xf: {  	(pc) =	sbr.rel .LBB2_2-.Ltmp2, $2  }
0x10: {  	_ =	sdelay $0x2  }
0x11: {  	s12 =	simm.s32 $0x0  }
.LBB2_23:
0x12: {  	s13 =	sshll.u32 s12, $0x4  }
0x13: {  	s13 =	sadd.s32 s6, s13  }
0x14: {  	s14 =	sadd.s32 s3, s13  }
0x15: {  	[hbm4b:s14+s2] =	stream.linear.scatter [tilespmem:s9], [sflag:$0x1], $0x80, $0x38;
	[tilespmem:$0x15300] =	vst v63  }
0x16: {  	s12 =	sadd.s32 $0x1, s12;
	_ =	swait.ge [sflag:s8], $0x80  }
0x17: {  	p0 =	sne.s32 s12, $0x10;
	[sflag:s8] =	ssyncset.done $0x0  }
.Ltmp3:
0x18: {  	s13 =	sadd.s32 s4, s13;
	[sflag:s8] =	ssyncadd.s32 $0xFFFFFF80;
	(pc) =	sbr.rel @!p0 .LBB2_24-.Ltmp3, $4  }
0x19: {  	[hbm4b:s13+s2] =	stream.linear.scatter [tilespmem:s10], [sflag:$0x1], $0x80, $0x38;
	[tilespmem:$0x15300] =	vst v63  }
0x1a: {  	_ =	swait.ge [sflag:s8], $0x80  }
0x1b: {  	[sflag:s8] =	ssyncset.done $0x0  }
0x1c: {  	[sflag:s8] =	ssyncadd.s32 $0xFFFFFF80  }
.LBB2_2:
0x1d: {  	s13 =	sand.u32 $0x7, s12  }
0x1e: {  	p0 =	seq.s32 s13, $0x0  }
0x1f: {  	s13 =	sshll.u32 @p0 s12, $0xA  }
0x20: {  	s14 =	simm.s32 @p0 $0x0;
	s13 =	sadd.s32 @p0 s13, s5  }
0x21: {  	[tilespmem:s14], [sflag:$0x1] =	stream.linear.gather @p0 [hbm4b:s13+s14], $0x10000, $0x38;
	[tilespmem:$0x15300] =	vst v63  }
0x22: {  	s13 =	simm.s32 @p0 $0x1  }
0x23: {  	_ =	swait.ge @p0 [sflag:s13], $0x10000  }
0x24: {  	[sflag:s13] =	ssyncset.done @p0 $0x0  }
0x25: {  	s14 =	simm.s32 $0x100;
	[sflag:s13] =	ssyncadd.s32 @p0 $0xFFFF0000;
	s13 =	simm.s32 $0x0  }
.LBB2_3:
0x26: {  	p0 =	seq.s32 s14, $0x3F00;
	[tilespmem:s13+$0x14130] =	vst v1;
	s15 =	smov.u32 s14;
	s14 =	sadd.s32 $0x100, s14  }
.Ltmp4:
0x27: {  	[tilespmem:s13+$0x14120] =	vst v1;
	(pc) =	sbr.rel @!p0 .LBB2_3-.Ltmp4, $3  }
0x28: {  	[tilespmem:s13+$0x14100] =	vst v1  }
0x29: {  	[tilespmem:s13+$0x14110] =	vst v1;
	_ =	sdelay $0x1  }
0x2a: {  	s13 =	sshra.s32 s15, $0x2  }
0x2b: {  	s31 =	sshll.u32 s12, $0x7  }
0x2c: {  	[tilespmem:s13+$0x14130] =	vst v1;
	s14 =	sand.u32 $0x380, s31  }
0x2d: {  	[tilespmem:s13+$0x14120] =	vst v1;
	v8 =	vmov s14  }
0x2e: {  	[tilespmem:s13+$0x14100] =	vst v1  }
0x2f: {  	[tilespmem:s13+$0x14110] =	vst v1;
	s13 =	simm.s32 $0x0;
	s15 =	simm.s32 $0x0;
	s14 =	simm.s32 $0x0  }
.LBB2_5:
0x30: {  	s16 =	sand.u32 $0x40, s15;
	s17 =	sand.u32 $0xFC00, s14  }
0x31: {  	s17 =	sor.u32 s16, s17  }
0x32: {  	v9 =	vld.idx.msk [tilespmem:v8+s17+$0x0 ss:$0x1], $0xffff;
	_ =	sdelay $0x4  }
0x33: {  	vm1 =	vlt.f32 v9, $0.0e+00;
	v10 =	vxor.u32 $0xFFFFFFFF, v9;
	v9 =	vxor.u32 $0x80000000, v9  }
0x34: {  	v9 =	vsel vm1, v10, v9  }
0x35: {  	v9 =	vshrl.u32 v9, $0x18  }
0x36: {  	v10 =	vand.u32 $0x80, v9  }
0x37: {  	v9 =	vand.u32 $0x7F, v9;
	v10 =	vor.u32 v2, v10  }
0x38: {  	v9 =	vor.u32 v9, v10;
	_ =	sdelay $0x3  }
0x39: {  	s16 =	simm.s32 $0x14100  }
0x3a: {  	[tilespmem:v9+s16+$0x0] =	vst.idx.add.s32.msk $0xffff, v3  }
0x3b: {  	v9 =	vld.idx.msk [tilespmem:v8+s17+$0x10 ss:$0x1], $0xffff;
	_ =	sdelay $0x4  }
0x3c: {  	vm1 =	vlt.f32 v9, $0.0e+00;
	v10 =	vxor.u32 $0xFFFFFFFF, v9;
	v9 =	vxor.u32 $0x80000000, v9  }
0x3d: {  	v9 =	vsel vm1, v10, v9  }
0x3e: {  	v9 =	vshrl.u32 v9, $0x18  }
0x3f: {  	v10 =	vand.u32 $0x80, v9  }
0x40: {  	v9 =	vand.u32 $0x7F, v9;
	v10 =	vor.u32 v2, v10  }
0x41: {  	v9 =	vor.u32 v9, v10;
	_ =	sdelay $0x4  }
0x42: {  	[tilespmem:v9+s16+$0x0] =	vst.idx.add.s32.msk $0xffff, v3  }
0x43: {  	v9 =	vld.idx.msk [tilespmem:v8+s17+$0x20 ss:$0x1], $0xffff;
	_ =	sdelay $0x4  }
0x44: {  	vm1 =	vlt.f32 v9, $0.0e+00;
	v10 =	vxor.u32 $0xFFFFFFFF, v9;
	v9 =	vxor.u32 $0x80000000, v9  }
0x45: {  	v9 =	vsel vm1, v10, v9  }
0x46: {  	v9 =	vshrl.u32 v9, $0x18  }
0x47: {  	v10 =	vand.u32 $0x80, v9  }
0x48: {  	v9 =	vand.u32 $0x7F, v9;
	v10 =	vor.u32 v2, v10  }
0x49: {  	v9 =	vor.u32 v9, v10;
	_ =	sdelay $0x4  }
0x4a: {  	[tilespmem:v9+s16+$0x0] =	vst.idx.add.s32.msk $0xffff, v3  }
0x4b: {  	v9 =	vld.idx.msk [tilespmem:v8+s17+$0x30 ss:$0x1], $0xffff;
	_ =	sdelay $0x4  }
0x4c: {  	vm1 =	vlt.f32 v9, $0.0e+00;
	v10 =	vxor.u32 $0xFFFFFFFF, v9;
	v9 =	vxor.u32 $0x80000000, v9  }
0x4d: {  	v9 =	vsel vm1, v10, v9  }
0x4e: {  	v9 =	vshrl.u32 v9, $0x18  }
0x4f: {  	v10 =	vand.u32 $0x80, v9  }
0x50: {  	v9 =	vand.u32 $0x7F, v9;
	v10 =	vor.u32 v2, v10  }
0x51: {  	p0 =	sne.s32 s15, $0x1FC0;
	v9 =	vor.u32 v9, v10  }
.Ltmp5:
0x52: {  	_ = 	snop;
	(pc) =	sbr.rel @p0 .LBB2_5-.Ltmp5, $2  }
0x53: {  	_ =	sdelay $0x2  }
0x54: {  	s14 =	sadd.s32 $0x200, s14;
	s15 =	sadd.s32 $0x40, s15;
	[tilespmem:v9+s16+$0x0] =	vst.idx.add.s32.msk $0xffff, v3  }
0x55: {  	s13 =	sand.u32 $0xF0, s13;
	v10 =	vld [tilespmem:s16+$0x0]  }
0x56: {  	v9 =	vld [tilespmem:s13+$0x14200]  }
0x57: {  	v11 =	vld [tilespmem:s13+$0x14300]  }
0x58: {  	v12 =	vld [tilespmem:s13+$0x14400]  }
0x59: {  	v13 =	vld [tilespmem:s13+$0x14500]  }
0x5a: {  	v14 =	vld [tilespmem:s13+$0x14600]  }
0x5b: {  	v9 =	vadd.s32 v10, v9;
	v10 =	vld [tilespmem:s13+$0x14700]  }
0x5c: {  	v9 =	vadd.s32 v11, v9;
	v11 =	vld [tilespmem:s13+$0x14800]  }
0x5d: {  	v58 =	vld [tilespmem:s13+$0x14900];
	v9 =	vadd.s32 v12, v9  }
0x5e: {  	v59 =	vld [tilespmem:s13+$0x14A00];
	v9 =	vadd.s32 v13, v9  }
0x5f: {  	v60 =	vld [tilespmem:s13+$0x14B00];
	v9 =	vadd.s32 v14, v9  }
0x60: {  	v9 =	vadd.s32 v10, v9;
	v10 =	vld [tilespmem:s13+$0x14C00]  }
0x61: {  	v9 =	vadd.s32 v11, v9;
	v11 =	vld [tilespmem:s13+$0x14D00]  }
0x62: {  	v61 =	vld [tilespmem:s13+$0x14E00];
	v9 =	vadd.s32 v58, v9  }
0x63: {  	v62 =	vld [tilespmem:s13+$0x14F00];
	v9 =	vadd.s32 v59, v9  }
0x64: {  	v63 =	vld [tilespmem:s13+$0x15000];
	v9 =	vadd.s32 v60, v9  }
0x65: {  	v9 =	vadd.s32 v10, v9  }
0x66: {  	v9 =	vadd.s32 v11, v9  }
0x67: {  	v9 =	vadd.s32 v61, v9  }
0x68: {  	v9 =	vadd.s32 v62, v9  }
0x69: {  	s14 =	simm.s32 $0x10;
	s13 =	simm.s32 $0x15100;
	v9 =	vadd.s32 v63, v9  }
0x6a: {  	s14 =	sand.u32 $0xF0, s14;
	[tilespmem:s13+$0x0] =	vst v9  }
0x6b: {  	s16 =	simm.s32 $0x20;
	s15 =	simm.s32 $0x14110;
	v9 =	vld [tilespmem:s14+$0x14200]  }
.LBB2_7:
0x6c: {  	p0 =	sne.s32 s16, $0xF0;
	v10 =	vld [tilespmem:s15+$0x0]  }
0x6d: {  	v11 =	vld [tilespmem:s14+$0x14300]  }
0x6e: {  	v12 =	vld [tilespmem:s14+$0x14400]  }
0x6f: {  	v13 =	vld [tilespmem:s14+$0x14500]  }
0x70: {  	v14 =	vld [tilespmem:s14+$0x14600]  }
0x71: {  	v9 =	vadd.s32 v10, v9;
	v10 =	vld [tilespmem:s14+$0x14700]  }
0x72: {  	v9 =	vadd.s32 v11, v9;
	v11 =	vld [tilespmem:s14+$0x14800]  }
0x73: {  	v9 =	vadd.s32 v12, v9;
	v12 =	vld [tilespmem:s14+$0x14900]  }
0x74: {  	v9 =	vadd.s32 v13, v9;
	v13 =	vld [tilespmem:s14+$0x14A00]  }
0x75: {  	v9 =	vadd.s32 v14, v9;
	v14 =	vld [tilespmem:s14+$0x14B00]  }
0x76: {  	v9 =	vadd.s32 v10, v9;
	v10 =	vld [tilespmem:s14+$0x14C00]  }
0x77: {  	v9 =	vadd.s32 v11, v9;
	v11 =	vld [tilespmem:s14+$0x14D00]  }
0x78: {  	v9 =	vadd.s32 v12, v9;
	v12 =	vld [tilespmem:s14+$0x14E00]  }
0x79: {  	v9 =	vadd.s32 v13, v9;
	v13 =	vld [tilespmem:s14+$0x14F00]  }
0x7a: {  	v9 =	vadd.s32 v14, v9;
	v14 =	vld [tilespmem:s14+$0x15000]  }
0x7b: {  	v9 =	vadd.s32 v10, v9  }
0x7c: {  	v9 =	vadd.s32 v11, v9  }
.Ltmp6:
0x7d: {  	v9 =	vadd.s32 v12, v9;
	(pc) =	sbr.rel @p0 .LBB2_7-.Ltmp6, $4  }
0x7e: {  	v9 =	vadd.s32 v13, v9  }
0x7f: {  	s13 =	sadd.s32 $0x10, s13;
	v9 =	vadd.s32 v14, v9  }
0x80: {  	s14 =	sand.u32 $0xF0, s16;
	[tilespmem:s13+$0x0] =	vst v9  }
0x81: {  	s15 =	sadd.s32 $0x10, s15;
	s16 =	sadd.s32 $0x10, s16;
	v9 =	vld [tilespmem:s14+$0x14200]  }
0x82: {  	v10 =	vld [tilespmem:s15+$0x0]  }
0x83: {  	v11 =	vld [tilespmem:s14+$0x14300]  }
0x84: {  	v12 =	vld [tilespmem:s14+$0x14400]  }
0x85: {  	v13 =	vld [tilespmem:s14+$0x14500]  }
0x86: {  	v14 =	vld [tilespmem:s14+$0x14600]  }
0x87: {  	v9 =	vadd.s32 v10, v9;
	v10 =	vld [tilespmem:s14+$0x14700]  }
0x88: {  	v9 =	vadd.s32 v11, v9;
	v11 =	vld [tilespmem:s14+$0x14800]  }
0x89: {  	v9 =	vadd.s32 v12, v9;
	v12 =	vld [tilespmem:s14+$0x14900]  }
0x8a: {  	v9 =	vadd.s32 v13, v9;
	v13 =	vld [tilespmem:s14+$0x14A00]  }
0x8b: {  	v9 =	vadd.s32 v14, v9;
	v14 =	vld [tilespmem:s14+$0x14B00]  }
0x8c: {  	v9 =	vadd.s32 v10, v9;
	v10 =	vld [tilespmem:s14+$0x14C00]  }
0x8d: {  	v9 =	vadd.s32 v11, v9;
	v11 =	vld [tilespmem:s14+$0x14D00]  }
0x8e: {  	v9 =	vadd.s32 v12, v9;
	v12 =	vld [tilespmem:s14+$0x14E00]  }
0x8f: {  	v9 =	vadd.s32 v13, v9;
	v13 =	vld [tilespmem:s14+$0x14F00]  }
0x90: {  	v9 =	vadd.s32 v14, v9;
	v14 =	vld [tilespmem:s14+$0x15000]  }
0x91: {  	v9 =	vadd.s32 v10, v9  }
0x92: {  	v9 =	vadd.s32 v11, v9  }
0x93: {  	v9 =	vadd.s32 v12, v9  }
0x94: {  	v9 =	vadd.s32 v13, v9  }
0x95: {  	s13 =	sadd.s32 $0x10, s13;
	v9 =	vadd.s32 v14, v9  }
0x96: {  	s22 =	simm.s32 $0x151F0;
	[tilespmem:s13+$0x0] =	vst v9  }
0x97: {  	v9 =	vld [tilespmem:s22+$0x0];
	_ =	sdelay $0x4  }
0x98: {  	(xrf0) =	vadd.scan.msk.s32 $0xffff, v9;
	_ =	sdelay $0x2  }
0x99: {  	s23 =	simm.s32 $0x151E0  }
0x9a: {  	v10 =	vld [tilespmem:s23+$0x0];
	_ =	sdelay $0x1  }
0x9b: {  	s24 =	simm.s32 $0x151D0;
	v9 =	vperm.xlane v9, v4;
	v11, _, _ =	vpop (xrf0)  }
0x9c: {  	(v2sf) =	vpush v11, $0xF;
	v11 =	vld [tilespmem:s24+$0x0]  }
0x9d: {  	(xrf0) =	vadd.scan.msk.s32 $0xffff, v9  }
0x9e: {  	v9 =	vperm.xlane v10, v4  }
0x9f: {  	(xrf0) =	vadd.scan.msk.s32 $0xffff, v10  }
0xa0: {  	(xrf0) =	vadd.scan.msk.s32 $0xffff, v9  }
0xa1: {  	(xrf0) =	vadd.scan.msk.s32 $0xffff, v11;
	_ =	sdelay $0x1  }
0xa2: {  	s28 =	simm.s32 $0x0;
	v9 =	vperm.xlane v11, v4;
	v11, _, _ =	vpop (xrf0)  }
0xa3: {  	v11 =	vadd.s32 s28, v11  }
0xa4: {  	s25 =	simm.s32 $0x151C0;
	v13, _, _ =	vpop (xrf0)  }
0xa5: {  	v10 =	vld [tilespmem:s25+$0x0];
	v15, _, _ =	vpop (xrf0);
	(v2sf) =	vpush v13, $0xF  }
0xa6: {  	vm1 =	vgt.s32 v11, $0xF;
	v11, _, _ =	vpop (xrf0)  }
0xa7: {  	(v2sf) =	vpush v11, $0xF  }
0xa8: {  	s26 =	simm.s32 $0xF0;
	s29 =	simm.s32 $0x151B0  }
0xa9: {  	v12 =	vmov s26;
	v14 =	vld [tilespmem:s29+$0x0];
	(xrf0) =	vadd.scan.msk.s32 $0xffff, v9  }
0xaa: {  	v12 =	vadd.s32 $0xF, v12;
	(xrf0) =	vadd.scan.msk.s32 $0xffff, v10;
	v10 =	vperm.xlane v10, v4  }
0xab: {  	v12 =	vbroadcast v12, $0x0;
	v16 =	vmctz.xlane vm1  }
0xac: {  	v13 =	vmpcnt.ones.xlane vm1;
	(xrf0) =	vadd.scan.msk.s32 $0xffff, v10  }
0xad: {  	s30 =	simm.s32 $0xE0;
	v9 =	vimm.s32 $0x0;
	vm1 =	vmneg vm0;
	v12 =	vsub.s32 v12, v16  }
0xae: {  	vm2 =	vgt.s32 v13, $0x0;
	v13 =	vperm.xlane v14, v4;
	v11 =	vmov s30;
	s31 =	spop (v2sf)  }
0xaf: {  	s15 =	simm.s32 $0xD0;
	s17 =	simm.s32 $0xA0;
	vm3 =	vmand vm2, vm1;
	vm1 =	vmor vm0, vm2;
	v11 =	vadd.s32 $0xF, v11;
	v10, _, _ =	vpop (xrf0);
	s16 =	sadd.s32 $0x0, s31  }
0xb0: {  	s18 =	simm.s32 $0x151A0;
	s14 =	simm.s32 $0xC0;
	s13 =	simm.s32 $0xB0;
	(xrf0) =	vadd.scan.msk.s32 $0xffff, v14;
	vm2 =	vmneg vm1;
	v11 =	vbroadcast v11, $0x0;
	v14, _, _ =	vpop (xrf0);
	v15 =	vadd.s32 s16, v15  }
.LBB2_9:
0xb1: {  	v16 =	vld [tilespmem:s18+$0x0];
	p0 =	sne.s32 s17, $0x0;
	(v2sf) =	vpush v14, $0xF;
	vm4 =	vgt.s32 v15, $0xF;
	v9 =	vsel vm3, v12, v9;
	v15 =	vmovc v10;
	s19 =	smov.u32 s17;
	s17 =	sadd.s32 $0xFFFFFFF0, s17  }
.Ltmp7:
0xb2: {  	(xrf0) =	vadd.scan.msk.s32 $0xffff, v13;
	v10, _, _ =	vpop (xrf0);
	v13 =	vmpcnt.ones.xlane vm4;
	v12 =	vmctz.xlane vm4;
	(pc) =	sbr.rel @p0 .LBB2_9-.Ltmp7, $4  }
0xb3: {  	v14 =	vmov s15;
	s15 =	smov.u32 s14;
	s14 =	smov.u32 s13;
	s13 =	smov.u32 s19  }
0xb4: {  	v17 =	vadd.s32 $0xF, v14;
	v12 =	vsub.s32 v11, v12;
	vm4 =	vgt.s32 v13, $0x0;
	s19 =	spop (v2sf)  }
0xb5: {  	v11 =	vbroadcast v17, $0x0;
	vm3 =	vmand vm4, vm2;
	vm1 =	vmor vm1, vm4;
	s16 =	sadd.s32 s16, s19  }
0xb6: {  	s18 =	sadd.s32 $0xFFFFFFF0, s18;
	v13 =	vperm.xlane v16, v4;
	(xrf0) =	vadd.scan.msk.s32 $0xffff, v16;
	v14, _, _ =	vpop (xrf0);
	v15 =	vadd.s32 s16, v15;
	vm2 =	vmneg vm1  }
0xb7: {  	(v2sf) =	vpush v14, $0xF;
	_ =	sdelay $0x5  }
0xb8: {  	vm4 =	vgt.s32 v15, $0xF  }
0xb9: {  	s30 =	spop (v2sf);
	v15 =	vmpcnt.ones.xlane vm4  }
0xba: {  	v16 =	vmov s15;
	v9 =	vsel vm3, v12, v9;
	s15 =	sadd.s32 s16, s30  }
0xbb: {  	v53 =	vmctz.xlane vm4;
	v10 =	vadd.s32 s15, v10;
	vm3 =	vgt.s32 v15, $0x0  }
0xbc: {  	(xrf0) =	vadd.scan.msk.s32 $0xffff, v13;
	vm2 =	vmand vm3, vm2;
	vm1 =	vmor vm1, vm3;
	vm3 =	vgt.s32 v10, $0xF  }
0xbd: {  	v56 =	vmov s14;
	v54 =	vadd.s32 $0xF, v16;
	v10 =	vmpcnt.ones.xlane vm3;
	s31 =	spop (v2sf)  }
0xbe: {  	v61 =	vmov s13;
	v57, _, _ =	vpop (xrf0);
	v12 =	vbroadcast v54, $0x0;
	v11 =	vsub.s32 v11, v53;
	s14 =	sadd.s32 s15, s31  }
0xbf: {  	v9 =	vsel vm2, v11, v9;
	vm2 =	vgt.s32 v10, $0x0;
	v10 =	vadd.s32 s14, v57  }
0xc0: {  	v15 =	vadd.s32 $0xF, v61;
	v55 =	vmctz.xlane vm3;
	v11 =	vadd.s32 $0xF, v56  }
0xc1: {  	v62 =	vbroadcast v15, $0x0;
	vm3 =	vmneg vm1;
	v58, _, _ =	vpop (xrf0);
	v11 =	vbroadcast v11, $0x0;
	s16 =	spop (v2sf)  }
0xc2: {  	v12 =	vsub.s32 v12, v55;
	vm3 =	vmand vm2, vm3;
	vm14 =	vgt.s32 v10, $0xF;
	v10, _, _ =	vpop (xrf0);
	s14 =	sadd.s32 s14, s16  }
0xc3: {  	v59 =	vmpcnt.ones.xlane vm14;
	v60 =	vmctz.xlane vm14;
	v10 =	vadd.s32 s14, v10  }
0xc4: {  	vm1 =	vmor vm1, vm2;
	v9 =	vsel vm3, v12, v9;
	vm3 =	vgt.s32 v10, $0xF  }
0xc5: {  	s17 =	simm.s32 $0x0;
	vm15 =	vgt.s32 v59, $0x0;
	v10 =	vsub.s32 v11, v60;
	v11 =	vmpcnt.ones.xlane vm3  }
0xc6: {  	s18 =	sand.u32 $0x40, s17;
	s19 =	sand.u32 $0xFC00, s17;
	vm2 =	vmneg vm1;
	vm1 =	vmor vm1, vm15;
	v63 =	vmctz.xlane vm3  }
0xc7: {  	vm2 =	vmand vm15, vm2;
	vm1 =	vmneg vm1;
	s14 =	sor.u32 s18, s19;
	vm3 =	vgt.s32 v11, $0x0  }
0xc8: {  	v9 =	vsel vm2, v10, v9;
	v10 =	vsub.s32 v62, v63;
	v11 =	vld.idx.msk [tilespmem:v8+s14+$0x0 ss:$0x1], $0xffff;
	vm1 =	vmand vm3, vm1  }
0xc9: {  	v9 =	vsel vm1, v10, v9  }
0xca: {  	vm1 =	vgt.s32 v9, $0x7F  }
0xcb: {  	v9 =	vshll.u32 v9, $0x18;
	v10 =	vsel vm1, $0x80000000, v5  }
0xcc: {  	v9 =	vxor.u32 v9, v10  }
0xcd: {  	s20 =	simm.s32 $0x10;
	vm1 =	vge.f32 v11, v9  }
0xce: {  	s21 =	sand.u32 $0x50, s20;
	v10 =	vor.u32 s17, v0;
	[tilespmem:s17+$0x10000] =	vst.msk vm1, v11;
	v11 =	vmpcnt.ones.xlane vm1  }
0xcf: {  	s22 =	sor.u32 s21, s19;
	(v2sf) =	vpush v58, $0xF;
	[tilespmem:s17+$0x12080] =	vst.msk vm1, v10  }
0xd0: {  	v10 =	vld.idx.msk [tilespmem:v8+s22+$0x0 ss:$0x1], $0xffff;
	(v2sf) =	vpush v11, $0x0;
	_ =	sdelay $0x4  }
0xd1: {  	vm1 =	vge.f32 v10, v9  }
0xd2: {  	v11 =	vmpcnt.ones.xlane vm1;
	_ =	sdelay $0x1  }
0xd3: {  	(v2sf) =	vpush v11, $0x0;
	_ =	sdelay $0x5  }
0xd4: {  	s23 =	spop (v2sf)  }
0xd5: {  	s13 =	spop (v2sf)  }
0xd6: {  	s24 =	simm.s32 $0x20;
	s13 =	sadd.s32 $0x0, s13  }
0xd7: {  	s25 =	sand.u32 $0x60, s24;
	[tilespmem:s13+$0x10000] =	vst.msk vm1, v10;
	v10 =	vor.u32 s20, v0  }
0xd8: {  	s14 =	sor.u32 s25, s19;
	[tilespmem:s13+$0x12080] =	vst.msk vm1, v10  }
0xd9: {  	v10 =	vld.idx.msk [tilespmem:v8+s14+$0x0 ss:$0x1], $0xffff;
	_ =	sdelay $0x3  }
0xda: {  	s26 =	spop (v2sf)  }
0xdb: {  	s17 =	simm.s32 $0x30;
	s13 =	sadd.s32 s13, s26;
	vm1 =	vge.f32 v10, v9  }
0xdc: {  	s28 =	sand.u32 $0x70, s17;
	[tilespmem:s13+$0x10000] =	vst.msk vm1, v10;
	v10 =	vor.u32 s24, v0  }
0xdd: {  	s14 =	sor.u32 s28, s19;
	v11 =	vmpcnt.ones.xlane vm1;
	[tilespmem:s13+$0x12080] =	vst.msk vm1, v10  }
0xde: {  	v10 =	vld.idx.msk [tilespmem:v8+s14+$0x0 ss:$0x1], $0xffff  }
0xdf: {  	(v2sf) =	vpush v11, $0x0;
	_ =	sdelay $0x3  }
0xe0: {  	vm1 =	vge.f32 v10, v9  }
0xe1: {  	v11 =	vmpcnt.ones.xlane vm1;
	_ =	sdelay $0x1  }
0xe2: {  	(v2sf) =	vpush v11, $0x0;
	_ =	sdelay $0x7  }
0xe3: {  	s29 =	spop (v2sf)  }
0xe4: {  	s15 =	simm.s32 $0x200;
	s14 =	simm.s32 $0x40;
	s19 =	sadd.s32 s13, s29  }
0xe5: {  	s18 =	sand.u32 $0xFC00, s15;
	s30 =	sand.u32 $0x40, s14;
	[tilespmem:s19+$0x10000] =	vst.msk vm1, v10;
	v10 =	vor.u32 s17, v0  }
0xe6: {  	s21 =	sor.u32 s30, s18;
	[tilespmem:s19+$0x12080] =	vst.msk vm1, v10  }
0xe7: {  	v10 =	vld.idx.msk [tilespmem:v8+s21+$0x0 ss:$0x1], $0xffff  }
0xe8: {  	s13 =	simm.s32 $0x70  }
0xe9: {  	s31 =	sand.u32 $0x70, s13  }
0xea: {  	s20 =	simm.s32 $0x80;
	s16 =	sor.u32 s31, s18;
	s21 =	spop (v2sf)  }
.LBB2_11:
0xeb: {  	s22 =	sadd.s32 $0x10, s14  }
0xec: {  	vm1 =	vge.f32 v10, v9;
	s19 =	sadd.s32 s19, s21;
	s21 =	smov.u32 s20;
	s17 =	sadd.s32 $0x40, s20  }
0xed: {  	p0 =	sne.s32 s20, $0x1FC0;
	[tilespmem:s19+$0x10000] =	vst.msk vm1, v10;
	v10 =	vor.u32 s14, v0;
	v11 =	vmpcnt.ones.xlane vm1;
	s20 =	sand.u32 $0x50, s22  }
0xee: {  	[tilespmem:s19+$0x12080] =	vst.msk vm1, v10;
	s20 =	sor.u32 s20, s18  }
0xef: {  	v10 =	vld.idx.msk [tilespmem:v8+s20+$0x0 ss:$0x1], $0xffff;
	(v2sf) =	vpush v11, $0x0;
	_ =	sdelay $0x5  }
0xf0: {  	vm1 =	vge.f32 v10, v9  }
0xf1: {  	v11 =	vmpcnt.ones.xlane vm1;
	_ =	sdelay $0x1  }
0xf2: {  	(v2sf) =	vpush v11, $0x0;
	_ =	sdelay $0x5  }
0xf3: {  	s20 =	spop (v2sf)  }
0xf4: {  	s19 =	sadd.s32 s19, s20;
	s20 =	sadd.s32 $0x20, s14;
	s14 =	smov.u32 s21  }
0xf5: {  	[tilespmem:s19+$0x10000] =	vst.msk vm1, v10;
	v10 =	vor.u32 s22, v0;
	s21 =	sand.u32 $0x60, s20  }
0xf6: {  	[tilespmem:s19+$0x12080] =	vst.msk vm1, v10;
	s18 =	sor.u32 s21, s18  }
0xf7: {  	v10 =	vld.idx.msk [tilespmem:v8+s18+$0x0 ss:$0x1], $0xffff;
	_ =	sdelay $0x4  }
0xf8: {  	s18 =	spop (v2sf)  }
0xf9: {  	vm1 =	vge.f32 v10, v9;
	s18 =	sadd.s32 s19, s18  }
0xfa: {  	v11 =	vmpcnt.ones.xlane vm1;
	[tilespmem:s18+$0x10000] =	vst.msk vm1, v10;
	v10 =	vor.u32 s20, v0  }
0xfb: {  	[tilespmem:s18+$0x12080] =	vst.msk vm1, v10  }
0xfc: {  	v10 =	vld.idx.msk [tilespmem:v8+s16+$0x0 ss:$0x1], $0xffff;
	(v2sf) =	vpush v11, $0x0;
	_ =	sdelay $0x5  }
0xfd: {  	vm1 =	vge.f32 v10, v9  }
0xfe: {  	v11 =	vmpcnt.ones.xlane vm1;
	_ =	sdelay $0x1  }
0xff: {  	(v2sf) =	vpush v11, $0x0;
	_ =	sdelay $0x5  }
0x100: {  	s16 =	spop (v2sf)  }
0x101: {  	s15 =	sadd.s32 $0x200, s15;
	s20 =	sadd.s32 $0x30, s14;
	s19 =	sadd.s32 s18, s16  }
0x102: {  	s21 =	sand.u32 $0x70, s20;
	s16 =	sand.u32 $0x40, s14;
	s18 =	sand.u32 $0xFC00, s15;
	[tilespmem:s19+$0x10000] =	vst.msk vm1, v10;
	v10 =	vor.u32 s13, v0  }
0x103: {  	s22 =	sor.u32 s16, s18;
	s16 =	sor.u32 s21, s18;
	s13 =	smov.u32 s20;
	[tilespmem:s19+$0x12080] =	vst.msk vm1, v10  }
0x104: {  	v10 =	vld.idx.msk [tilespmem:v8+s22+$0x0 ss:$0x1], $0xffff  }
.Ltmp8:
0x105: {  	(pc) =	sbr.rel @p0 .LBB2_11-.Ltmp8, $2  }
0x106: {  	_ =	sdelay $0x2  }
0x107: {  	s20 =	smov.u32 s17;
	s21 =	spop (v2sf)  }
0x108: {  	_ = 	snop  }
0x109: {  	vm1 =	vge.f32 v10, v9;
	s15 =	sadd.s32 $0x10, s14;
	s17 =	sadd.s32 s19, s21  }
0x10a: {  	v59 =	vor.u32 s14, v0;
	[tilespmem:s17+$0x10000] =	vst.msk vm1, v10;
	v11 =	vmpcnt.ones.xlane vm1;
	s31 =	sand.u32 $0x50, s15  }
0x10b: {  	[tilespmem:s17+$0x12080] =	vst.msk vm1, v59;
	s19 =	sor.u32 s31, s18  }
0x10c: {  	v10 =	vld.idx.msk [tilespmem:v8+s19+$0x0 ss:$0x1], $0xffff;
	(v2sf) =	vpush v11, $0x0;
	_ =	sdelay $0x4  }
0x10d: {  	vm1 =	vge.f32 v10, v9  }
0x10e: {  	v60 =	vmpcnt.ones.xlane vm1;
	_ =	sdelay $0x1  }
0x10f: {  	(v2sf) =	vpush v60, $0x0;
	_ =	sdelay $0x6  }
0x110: {  	s20 =	spop (v2sf)  }
0x111: {  	s21 =	sadd.s32 $0x20, s14;
	s17 =	sadd.s32 s17, s20  }
0x112: {  	v61 =	vor.u32 s15, v0;
	s22 =	sand.u32 $0x60, s21;
	[tilespmem:s17+$0x10000] =	vst.msk vm1, v10  }
0x113: {  	s15 =	sor.u32 s22, s18;
	[tilespmem:s17+$0x12080] =	vst.msk vm1, v61  }
0x114: {  	v10 =	vld.idx.msk [tilespmem:v8+s15+$0x0 ss:$0x1], $0xffff;
	_ =	sdelay $0x3  }
0x115: {  	s23 =	spop (v2sf)  }
0x116: {  	s15 =	sadd.s32 s17, s23;
	vm1 =	vge.f32 v10, v9  }
0x117: {  	v62 =	vor.u32 s21, v0;
	[tilespmem:s15+$0x10000] =	vst.msk vm1, v10  }
0x118: {  	[tilespmem:s15+$0x12080] =	vst.msk vm1, v62  }
0x119: {  	v8 =	vld.idx.msk [tilespmem:v8+s16+$0x0 ss:$0x1], $0xffff;
	_ =	sdelay $0x4  }
0x11a: {  	v63 =	vmpcnt.ones.xlane vm1;
	vm1 =	vge.f32 v8, v9  }
0x11b: {  	v9 =	vmpcnt.ones.xlane vm1  }
0x11c: {  	(v2sf) =	vpush v63, $0x0  }
0x11d: {  	(v2sf) =	vpush v9, $0x0;
	_ =	sdelay $0xd  }
0x11e: {  	s24 =	spop (v2sf)  }
0x11f: {  	s14 =	sadd.s32 s15, s24;
	s25 =	spop (v2sf)  }
0x120: {  	s15 =	sadd.s32 s14, s25  }
0x121: {  	s26 =	sadd.s32 $0xF, s15  }
0x122: {  	s28 =	sand.u32 $0xF, s26  }
0x123: {  	s29 =	sshra.s32 s26, $0x1F;
	p0 =	slt.s32 s26, $0x1;
	p1 =	sne.s32 s28, $0x0  }
.Ltmp9:
0x124: {  	s30 =	sshrl.u32 s29, $0x1C;
	p0 =	por !p0, !p1;
	(pc) =	sbr.rel .LBB2_13-.Ltmp9, $4  }
0x125: {  	s16 =	simm.s32 $0x1;
	[tilespmem:s14+$0x10000] =	vst.msk vm1, v8;
	v8 =	vor.u32 s13, v0;
	s31 =	sadd.s32 s30, s26;
	p0 =	por !p0, !p0  }
0x126: {  	[tilespmem:s14+$0x12080] =	vst.msk vm1, v8;
	s13 =	sshra.s32 s31, $0x4;
	s16 =	simm.s32 @!p0 $0x0  }
0x127: {  	s14 =	simm.s32 $0x0;
	[tilespmem:s15+$0x10000] =	vst v6;
	s13 =	ssub.s32 s13, s16  }
0x128: {  	[tilespmem:s15+$0x12080] =	vst v7;
	s15 =	simm.f32 $+Inf;
	s16 =	simm.s32 $0xFFFFFFFF;
	p0 =	slt.s32 s13, $0x1  }
.LBB2_14:
0x129: {  	v8 =	vimm.s32 $0x80002000;
	v9 =	vimm.f32 $-Inf  }
.LBB2_22:
0x12a: {  	(xrf0) =	vmax.scan.msk.f32 $0xffff, v9;
	_ =	sdelay $0x5  }
0x12b: {  	v10, _, _ =	vpop (xrf0)  }
0x12c: {  	v11 =	vbroadcast v10, $0xF;
	_ =	sdelay $0x1  }
0x12d: {  	vm1 =	veq.f32 v9, v11  }
0x12e: {  	v8 =	vnsel vm1, $0x80002000, v8  }
0x12f: {  	(xrf0) =	vmin.scan.msk.u32 $0xffff, v8;
	_ =	sdelay $0x5  }
0x130: {  	(v2sf) =	vpush v10, $0xF;
	v8, _, _ =	vpop (xrf0)  }
0x131: {  	(v2sf) =	vpush v8, $0xF;
	_ =	sdelay $0xa  }
0x132: {  	v8 =	vld [tilespmem:$0x15200]  }
0x133: {  	v62 =	vld [tilespmem:$0x15280];
	v63 =	vmov s14;
	s14 =	sadd.s32 $0x1, s14  }
0x134: {  	p1 =	sne.s32 s14, $0x10  }
.Ltmp10:
0x135: {  	s15 =	spop (v2sf);
	(pc) =	sbr.rel @!p1 .LBB2_23-.Ltmp10, $4  }
0x136: {  	vm1 =	veq.s32 v63, v0;
	s16 =	spop (v2sf)  }
0x137: {  	v8 =	vsel vm1, v11, v8;
	s16 =	sxor.u32 $0x80000000, s16  }
0x138: {  	[tilespmem:$0x15200] =	vst v8;
	v8 =	vsel vm1, s16, v62  }
0x139: {  	[tilespmem:$0x15280] =	vst v8  }
.LBB2_13:
.Ltmp11:
0x13a: {  	(pc) =	sbr.rel @p0 .LBB2_14-.Ltmp11, $1  }
0x13b: {  	_ =	sdelay $0x3  }
0x13c: {  	s17 =	simm.s32 $0x10000  }
0x13d: {  	p2 =	sne.s32 s13, $0x1;
	v18 =	vld [tilespmem:s17+$0x0]  }
.Ltmp12:
0x13e: {  	s31 =	simm.s32 $0x12080;
	(pc) =	sbr.rel @!p2 .LBB2_16-.Ltmp12, $3  }
0x13f: {  	v12 =	vld [tilespmem:s31+$0x0];
	_ =	sdelay $0x1  }
0x140: {  	v10 =	vmov s15;
	v11 =	vmov s16  }
0x141: {  	v9 =	vimm.f32 $-Inf;
	v8 =	vimm.s32 $0x2000;
	s16 =	sadd.s32 $0xFFFFFFFF, s13;
	s15 =	simm.s32 $0x10010;
	p1 =	por $0x0, $0x0;
	vm1 =	vlt.f32 v18, v10  }
0x142: {  	_ = 	snop  }
0x143: {  	v17 =	vld [tilespmem:s15+$0x0];
	vm2 =	veq.f32 v18, v10;
	s15 =	simm.s32 $0x12090;
	p2 =	sne.s32 s16, $0x1;
	vm3 =	vgt.s32 v12, v11  }
.Ltmp13:
0x144: {  	v13 =	vld [tilespmem:s15+$0x0];
	vm2 =	vmand vm2, vm3;
	(pc) =	sbr.rel @!p2 .LBB2_18-.Ltmp13, $4  }
0x145: {  	vm1 =	vmor vm1, vm2  }
0x146: {  	v15 =	vimm.f32 $-Inf;
	v14 =	vnsel vm1, $0xFF800000, v18  }
0x147: {  	v16 =	vimm.s32 $0x2000;
	vm4 =	vlt.s32 v12, v8;
	vm3 =	veq.f32 v14, v9  }
0x148: {  	s16 =	sadd.s32 $0xFFFFFFFF, s16;
	s17 =	simm.s32 $0x10020;
	p1 =	por $0x1, $0x1;
	vm1 =	vlt.f32 v17, v10;
	vm2 =	vgt.f32 v14, v9;
	vm3 =	vmand vm4, vm3  }
.LBB2_19:
0x149: {  	v18 =	vld [tilespmem:s17+$0x0];
	vm4 =	veq.f32 v17, v10;
	vm5 =	vgt.s32 v13, v11;
	s15 =	sadd.s32 $0x10, s15;
	vm2 =	vmor vm2, vm3;
	p2 =	sne.s32 s16, $0x1  }
.Ltmp14:
0x14a: {  	s16 =	sadd.s32 $0xFFFFFFFF, s16;
	vm3 =	vmand vm4, vm5;
	v15 =	vsel vm2, v14, v15;
	v16 =	vsel vm2, v12, v16;
	v12 =	vmovc v13;
	v13 =	vld [tilespmem:s15+$0x0];
	(pc) =	sbr.rel @p2 .LBB2_19-.Ltmp14, $4  }
0x14b: {  	vm1 =	vmor vm1, vm3  }
0x14c: {  	v14 =	vnsel vm1, $0xFF800000, v17  }
0x14d: {  	vm4 =	vlt.s32 v12, v16;
	vm3 =	veq.f32 v14, v15  }
0x14e: {  	s17 =	sadd.s32 $0x10, s17;
	vm2 =	vgt.f32 v14, v15;
	vm1 =	vlt.f32 v18, v10;
	vm3 =	vmand vm4, vm3;
	v17 =	vmovc v18  }
0x14f: {  	v18 =	vmov v17  }
.LBB2_21:
0x150: {  	vm4 =	veq.f32 v18, v10;
	vm5 =	vgt.s32 v13, v11  }
0x151: {  	vm2 =	vmor @p1 vm2, vm3;
	vm3 =	vmand vm4, vm5  }
0x152: {  	v10 =	vsel @p1 vm2, v14, v15;
	v11 =	vsel @p1 vm2, v12, v16;
	vm1 =	vmor vm1, vm3  }
0x153: {  	v9 =	vpsel p1, v10, v9;
	v8 =	vpsel p1, v11, v8;
	v63 =	vnsel vm1, $0xFF800000, v18  }
.Ltmp15:
0x154: {  	vm2 =	vlt.s32 v13, v8;
	vm1 =	veq.f32 v63, v9;
	(pc) =	sbr.rel .LBB2_22-.Ltmp15, $4  }
0x155: {  	vm3 =	vgt.f32 v63, v9;
	vm1 =	vmand vm2, vm1  }
0x156: {  	vm1 =	vmor vm3, vm1  }
0x157: {  	v8 =	vsel vm1, v13, v8  }
0x158: {  	v9 =	vsel vm1, v63, v9;
	v8 =	vxor.u32 $0x80000000, v8  }
.LBB2_16:
.Ltmp16:
0x159: {  	(pc) =	sbr.rel .LBB2_21-.Ltmp16, $2  }
0x15a: {  	_ =	sdelay $0x2  }
0x15b: {  	v15 =	vimm.f32 $-Inf;
	v16 =	vimm.s32 $0x2000;
	v13 =	vmov v12  }
.LBB2_18:
.Ltmp17:
0x15c: {  	(pc) =	sbr.rel .LBB2_21-.Ltmp17, $2  }
0x15d: {  	_ =	sdelay $0x2  }
0x15e: {  	v18 =	vmov v17;
	v15 =	vimm.f32 $-Inf;
	v16 =	vimm.s32 $0x2000  }
.LBB2_25:
0x15f: {  	_ =	sfence.sel $0x180000  }
0x160: {  	[bflag:$0x0] =	sbarrier.arrive $0xFFFF  }
0x161: {  	p0 =	sne.s32 s1, $0x0;
	_ =	strace $0x9000004D  }
0x162: {  	s0 =	sadd.s32 @!p0 $0x100000, s0;
	[bflag:$0x2] =	sbarrier.arrive $0xFFFF  }
0x163: {  	[sflag:s0] =	ssyncadd.tile.s32 @!p0 $0x1;
	_ =	shalt  }
.Lfunc_end2:
_tile_overlayer_lowered:
.L_overlay_start_2:
0x164: {  	(tag) =	ssettag $0x2  }
0x165: {  	s0 =	rddreg [dreg:$0x0];
	s2 =	stileid.u32  }
0x166: {  	s1 =	rddreg [dreg:$0x1];
	p0 =	sne.s32 s2, $0x0  }
0x167: {  	s3 =	rddreg [dreg:$0x2];
	[bflag:$0x3] =	sbarrier.arrive $0xFFFF;
	s2 =	simm.s32 @!p0 $0x1C01  }
0x168: {  	[timem:s3], [sflag:s2] =	dma.local @!p0 [hbm:s0], s1  }
0x169: {  	s0 =	simm.s32 @!p0 $0x1  }
0x16a: {  	_ =	swait.ge @!p0 [sflag:s0], s1  }
0x16b: {  	s1 =	ssub.s32 @!p0 $0x0, s1;
	[sflag:s0] =	ssyncset.done @!p0 $0x0  }
0x16c: {  	[sflag:s0] =	ssyncadd.s32 @!p0 s1  }
0x16d: {  	[bflag:$0x3] =	sbarrier.arrive $0xFFFF  }
0x16e: {  	_ =	shalt  }

// kernel: kernel.16.cloned.1.call-start
scs
__scs_entry_jumppad:
0x0: {  	(pc) =	sbr.rel $0x88, $3  }
0x1: {  	(tag) =	ssettag $0x0;
	lr =	simm.s32 $0x1  }
0x2: {  	[smem:$0x3F9D] =	sst lr;
	_ =	strace $0xD0000000  }
0x3: {  	_ = 	snop  }
0x4: {  	_ = 	snop  }
0x5: {  	_ = 	snop  }
0x6: {  	_ = 	snop  }
0x7: {  	_ = 	snop  }
__scs_overlays_trampoline_lowered:
0x8: {  	[smem:$0x3FAC] =	sst s0  }
0x9: {  	[smem:$0x3FAD] =	sst s1  }
0xa: {  	[smem:$0x3FAE] =	sst s2  }
0xb: {  	[smem:$0x3FAF] =	sst s3  }
0xc: {  	[smem:$0x3FB0] =	sst s4  }
0xd: {  	[smem:$0x3FB1] =	sst s5  }
0xe: {  	[smem:$0x3FB2] =	sst s6  }
0xf: {  	[smem:$0x3FB3] =	sst s7  }
0x10: {  	[smem:$0x3FB4] =	sst s8  }
0x11: {  	[smem:$0x3FB5] =	sst s9;
	s0 =	simm.s32 @!p0 $0x0  }
0x12: {  	s1 =	sld [smem:$0x3F9B];
	s0 =	simm.s32 @p0 $0x1  }
0x13: {  	[smem:$0x3FB6] =	sst s0;
	s0 =	simm.s32 @!p1 $0x0  }
0x14: {  	s2 =	sld [smem:$0x3F9A];
	s0 =	simm.s32 @p1 $0x1  }
0x15: {  	[smem:$0x3FB7] =	sst s0;
	s0 =	simm.s32 @!p2 $0x0  }
0x16: {  	s3 =	sld [smem:$0x3FDB];
	s0 =	simm.s32 @p2 $0x1  }
0x17: {  	s4 =	simm.s32 $0x1BF5;
	[smem:$0x3FB9] =	sst s0  }
0x18: {  	s0 =	sld [smem:$0x3F9C];
	_ =	swait.ge [sflag:s4], $0x0  }
0x19: {  	s7 =	sld [smem:$0x3F9D]  }
0x1a: {  	s8 =	sadd.s32 $0xFFFFE003, lr  }
0x1b: {  	s9 =	sadd.s32 $0xFFFFFEF7, lr;
	s5 =	simm.s32 $0xFFFFFFFF;
	p2 =	slt.u32 s8, $0xFFFFF086  }
0x1c: {  	p1 =	slt.u32 s9, $0xF7A;
	s5 =	simm.s32 @!p2 $0x0  }
0x1d: {  	s5 =	simm.s32 @p1 $0x1;
	p0 =	seq.s32 s7, s2  }
0x1e: {  	s7 =	smul.u32 @!p0 $0xF7A, s2;
	p2 =	seq.s32 @!p0 s5, $0x0  }
0x1f: {  	s9 =	smul.u32 $0xF7A, s1;
	s8 =	simm.s32 @!p0 $0x1BF5;
	p2 =	por !p2, p0  }
0x20: {  	[sflag:s8] =	ssyncset.s32 @!p0 $0xFFFFF086;
	s6 =	sadd.s32 @!p0 s3, s7;
	s7 =	simm.s32 @!p0 $0x108  }
0x21: {  	s3 =	sadd.s32 s3, s9;
	s6 =	sadd.s32 @!p0 $0x88, s6;
	s7 =	simm.s32 @p2 $0x1082  }
0x22: {  	[simem:s7], [sflag:s8] =	dma.local @!p0 [hbm:s6], $0xF7A  }
0x23: {  	s9 =	sor.u32 $0xD0000000, s2;
	s6 =	simm.s32 $0x108;
	_ =	swait.ge @!p0 [sflag:s8], $0x0  }
0x24: {  	s3 =	sadd.s32 $0x88, s3;
	s6 =	simm.s32 @!p1 $0x1082;
	[sflag:s4] =	ssyncset.s32 $0xFFFFF086  }
0x25: {  	[simem:s6], [sflag:s4] =	dma.local [hbm:s3], $0xF7A  }
0x26: {  	[smem:$0x3F9D] =	sst s1;
	(tag) =	ssettag s2;
	_ =	strace s9  }
0x27: {  	s1 =	sld [smem:$0x3FAD]  }
0x28: {  	s2 =	sld [smem:$0x3FAE]  }
0x29: {  	s4 =	sld [smem:$0x3FB0]  }
0x2a: {  	p0 =	seq.s32 s5, $0x0;
	s5 =	sld [smem:$0x3FB1]  }
0x2b: {  	s6 =	sld [smem:$0x3FB2]  }
0x2c: {  	s7 =	sld [smem:$0x3FB3]  }
0x2d: {  	s3 =	simm.s32 $0x108;
	s8 =	sld [smem:$0x3FB4]  }
0x2e: {  	s3 =	simm.s32 @!p0 $0x1082;
	s9 =	sld [smem:$0x3FB5]  }
0x2f: {  	lr =	sadd.s32 s0, s3;
	s0 =	sld [smem:$0x3FAC]  }
0x30: {  	s3 =	sld [smem:$0x3FAF]  }
0x31: {  	[smem:$0x3FB8] =	sst s10  }
0x32: {  	s10 =	sld [smem:$0x3FB6];
	_ =	sdelay $0x3  }
0x33: {  	p0 =	seq.s32 s10, $0x1;
	s10 =	sld [smem:$0x3FB8];
	_ =	sdelay $0x3  }
0x34: {  	[smem:$0x3FB8] =	sst s10  }
0x35: {  	s10 =	sld [smem:$0x3FB7];
	_ =	sdelay $0x3  }
0x36: {  	p1 =	seq.s32 s10, $0x1;
	s10 =	sld [smem:$0x3FB8];
	_ =	sdelay $0x3  }
0x37: {  	[smem:$0x3FB8] =	sst s10  }
0x38: {  	s10 =	sld [smem:$0x3FB9]  }
0x39: {  	_ = 	snop;
	(pc) =	sbr.ind lr, $3  }
0x3a: {  	_ = 	snop  }
0x3b: {  	_ = 	snop  }
0x3c: {  	p2 =	seq.s32 s10, $0x1;
	s10 =	sld [smem:$0x3FB8]  }
0x3d: {  	_ =	shalt  }
0x3e: {  	_ =	shalt  }
0x3f: {  	_ =	shalt  }
0x40: {  	_ =	shalt  }
0x41: {  	_ =	shalt  }
0x42: {  	_ =	shalt  }
0x43: {  	_ =	shalt  }
0x44: {  	_ =	shalt  }
0x45: {  	_ =	shalt  }
0x46: {  	_ =	shalt  }
0x47: {  	_ =	shalt  }
0x48: {  	_ =	shalt  }
0x49: {  	_ =	shalt  }
0x4a: {  	_ =	shalt  }
0x4b: {  	_ =	shalt  }
0x4c: {  	_ =	shalt  }
0x4d: {  	_ =	shalt  }
0x4e: {  	_ =	shalt  }
0x4f: {  	_ =	shalt  }
0x50: {  	_ =	shalt  }
0x51: {  	_ =	shalt  }
0x52: {  	_ =	shalt  }
0x53: {  	_ =	shalt  }
0x54: {  	_ =	shalt  }
0x55: {  	_ =	shalt  }
0x56: {  	_ =	shalt  }
0x57: {  	_ =	shalt  }
0x58: {  	_ =	shalt  }
0x59: {  	_ =	shalt  }
0x5a: {  	_ =	shalt  }
0x5b: {  	_ =	shalt  }
0x5c: {  	_ =	shalt  }
0x5d: {  	_ =	shalt  }
0x5e: {  	_ =	shalt  }
0x5f: {  	_ =	shalt  }
0x60: {  	_ =	shalt  }
0x61: {  	_ =	shalt  }
0x62: {  	_ =	shalt  }
0x63: {  	_ =	shalt  }
0x64: {  	_ =	shalt  }
0x65: {  	_ =	shalt  }
0x66: {  	_ =	shalt  }
0x67: {  	_ =	shalt  }
0x68: {  	_ =	shalt  }
0x69: {  	_ =	shalt  }
0x6a: {  	_ =	shalt  }
0x6b: {  	_ =	shalt  }
0x6c: {  	_ =	shalt  }
0x6d: {  	_ =	shalt  }
0x6e: {  	_ =	shalt  }
0x6f: {  	_ =	shalt  }
0x70: {  	_ =	shalt  }
0x71: {  	_ =	shalt  }
0x72: {  	_ =	shalt  }
0x73: {  	_ =	shalt  }
0x74: {  	_ =	shalt  }
0x75: {  	_ =	shalt  }
0x76: {  	_ =	shalt  }
0x77: {  	_ =	shalt  }
0x78: {  	_ =	shalt  }
0x79: {  	_ =	shalt  }
0x7a: {  	_ =	shalt  }
0x7b: {  	_ =	shalt  }
0x7c: {  	_ =	shalt  }
0x7d: {  	_ =	shalt  }
0x7e: {  	_ =	shalt  }
0x7f: {  	_ =	shalt  }
0x80: {  	_ =	shalt  }
0x81: {  	_ =	shalt  }
0x82: {  	_ =	shalt  }
0x83: {  	_ =	shalt  }
0x84: {  	_ =	shalt  }
0x85: {  	_ =	shalt  }
0x86: {  	_ =	shalt  }
0x87: {  	_ =	shalt  }
.Lfunc_end0:
.L_simem_size_0:
called_computation.2_lowered:
.L_overlay_start_0:
0x88: {  	s2 =	sld [smem:$0x3FD9]  }
0x89: {  	s3 =	sld [smem:$0x3FFE];
	_ =	sdelay $0x1  }
0x8a: {  	s1 =	srdreg.scid  }
0x8b: {  	s0 =	sand.u32 $0x1, s1  }
0x8c: {  	s17 =	sshll.u32 s0, $0xA;
	s2 =	sadd.s32 s3, s2  }
0x8d: {  	s2 =	sadd.s32 s2, s17  }
0x8e: {  	[smem:$0x3FC4] =	sst s2  }
0x8f: {  	_ = 	snop  }
0x90: {  	(tm) =	ssettm $0x1  }
0x91: {  	s18 =	sld [smem:$0x3FFB];
	_ =	sdelay $0x3  }
0x92: {  	_ =	strace s18  }
0x93: {  	s2 =	sld [smem:$0x3FFC];
	_ =	sdelay $0x3  }
0x94: {  	_ =	strace s2  }
0x95: {  	s2 =	sld [smem:$0x3FFD];
	_ =	sdelay $0x3  }
0x96: {  	_ =	strace s2  }
0x97: {  	_ =	strace $0x8FFFFFFF  }
0x98: {  	s19 =	sld [smem:$0x3FDB];
	_ =	sdelay $0x1  }
0x99: {  	s20 =	simm.s32 $_scs_section_size  }
0x9a: {  	s4 =	simm.s32 $_size__tile_overlayer_lowered;
	s5 =	simm.s32 $_tile_overlayer_lowered  }
0x9b: {  	s6 =	simm.s32 $0x1BFF;
	s21 =	sshll.u32 s5, $0x1;
	s3 =	sadd.s32 s20, s19  }
0x9c: {  	s22 =	simm.s32 $0x0;
	s4 =	sshll.u32 s4, $0x1;
	s5 =	sadd.s32 s21, s3  }
0x9d: {  	[timem:s22], [sflag:s6] =	dma.local [hbm:s5], s4  }
0x9e: {  	_ =	swait.ge [sflag:s6], s4  }
0x9f: {  	s4 =	ssub.s32 $0x0, s4;
	[sflag:s6] =	ssyncset.done $0x0  }
0xa0: {  	[sflag:s6] =	ssyncadd.s32 s4;
	_ =	sdelay $0x1  }
0xa1: {  	s23 =	simm.s32 $0x1B8B  }
0xa2: {  	_ =	swait.ge [sflag:s23], $0x1  }
0xa3: {  	[sflag:s23] =	ssyncset.done $0x0  }
0xa4: {  	[sflag:s23] =	ssyncadd.s32 $0xFFFFFFFF  }
0xa5: {  	s4 =	sld [smem:$0x0]  }
0xa6: {  	s5 =	sand.u32 $0xFFFFFFFE, s1  }
0xa7: {  	p0 =	sne.s32 s1, s5  }
0xa8: {  	s5 =	sshll.u32 @p0 s5, $0xE  }
0xa9: {  	s5 =	sadd.s32 @p0 $0x11B8D, s5;
	s6 =	sshll.u32 @p0 s4, $0x11  }
0xaa: {  	s5 =	sor.u32 @p0 s6, s5  }
0xab: {  	[sflag:s5] =	ssyncadd.remote.s32 @p0 $0x1;
	_ =	sdelay $0x1  }
0xac: {  	s5 =	simm.s32 @p0 $0x1B8D  }
0xad: {  	_ =	swait.eq @p0 [sflag:s5], $0x1  }
0xae: {  	[sflag:s5] =	ssyncadd.s32 @p0 $0xFFFFFFFF  }
0xaf: {  	s6 =	sshll.u32 @!p0 s1, $0xE  }
0xb0: {  	s6 =	sor.u32 @!p0 $0x4000, s6;
	s5 =	simm.s32 @!p0 $0x1B8D  }
0xb1: {  	s4 =	sshll.u32 @!p0 s4, $0x11;
	s6 =	sadd.s32 @!p0 $0x11B8D, s6;
	_ =	swait.eq @!p0 [sflag:s5], $0x1  }
0xb2: {  	s4 =	sor.u32 @!p0 s4, s6;
	[sflag:s5] =	ssyncadd.s32 @!p0 $0xFFFFFFFF  }
0xb3: {  	s25 =	simm.s32 $0x1B8E;
	s24 =	sld [smem:$0x3FFE];
	[sflag:s4] =	ssyncadd.remote.s32 @!p0 $0x1  }
0xb4: {  	s26 =	simm.s32 $execute0_lowered;
	[smem:$0x3FD2] =	sst s25  }
0xb5: {  	s5 =	sshll.u32 s26, $0x1;
	_ =	strace $0x80000049;
	[dreg:$0x1] =	wrdreg $0xFFFFFFFF  }
0xb6: {  	s28 =	simm.s32 $_size_execute0_lowered;
	s3 =	sadd.s32 s3, s5;
	[dreg:$0x0] =	wrdreg $0x0  }
0xb7: {  	s5 =	sshll.u32 s28, $0x1;
	[dreg:$0x2] =	wrdreg s3  }
0xb8: {  	[dreg:$0x3] =	wrdreg s5  }
0xb9: {  	[dreg:$0x4] =	wrdreg $0xC0  }
0xba: {  	_ =	task [dreg:s22], $0x5FFFF  }
0xbb: {  	[dreg:$0x1] =	wrdreg $0xFFFFFFFF  }
0xbc: {  	[dreg:$0x0] =	wrdreg $0x60  }
0xbd: {  	[dreg:$0x2] =	wrdreg s24  }
0xbe: {  	[dreg:$0x3] =	wrdreg $0xB  }
0xbf: {  	_ =	task.clear_ibuf [dreg:s22], $0x4FFFF;
	_ =	strace $0x90000049  }
0xc0: {  	s29 =	simm.s32 $0xB;
	_ =	strace $0x8000004B  }
0xc1: {  	_ =	swait.ge [sflag:s29], $0x1  }
0xc2: {  	[sflag:s29] =	ssyncadd.s32 $0xFFFFFFFF  }
0xc3: {  	_ =	strace $0x9000004B  }
0xc4: {  	_ =	sfence  }
0xc5: {  	s30 =	sld [smem:$0x0];
	_ =	sdelay $0x2  }
0xc6: {  	s31 =	sshll.u32 s1, $0xD;
	s1 =	sshrl.u32 s1, $0x2  }
0xc7: {  	s4 =	sand.u32 $0x4000, s31;
	s1 =	sadd.s32 s1, s30  }
0xc8: {  	s0 =	sor.u32 s4, s0;
	s1 =	sshll.u32 s1, $0x11  }
0xc9: {  	s0 =	sor.u32 s1, s0  }
0xca: {  	s0 =	sadd.s32 $0x8F2B, s0  }
0xcb: {  	[sflag:s0] =	ssyncadd.remote.s32 $0x1  }
0xcc: {  	_ =	sfence.sel $0xFFFF  }
0xcd: {  	[dreg:$0x0] =	wrdreg $0xFFFFFFFF;
	(pc) =	sbr.abs _section_cstart, $3  }
0xce: {  	[dreg:$0x1] =	wrdreg $0xFFFFFFFF  }
0xcf: {  	_ =	task.clear_ibuf [dreg:s22], $0x2FFFF;
	_ =	strace $0x9FFFFFFF  }
0xd0: {  	(tm) =	ssettm $0x7FFFFFFF  }
0xd1: {  	_ =	shalt  }
tec
execute0_lowered:
.L_overlay_start_1:
0x0: {  	(tag) =	ssettag $0x1  }
0x1: {  	s4 =	rddreg [dreg:$0x0]  }
0x2: {  	s0 =	rddreg [dreg:$0x1]  }
0x3: {  	s3 =	srdreg.scid;
	s1 =	stileid.u32  }
0x4: {  	s2 =	simm.s32 $0x0;
	s9 =	simm.s32 $0x15280;
	s10 =	simm.s32 $0x15200  }
0x5: {  	s11 =	simm.s32 $0x0;
	s3 =	sand.u32 $0x1, s3;
	s5 =	sshll.u32 s1, $0x1  }
.Ltmp0:
0x6: {  	[smem:$0x7FF] =	sst s2;
	s6 =	sor.u32 s3, s5;
	(pc) =	sbr.rel .LBB2_1-.Ltmp0, $4  }
0x7: {  	v0 =	vlaneseq.u32;
	_ =	strace $0x8000004A;
	s7 =	ssub.s32 $0x2, s3;
	s3 =	sadd.s32 $0x106200, s4  }
0x8: {  	v1 =	vimm.s32 $0x0;
	v3 =	vimm.s32 $0x1;
	v4 =	vmul.u32 $0xFFFFFFFF, v0;
	s5 =	sshll.u32 s6, $0xE;
	s8 =	sshrl.u32 s7, $0x1;
	s6 =	sshll.u32 s6, $0x8  }
0x9: {  	vm0 =	vmxor vm0, vm0;
	v5 =	vimm.s32 $0xFFFFFFFF;
	v6 =	vimm.f32 $-Inf;
	s5 =	sadd.s32 s5, s4;
	s4 =	sadd.s32 $0x108200, s4;
	s7 =	ssub.s32 s7, s8  }
0xa: {  	v7 =	vimm.s32 $0x2000;
	v2 =	vmul.u32 $0x100, v0;
	v4 =	vadd.s32 $0xF, v4;
	s8 =	simm.s32 $0x1;
	s5 =	sadd.s32 $0x86200, s5;
	s7 =	smax.u32 s7, $0x1  }
.LBB2_24:
0xb: {  	s11 =	sadd.s32 $0x1, s11  }
0xc: {  	p0 =	sne.s32 s11, s7  }
.Ltmp1:
0xd: {  	_ = 	snop;
	(pc) =	sbr.rel @!p0 .LBB2_25-.Ltmp1, $1  }
0xe: {  	_ =	sdelay $0x3  }
.LBB2_1:
.Ltmp2:
0xf: {  	(pc) =	sbr.rel .LBB2_2-.Ltmp2, $2  }
0x10: {  	_ =	sdelay $0x2  }
0x11: {  	s12 =	simm.s32 $0x0  }
.LBB2_23:
0x12: {  	s13 =	sshll.u32 s12, $0x4  }
0x13: {  	s13 =	sadd.s32 s6, s13  }
0x14: {  	s14 =	sadd.s32 s3, s13  }
0x15: {  	[hbm4b:s14+s2] =	stream.linear.scatter [tilespmem:s9], [sflag:$0x1], $0x80, $0x38;
	[tilespmem:$0x15300] =	vst v63  }
0x16: {  	s12 =	sadd.s32 $0x1, s12;
	_ =	swait.ge [sflag:s8], $0x80  }
0x17: {  	p0 =	sne.s32 s12, $0x10;
	[sflag:s8] =	ssyncset.done $0x0  }
.Ltmp3:
0x18: {  	s13 =	sadd.s32 s4, s13;
	[sflag:s8] =	ssyncadd.s32 $0xFFFFFF80;
	(pc) =	sbr.rel @!p0 .LBB2_24-.Ltmp3, $4  }
0x19: {  	[hbm4b:s13+s2] =	stream.linear.scatter [tilespmem:s10], [sflag:$0x1], $0x80, $0x38;
	[tilespmem:$0x15300] =	vst v63  }
0x1a: {  	_ =	swait.ge [sflag:s8], $0x80  }
0x1b: {  	[sflag:s8] =	ssyncset.done $0x0  }
0x1c: {  	[sflag:s8] =	ssyncadd.s32 $0xFFFFFF80  }
.LBB2_2:
0x1d: {  	s13 =	sand.u32 $0x7, s12  }
0x1e: {  	p0 =	seq.s32 s13, $0x0  }
0x1f: {  	s13 =	sshll.u32 @p0 s12, $0xA  }
0x20: {  	s14 =	simm.s32 @p0 $0x0;
	s13 =	sadd.s32 @p0 s13, s5  }
0x21: {  	[tilespmem:s14], [sflag:$0x1] =	stream.linear.gather @p0 [hbm4b:s13+s14], $0x10000, $0x38;
	[tilespmem:$0x15300] =	vst v63  }
0x22: {  	s13 =	simm.s32 @p0 $0x1  }
0x23: {  	_ =	swait.ge @p0 [sflag:s13], $0x10000  }
0x24: {  	[sflag:s13] =	ssyncset.done @p0 $0x0  }
0x25: {  	s14 =	simm.s32 $0x100;
	[sflag:s13] =	ssyncadd.s32 @p0 $0xFFFF0000;
	s13 =	simm.s32 $0x0  }
.LBB2_3:
0x26: {  	p0 =	seq.s32 s14, $0x3F00;
	[tilespmem:s13+$0x14130] =	vst v1;
	s15 =	smov.u32 s14;
	s14 =	sadd.s32 $0x100, s14  }
.Ltmp4:
0x27: {  	[tilespmem:s13+$0x14120] =	vst v1;
	(pc) =	sbr.rel @!p0 .LBB2_3-.Ltmp4, $3  }
0x28: {  	[tilespmem:s13+$0x14100] =	vst v1  }
0x29: {  	[tilespmem:s13+$0x14110] =	vst v1;
	_ =	sdelay $0x1  }
0x2a: {  	s13 =	sshra.s32 s15, $0x2  }
0x2b: {  	s31 =	sshll.u32 s12, $0x7  }
0x2c: {  	[tilespmem:s13+$0x14130] =	vst v1;
	s14 =	sand.u32 $0x380, s31  }
0x2d: {  	[tilespmem:s13+$0x14120] =	vst v1;
	v8 =	vmov s14  }
0x2e: {  	[tilespmem:s13+$0x14100] =	vst v1  }
0x2f: {  	[tilespmem:s13+$0x14110] =	vst v1;
	s13 =	simm.s32 $0x0;
	s15 =	simm.s32 $0x0;
	s14 =	simm.s32 $0x0  }
.LBB2_5:
0x30: {  	s16 =	sand.u32 $0x40, s15;
	s17 =	sand.u32 $0xFC00, s14  }
0x31: {  	s17 =	sor.u32 s16, s17  }
0x32: {  	v9 =	vld.idx.msk [tilespmem:v8+s17+$0x0 ss:$0x1], $0xffff;
	_ =	sdelay $0x4  }
0x33: {  	vm1 =	vlt.f32 v9, $0.0e+00;
	v10 =	vxor.u32 $0xFFFFFFFF, v9;
	v9 =	vxor.u32 $0x80000000, v9  }
0x34: {  	v9 =	vsel vm1, v10, v9  }
0x35: {  	v9 =	vshrl.u32 v9, $0x18  }
0x36: {  	v10 =	vand.u32 $0x80, v9  }
0x37: {  	v9 =	vand.u32 $0x7F, v9;
	v10 =	vor.u32 v2, v10  }
0x38: {  	v9 =	vor.u32 v9, v10;
	_ =	sdelay $0x3  }
0x39: {  	s16 =	simm.s32 $0x14100  }
0x3a: {  	[tilespmem:v9+s16+$0x0] =	vst.idx.add.s32.msk $0xffff, v3  }
0x3b: {  	v9 =	vld.idx.msk [tilespmem:v8+s17+$0x10 ss:$0x1], $0xffff;
	_ =	sdelay $0x4  }
0x3c: {  	vm1 =	vlt.f32 v9, $0.0e+00;
	v10 =	vxor.u32 $0xFFFFFFFF, v9;
	v9 =	vxor.u32 $0x80000000, v9  }
0x3d: {  	v9 =	vsel vm1, v10, v9  }
0x3e: {  	v9 =	vshrl.u32 v9, $0x18  }
0x3f: {  	v10 =	vand.u32 $0x80, v9  }
0x40: {  	v9 =	vand.u32 $0x7F, v9;
	v10 =	vor.u32 v2, v10  }
0x41: {  	v9 =	vor.u32 v9, v10;
	_ =	sdelay $0x4  }
0x42: {  	[tilespmem:v9+s16+$0x0] =	vst.idx.add.s32.msk $0xffff, v3  }
0x43: {  	v9 =	vld.idx.msk [tilespmem:v8+s17+$0x20 ss:$0x1], $0xffff;
	_ =	sdelay $0x4  }
0x44: {  	vm1 =	vlt.f32 v9, $0.0e+00;
	v10 =	vxor.u32 $0xFFFFFFFF, v9;
	v9 =	vxor.u32 $0x80000000, v9  }
0x45: {  	v9 =	vsel vm1, v10, v9  }
0x46: {  	v9 =	vshrl.u32 v9, $0x18  }
0x47: {  	v10 =	vand.u32 $0x80, v9  }
0x48: {  	v9 =	vand.u32 $0x7F, v9;
	v10 =	vor.u32 v2, v10  }
0x49: {  	v9 =	vor.u32 v9, v10;
	_ =	sdelay $0x4  }
0x4a: {  	[tilespmem:v9+s16+$0x0] =	vst.idx.add.s32.msk $0xffff, v3  }
0x4b: {  	v9 =	vld.idx.msk [tilespmem:v8+s17+$0x30 ss:$0x1], $0xffff;
	_ =	sdelay $0x4  }
0x4c: {  	vm1 =	vlt.f32 v9, $0.0e+00;
	v10 =	vxor.u32 $0xFFFFFFFF, v9;
	v9 =	vxor.u32 $0x80000000, v9  }
0x4d: {  	v9 =	vsel vm1, v10, v9  }
0x4e: {  	v9 =	vshrl.u32 v9, $0x18  }
0x4f: {  	v10 =	vand.u32 $0x80, v9  }
0x50: {  	v9 =	vand.u32 $0x7F, v9;
	v10 =	vor.u32 v2, v10  }
0x51: {  	p0 =	sne.s32 s15, $0x1FC0;
	v9 =	vor.u32 v9, v10  }
.Ltmp5:
0x52: {  	_ = 	snop;
	(pc) =	sbr.rel @p0 .LBB2_5-.Ltmp5, $2  }
0x53: {  	_ =	sdelay $0x2  }
0x54: {  	s14 =	sadd.s32 $0x200, s14;
	s15 =	sadd.s32 $0x40, s15;
	[tilespmem:v9+s16+$0x0] =	vst.idx.add.s32.msk $0xffff, v3  }
0x55: {  	s13 =	sand.u32 $0xF0, s13;
	v10 =	vld [tilespmem:s16+$0x0]  }
0x56: {  	v9 =	vld [tilespmem:s13+$0x14200]  }
0x57: {  	v11 =	vld [tilespmem:s13+$0x14300]  }
0x58: {  	v12 =	vld [tilespmem:s13+$0x14400]  }
0x59: {  	v13 =	vld [tilespmem:s13+$0x14500]  }
0x5a: {  	v14 =	vld [tilespmem:s13+$0x14600]  }
0x5b: {  	v9 =	vadd.s32 v10, v9;
	v10 =	vld [tilespmem:s13+$0x14700]  }
0x5c: {  	v9 =	vadd.s32 v11, v9;
	v11 =	vld [tilespmem:s13+$0x14800]  }
0x5d: {  	v58 =	vld [tilespmem:s13+$0x14900];
	v9 =	vadd.s32 v12, v9  }
0x5e: {  	v59 =	vld [tilespmem:s13+$0x14A00];
	v9 =	vadd.s32 v13, v9  }
0x5f: {  	v60 =	vld [tilespmem:s13+$0x14B00];
	v9 =	vadd.s32 v14, v9  }
0x60: {  	v9 =	vadd.s32 v10, v9;
	v10 =	vld [tilespmem:s13+$0x14C00]  }
0x61: {  	v9 =	vadd.s32 v11, v9;
	v11 =	vld [tilespmem:s13+$0x14D00]  }
0x62: {  	v61 =	vld [tilespmem:s13+$0x14E00];
	v9 =	vadd.s32 v58, v9  }
0x63: {  	v62 =	vld [tilespmem:s13+$0x14F00];
	v9 =	vadd.s32 v59, v9  }
0x64: {  	v63 =	vld [tilespmem:s13+$0x15000];
	v9 =	vadd.s32 v60, v9  }
0x65: {  	v9 =	vadd.s32 v10, v9  }
0x66: {  	v9 =	vadd.s32 v11, v9  }
0x67: {  	v9 =	vadd.s32 v61, v9  }
0x68: {  	v9 =	vadd.s32 v62, v9  }
0x69: {  	s14 =	simm.s32 $0x10;
	s13 =	simm.s32 $0x15100;
	v9 =	vadd.s32 v63, v9  }
0x6a: {  	s14 =	sand.u32 $0xF0, s14;
	[tilespmem:s13+$0x0] =	vst v9  }
0x6b: {  	s16 =	simm.s32 $0x20;
	s15 =	simm.s32 $0x14110;
	v9 =	vld [tilespmem:s14+$0x14200]  }
.LBB2_7:
0x6c: {  	p0 =	sne.s32 s16, $0xF0;
	v10 =	vld [tilespmem:s15+$0x0]  }
0x6d: {  	v11 =	vld [tilespmem:s14+$0x14300]  }
0x6e: {  	v12 =	vld [tilespmem:s14+$0x14400]  }
0x6f: {  	v13 =	vld [tilespmem:s14+$0x14500]  }
0x70: {  	v14 =	vld [tilespmem:s14+$0x14600]  }
0x71: {  	v9 =	vadd.s32 v10, v9;
	v10 =	vld [tilespmem:s14+$0x14700]  }
0x72: {  	v9 =	vadd.s32 v11, v9;
	v11 =	vld [tilespmem:s14+$0x14800]  }
0x73: {  	v9 =	vadd.s32 v12, v9;
	v12 =	vld [tilespmem:s14+$0x14900]  }
0x74: {  	v9 =	vadd.s32 v13, v9;
	v13 =	vld [tilespmem:s14+$0x14A00]  }
0x75: {  	v9 =	vadd.s32 v14, v9;
	v14 =	vld [tilespmem:s14+$0x14B00]  }
0x76: {  	v9 =	vadd.s32 v10, v9;
	v10 =	vld [tilespmem:s14+$0x14C00]  }
0x77: {  	v9 =	vadd.s32 v11, v9;
	v11 =	vld [tilespmem:s14+$0x14D00]  }
0x78: {  	v9 =	vadd.s32 v12, v9;
	v12 =	vld [tilespmem:s14+$0x14E00]  }
0x79: {  	v9 =	vadd.s32 v13, v9;
	v13 =	vld [tilespmem:s14+$0x14F00]  }
0x7a: {  	v9 =	vadd.s32 v14, v9;
	v14 =	vld [tilespmem:s14+$0x15000]  }
0x7b: {  	v9 =	vadd.s32 v10, v9  }
0x7c: {  	v9 =	vadd.s32 v11, v9  }
.Ltmp6:
0x7d: {  	v9 =	vadd.s32 v12, v9;
	(pc) =	sbr.rel @p0 .LBB2_7-.Ltmp6, $4  }
0x7e: {  	v9 =	vadd.s32 v13, v9  }
0x7f: {  	s13 =	sadd.s32 $0x10, s13;
	v9 =	vadd.s32 v14, v9  }
0x80: {  	s14 =	sand.u32 $0xF0, s16;
	[tilespmem:s13+$0x0] =	vst v9  }
0x81: {  	s15 =	sadd.s32 $0x10, s15;
	s16 =	sadd.s32 $0x10, s16;
	v9 =	vld [tilespmem:s14+$0x14200]  }
0x82: {  	v10 =	vld [tilespmem:s15+$0x0]  }
0x83: {  	v11 =	vld [tilespmem:s14+$0x14300]  }
0x84: {  	v12 =	vld [tilespmem:s14+$0x14400]  }
0x85: {  	v13 =	vld [tilespmem:s14+$0x14500]  }
0x86: {  	v14 =	vld [tilespmem:s14+$0x14600]  }
0x87: {  	v9 =	vadd.s32 v10, v9;
	v10 =	vld [tilespmem:s14+$0x14700]  }
0x88: {  	v9 =	vadd.s32 v11, v9;
	v11 =	vld [tilespmem:s14+$0x14800]  }
0x89: {  	v9 =	vadd.s32 v12, v9;
	v12 =	vld [tilespmem:s14+$0x14900]  }
0x8a: {  	v9 =	vadd.s32 v13, v9;
	v13 =	vld [tilespmem:s14+$0x14A00]  }
0x8b: {  	v9 =	vadd.s32 v14, v9;
	v14 =	vld [tilespmem:s14+$0x14B00]  }
0x8c: {  	v9 =	vadd.s32 v10, v9;
	v10 =	vld [tilespmem:s14+$0x14C00]  }
0x8d: {  	v9 =	vadd.s32 v11, v9;
	v11 =	vld [tilespmem:s14+$0x14D00]  }
0x8e: {  	v9 =	vadd.s32 v12, v9;
	v12 =	vld [tilespmem:s14+$0x14E00]  }
0x8f: {  	v9 =	vadd.s32 v13, v9;
	v13 =	vld [tilespmem:s14+$0x14F00]  }
0x90: {  	v9 =	vadd.s32 v14, v9;
	v14 =	vld [tilespmem:s14+$0x15000]  }
0x91: {  	v9 =	vadd.s32 v10, v9  }
0x92: {  	v9 =	vadd.s32 v11, v9  }
0x93: {  	v9 =	vadd.s32 v12, v9  }
0x94: {  	v9 =	vadd.s32 v13, v9  }
0x95: {  	s13 =	sadd.s32 $0x10, s13;
	v9 =	vadd.s32 v14, v9  }
0x96: {  	s22 =	simm.s32 $0x151F0;
	[tilespmem:s13+$0x0] =	vst v9  }
0x97: {  	v9 =	vld [tilespmem:s22+$0x0];
	_ =	sdelay $0x4  }
0x98: {  	(xrf0) =	vadd.scan.msk.s32 $0xffff, v9;
	_ =	sdelay $0x2  }
0x99: {  	s23 =	simm.s32 $0x151E0  }
0x9a: {  	v10 =	vld [tilespmem:s23+$0x0];
	_ =	sdelay $0x1  }
0x9b: {  	s24 =	simm.s32 $0x151D0;
	v9 =	vperm.xlane v9, v4;
	v11, _, _ =	vpop (xrf0)  }
0x9c: {  	(v2sf) =	vpush v11, $0xF;
	v11 =	vld [tilespmem:s24+$0x0]  }
0x9d: {  	(xrf0) =	vadd.scan.msk.s32 $0xffff, v9  }
0x9e: {  	v9 =	vperm.xlane v10, v4  }
0x9f: {  	(xrf0) =	vadd.scan.msk.s32 $0xffff, v10  }
0xa0: {  	(xrf0) =	vadd.scan.msk.s32 $0xffff, v9  }
0xa1: {  	(xrf0) =	vadd.scan.msk.s32 $0xffff, v11;
	_ =	sdelay $0x1  }
0xa2: {  	s28 =	simm.s32 $0x0;
	v9 =	vperm.xlane v11, v4;
	v11, _, _ =	vpop (xrf0)  }
0xa3: {  	v11 =	vadd.s32 s28, v11  }
0xa4: {  	s25 =	simm.s32 $0x151C0;
	v13, _, _ =	vpop (xrf0)  }
0xa5: {  	v10 =	vld [tilespmem:s25+$0x0];
	v15, _, _ =	vpop (xrf0);
	(v2sf) =	vpush v13, $0xF  }
0xa6: {  	vm1 =	vgt.s32 v11, $0xF;
	v11, _, _ =	vpop (xrf0)  }
0xa7: {  	(v2sf) =	vpush v11, $0xF  }
0xa8: {  	s26 =	simm.s32 $0xF0;
	s29 =	simm.s32 $0x151B0  }
0xa9: {  	v12 =	vmov s26;
	v14 =	vld [tilespmem:s29+$0x0];
	(xrf0) =	vadd.scan.msk.s32 $0xffff, v9  }
0xaa: {  	v12 =	vadd.s32 $0xF, v12;
	(xrf0) =	vadd.scan.msk.s32 $0xffff, v10;
	v10 =	vperm.xlane v10, v4  }
0xab: {  	v12 =	vbroadcast v12, $0x0;
	v16 =	vmctz.xlane vm1  }
0xac: {  	v13 =	vmpcnt.ones.xlane vm1;
	(xrf0) =	vadd.scan.msk.s32 $0xffff, v10  }
0xad: {  	s30 =	simm.s32 $0xE0;
	v9 =	vimm.s32 $0x0;
	vm1 =	vmneg vm0;
	v12 =	vsub.s32 v12, v16  }
0xae: {  	vm2 =	vgt.s32 v13, $0x0;
	v13 =	vperm.xlane v14, v4;
	v11 =	vmov s30;
	s31 =	spop (v2sf)  }
0xaf: {  	s15 =	simm.s32 $0xD0;
	s17 =	simm.s32 $0xA0;
	vm3 =	vmand vm2, vm1;
	vm1 =	vmor vm0, vm2;
	v11 =	vadd.s32 $0xF, v11;
	v10, _, _ =	vpop (xrf0);
	s16 =	sadd.s32 $0x0, s31  }
0xb0: {  	s18 =	simm.s32 $0x151A0;
	s14 =	simm.s32 $0xC0;
	s13 =	simm.s32 $0xB0;
	(xrf0) =	vadd.scan.msk.s32 $0xffff, v14;
	vm2 =	vmneg vm1;
	v11 =	vbroadcast v11, $0x0;
	v14, _, _ =	vpop (xrf0);
	v15 =	vadd.s32 s16, v15  }
.LBB2_9:
0xb1: {  	v16 =	vld [tilespmem:s18+$0x0];
	p0 =	sne.s32 s17, $0x0;
	(v2sf) =	vpush v14, $0xF;
	vm4 =	vgt.s32 v15, $0xF;
	v9 =	vsel vm3, v12, v9;
	v15 =	vmovc v10;
	s19 =	smov.u32 s17;
	s17 =	sadd.s32 $0xFFFFFFF0, s17  }
.Ltmp7:
0xb2: {  	(xrf0) =	vadd.scan.msk.s32 $0xffff, v13;
	v10, _, _ =	vpop (xrf0);
	v13 =	vmpcnt.ones.xlane vm4;
	v12 =	vmctz.xlane vm4;
	(pc) =	sbr.rel @p0 .LBB2_9-.Ltmp7, $4  }
0xb3: {  	v14 =	vmov s15;
	s15 =	smov.u32 s14;
	s14 =	smov.u32 s13;
	s13 =	smov.u32 s19  }
0xb4: {  	v17 =	vadd.s32 $0xF, v14;
	v12 =	vsub.s32 v11, v12;
	vm4 =	vgt.s32 v13, $0x0;
	s19 =	spop (v2sf)  }
0xb5: {  	v11 =	vbroadcast v17, $0x0;
	vm3 =	vmand vm4, vm2;
	vm1 =	vmor vm1, vm4;
	s16 =	sadd.s32 s16, s19  }
0xb6: {  	s18 =	sadd.s32 $0xFFFFFFF0, s18;
	v13 =	vperm.xlane v16, v4;
	(xrf0) =	vadd.scan.msk.s32 $0xffff, v16;
	v14, _, _ =	vpop (xrf0);
	v15 =	vadd.s32 s16, v15;
	vm2 =	vmneg vm1  }
0xb7: {  	(v2sf) =	vpush v14, $0xF;
	_ =	sdelay $0x5  }
0xb8: {  	vm4 =	vgt.s32 v15, $0xF  }
0xb9: {  	s30 =	spop (v2sf);
	v15 =	vmpcnt.ones.xlane vm4  }
0xba: {  	v16 =	vmov s15;
	v9 =	vsel vm3, v12, v9;
	s15 =	sadd.s32 s16, s30  }
0xbb: {  	v53 =	vmctz.xlane vm4;
	v10 =	vadd.s32 s15, v10;
	vm3 =	vgt.s32 v15, $0x0  }
0xbc: {  	(xrf0) =	vadd.scan.msk.s32 $0xffff, v13;
	vm2 =	vmand vm3, vm2;
	vm1 =	vmor vm1, vm3;
	vm3 =	vgt.s32 v10, $0xF  }
0xbd: {  	v56 =	vmov s14;
	v54 =	vadd.s32 $0xF, v16;
	v10 =	vmpcnt.ones.xlane vm3;
	s31 =	spop (v2sf)  }
0xbe: {  	v61 =	vmov s13;
	v57, _, _ =	vpop (xrf0);
	v12 =	vbroadcast v54, $0x0;
	v11 =	vsub.s32 v11, v53;
	s14 =	sadd.s32 s15, s31  }
0xbf: {  	v9 =	vsel vm2, v11, v9;
	vm2 =	vgt.s32 v10, $0x0;
	v10 =	vadd.s32 s14, v57  }
0xc0: {  	v15 =	vadd.s32 $0xF, v61;
	v55 =	vmctz.xlane vm3;
	v11 =	vadd.s32 $0xF, v56  }
0xc1: {  	v62 =	vbroadcast v15, $0x0;
	vm3 =	vmneg vm1;
	v58, _, _ =	vpop (xrf0);
	v11 =	vbroadcast v11, $0x0;
	s16 =	spop (v2sf)  }
0xc2: {  	v12 =	vsub.s32 v12, v55;
	vm3 =	vmand vm2, vm3;
	vm14 =	vgt.s32 v10, $0xF;
	v10, _, _ =	vpop (xrf0);
	s14 =	sadd.s32 s14, s16  }
0xc3: {  	v59 =	vmpcnt.ones.xlane vm14;
	v60 =	vmctz.xlane vm14;
	v10 =	vadd.s32 s14, v10  }
0xc4: {  	vm1 =	vmor vm1, vm2;
	v9 =	vsel vm3, v12, v9;
	vm3 =	vgt.s32 v10, $0xF  }
0xc5: {  	s17 =	simm.s32 $0x0;
	vm15 =	vgt.s32 v59, $0x0;
	v10 =	vsub.s32 v11, v60;
	v11 =	vmpcnt.ones.xlane vm3  }
0xc6: {  	s18 =	sand.u32 $0x40, s17;
	s19 =	sand.u32 $0xFC00, s17;
	vm2 =	vmneg vm1;
	vm1 =	vmor vm1, vm15;
	v63 =	vmctz.xlane vm3  }
0xc7: {  	vm2 =	vmand vm15, vm2;
	vm1 =	vmneg vm1;
	s14 =	sor.u32 s18, s19;
	vm3 =	vgt.s32 v11, $0x0  }
0xc8: {  	v9 =	vsel vm2, v10, v9;
	v10 =	vsub.s32 v62, v63;
	v11 =	vld.idx.msk [tilespmem:v8+s14+$0x0 ss:$0x1], $0xffff;
	vm1 =	vmand vm3, vm1  }
0xc9: {  	v9 =	vsel vm1, v10, v9  }
0xca: {  	vm1 =	vgt.s32 v9, $0x7F  }
0xcb: {  	v9 =	vshll.u32 v9, $0x18;
	v10 =	vsel vm1, $0x80000000, v5  }
0xcc: {  	v9 =	vxor.u32 v9, v10  }
0xcd: {  	s20 =	simm.s32 $0x10;
	vm1 =	vge.f32 v11, v9  }
0xce: {  	s21 =	sand.u32 $0x50, s20;
	v10 =	vor.u32 s17, v0;
	[tilespmem:s17+$0x10000] =	vst.msk vm1, v11;
	v11 =	vmpcnt.ones.xlane vm1  }
0xcf: {  	s22 =	sor.u32 s21, s19;
	(v2sf) =	vpush v58, $0xF;
	[tilespmem:s17+$0x12080] =	vst.msk vm1, v10  }
0xd0: {  	v10 =	vld.idx.msk [tilespmem:v8+s22+$0x0 ss:$0x1], $0xffff;
	(v2sf) =	vpush v11, $0x0;
	_ =	sdelay $0x4  }
0xd1: {  	vm1 =	vge.f32 v10, v9  }
0xd2: {  	v11 =	vmpcnt.ones.xlane vm1;
	_ =	sdelay $0x1  }
0xd3: {  	(v2sf) =	vpush v11, $0x0;
	_ =	sdelay $0x5  }
0xd4: {  	s23 =	spop (v2sf)  }
0xd5: {  	s13 =	spop (v2sf)  }
0xd6: {  	s24 =	simm.s32 $0x20;
	s13 =	sadd.s32 $0x0, s13  }
0xd7: {  	s25 =	sand.u32 $0x60, s24;
	[tilespmem:s13+$0x10000] =	vst.msk vm1, v10;
	v10 =	vor.u32 s20, v0  }
0xd8: {  	s14 =	sor.u32 s25, s19;
	[tilespmem:s13+$0x12080] =	vst.msk vm1, v10  }
0xd9: {  	v10 =	vld.idx.msk [tilespmem:v8+s14+$0x0 ss:$0x1], $0xffff;
	_ =	sdelay $0x3  }
0xda: {  	s26 =	spop (v2sf)  }
0xdb: {  	s17 =	simm.s32 $0x30;
	s13 =	sadd.s32 s13, s26;
	vm1 =	vge.f32 v10, v9  }
0xdc: {  	s28 =	sand.u32 $0x70, s17;
	[tilespmem:s13+$0x10000] =	vst.msk vm1, v10;
	v10 =	vor.u32 s24, v0  }
0xdd: {  	s14 =	sor.u32 s28, s19;
	v11 =	vmpcnt.ones.xlane vm1;
	[tilespmem:s13+$0x12080] =	vst.msk vm1, v10  }
0xde: {  	v10 =	vld.idx.msk [tilespmem:v8+s14+$0x0 ss:$0x1], $0xffff  }
0xdf: {  	(v2sf) =	vpush v11, $0x0;
	_ =	sdelay $0x3  }
0xe0: {  	vm1 =	vge.f32 v10, v9  }
0xe1: {  	v11 =	vmpcnt.ones.xlane vm1;
	_ =	sdelay $0x1  }
0xe2: {  	(v2sf) =	vpush v11, $0x0;
	_ =	sdelay $0x7  }
0xe3: {  	s29 =	spop (v2sf)  }
0xe4: {  	s15 =	simm.s32 $0x200;
	s14 =	simm.s32 $0x40;
	s19 =	sadd.s32 s13, s29  }
0xe5: {  	s18 =	sand.u32 $0xFC00, s15;
	s30 =	sand.u32 $0x40, s14;
	[tilespmem:s19+$0x10000] =	vst.msk vm1, v10;
	v10 =	vor.u32 s17, v0  }
0xe6: {  	s21 =	sor.u32 s30, s18;
	[tilespmem:s19+$0x12080] =	vst.msk vm1, v10  }
0xe7: {  	v10 =	vld.idx.msk [tilespmem:v8+s21+$0x0 ss:$0x1], $0xffff  }
0xe8: {  	s13 =	simm.s32 $0x70  }
0xe9: {  	s31 =	sand.u32 $0x70, s13  }
0xea: {  	s20 =	simm.s32 $0x80;
	s16 =	sor.u32 s31, s18;
	s21 =	spop (v2sf)  }
.LBB2_11:
0xeb: {  	s22 =	sadd.s32 $0x10, s14  }
0xec: {  	vm1 =	vge.f32 v10, v9;
	s19 =	sadd.s32 s19, s21;
	s21 =	smov.u32 s20;
	s17 =	sadd.s32 $0x40, s20  }
0xed: {  	p0 =	sne.s32 s20, $0x1FC0;
	[tilespmem:s19+$0x10000] =	vst.msk vm1, v10;
	v10 =	vor.u32 s14, v0;
	v11 =	vmpcnt.ones.xlane vm1;
	s20 =	sand.u32 $0x50, s22  }
0xee: {  	[tilespmem:s19+$0x12080] =	vst.msk vm1, v10;
	s20 =	sor.u32 s20, s18  }
0xef: {  	v10 =	vld.idx.msk [tilespmem:v8+s20+$0x0 ss:$0x1], $0xffff;
	(v2sf) =	vpush v11, $0x0;
	_ =	sdelay $0x5  }
0xf0: {  	vm1 =	vge.f32 v10, v9  }
0xf1: {  	v11 =	vmpcnt.ones.xlane vm1;
	_ =	sdelay $0x1  }
0xf2: {  	(v2sf) =	vpush v11, $0x0;
	_ =	sdelay $0x5  }
0xf3: {  	s20 =	spop (v2sf)  }
0xf4: {  	s19 =	sadd.s32 s19, s20;
	s20 =	sadd.s32 $0x20, s14;
	s14 =	smov.u32 s21  }
0xf5: {  	[tilespmem:s19+$0x10000] =	vst.msk vm1, v10;
	v10 =	vor.u32 s22, v0;
	s21 =	sand.u32 $0x60, s20  }
0xf6: {  	[tilespmem:s19+$0x12080] =	vst.msk vm1, v10;
	s18 =	sor.u32 s21, s18  }
0xf7: {  	v10 =	vld.idx.msk [tilespmem:v8+s18+$0x0 ss:$0x1], $0xffff;
	_ =	sdelay $0x4  }
0xf8: {  	s18 =	spop (v2sf)  }
0xf9: {  	vm1 =	vge.f32 v10, v9;
	s18 =	sadd.s32 s19, s18  }
0xfa: {  	v11 =	vmpcnt.ones.xlane vm1;
	[tilespmem:s18+$0x10000] =	vst.msk vm1, v10;
	v10 =	vor.u32 s20, v0  }
0xfb: {  	[tilespmem:s18+$0x12080] =	vst.msk vm1, v10  }
0xfc: {  	v10 =	vld.idx.msk [tilespmem:v8+s16+$0x0 ss:$0x1], $0xffff;
	(v2sf) =	vpush v11, $0x0;
	_ =	sdelay $0x5  }
0xfd: {  	vm1 =	vge.f32 v10, v9  }
0xfe: {  	v11 =	vmpcnt.ones.xlane vm1;
	_ =	sdelay $0x1  }
0xff: {  	(v2sf) =	vpush v11, $0x0;
	_ =	sdelay $0x5  }
0x100: {  	s16 =	spop (v2sf)  }
0x101: {  	s15 =	sadd.s32 $0x200, s15;
	s20 =	sadd.s32 $0x30, s14;
	s19 =	sadd.s32 s18, s16  }
0x102: {  	s21 =	sand.u32 $0x70, s20;
	s16 =	sand.u32 $0x40, s14;
	s18 =	sand.u32 $0xFC00, s15;
	[tilespmem:s19+$0x10000] =	vst.msk vm1, v10;
	v10 =	vor.u32 s13, v0  }
0x103: {  	s22 =	sor.u32 s16, s18;
	s16 =	sor.u32 s21, s18;
	s13 =	smov.u32 s20;
	[tilespmem:s19+$0x12080] =	vst.msk vm1, v10  }
0x104: {  	v10 =	vld.idx.msk [tilespmem:v8+s22+$0x0 ss:$0x1], $0xffff  }
.Ltmp8:
0x105: {  	(pc) =	sbr.rel @p0 .LBB2_11-.Ltmp8, $2  }
0x106: {  	_ =	sdelay $0x2  }
0x107: {  	s20 =	smov.u32 s17;
	s21 =	spop (v2sf)  }
0x108: {  	_ = 	snop  }
0x109: {  	vm1 =	vge.f32 v10, v9;
	s15 =	sadd.s32 $0x10, s14;
	s17 =	sadd.s32 s19, s21  }
0x10a: {  	v59 =	vor.u32 s14, v0;
	[tilespmem:s17+$0x10000] =	vst.msk vm1, v10;
	v11 =	vmpcnt.ones.xlane vm1;
	s31 =	sand.u32 $0x50, s15  }
0x10b: {  	[tilespmem:s17+$0x12080] =	vst.msk vm1, v59;
	s19 =	sor.u32 s31, s18  }
0x10c: {  	v10 =	vld.idx.msk [tilespmem:v8+s19+$0x0 ss:$0x1], $0xffff;
	(v2sf) =	vpush v11, $0x0;
	_ =	sdelay $0x4  }
0x10d: {  	vm1 =	vge.f32 v10, v9  }
0x10e: {  	v60 =	vmpcnt.ones.xlane vm1;
	_ =	sdelay $0x1  }
0x10f: {  	(v2sf) =	vpush v60, $0x0;
	_ =	sdelay $0x6  }
0x110: {  	s20 =	spop (v2sf)  }
0x111: {  	s21 =	sadd.s32 $0x20, s14;
	s17 =	sadd.s32 s17, s20  }
0x112: {  	v61 =	vor.u32 s15, v0;
	s22 =	sand.u32 $0x60, s21;
	[tilespmem:s17+$0x10000] =	vst.msk vm1, v10  }
0x113: {  	s15 =	sor.u32 s22, s18;
	[tilespmem:s17+$0x12080] =	vst.msk vm1, v61  }
0x114: {  	v10 =	vld.idx.msk [tilespmem:v8+s15+$0x0 ss:$0x1], $0xffff;
	_ =	sdelay $0x3  }
0x115: {  	s23 =	spop (v2sf)  }
0x116: {  	s15 =	sadd.s32 s17, s23;
	vm1 =	vge.f32 v10, v9  }
0x117: {  	v62 =	vor.u32 s21, v0;
	[tilespmem:s15+$0x10000] =	vst.msk vm1, v10  }
0x118: {  	[tilespmem:s15+$0x12080] =	vst.msk vm1, v62  }
0x119: {  	v8 =	vld.idx.msk [tilespmem:v8+s16+$0x0 ss:$0x1], $0xffff;
	_ =	sdelay $0x4  }
0x11a: {  	v63 =	vmpcnt.ones.xlane vm1;
	vm1 =	vge.f32 v8, v9  }
0x11b: {  	v9 =	vmpcnt.ones.xlane vm1  }
0x11c: {  	(v2sf) =	vpush v63, $0x0  }
0x11d: {  	(v2sf) =	vpush v9, $0x0;
	_ =	sdelay $0xd  }
0x11e: {  	s24 =	spop (v2sf)  }
0x11f: {  	s14 =	sadd.s32 s15, s24;
	s25 =	spop (v2sf)  }
0x120: {  	s15 =	sadd.s32 s14, s25  }
0x121: {  	s26 =	sadd.s32 $0xF, s15  }
0x122: {  	s28 =	sand.u32 $0xF, s26  }
0x123: {  	s29 =	sshra.s32 s26, $0x1F;
	p0 =	slt.s32 s26, $0x1;
	p1 =	sne.s32 s28, $0x0  }
.Ltmp9:
0x124: {  	s30 =	sshrl.u32 s29, $0x1C;
	p0 =	por !p0, !p1;
	(pc) =	sbr.rel .LBB2_13-.Ltmp9, $4  }
0x125: {  	s16 =	simm.s32 $0x1;
	[tilespmem:s14+$0x10000] =	vst.msk vm1, v8;
	v8 =	vor.u32 s13, v0;
	s31 =	sadd.s32 s30, s26;
	p0 =	por !p0, !p0  }
0x126: {  	[tilespmem:s14+$0x12080] =	vst.msk vm1, v8;
	s13 =	sshra.s32 s31, $0x4;
	s16 =	simm.s32 @!p0 $0x0  }
0x127: {  	s14 =	simm.s32 $0x0;
	[tilespmem:s15+$0x10000] =	vst v6;
	s13 =	ssub.s32 s13, s16  }
0x128: {  	[tilespmem:s15+$0x12080] =	vst v7;
	s15 =	simm.f32 $+Inf;
	s16 =	simm.s32 $0xFFFFFFFF;
	p0 =	slt.s32 s13, $0x1  }
.LBB2_14:
0x129: {  	v8 =	vimm.s32 $0x80002000;
	v9 =	vimm.f32 $-Inf  }
.LBB2_22:
0x12a: {  	(xrf0) =	vmax.scan.msk.f32 $0xffff, v9;
	_ =	sdelay $0x5  }
0x12b: {  	v10, _, _ =	vpop (xrf0)  }
0x12c: {  	v11 =	vbroadcast v10, $0xF;
	_ =	sdelay $0x1  }
0x12d: {  	vm1 =	veq.f32 v9, v11  }
0x12e: {  	v8 =	vnsel vm1, $0x80002000, v8  }
0x12f: {  	(xrf0) =	vmin.scan.msk.u32 $0xffff, v8;
	_ =	sdelay $0x5  }
0x130: {  	(v2sf) =	vpush v10, $0xF;
	v8, _, _ =	vpop (xrf0)  }
0x131: {  	(v2sf) =	vpush v8, $0xF;
	_ =	sdelay $0xa  }
0x132: {  	v8 =	vld [tilespmem:$0x15200]  }
0x133: {  	v62 =	vld [tilespmem:$0x15280];
	v63 =	vmov s14;
	s14 =	sadd.s32 $0x1, s14  }
0x134: {  	p1 =	sne.s32 s14, $0x10  }
.Ltmp10:
0x135: {  	s15 =	spop (v2sf);
	(pc) =	sbr.rel @!p1 .LBB2_23-.Ltmp10, $4  }
0x136: {  	vm1 =	veq.s32 v63, v0;
	s16 =	spop (v2sf)  }
0x137: {  	v8 =	vsel vm1, v11, v8;
	s16 =	sxor.u32 $0x80000000, s16  }
0x138: {  	[tilespmem:$0x15200] =	vst v8;
	v8 =	vsel vm1, s16, v62  }
0x139: {  	[tilespmem:$0x15280] =	vst v8  }
.LBB2_13:
.Ltmp11:
0x13a: {  	(pc) =	sbr.rel @p0 .LBB2_14-.Ltmp11, $1  }
0x13b: {  	_ =	sdelay $0x3  }
0x13c: {  	s17 =	simm.s32 $0x10000  }
0x13d: {  	p2 =	sne.s32 s13, $0x1;
	v18 =	vld [tilespmem:s17+$0x0]  }
.Ltmp12:
0x13e: {  	s31 =	simm.s32 $0x12080;
	(pc) =	sbr.rel @!p2 .LBB2_16-.Ltmp12, $3  }
0x13f: {  	v12 =	vld [tilespmem:s31+$0x0];
	_ =	sdelay $0x1  }
0x140: {  	v10 =	vmov s15;
	v11 =	vmov s16  }
0x141: {  	v9 =	vimm.f32 $-Inf;
	v8 =	vimm.s32 $0x2000;
	s16 =	sadd.s32 $0xFFFFFFFF, s13;
	s15 =	simm.s32 $0x10010;
	p1 =	por $0x0, $0x0;
	vm1 =	vlt.f32 v18, v10  }
0x142: {  	_ = 	snop  }
0x143: {  	v17 =	vld [tilespmem:s15+$0x0];
	vm2 =	veq.f32 v18, v10;
	s15 =	simm.s32 $0x12090;
	p2 =	sne.s32 s16, $0x1;
	vm3 =	vgt.s32 v12, v11  }
.Ltmp13:
0x144: {  	v13 =	vld [tilespmem:s15+$0x0];
	vm2 =	vmand vm2, vm3;
	(pc) =	sbr.rel @!p2 .LBB2_18-.Ltmp13, $4  }
0x145: {  	vm1 =	vmor vm1, vm2  }
0x146: {  	v15 =	vimm.f32 $-Inf;
	v14 =	vnsel vm1, $0xFF800000, v18  }
0x147: {  	v16 =	vimm.s32 $0x2000;
	vm4 =	vlt.s32 v12, v8;
	vm3 =	veq.f32 v14, v9  }
0x148: {  	s16 =	sadd.s32 $0xFFFFFFFF, s16;
	s17 =	simm.s32 $0x10020;
	p1 =	por $0x1, $0x1;
	vm1 =	vlt.f32 v17, v10;
	vm2 =	vgt.f32 v14, v9;
	vm3 =	vmand vm4, vm3  }
.LBB2_19:
0x149: {  	v18 =	vld [tilespmem:s17+$0x0];
	vm4 =	veq.f32 v17, v10;
	vm5 =	vgt.s32 v13, v11;
	s15 =	sadd.s32 $0x10, s15;
	vm2 =	vmor vm2, vm3;
	p2 =	sne.s32 s16, $0x1  }
.Ltmp14:
0x14a: {  	s16 =	sadd.s32 $0xFFFFFFFF, s16;
	vm3 =	vmand vm4, vm5;
	v15 =	vsel vm2, v14, v15;
	v16 =	vsel vm2, v12, v16;
	v12 =	vmovc v13;
	v13 =	vld [tilespmem:s15+$0x0];
	(pc) =	sbr.rel @p2 .LBB2_19-.Ltmp14, $4  }
0x14b: {  	vm1 =	vmor vm1, vm3  }
0x14c: {  	v14 =	vnsel vm1, $0xFF800000, v17  }
0x14d: {  	vm4 =	vlt.s32 v12, v16;
	vm3 =	veq.f32 v14, v15  }
0x14e: {  	s17 =	sadd.s32 $0x10, s17;
	vm2 =	vgt.f32 v14, v15;
	vm1 =	vlt.f32 v18, v10;
	vm3 =	vmand vm4, vm3;
	v17 =	vmovc v18  }
0x14f: {  	v18 =	vmov v17  }
.LBB2_21:
0x150: {  	vm4 =	veq.f32 v18, v10;
	vm5 =	vgt.s32 v13, v11  }
0x151: {  	vm2 =	vmor @p1 vm2, vm3;
	vm3 =	vmand vm4, vm5  }
0x152: {  	v10 =	vsel @p1 vm2, v14, v15;
	v11 =	vsel @p1 vm2, v12, v16;
	vm1 =	vmor vm1, vm3  }
0x153: {  	v9 =	vpsel p1, v10, v9;
	v8 =	vpsel p1, v11, v8;
	v63 =	vnsel vm1, $0xFF800000, v18  }
.Ltmp15:
0x154: {  	vm2 =	vlt.s32 v13, v8;
	vm1 =	veq.f32 v63, v9;
	(pc) =	sbr.rel .LBB2_22-.Ltmp15, $4  }
0x155: {  	vm3 =	vgt.f32 v63, v9;
	vm1 =	vmand vm2, vm1  }
0x156: {  	vm1 =	vmor vm3, vm1  }
0x157: {  	v8 =	vsel vm1, v13, v8  }
0x158: {  	v9 =	vsel vm1, v63, v9;
	v8 =	vxor.u32 $0x80000000, v8  }
.LBB2_16:
.Ltmp16:
0x159: {  	(pc) =	sbr.rel .LBB2_21-.Ltmp16, $2  }
0x15a: {  	_ =	sdelay $0x2  }
0x15b: {  	v15 =	vimm.f32 $-Inf;
	v16 =	vimm.s32 $0x2000;
	v13 =	vmov v12  }
.LBB2_18:
.Ltmp17:
0x15c: {  	(pc) =	sbr.rel .LBB2_21-.Ltmp17, $2  }
0x15d: {  	_ =	sdelay $0x2  }
0x15e: {  	v18 =	vmov v17;
	v15 =	vimm.f32 $-Inf;
	v16 =	vimm.s32 $0x2000  }
.LBB2_25:
0x15f: {  	_ =	sfence.sel $0x180000  }
0x160: {  	[bflag:$0x0] =	sbarrier.arrive $0xFFFF  }
0x161: {  	p0 =	sne.s32 s1, $0x0;
	_ =	strace $0x9000004A  }
0x162: {  	s0 =	sadd.s32 @!p0 $0x100000, s0;
	[bflag:$0x2] =	sbarrier.arrive $0xFFFF  }
0x163: {  	[sflag:s0] =	ssyncadd.tile.s32 @!p0 $0x1;
	_ =	shalt  }
.Lfunc_end2:
_tile_overlayer_lowered:
.L_overlay_start_2:
0x164: {  	(tag) =	ssettag $0x2  }
0x165: {  	s0 =	rddreg [dreg:$0x0];
	s2 =	stileid.u32  }
0x166: {  	s1 =	rddreg [dreg:$0x1];
	p0 =	sne.s32 s2, $0x0  }
0x167: {  	s3 =	rddreg [dreg:$0x2];
	[bflag:$0x3] =	sbarrier.arrive $0xFFFF;
	s2 =	simm.s32 @!p0 $0x1C01  }
0x168: {  	[timem:s3], [sflag:s2] =	dma.local @!p0 [hbm:s0], s1  }
0x169: {  	s0 =	simm.s32 @!p0 $0x1  }
0x16a: {  	_ =	swait.ge @!p0 [sflag:s0], s1  }
0x16b: {  	s1 =	ssub.s32 @!p0 $0x0, s1;
	[sflag:s0] =	ssyncset.done @!p0 $0x0  }
0x16c: {  	[sflag:s0] =	ssyncadd.s32 @!p0 s1  }
0x16d: {  	[bflag:$0x3] =	sbarrier.arrive $0xFFFF  }
0x16e: {  	_ =	shalt  }

// kernel: kernel.19.cloned.1.call-start
scs
__scs_entry_jumppad:
0x0: {  	(pc) =	sbr.rel $0x88, $3  }
0x1: {  	(tag) =	ssettag $0x0;
	lr =	simm.s32 $0x1  }
0x2: {  	[smem:$0x3F9D] =	sst lr;
	_ =	strace $0xD0000000  }
0x3: {  	_ = 	snop  }
0x4: {  	_ = 	snop  }
0x5: {  	_ = 	snop  }
0x6: {  	_ = 	snop  }
0x7: {  	_ = 	snop  }
__scs_overlays_trampoline_lowered:
0x8: {  	[smem:$0x3FAC] =	sst s0  }
0x9: {  	[smem:$0x3FAD] =	sst s1  }
0xa: {  	[smem:$0x3FAE] =	sst s2  }
0xb: {  	[smem:$0x3FAF] =	sst s3  }
0xc: {  	[smem:$0x3FB0] =	sst s4  }
0xd: {  	[smem:$0x3FB1] =	sst s5  }
0xe: {  	[smem:$0x3FB2] =	sst s6  }
0xf: {  	[smem:$0x3FB3] =	sst s7  }
0x10: {  	[smem:$0x3FB4] =	sst s8  }
0x11: {  	[smem:$0x3FB5] =	sst s9;
	s0 =	simm.s32 @!p0 $0x0  }
0x12: {  	s1 =	sld [smem:$0x3F9B];
	s0 =	simm.s32 @p0 $0x1  }
0x13: {  	[smem:$0x3FB6] =	sst s0;
	s0 =	simm.s32 @!p1 $0x0  }
0x14: {  	s2 =	sld [smem:$0x3F9A];
	s0 =	simm.s32 @p1 $0x1  }
0x15: {  	[smem:$0x3FB7] =	sst s0;
	s0 =	simm.s32 @!p2 $0x0  }
0x16: {  	s3 =	sld [smem:$0x3FDB];
	s0 =	simm.s32 @p2 $0x1  }
0x17: {  	s4 =	simm.s32 $0x1BF5;
	[smem:$0x3FB9] =	sst s0  }
0x18: {  	s0 =	sld [smem:$0x3F9C];
	_ =	swait.ge [sflag:s4], $0x0  }
0x19: {  	s7 =	sld [smem:$0x3F9D]  }
0x1a: {  	s8 =	sadd.s32 $0xFFFFE003, lr  }
0x1b: {  	s9 =	sadd.s32 $0xFFFFFEF7, lr;
	s5 =	simm.s32 $0xFFFFFFFF;
	p2 =	slt.u32 s8, $0xFFFFF086  }
0x1c: {  	p1 =	slt.u32 s9, $0xF7A;
	s5 =	simm.s32 @!p2 $0x0  }
0x1d: {  	s5 =	simm.s32 @p1 $0x1;
	p0 =	seq.s32 s7, s2  }
0x1e: {  	s7 =	smul.u32 @!p0 $0xF7A, s2;
	p2 =	seq.s32 @!p0 s5, $0x0  }
0x1f: {  	s9 =	smul.u32 $0xF7A, s1;
	s8 =	simm.s32 @!p0 $0x1BF5;
	p2 =	por !p2, p0  }
0x20: {  	[sflag:s8] =	ssyncset.s32 @!p0 $0xFFFFF086;
	s6 =	sadd.s32 @!p0 s3, s7;
	s7 =	simm.s32 @!p0 $0x108  }
0x21: {  	s3 =	sadd.s32 s3, s9;
	s6 =	sadd.s32 @!p0 $0x88, s6;
	s7 =	simm.s32 @p2 $0x1082  }
0x22: {  	[simem:s7], [sflag:s8] =	dma.local @!p0 [hbm:s6], $0xF7A  }
0x23: {  	s9 =	sor.u32 $0xD0000000, s2;
	s6 =	simm.s32 $0x108;
	_ =	swait.ge @!p0 [sflag:s8], $0x0  }
0x24: {  	s3 =	sadd.s32 $0x88, s3;
	s6 =	simm.s32 @!p1 $0x1082;
	[sflag:s4] =	ssyncset.s32 $0xFFFFF086  }
0x25: {  	[simem:s6], [sflag:s4] =	dma.local [hbm:s3], $0xF7A  }
0x26: {  	[smem:$0x3F9D] =	sst s1;
	(tag) =	ssettag s2;
	_ =	strace s9  }
0x27: {  	s1 =	sld [smem:$0x3FAD]  }
0x28: {  	s2 =	sld [smem:$0x3FAE]  }
0x29: {  	s4 =	sld [smem:$0x3FB0]  }
0x2a: {  	p0 =	seq.s32 s5, $0x0;
	s5 =	sld [smem:$0x3FB1]  }
0x2b: {  	s6 =	sld [smem:$0x3FB2]  }
0x2c: {  	s7 =	sld [smem:$0x3FB3]  }
0x2d: {  	s3 =	simm.s32 $0x108;
	s8 =	sld [smem:$0x3FB4]  }
0x2e: {  	s3 =	simm.s32 @!p0 $0x1082;
	s9 =	sld [smem:$0x3FB5]  }
0x2f: {  	lr =	sadd.s32 s0, s3;
	s0 =	sld [smem:$0x3FAC]  }
0x30: {  	s3 =	sld [smem:$0x3FAF]  }
0x31: {  	[smem:$0x3FB8] =	sst s10  }
0x32: {  	s10 =	sld [smem:$0x3FB6];
	_ =	sdelay $0x3  }
0x33: {  	p0 =	seq.s32 s10, $0x1;
	s10 =	sld [smem:$0x3FB8];
	_ =	sdelay $0x3  }
0x34: {  	[smem:$0x3FB8] =	sst s10  }
0x35: {  	s10 =	sld [smem:$0x3FB7];
	_ =	sdelay $0x3  }
0x36: {  	p1 =	seq.s32 s10, $0x1;
	s10 =	sld [smem:$0x3FB8];
	_ =	sdelay $0x3  }
0x37: {  	[smem:$0x3FB8] =	sst s10  }
0x38: {  	s10 =	sld [smem:$0x3FB9]  }
0x39: {  	_ = 	snop;
	(pc) =	sbr.ind lr, $3  }
0x3a: {  	_ = 	snop  }
0x3b: {  	_ = 	snop  }
0x3c: {  	p2 =	seq.s32 s10, $0x1;
	s10 =	sld [smem:$0x3FB8]  }
0x3d: {  	_ =	shalt  }
0x3e: {  	_ =	shalt  }
0x3f: {  	_ =	shalt  }
0x40: {  	_ =	shalt  }
0x41: {  	_ =	shalt  }
0x42: {  	_ =	shalt  }
0x43: {  	_ =	shalt  }
0x44: {  	_ =	shalt  }
0x45: {  	_ =	shalt  }
0x46: {  	_ =	shalt  }
0x47: {  	_ =	shalt  }
0x48: {  	_ =	shalt  }
0x49: {  	_ =	shalt  }
0x4a: {  	_ =	shalt  }
0x4b: {  	_ =	shalt  }
0x4c: {  	_ =	shalt  }
0x4d: {  	_ =	shalt  }
0x4e: {  	_ =	shalt  }
0x4f: {  	_ =	shalt  }
0x50: {  	_ =	shalt  }
0x51: {  	_ =	shalt  }
0x52: {  	_ =	shalt  }
0x53: {  	_ =	shalt  }
0x54: {  	_ =	shalt  }
0x55: {  	_ =	shalt  }
0x56: {  	_ =	shalt  }
0x57: {  	_ =	shalt  }
0x58: {  	_ =	shalt  }
0x59: {  	_ =	shalt  }
0x5a: {  	_ =	shalt  }
0x5b: {  	_ =	shalt  }
0x5c: {  	_ =	shalt  }
0x5d: {  	_ =	shalt  }
0x5e: {  	_ =	shalt  }
0x5f: {  	_ =	shalt  }
0x60: {  	_ =	shalt  }
0x61: {  	_ =	shalt  }
0x62: {  	_ =	shalt  }
0x63: {  	_ =	shalt  }
0x64: {  	_ =	shalt  }
0x65: {  	_ =	shalt  }
0x66: {  	_ =	shalt  }
0x67: {  	_ =	shalt  }
0x68: {  	_ =	shalt  }
0x69: {  	_ =	shalt  }
0x6a: {  	_ =	shalt  }
0x6b: {  	_ =	shalt  }
0x6c: {  	_ =	shalt  }
0x6d: {  	_ =	shalt  }
0x6e: {  	_ =	shalt  }
0x6f: {  	_ =	shalt  }
0x70: {  	_ =	shalt  }
0x71: {  	_ =	shalt  }
0x72: {  	_ =	shalt  }
0x73: {  	_ =	shalt  }
0x74: {  	_ =	shalt  }
0x75: {  	_ =	shalt  }
0x76: {  	_ =	shalt  }
0x77: {  	_ =	shalt  }
0x78: {  	_ =	shalt  }
0x79: {  	_ =	shalt  }
0x7a: {  	_ =	shalt  }
0x7b: {  	_ =	shalt  }
0x7c: {  	_ =	shalt  }
0x7d: {  	_ =	shalt  }
0x7e: {  	_ =	shalt  }
0x7f: {  	_ =	shalt  }
0x80: {  	_ =	shalt  }
0x81: {  	_ =	shalt  }
0x82: {  	_ =	shalt  }
0x83: {  	_ =	shalt  }
0x84: {  	_ =	shalt  }
0x85: {  	_ =	shalt  }
0x86: {  	_ =	shalt  }
0x87: {  	_ =	shalt  }
.Lfunc_end0:
.L_simem_size_0:
called_computation.3_lowered:
.L_overlay_start_0:
0x88: {  	s2 =	sld [smem:$0x3FD9]  }
0x89: {  	s3 =	sld [smem:$0x3FFE];
	_ =	sdelay $0x1  }
0x8a: {  	s1 =	srdreg.scid  }
0x8b: {  	s0 =	sand.u32 $0x1, s1  }
0x8c: {  	s16 =	sshll.u32 s0, $0xA;
	s2 =	sadd.s32 s3, s2  }
0x8d: {  	s2 =	sadd.s32 s2, s16  }
0x8e: {  	[smem:$0x3FC4] =	sst s2  }
0x8f: {  	_ = 	snop  }
0x90: {  	(tm) =	ssettm $0x1  }
0x91: {  	s17 =	sld [smem:$0x3FFB];
	_ =	sdelay $0x3  }
0x92: {  	_ =	strace s17  }
0x93: {  	s2 =	sld [smem:$0x3FFC];
	_ =	sdelay $0x3  }
0x94: {  	_ =	strace s2  }
0x95: {  	s2 =	sld [smem:$0x3FFD];
	_ =	sdelay $0x3  }
0x96: {  	_ =	strace s2  }
0x97: {  	_ =	strace $0x8FFFFFFF  }
0x98: {  	s18 =	sld [smem:$0x3FDB];
	_ =	sdelay $0x1  }
0x99: {  	s19 =	simm.s32 $_scs_section_size  }
0x9a: {  	s4 =	simm.s32 $_size__tile_overlayer_lowered;
	s5 =	simm.s32 $_tile_overlayer_lowered  }
0x9b: {  	s22 =	simm.s32 $0x1BFF;
	s21 =	sshll.u32 s5, $0x1;
	s2 =	sadd.s32 s19, s18  }
0x9c: {  	s6 =	simm.s32 $0x0;
	s20 =	sshll.u32 s4, $0x1;
	s4 =	sadd.s32 s21, s2  }
0x9d: {  	[timem:s6], [sflag:s22] =	dma.local [hbm:s4], s20  }
0x9e: {  	_ =	swait.ge [sflag:s22], s20  }
0x9f: {  	s3 =	ssub.s32 $0x0, s20;
	[sflag:s22] =	ssyncset.done $0x0  }
0xa0: {  	[sflag:s22] =	ssyncadd.s32 s3;
	_ =	sdelay $0x1  }
0xa1: {  	s23 =	simm.s32 $0x1B8B  }
0xa2: {  	_ =	swait.ge [sflag:s23], $0x1  }
0xa3: {  	[sflag:s23] =	ssyncset.done $0x0  }
0xa4: {  	s25 =	simm.s32 $0x1B8E;
	s24 =	sld [smem:$0x3FFE];
	[sflag:s23] =	ssyncadd.s32 $0xFFFFFFFF  }
0xa5: {  	s26 =	simm.s32 $execute0_lowered;
	[smem:$0x3FD2] =	sst s25  }
0xa6: {  	s4 =	sshll.u32 s26, $0x1;
	_ =	strace $0x80000046;
	[dreg:$0x1] =	wrdreg $0xFFFFFFFF  }
0xa7: {  	s28 =	simm.s32 $_size_execute0_lowered;
	s2 =	sadd.s32 s2, s4;
	[dreg:$0x0] =	wrdreg $0x0  }
0xa8: {  	s4 =	sshll.u32 s28, $0x1;
	[dreg:$0x2] =	wrdreg s2  }
0xa9: {  	[dreg:$0x3] =	wrdreg s4  }
0xaa: {  	[dreg:$0x4] =	wrdreg $0xC0  }
0xab: {  	_ =	task [dreg:s6], $0x5FFFF  }
0xac: {  	[dreg:$0x1] =	wrdreg $0xFFFFFFFF  }
0xad: {  	[dreg:$0x0] =	wrdreg $0x60  }
0xae: {  	[dreg:$0x2] =	wrdreg s24  }
0xaf: {  	[dreg:$0x3] =	wrdreg $0xC  }
0xb0: {  	_ =	task.clear_ibuf [dreg:s6], $0x4FFFF;
	_ =	strace $0x90000046  }
0xb1: {  	s29 =	simm.s32 $0xC;
	_ =	strace $0x80000048  }
0xb2: {  	_ =	swait.ge [sflag:s29], $0x1  }
0xb3: {  	[sflag:s29] =	ssyncadd.s32 $0xFFFFFFFF  }
0xb4: {  	_ =	strace $0x90000048  }
0xb5: {  	_ =	sfence  }
0xb6: {  	s30 =	sld [smem:$0x0];
	_ =	sdelay $0x2  }
0xb7: {  	s31 =	sshll.u32 s1, $0xD;
	s1 =	sshrl.u32 s1, $0x2  }
0xb8: {  	s3 =	sand.u32 $0x4000, s31;
	s1 =	sadd.s32 s1, s30  }
0xb9: {  	s0 =	sor.u32 s3, s0;
	s1 =	sshll.u32 s1, $0x11  }
0xba: {  	s0 =	sor.u32 s1, s0  }
0xbb: {  	s0 =	sadd.s32 $0x8F2B, s0  }
0xbc: {  	[sflag:s0] =	ssyncadd.remote.s32 $0x1  }
0xbd: {  	_ =	sfence.sel $0xFFFF  }
0xbe: {  	[dreg:$0x0] =	wrdreg $0xFFFFFFFF;
	(pc) =	sbr.abs _section_cstart, $3  }
0xbf: {  	[dreg:$0x1] =	wrdreg $0xFFFFFFFF  }
0xc0: {  	_ =	task.clear_ibuf [dreg:s6], $0x2FFFF;
	_ =	strace $0x9FFFFFFF  }
0xc1: {  	(tm) =	ssettm $0x7FFFFFFF  }
tec
execute0_lowered:
.L_overlay_start_1:
0x0: {  	(tag) =	ssettag $0x1  }
0x1: {  	s4 =	rddreg [dreg:$0x0]  }
0x2: {  	s0 =	rddreg [dreg:$0x1]  }
0x3: {  	s3 =	srdreg.scid;
	s1 =	stileid.u32  }
0x4: {  	s2 =	simm.s32 $0x0;
	s9 =	simm.s32 $0x15280;
	s10 =	simm.s32 $0x15200  }
0x5: {  	s11 =	simm.s32 $0x0;
	s3 =	sand.u32 $0x1, s3;
	s5 =	sshll.u32 s1, $0x1  }
.Ltmp0:
0x6: {  	[smem:$0x7FF] =	sst s2;
	s6 =	sor.u32 s3, s5;
	(pc) =	sbr.rel .LBB2_1-.Ltmp0, $4  }
0x7: {  	v0 =	vlaneseq.u32;
	_ =	strace $0x80000047;
	s7 =	ssub.s32 $0x2, s3;
	s3 =	sadd.s32 $0x82200, s4  }
0x8: {  	v1 =	vimm.s32 $0x0;
	v3 =	vimm.s32 $0x1;
	v4 =	vmul.u32 $0xFFFFFFFF, v0;
	s5 =	sshll.u32 s6, $0xE;
	s8 =	sshrl.u32 s7, $0x1;
	s6 =	sshll.u32 s6, $0x8  }
0x9: {  	vm0 =	vmxor vm0, vm0;
	v5 =	vimm.s32 $0xFFFFFFFF;
	v6 =	vimm.f32 $-Inf;
	s5 =	sadd.s32 s5, s4;
	s4 =	sadd.s32 $0x84200, s4;
	s7 =	ssub.s32 s7, s8  }
0xa: {  	v7 =	vimm.s32 $0x2000;
	v2 =	vmul.u32 $0x100, v0;
	v4 =	vadd.s32 $0xF, v4;
	s8 =	simm.s32 $0x1;
	s5 =	sadd.s32 $0x2200, s5;
	s7 =	smax.u32 s7, $0x1  }
.LBB2_24:
0xb: {  	s11 =	sadd.s32 $0x1, s11  }
0xc: {  	p0 =	sne.s32 s11, s7  }
.Ltmp1:
0xd: {  	_ = 	snop;
	(pc) =	sbr.rel @!p0 .LBB2_25-.Ltmp1, $1  }
0xe: {  	_ =	sdelay $0x3  }
.LBB2_1:
.Ltmp2:
0xf: {  	(pc) =	sbr.rel .LBB2_2-.Ltmp2, $2  }
0x10: {  	_ =	sdelay $0x2  }
0x11: {  	s12 =	simm.s32 $0x0  }
.LBB2_23:
0x12: {  	s13 =	sshll.u32 s12, $0x4  }
0x13: {  	s13 =	sadd.s32 s6, s13  }
0x14: {  	s14 =	sadd.s32 s3, s13  }
0x15: {  	[hbm4b:s14+s2] =	stream.linear.scatter [tilespmem:s9], [sflag:$0x1], $0x80, $0x38;
	[tilespmem:$0x15300] =	vst v63  }
0x16: {  	s12 =	sadd.s32 $0x1, s12;
	_ =	swait.ge [sflag:s8], $0x80  }
0x17: {  	p0 =	sne.s32 s12, $0x10;
	[sflag:s8] =	ssyncset.done $0x0  }
.Ltmp3:
0x18: {  	s13 =	sadd.s32 s4, s13;
	[sflag:s8] =	ssyncadd.s32 $0xFFFFFF80;
	(pc) =	sbr.rel @!p0 .LBB2_24-.Ltmp3, $4  }
0x19: {  	[hbm4b:s13+s2] =	stream.linear.scatter [tilespmem:s10], [sflag:$0x1], $0x80, $0x38;
	[tilespmem:$0x15300] =	vst v63  }
0x1a: {  	_ =	swait.ge [sflag:s8], $0x80  }
0x1b: {  	[sflag:s8] =	ssyncset.done $0x0  }
0x1c: {  	[sflag:s8] =	ssyncadd.s32 $0xFFFFFF80  }
.LBB2_2:
0x1d: {  	s13 =	sand.u32 $0x7, s12  }
0x1e: {  	p0 =	seq.s32 s13, $0x0  }
0x1f: {  	s13 =	sshll.u32 @p0 s12, $0xA  }
0x20: {  	s14 =	simm.s32 @p0 $0x0;
	s13 =	sadd.s32 @p0 s13, s5  }
0x21: {  	[tilespmem:s14], [sflag:$0x1] =	stream.linear.gather @p0 [hbm4b:s13+s14], $0x10000, $0x38;
	[tilespmem:$0x15300] =	vst v63  }
0x22: {  	s13 =	simm.s32 @p0 $0x1  }
0x23: {  	_ =	swait.ge @p0 [sflag:s13], $0x10000  }
0x24: {  	[sflag:s13] =	ssyncset.done @p0 $0x0  }
0x25: {  	s14 =	simm.s32 $0x100;
	[sflag:s13] =	ssyncadd.s32 @p0 $0xFFFF0000;
	s13 =	simm.s32 $0x0  }
.LBB2_3:
0x26: {  	p0 =	seq.s32 s14, $0x3F00;
	[tilespmem:s13+$0x14130] =	vst v1;
	s15 =	smov.u32 s14;
	s14 =	sadd.s32 $0x100, s14  }
.Ltmp4:
0x27: {  	[tilespmem:s13+$0x14120] =	vst v1;
	(pc) =	sbr.rel @!p0 .LBB2_3-.Ltmp4, $3  }
0x28: {  	[tilespmem:s13+$0x14100] =	vst v1  }
0x29: {  	[tilespmem:s13+$0x14110] =	vst v1;
	_ =	sdelay $0x1  }
0x2a: {  	s13 =	sshra.s32 s15, $0x2  }
0x2b: {  	s31 =	sshll.u32 s12, $0x7  }
0x2c: {  	[tilespmem:s13+$0x14130] =	vst v1;
	s14 =	sand.u32 $0x380, s31  }
0x2d: {  	[tilespmem:s13+$0x14120] =	vst v1;
	v8 =	vmov s14  }
0x2e: {  	[tilespmem:s13+$0x14100] =	vst v1  }
0x2f: {  	[tilespmem:s13+$0x14110] =	vst v1;
	s13 =	simm.s32 $0x0;
	s15 =	simm.s32 $0x0;
	s14 =	simm.s32 $0x0  }
.LBB2_5:
0x30: {  	s16 =	sand.u32 $0x40, s15;
	s17 =	sand.u32 $0xFC00, s14  }
0x31: {  	s17 =	sor.u32 s16, s17  }
0x32: {  	v9 =	vld.idx.msk [tilespmem:v8+s17+$0x0 ss:$0x1], $0xffff;
	_ =	sdelay $0x4  }
0x33: {  	vm1 =	vlt.f32 v9, $0.0e+00;
	v10 =	vxor.u32 $0xFFFFFFFF, v9;
	v9 =	vxor.u32 $0x80000000, v9  }
0x34: {  	v9 =	vsel vm1, v10, v9  }
0x35: {  	v9 =	vshrl.u32 v9, $0x18  }
0x36: {  	v10 =	vand.u32 $0x80, v9  }
0x37: {  	v9 =	vand.u32 $0x7F, v9;
	v10 =	vor.u32 v2, v10  }
0x38: {  	v9 =	vor.u32 v9, v10;
	_ =	sdelay $0x3  }
0x39: {  	s16 =	simm.s32 $0x14100  }
0x3a: {  	[tilespmem:v9+s16+$0x0] =	vst.idx.add.s32.msk $0xffff, v3  }
0x3b: {  	v9 =	vld.idx.msk [tilespmem:v8+s17+$0x10 ss:$0x1], $0xffff;
	_ =	sdelay $0x4  }
0x3c: {  	vm1 =	vlt.f32 v9, $0.0e+00;
	v10 =	vxor.u32 $0xFFFFFFFF, v9;
	v9 =	vxor.u32 $0x80000000, v9  }
0x3d: {  	v9 =	vsel vm1, v10, v9  }
0x3e: {  	v9 =	vshrl.u32 v9, $0x18  }
0x3f: {  	v10 =	vand.u32 $0x80, v9  }
0x40: {  	v9 =	vand.u32 $0x7F, v9;
	v10 =	vor.u32 v2, v10  }
0x41: {  	v9 =	vor.u32 v9, v10;
	_ =	sdelay $0x4  }
0x42: {  	[tilespmem:v9+s16+$0x0] =	vst.idx.add.s32.msk $0xffff, v3  }
0x43: {  	v9 =	vld.idx.msk [tilespmem:v8+s17+$0x20 ss:$0x1], $0xffff;
	_ =	sdelay $0x4  }
0x44: {  	vm1 =	vlt.f32 v9, $0.0e+00;
	v10 =	vxor.u32 $0xFFFFFFFF, v9;
	v9 =	vxor.u32 $0x80000000, v9  }
0x45: {  	v9 =	vsel vm1, v10, v9  }
0x46: {  	v9 =	vshrl.u32 v9, $0x18  }
0x47: {  	v10 =	vand.u32 $0x80, v9  }
0x48: {  	v9 =	vand.u32 $0x7F, v9;
	v10 =	vor.u32 v2, v10  }
0x49: {  	v9 =	vor.u32 v9, v10;
	_ =	sdelay $0x4  }
0x4a: {  	[tilespmem:v9+s16+$0x0] =	vst.idx.add.s32.msk $0xffff, v3  }
0x4b: {  	v9 =	vld.idx.msk [tilespmem:v8+s17+$0x30 ss:$0x1], $0xffff;
	_ =	sdelay $0x4  }
0x4c: {  	vm1 =	vlt.f32 v9, $0.0e+00;
	v10 =	vxor.u32 $0xFFFFFFFF, v9;
	v9 =	vxor.u32 $0x80000000, v9  }
0x4d: {  	v9 =	vsel vm1, v10, v9  }
0x4e: {  	v9 =	vshrl.u32 v9, $0x18  }
0x4f: {  	v10 =	vand.u32 $0x80, v9  }
0x50: {  	v9 =	vand.u32 $0x7F, v9;
	v10 =	vor.u32 v2, v10  }
0x51: {  	p0 =	sne.s32 s15, $0x1FC0;
	v9 =	vor.u32 v9, v10  }
.Ltmp5:
0x52: {  	_ = 	snop;
	(pc) =	sbr.rel @p0 .LBB2_5-.Ltmp5, $2  }
0x53: {  	_ =	sdelay $0x2  }
0x54: {  	s14 =	sadd.s32 $0x200, s14;
	s15 =	sadd.s32 $0x40, s15;
	[tilespmem:v9+s16+$0x0] =	vst.idx.add.s32.msk $0xffff, v3  }
0x55: {  	s13 =	sand.u32 $0xF0, s13;
	v10 =	vld [tilespmem:s16+$0x0]  }
0x56: {  	v9 =	vld [tilespmem:s13+$0x14200]  }
0x57: {  	v11 =	vld [tilespmem:s13+$0x14300]  }
0x58: {  	v12 =	vld [tilespmem:s13+$0x14400]  }
0x59: {  	v13 =	vld [tilespmem:s13+$0x14500]  }
0x5a: {  	v14 =	vld [tilespmem:s13+$0x14600]  }
0x5b: {  	v9 =	vadd.s32 v10, v9;
	v10 =	vld [tilespmem:s13+$0x14700]  }
0x5c: {  	v9 =	vadd.s32 v11, v9;
	v11 =	vld [tilespmem:s13+$0x14800]  }
0x5d: {  	v58 =	vld [tilespmem:s13+$0x14900];
	v9 =	vadd.s32 v12, v9  }
0x5e: {  	v59 =	vld [tilespmem:s13+$0x14A00];
	v9 =	vadd.s32 v13, v9  }
0x5f: {  	v60 =	vld [tilespmem:s13+$0x14B00];
	v9 =	vadd.s32 v14, v9  }
0x60: {  	v9 =	vadd.s32 v10, v9;
	v10 =	vld [tilespmem:s13+$0x14C00]  }
0x61: {  	v9 =	vadd.s32 v11, v9;
	v11 =	vld [tilespmem:s13+$0x14D00]  }
0x62: {  	v61 =	vld [tilespmem:s13+$0x14E00];
	v9 =	vadd.s32 v58, v9  }
0x63: {  	v62 =	vld [tilespmem:s13+$0x14F00];
	v9 =	vadd.s32 v59, v9  }
0x64: {  	v63 =	vld [tilespmem:s13+$0x15000];
	v9 =	vadd.s32 v60, v9  }
0x65: {  	v9 =	vadd.s32 v10, v9  }
0x66: {  	v9 =	vadd.s32 v11, v9  }
0x67: {  	v9 =	vadd.s32 v61, v9  }
0x68: {  	v9 =	vadd.s32 v62, v9  }
0x69: {  	s14 =	simm.s32 $0x10;
	s13 =	simm.s32 $0x15100;
	v9 =	vadd.s32 v63, v9  }
0x6a: {  	s14 =	sand.u32 $0xF0, s14;
	[tilespmem:s13+$0x0] =	vst v9  }
0x6b: {  	s16 =	simm.s32 $0x20;
	s15 =	simm.s32 $0x14110;
	v9 =	vld [tilespmem:s14+$0x14200]  }
.LBB2_7:
0x6c: {  	p0 =	sne.s32 s16, $0xF0;
	v10 =	vld [tilespmem:s15+$0x0]  }
0x6d: {  	v11 =	vld [tilespmem:s14+$0x14300]  }
0x6e: {  	v12 =	vld [tilespmem:s14+$0x14400]  }
0x6f: {  	v13 =	vld [tilespmem:s14+$0x14500]  }
0x70: {  	v14 =	vld [tilespmem:s14+$0x14600]  }
0x71: {  	v9 =	vadd.s32 v10, v9;
	v10 =	vld [tilespmem:s14+$0x14700]  }
0x72: {  	v9 =	vadd.s32 v11, v9;
	v11 =	vld [tilespmem:s14+$0x14800]  }
0x73: {  	v9 =	vadd.s32 v12, v9;
	v12 =	vld [tilespmem:s14+$0x14900]  }
0x74: {  	v9 =	vadd.s32 v13, v9;
	v13 =	vld [tilespmem:s14+$0x14A00]  }
0x75: {  	v9 =	vadd.s32 v14, v9;
	v14 =	vld [tilespmem:s14+$0x14B00]  }
0x76: {  	v9 =	vadd.s32 v10, v9;
	v10 =	vld [tilespmem:s14+$0x14C00]  }
0x77: {  	v9 =	vadd.s32 v11, v9;
	v11 =	vld [tilespmem:s14+$0x14D00]  }
0x78: {  	v9 =	vadd.s32 v12, v9;
	v12 =	vld [tilespmem:s14+$0x14E00]  }
0x79: {  	v9 =	vadd.s32 v13, v9;
	v13 =	vld [tilespmem:s14+$0x14F00]  }
0x7a: {  	v9 =	vadd.s32 v14, v9;
	v14 =	vld [tilespmem:s14+$0x15000]  }
0x7b: {  	v9 =	vadd.s32 v10, v9  }
0x7c: {  	v9 =	vadd.s32 v11, v9  }
.Ltmp6:
0x7d: {  	v9 =	vadd.s32 v12, v9;
	(pc) =	sbr.rel @p0 .LBB2_7-.Ltmp6, $4  }
0x7e: {  	v9 =	vadd.s32 v13, v9  }
0x7f: {  	s13 =	sadd.s32 $0x10, s13;
	v9 =	vadd.s32 v14, v9  }
0x80: {  	s14 =	sand.u32 $0xF0, s16;
	[tilespmem:s13+$0x0] =	vst v9  }
0x81: {  	s15 =	sadd.s32 $0x10, s15;
	s16 =	sadd.s32 $0x10, s16;
	v9 =	vld [tilespmem:s14+$0x14200]  }
0x82: {  	v10 =	vld [tilespmem:s15+$0x0]  }
0x83: {  	v11 =	vld [tilespmem:s14+$0x14300]  }
0x84: {  	v12 =	vld [tilespmem:s14+$0x14400]  }
0x85: {  	v13 =	vld [tilespmem:s14+$0x14500]  }
0x86: {  	v14 =	vld [tilespmem:s14+$0x14600]  }
0x87: {  	v9 =	vadd.s32 v10, v9;
	v10 =	vld [tilespmem:s14+$0x14700]  }
0x88: {  	v9 =	vadd.s32 v11, v9;
	v11 =	vld [tilespmem:s14+$0x14800]  }
0x89: {  	v9 =	vadd.s32 v12, v9;
	v12 =	vld [tilespmem:s14+$0x14900]  }
0x8a: {  	v9 =	vadd.s32 v13, v9;
	v13 =	vld [tilespmem:s14+$0x14A00]  }
0x8b: {  	v9 =	vadd.s32 v14, v9;
	v14 =	vld [tilespmem:s14+$0x14B00]  }
0x8c: {  	v9 =	vadd.s32 v10, v9;
	v10 =	vld [tilespmem:s14+$0x14C00]  }
0x8d: {  	v9 =	vadd.s32 v11, v9;
	v11 =	vld [tilespmem:s14+$0x14D00]  }
0x8e: {  	v9 =	vadd.s32 v12, v9;
	v12 =	vld [tilespmem:s14+$0x14E00]  }
0x8f: {  	v9 =	vadd.s32 v13, v9;
	v13 =	vld [tilespmem:s14+$0x14F00]  }
0x90: {  	v9 =	vadd.s32 v14, v9;
	v14 =	vld [tilespmem:s14+$0x15000]  }
0x91: {  	v9 =	vadd.s32 v10, v9  }
0x92: {  	v9 =	vadd.s32 v11, v9  }
0x93: {  	v9 =	vadd.s32 v12, v9  }
0x94: {  	v9 =	vadd.s32 v13, v9  }
0x95: {  	s13 =	sadd.s32 $0x10, s13;
	v9 =	vadd.s32 v14, v9  }
0x96: {  	s22 =	simm.s32 $0x151F0;
	[tilespmem:s13+$0x0] =	vst v9  }
0x97: {  	v9 =	vld [tilespmem:s22+$0x0];
	_ =	sdelay $0x4  }
0x98: {  	(xrf0) =	vadd.scan.msk.s32 $0xffff, v9;
	_ =	sdelay $0x2  }
0x99: {  	s23 =	simm.s32 $0x151E0  }
0x9a: {  	v10 =	vld [tilespmem:s23+$0x0];
	_ =	sdelay $0x1  }
0x9b: {  	s24 =	simm.s32 $0x151D0;
	v9 =	vperm.xlane v9, v4;
	v11, _, _ =	vpop (xrf0)  }
0x9c: {  	(v2sf) =	vpush v11, $0xF;
	v11 =	vld [tilespmem:s24+$0x0]  }
0x9d: {  	(xrf0) =	vadd.scan.msk.s32 $0xffff, v9  }
0x9e: {  	v9 =	vperm.xlane v10, v4  }
0x9f: {  	(xrf0) =	vadd.scan.msk.s32 $0xffff, v10  }
0xa0: {  	(xrf0) =	vadd.scan.msk.s32 $0xffff, v9  }
0xa1: {  	(xrf0) =	vadd.scan.msk.s32 $0xffff, v11;
	_ =	sdelay $0x1  }
0xa2: {  	s28 =	simm.s32 $0x0;
	v9 =	vperm.xlane v11, v4;
	v11, _, _ =	vpop (xrf0)  }
0xa3: {  	v11 =	vadd.s32 s28, v11  }
0xa4: {  	s25 =	simm.s32 $0x151C0;
	v13, _, _ =	vpop (xrf0)  }
0xa5: {  	v10 =	vld [tilespmem:s25+$0x0];
	v15, _, _ =	vpop (xrf0);
	(v2sf) =	vpush v13, $0xF  }
0xa6: {  	vm1 =	vgt.s32 v11, $0xF;
	v11, _, _ =	vpop (xrf0)  }
0xa7: {  	(v2sf) =	vpush v11, $0xF  }
0xa8: {  	s26 =	simm.s32 $0xF0;
	s29 =	simm.s32 $0x151B0  }
0xa9: {  	v12 =	vmov s26;
	v14 =	vld [tilespmem:s29+$0x0];
	(xrf0) =	vadd.scan.msk.s32 $0xffff, v9  }
0xaa: {  	v12 =	vadd.s32 $0xF, v12;
	(xrf0) =	vadd.scan.msk.s32 $0xffff, v10;
	v10 =	vperm.xlane v10, v4  }
0xab: {  	v12 =	vbroadcast v12, $0x0;
	v16 =	vmctz.xlane vm1  }
0xac: {  	v13 =	vmpcnt.ones.xlane vm1;
	(xrf0) =	vadd.scan.msk.s32 $0xffff, v10  }
0xad: {  	s30 =	simm.s32 $0xE0;
	v9 =	vimm.s32 $0x0;
	vm1 =	vmneg vm0;
	v12 =	vsub.s32 v12, v16  }
0xae: {  	vm2 =	vgt.s32 v13, $0x0;
	v13 =	vperm.xlane v14, v4;
	v11 =	vmov s30;
	s31 =	spop (v2sf)  }
0xaf: {  	s15 =	simm.s32 $0xD0;
	s17 =	simm.s32 $0xA0;
	vm3 =	vmand vm2, vm1;
	vm1 =	vmor vm0, vm2;
	v11 =	vadd.s32 $0xF, v11;
	v10, _, _ =	vpop (xrf0);
	s16 =	sadd.s32 $0x0, s31  }
0xb0: {  	s18 =	simm.s32 $0x151A0;
	s14 =	simm.s32 $0xC0;
	s13 =	simm.s32 $0xB0;
	(xrf0) =	vadd.scan.msk.s32 $0xffff, v14;
	vm2 =	vmneg vm1;
	v11 =	vbroadcast v11, $0x0;
	v14, _, _ =	vpop (xrf0);
	v15 =	vadd.s32 s16, v15  }
.LBB2_9:
0xb1: {  	v16 =	vld [tilespmem:s18+$0x0];
	p0 =	sne.s32 s17, $0x0;
	(v2sf) =	vpush v14, $0xF;
	vm4 =	vgt.s32 v15, $0xF;
	v9 =	vsel vm3, v12, v9;
	v15 =	vmovc v10;
	s19 =	smov.u32 s17;
	s17 =	sadd.s32 $0xFFFFFFF0, s17  }
.Ltmp7:
0xb2: {  	(xrf0) =	vadd.scan.msk.s32 $0xffff, v13;
	v10, _, _ =	vpop (xrf0);
	v13 =	vmpcnt.ones.xlane vm4;
	v12 =	vmctz.xlane vm4;
	(pc) =	sbr.rel @p0 .LBB2_9-.Ltmp7, $4  }
0xb3: {  	v14 =	vmov s15;
	s15 =	smov.u32 s14;
	s14 =	smov.u32 s13;
	s13 =	smov.u32 s19  }
0xb4: {  	v17 =	vadd.s32 $0xF, v14;
	v12 =	vsub.s32 v11, v12;
	vm4 =	vgt.s32 v13, $0x0;
	s19 =	spop (v2sf)  }
0xb5: {  	v11 =	vbroadcast v17, $0x0;
	vm3 =	vmand vm4, vm2;
	vm1 =	vmor vm1, vm4;
	s16 =	sadd.s32 s16, s19  }
0xb6: {  	s18 =	sadd.s32 $0xFFFFFFF0, s18;
	v13 =	vperm.xlane v16, v4;
	(xrf0) =	vadd.scan.msk.s32 $0xffff, v16;
	v14, _, _ =	vpop (xrf0);
	v15 =	vadd.s32 s16, v15;
	vm2 =	vmneg vm1  }
0xb7: {  	(v2sf) =	vpush v14, $0xF;
	_ =	sdelay $0x5  }
0xb8: {  	vm4 =	vgt.s32 v15, $0xF  }
0xb9: {  	s30 =	spop (v2sf);
	v15 =	vmpcnt.ones.xlane vm4  }
0xba: {  	v16 =	vmov s15;
	v9 =	vsel vm3, v12, v9;
	s15 =	sadd.s32 s16, s30  }
0xbb: {  	v53 =	vmctz.xlane vm4;
	v10 =	vadd.s32 s15, v10;
	vm3 =	vgt.s32 v15, $0x0  }
0xbc: {  	(xrf0) =	vadd.scan.msk.s32 $0xffff, v13;
	vm2 =	vmand vm3, vm2;
	vm1 =	vmor vm1, vm3;
	vm3 =	vgt.s32 v10, $0xF  }
0xbd: {  	v56 =	vmov s14;
	v54 =	vadd.s32 $0xF, v16;
	v10 =	vmpcnt.ones.xlane vm3;
	s31 =	spop (v2sf)  }
0xbe: {  	v61 =	vmov s13;
	v57, _, _ =	vpop (xrf0);
	v12 =	vbroadcast v54, $0x0;
	v11 =	vsub.s32 v11, v53;
	s14 =	sadd.s32 s15, s31  }
0xbf: {  	v9 =	vsel vm2, v11, v9;
	vm2 =	vgt.s32 v10, $0x0;
	v10 =	vadd.s32 s14, v57  }
0xc0: {  	v15 =	vadd.s32 $0xF, v61;
	v55 =	vmctz.xlane vm3;
	v11 =	vadd.s32 $0xF, v56  }
0xc1: {  	v62 =	vbroadcast v15, $0x0;
	vm3 =	vmneg vm1;
	v58, _, _ =	vpop (xrf0);
	v11 =	vbroadcast v11, $0x0;
	s16 =	spop (v2sf)  }
0xc2: {  	v12 =	vsub.s32 v12, v55;
	vm3 =	vmand vm2, vm3;
	vm14 =	vgt.s32 v10, $0xF;
	v10, _, _ =	vpop (xrf0);
	s14 =	sadd.s32 s14, s16  }
0xc3: {  	v59 =	vmpcnt.ones.xlane vm14;
	v60 =	vmctz.xlane vm14;
	v10 =	vadd.s32 s14, v10  }
0xc4: {  	vm1 =	vmor vm1, vm2;
	v9 =	vsel vm3, v12, v9;
	vm3 =	vgt.s32 v10, $0xF  }
0xc5: {  	s17 =	simm.s32 $0x0;
	vm15 =	vgt.s32 v59, $0x0;
	v10 =	vsub.s32 v11, v60;
	v11 =	vmpcnt.ones.xlane vm3  }
0xc6: {  	s18 =	sand.u32 $0x40, s17;
	s19 =	sand.u32 $0xFC00, s17;
	vm2 =	vmneg vm1;
	vm1 =	vmor vm1, vm15;
	v63 =	vmctz.xlane vm3  }
0xc7: {  	vm2 =	vmand vm15, vm2;
	vm1 =	vmneg vm1;
	s14 =	sor.u32 s18, s19;
	vm3 =	vgt.s32 v11, $0x0  }
0xc8: {  	v9 =	vsel vm2, v10, v9;
	v10 =	vsub.s32 v62, v63;
	v11 =	vld.idx.msk [tilespmem:v8+s14+$0x0 ss:$0x1], $0xffff;
	vm1 =	vmand vm3, vm1  }
0xc9: {  	v9 =	vsel vm1, v10, v9  }
0xca: {  	vm1 =	vgt.s32 v9, $0x7F  }
0xcb: {  	v9 =	vshll.u32 v9, $0x18;
	v10 =	vsel vm1, $0x80000000, v5  }
0xcc: {  	v9 =	vxor.u32 v9, v10  }
0xcd: {  	s20 =	simm.s32 $0x10;
	vm1 =	vge.f32 v11, v9  }
0xce: {  	s21 =	sand.u32 $0x50, s20;
	v10 =	vor.u32 s17, v0;
	[tilespmem:s17+$0x10000] =	vst.msk vm1, v11;
	v11 =	vmpcnt.ones.xlane vm1  }
0xcf: {  	s22 =	sor.u32 s21, s19;
	(v2sf) =	vpush v58, $0xF;
	[tilespmem:s17+$0x12080] =	vst.msk vm1, v10  }
0xd0: {  	v10 =	vld.idx.msk [tilespmem:v8+s22+$0x0 ss:$0x1], $0xffff;
	(v2sf) =	vpush v11, $0x0;
	_ =	sdelay $0x4  }
0xd1: {  	vm1 =	vge.f32 v10, v9  }
0xd2: {  	v11 =	vmpcnt.ones.xlane vm1;
	_ =	sdelay $0x1  }
0xd3: {  	(v2sf) =	vpush v11, $0x0;
	_ =	sdelay $0x5  }
0xd4: {  	s23 =	spop (v2sf)  }
0xd5: {  	s13 =	spop (v2sf)  }
0xd6: {  	s24 =	simm.s32 $0x20;
	s13 =	sadd.s32 $0x0, s13  }
0xd7: {  	s25 =	sand.u32 $0x60, s24;
	[tilespmem:s13+$0x10000] =	vst.msk vm1, v10;
	v10 =	vor.u32 s20, v0  }
0xd8: {  	s14 =	sor.u32 s25, s19;
	[tilespmem:s13+$0x12080] =	vst.msk vm1, v10  }
0xd9: {  	v10 =	vld.idx.msk [tilespmem:v8+s14+$0x0 ss:$0x1], $0xffff;
	_ =	sdelay $0x3  }
0xda: {  	s26 =	spop (v2sf)  }
0xdb: {  	s17 =	simm.s32 $0x30;
	s13 =	sadd.s32 s13, s26;
	vm1 =	vge.f32 v10, v9  }
0xdc: {  	s28 =	sand.u32 $0x70, s17;
	[tilespmem:s13+$0x10000] =	vst.msk vm1, v10;
	v10 =	vor.u32 s24, v0  }
0xdd: {  	s14 =	sor.u32 s28, s19;
	v11 =	vmpcnt.ones.xlane vm1;
	[tilespmem:s13+$0x12080] =	vst.msk vm1, v10  }
0xde: {  	v10 =	vld.idx.msk [tilespmem:v8+s14+$0x0 ss:$0x1], $0xffff  }
0xdf: {  	(v2sf) =	vpush v11, $0x0;
	_ =	sdelay $0x3  }
0xe0: {  	vm1 =	vge.f32 v10, v9  }
0xe1: {  	v11 =	vmpcnt.ones.xlane vm1;
	_ =	sdelay $0x1  }
0xe2: {  	(v2sf) =	vpush v11, $0x0;
	_ =	sdelay $0x7  }
0xe3: {  	s29 =	spop (v2sf)  }
0xe4: {  	s15 =	simm.s32 $0x200;
	s14 =	simm.s32 $0x40;
	s19 =	sadd.s32 s13, s29  }
0xe5: {  	s18 =	sand.u32 $0xFC00, s15;
	s30 =	sand.u32 $0x40, s14;
	[tilespmem:s19+$0x10000] =	vst.msk vm1, v10;
	v10 =	vor.u32 s17, v0  }
0xe6: {  	s21 =	sor.u32 s30, s18;
	[tilespmem:s19+$0x12080] =	vst.msk vm1, v10  }
0xe7: {  	v10 =	vld.idx.msk [tilespmem:v8+s21+$0x0 ss:$0x1], $0xffff  }
0xe8: {  	s13 =	simm.s32 $0x70  }
0xe9: {  	s31 =	sand.u32 $0x70, s13  }
0xea: {  	s20 =	simm.s32 $0x80;
	s16 =	sor.u32 s31, s18;
	s21 =	spop (v2sf)  }
.LBB2_11:
0xeb: {  	s22 =	sadd.s32 $0x10, s14  }
0xec: {  	vm1 =	vge.f32 v10, v9;
	s19 =	sadd.s32 s19, s21;
	s21 =	smov.u32 s20;
	s17 =	sadd.s32 $0x40, s20  }
0xed: {  	p0 =	sne.s32 s20, $0x1FC0;
	[tilespmem:s19+$0x10000] =	vst.msk vm1, v10;
	v10 =	vor.u32 s14, v0;
	v11 =	vmpcnt.ones.xlane vm1;
	s20 =	sand.u32 $0x50, s22  }
0xee: {  	[tilespmem:s19+$0x12080] =	vst.msk vm1, v10;
	s20 =	sor.u32 s20, s18  }
0xef: {  	v10 =	vld.idx.msk [tilespmem:v8+s20+$0x0 ss:$0x1], $0xffff;
	(v2sf) =	vpush v11, $0x0;
	_ =	sdelay $0x5  }
0xf0: {  	vm1 =	vge.f32 v10, v9  }
0xf1: {  	v11 =	vmpcnt.ones.xlane vm1;
	_ =	sdelay $0x1  }
0xf2: {  	(v2sf) =	vpush v11, $0x0;
	_ =	sdelay $0x5  }
0xf3: {  	s20 =	spop (v2sf)  }
0xf4: {  	s19 =	sadd.s32 s19, s20;
	s20 =	sadd.s32 $0x20, s14;
	s14 =	smov.u32 s21  }
0xf5: {  	[tilespmem:s19+$0x10000] =	vst.msk vm1, v10;
	v10 =	vor.u32 s22, v0;
	s21 =	sand.u32 $0x60, s20  }
0xf6: {  	[tilespmem:s19+$0x12080] =	vst.msk vm1, v10;
	s18 =	sor.u32 s21, s18  }
0xf7: {  	v10 =	vld.idx.msk [tilespmem:v8+s18+$0x0 ss:$0x1], $0xffff;
	_ =	sdelay $0x4  }
0xf8: {  	s18 =	spop (v2sf)  }
0xf9: {  	vm1 =	vge.f32 v10, v9;
	s18 =	sadd.s32 s19, s18  }
0xfa: {  	v11 =	vmpcnt.ones.xlane vm1;
	[tilespmem:s18+$0x10000] =	vst.msk vm1, v10;
	v10 =	vor.u32 s20, v0  }
0xfb: {  	[tilespmem:s18+$0x12080] =	vst.msk vm1, v10  }
0xfc: {  	v10 =	vld.idx.msk [tilespmem:v8+s16+$0x0 ss:$0x1], $0xffff;
	(v2sf) =	vpush v11, $0x0;
	_ =	sdelay $0x5  }
0xfd: {  	vm1 =	vge.f32 v10, v9  }
0xfe: {  	v11 =	vmpcnt.ones.xlane vm1;
	_ =	sdelay $0x1  }
0xff: {  	(v2sf) =	vpush v11, $0x0;
	_ =	sdelay $0x5  }
0x100: {  	s16 =	spop (v2sf)  }
0x101: {  	s15 =	sadd.s32 $0x200, s15;
	s20 =	sadd.s32 $0x30, s14;
	s19 =	sadd.s32 s18, s16  }
0x102: {  	s21 =	sand.u32 $0x70, s20;
	s16 =	sand.u32 $0x40, s14;
	s18 =	sand.u32 $0xFC00, s15;
	[tilespmem:s19+$0x10000] =	vst.msk vm1, v10;
	v10 =	vor.u32 s13, v0  }
0x103: {  	s22 =	sor.u32 s16, s18;
	s16 =	sor.u32 s21, s18;
	s13 =	smov.u32 s20;
	[tilespmem:s19+$0x12080] =	vst.msk vm1, v10  }
0x104: {  	v10 =	vld.idx.msk [tilespmem:v8+s22+$0x0 ss:$0x1], $0xffff  }
.Ltmp8:
0x105: {  	(pc) =	sbr.rel @p0 .LBB2_11-.Ltmp8, $2  }
0x106: {  	_ =	sdelay $0x2  }
0x107: {  	s20 =	smov.u32 s17;
	s21 =	spop (v2sf)  }
0x108: {  	_ = 	snop  }
0x109: {  	vm1 =	vge.f32 v10, v9;
	s15 =	sadd.s32 $0x10, s14;
	s17 =	sadd.s32 s19, s21  }
0x10a: {  	v59 =	vor.u32 s14, v0;
	[tilespmem:s17+$0x10000] =	vst.msk vm1, v10;
	v11 =	vmpcnt.ones.xlane vm1;
	s31 =	sand.u32 $0x50, s15  }
0x10b: {  	[tilespmem:s17+$0x12080] =	vst.msk vm1, v59;
	s19 =	sor.u32 s31, s18  }
0x10c: {  	v10 =	vld.idx.msk [tilespmem:v8+s19+$0x0 ss:$0x1], $0xffff;
	(v2sf) =	vpush v11, $0x0;
	_ =	sdelay $0x4  }
0x10d: {  	vm1 =	vge.f32 v10, v9  }
0x10e: {  	v60 =	vmpcnt.ones.xlane vm1;
	_ =	sdelay $0x1  }
0x10f: {  	(v2sf) =	vpush v60, $0x0;
	_ =	sdelay $0x6  }
0x110: {  	s20 =	spop (v2sf)  }
0x111: {  	s21 =	sadd.s32 $0x20, s14;
	s17 =	sadd.s32 s17, s20  }
0x112: {  	v61 =	vor.u32 s15, v0;
	s22 =	sand.u32 $0x60, s21;
	[tilespmem:s17+$0x10000] =	vst.msk vm1, v10  }
0x113: {  	s15 =	sor.u32 s22, s18;
	[tilespmem:s17+$0x12080] =	vst.msk vm1, v61  }
0x114: {  	v10 =	vld.idx.msk [tilespmem:v8+s15+$0x0 ss:$0x1], $0xffff;
	_ =	sdelay $0x3  }
0x115: {  	s23 =	spop (v2sf)  }
0x116: {  	s15 =	sadd.s32 s17, s23;
	vm1 =	vge.f32 v10, v9  }
0x117: {  	v62 =	vor.u32 s21, v0;
	[tilespmem:s15+$0x10000] =	vst.msk vm1, v10  }
0x118: {  	[tilespmem:s15+$0x12080] =	vst.msk vm1, v62  }
0x119: {  	v8 =	vld.idx.msk [tilespmem:v8+s16+$0x0 ss:$0x1], $0xffff;
	_ =	sdelay $0x4  }
0x11a: {  	v63 =	vmpcnt.ones.xlane vm1;
	vm1 =	vge.f32 v8, v9  }
0x11b: {  	v9 =	vmpcnt.ones.xlane vm1  }
0x11c: {  	(v2sf) =	vpush v63, $0x0  }
0x11d: {  	(v2sf) =	vpush v9, $0x0;
	_ =	sdelay $0xd  }
0x11e: {  	s24 =	spop (v2sf)  }
0x11f: {  	s14 =	sadd.s32 s15, s24;
	s25 =	spop (v2sf)  }
0x120: {  	s15 =	sadd.s32 s14, s25  }
0x121: {  	s26 =	sadd.s32 $0xF, s15  }
0x122: {  	s28 =	sand.u32 $0xF, s26  }
0x123: {  	s29 =	sshra.s32 s26, $0x1F;
	p0 =	slt.s32 s26, $0x1;
	p1 =	sne.s32 s28, $0x0  }
.Ltmp9:
0x124: {  	s30 =	sshrl.u32 s29, $0x1C;
	p0 =	por !p0, !p1;
	(pc) =	sbr.rel .LBB2_13-.Ltmp9, $4  }
0x125: {  	s16 =	simm.s32 $0x1;
	[tilespmem:s14+$0x10000] =	vst.msk vm1, v8;
	v8 =	vor.u32 s13, v0;
	s31 =	sadd.s32 s30, s26;
	p0 =	por !p0, !p0  }
0x126: {  	[tilespmem:s14+$0x12080] =	vst.msk vm1, v8;
	s13 =	sshra.s32 s31, $0x4;
	s16 =	simm.s32 @!p0 $0x0  }
0x127: {  	s14 =	simm.s32 $0x0;
	[tilespmem:s15+$0x10000] =	vst v6;
	s13 =	ssub.s32 s13, s16  }
0x128: {  	[tilespmem:s15+$0x12080] =	vst v7;
	s15 =	simm.f32 $+Inf;
	s16 =	simm.s32 $0xFFFFFFFF;
	p0 =	slt.s32 s13, $0x1  }
.LBB2_14:
0x129: {  	v8 =	vimm.s32 $0x80002000;
	v9 =	vimm.f32 $-Inf  }
.LBB2_22:
0x12a: {  	(xrf0) =	vmax.scan.msk.f32 $0xffff, v9;
	_ =	sdelay $0x5  }
0x12b: {  	v10, _, _ =	vpop (xrf0)  }
0x12c: {  	v11 =	vbroadcast v10, $0xF;
	_ =	sdelay $0x1  }
0x12d: {  	vm1 =	veq.f32 v9, v11  }
0x12e: {  	v8 =	vnsel vm1, $0x80002000, v8  }
0x12f: {  	(xrf0) =	vmin.scan.msk.u32 $0xffff, v8;
	_ =	sdelay $0x5  }
0x130: {  	(v2sf) =	vpush v10, $0xF;
	v8, _, _ =	vpop (xrf0)  }
0x131: {  	(v2sf) =	vpush v8, $0xF;
	_ =	sdelay $0xa  }
0x132: {  	v8 =	vld [tilespmem:$0x15200]  }
0x133: {  	v62 =	vld [tilespmem:$0x15280];
	v63 =	vmov s14;
	s14 =	sadd.s32 $0x1, s14  }
0x134: {  	p1 =	sne.s32 s14, $0x10  }
.Ltmp10:
0x135: {  	s15 =	spop (v2sf);
	(pc) =	sbr.rel @!p1 .LBB2_23-.Ltmp10, $4  }
0x136: {  	vm1 =	veq.s32 v63, v0;
	s16 =	spop (v2sf)  }
0x137: {  	v8 =	vsel vm1, v11, v8;
	s16 =	sxor.u32 $0x80000000, s16  }
0x138: {  	[tilespmem:$0x15200] =	vst v8;
	v8 =	vsel vm1, s16, v62  }
0x139: {  	[tilespmem:$0x15280] =	vst v8  }
.LBB2_13:
.Ltmp11:
0x13a: {  	(pc) =	sbr.rel @p0 .LBB2_14-.Ltmp11, $1  }
0x13b: {  	_ =	sdelay $0x3  }
0x13c: {  	s17 =	simm.s32 $0x10000  }
0x13d: {  	p2 =	sne.s32 s13, $0x1;
	v18 =	vld [tilespmem:s17+$0x0]  }
.Ltmp12:
0x13e: {  	s31 =	simm.s32 $0x12080;
	(pc) =	sbr.rel @!p2 .LBB2_16-.Ltmp12, $3  }
0x13f: {  	v12 =	vld [tilespmem:s31+$0x0];
	_ =	sdelay $0x1  }
0x140: {  	v10 =	vmov s15;
	v11 =	vmov s16  }
0x141: {  	v9 =	vimm.f32 $-Inf;
	v8 =	vimm.s32 $0x2000;
	s16 =	sadd.s32 $0xFFFFFFFF, s13;
	s15 =	simm.s32 $0x10010;
	p1 =	por $0x0, $0x0;
	vm1 =	vlt.f32 v18, v10  }
0x142: {  	_ = 	snop  }
0x143: {  	v17 =	vld [tilespmem:s15+$0x0];
	vm2 =	veq.f32 v18, v10;
	s15 =	simm.s32 $0x12090;
	p2 =	sne.s32 s16, $0x1;
	vm3 =	vgt.s32 v12, v11  }
.Ltmp13:
0x144: {  	v13 =	vld [tilespmem:s15+$0x0];
	vm2 =	vmand vm2, vm3;
	(pc) =	sbr.rel @!p2 .LBB2_18-.Ltmp13, $4  }
0x145: {  	vm1 =	vmor vm1, vm2  }
0x146: {  	v15 =	vimm.f32 $-Inf;
	v14 =	vnsel vm1, $0xFF800000, v18  }
0x147: {  	v16 =	vimm.s32 $0x2000;
	vm4 =	vlt.s32 v12, v8;
	vm3 =	veq.f32 v14, v9  }
0x148: {  	s16 =	sadd.s32 $0xFFFFFFFF, s16;
	s17 =	simm.s32 $0x10020;
	p1 =	por $0x1, $0x1;
	vm1 =	vlt.f32 v17, v10;
	vm2 =	vgt.f32 v14, v9;
	vm3 =	vmand vm4, vm3  }
.LBB2_19:
0x149: {  	v18 =	vld [tilespmem:s17+$0x0];
	vm4 =	veq.f32 v17, v10;
	vm5 =	vgt.s32 v13, v11;
	s15 =	sadd.s32 $0x10, s15;
	vm2 =	vmor vm2, vm3;
	p2 =	sne.s32 s16, $0x1  }
.Ltmp14:
0x14a: {  	s16 =	sadd.s32 $0xFFFFFFFF, s16;
	vm3 =	vmand vm4, vm5;
	v15 =	vsel vm2, v14, v15;
	v16 =	vsel vm2, v12, v16;
	v12 =	vmovc v13;
	v13 =	vld [tilespmem:s15+$0x0];
	(pc) =	sbr.rel @p2 .LBB2_19-.Ltmp14, $4  }
0x14b: {  	vm1 =	vmor vm1, vm3  }
0x14c: {  	v14 =	vnsel vm1, $0xFF800000, v17  }
0x14d: {  	vm4 =	vlt.s32 v12, v16;
	vm3 =	veq.f32 v14, v15  }
0x14e: {  	s17 =	sadd.s32 $0x10, s17;
	vm2 =	vgt.f32 v14, v15;
	vm1 =	vlt.f32 v18, v10;
	vm3 =	vmand vm4, vm3;
	v17 =	vmovc v18  }
0x14f: {  	v18 =	vmov v17  }
.LBB2_21:
0x150: {  	vm4 =	veq.f32 v18, v10;
	vm5 =	vgt.s32 v13, v11  }
0x151: {  	vm2 =	vmor @p1 vm2, vm3;
	vm3 =	vmand vm4, vm5  }
0x152: {  	v10 =	vsel @p1 vm2, v14, v15;
	v11 =	vsel @p1 vm2, v12, v16;
	vm1 =	vmor vm1, vm3  }
0x153: {  	v9 =	vpsel p1, v10, v9;
	v8 =	vpsel p1, v11, v8;
	v63 =	vnsel vm1, $0xFF800000, v18  }
.Ltmp15:
0x154: {  	vm2 =	vlt.s32 v13, v8;
	vm1 =	veq.f32 v63, v9;
	(pc) =	sbr.rel .LBB2_22-.Ltmp15, $4  }
0x155: {  	vm3 =	vgt.f32 v63, v9;
	vm1 =	vmand vm2, vm1  }
0x156: {  	vm1 =	vmor vm3, vm1  }
0x157: {  	v8 =	vsel vm1, v13, v8  }
0x158: {  	v9 =	vsel vm1, v63, v9;
	v8 =	vxor.u32 $0x80000000, v8  }
.LBB2_16:
.Ltmp16:
0x159: {  	(pc) =	sbr.rel .LBB2_21-.Ltmp16, $2  }
0x15a: {  	_ =	sdelay $0x2  }
0x15b: {  	v15 =	vimm.f32 $-Inf;
	v16 =	vimm.s32 $0x2000;
	v13 =	vmov v12  }
.LBB2_18:
.Ltmp17:
0x15c: {  	(pc) =	sbr.rel .LBB2_21-.Ltmp17, $2  }
0x15d: {  	_ =	sdelay $0x2  }
0x15e: {  	v18 =	vmov v17;
	v15 =	vimm.f32 $-Inf;
	v16 =	vimm.s32 $0x2000  }
.LBB2_25:
0x15f: {  	_ =	sfence.sel $0x180000  }
0x160: {  	[bflag:$0x0] =	sbarrier.arrive $0xFFFF  }
0x161: {  	p0 =	sne.s32 s1, $0x0;
	_ =	strace $0x90000047  }
0x162: {  	s0 =	sadd.s32 @!p0 $0x100000, s0;
	[bflag:$0x2] =	sbarrier.arrive $0xFFFF  }
0x163: {  	[sflag:s0] =	ssyncadd.tile.s32 @!p0 $0x1;
	_ =	shalt  }
.Lfunc_end2:
_tile_overlayer_lowered:
.L_overlay_start_2:
0x164: {  	(tag) =	ssettag $0x2  }
0x165: {  	s0 =	rddreg [dreg:$0x0];
	s2 =	stileid.u32  }
0x166: {  	s1 =	rddreg [dreg:$0x1];
	p0 =	sne.s32 s2, $0x0  }
0x167: {  	s3 =	rddreg [dreg:$0x2];
	[bflag:$0x3] =	sbarrier.arrive $0xFFFF;
	s2 =	simm.s32 @!p0 $0x1C01  }
0x168: {  	[timem:s3], [sflag:s2] =	dma.local @!p0 [hbm:s0], s1  }
0x169: {  	s0 =	simm.s32 @!p0 $0x1  }
0x16a: {  	_ =	swait.ge @!p0 [sflag:s0], s1  }
0x16b: {  	s1 =	ssub.s32 @!p0 $0x0, s1;
	[sflag:s0] =	ssyncset.done @!p0 $0x0  }
0x16c: {  	[sflag:s0] =	ssyncadd.s32 @!p0 s1  }
0x16d: {  	[bflag:$0x3] =	sbarrier.arrive $0xFFFF  }
0x16e: {  	_ =	shalt  }

</sc_bundles>
